<compile_context>
chip_gen: v7x
topology: tpu7x:2x2x1
jax: 0.10.2.dev20260603
libtpu: 0.0.44.dev20260713+nightly
codegen_flags: <defaults>
</compile_context>

<pallas_src>
import functools

import jax
import jax.numpy as jnp
from jax import lax
from jax.experimental import pallas as pl
from jax.experimental.pallas import tpu as pltpu
from jax.experimental.pallas import tpu_sc as plsc

N_GROUPS_ = 8
GROUP_SIZE_ = 8
N_EXPERTS_ = 64
TOPK_GROUPS_ = 4
TOPK_ = 2
T_ = 8192
NW_ = 32
TPW_ = T_ // NW_
NTILES_ = TPW_ // 16


def _mm_kernel(x_ref, w_ref, s_out_ref):
    s_out_ref[...] = jax.lax.dot_general(
        w_ref[...],
        x_ref[...],
        (((1,), (1,)), ((), ())),
        preferred_element_type=jnp.float32,
    )


def _scores_t(x, W):
    T, D = x.shape
    bt = 1024
    return pl.pallas_call(
        _mm_kernel,
        grid=(T // bt,),
        in_specs=[
            pl.BlockSpec((bt, D), lambda i: (i, 0)),
            pl.BlockSpec((N_EXPERTS_, D), lambda i: (0, 0)),
        ],
        out_specs=pl.BlockSpec((N_EXPERTS_, bt), lambda i: (0, i)),
        out_shape=jax.ShapeDtypeStruct((N_EXPERTS_, T), jnp.float32),
        compiler_params=pltpu.CompilerParams(
            dimension_semantics=("arbitrary",),
        ),
    )(x, W)


def _route_body(st_hbm, w_out, i_out, sbuf, wbuf, ibuf):
    cid = lax.axis_index("c")
    sid = lax.axis_index("s")
    wid = sid * 2 + cid
    base = wid * TPW_

    pltpu.sync_copy(st_hbm.at[:, pl.ds(base, TPW_)], sbuf)

    def tile(j, _):
        off = j * 16

        gms = []
        for g in range(N_GROUPS_):
            gm = sbuf[g * GROUP_SIZE_, pl.ds(off, 16)]
            for k in range(1, GROUP_SIZE_):
                gm = jnp.maximum(gm, sbuf[g * GROUP_SIZE_ + k, pl.ds(off, 16)])
            gms.append(gm)
        m = gms[0]
        for g in range(1, N_GROUPS_):
            m = jnp.maximum(m, gms[g])

        denom = jnp.zeros((16,), jnp.float32)
        for e in range(N_EXPERTS_):
            ee = jnp.exp(sbuf[e, pl.ds(off, 16)] - m)
            denom = denom + ee
            sbuf[e, pl.ds(off, 16)] = ee

        pgms = [jnp.exp(g_ - m) / denom for g_ in gms]

        one = jnp.ones((16,), jnp.int32)
        zero = jnp.zeros((16,), jnp.int32)
        sels = []
        for g in range(N_GROUPS_):
            cnt = zero
            for h in range(N_GROUPS_):
                if h == g:
                    continue
                beats = (pgms[h] >= pgms[g]) if h < g else (pgms[h] > pgms[g])
                cnt = cnt + jnp.where(beats, one, zero)
            sels.append(cnt < TOPK_GROUPS_)

        neg = jnp.full((16,), -1.0, jnp.float32)
        v1 = neg
        v2 = neg
        i1 = jnp.zeros((16,), jnp.int32)
        i2 = jnp.zeros((16,), jnp.int32)
        for g in range(N_GROUPS_):
            for k in range(GROUP_SIZE_):
                e = g * GROUP_SIZE_ + k
                pe = sbuf[e, pl.ds(off, 16)] / denom
                pm = jnp.where(sels[g], pe, neg)
                eid = jnp.full((16,), e, jnp.int32)
                gt1 = pm > v1
                gt2 = pm > v2
                v2 = jnp.where(gt1, v1, jnp.where(gt2, pm, v2))
                i2 = jnp.where(gt1, i1, jnp.where(gt2, eid, i2))
                v1 = jnp.where(gt1, pm, v1)
                i1 = jnp.where(gt1, eid, i1)

        wbuf[0, pl.ds(off, 16)] = v1
        wbuf[1, pl.ds(off, 16)] = v2
        ibuf[0, pl.ds(off, 16)] = i1
        ibuf[1, pl.ds(off, 16)] = i2
        return _

    lax.fori_loop(0, NTILES_, tile, None)

    pltpu.sync_copy(wbuf, w_out.at[:, pl.ds(base, TPW_)])
    pltpu.sync_copy(ibuf, i_out.at[:, pl.ds(base, TPW_)])


@jax.jit
def kernel(x, W):
    st = _scores_t(x, W)
    route = pl.kernel(
        _route_body,
        mesh=plsc.VectorSubcoreMesh(core_axis_name="c", subcore_axis_name="s"),
        out_type=[
            jax.ShapeDtypeStruct((TOPK_, T_), jnp.float32),
            jax.ShapeDtypeStruct((TOPK_, T_), jnp.int32),
        ],
        scratch_types=[
            pltpu.VMEM((N_EXPERTS_, TPW_), jnp.float32),
            pltpu.VMEM((TOPK_, TPW_), jnp.float32),
            pltpu.VMEM((TOPK_, TPW_), jnp.int32),
        ],
    )
    weights_t, indices_t = route(st)
    return weights_t.T.astype(x.dtype), indices_t.T

# --- scband reference (transcript-rebuilt; emitter-appended) ---
"""Pipeline reference for scband-gate-90640989815285 (READ-ONLY COPY).

The authoritative reference and input builder live on the scoring server;
editing this copy changes nothing except your own understanding.
"""

import jax, jax.numpy as jnp
import numpy as np

N_GROUPS = 8
TOPK_GROUPS = 4
TOPK = 2
ROUTE_SCALE = 1.0

def setup_inputs(seed: int = 0) -> dict:
    key = jax.random.key(seed)
    k1, k2 = jax.random.split(key)
    x = jax.random.normal(k1, (8192, 2048), dtype=jnp.float32)
    W = jax.random.normal(k2, (64, 2048), dtype=jnp.float32) * 0.02
    return {"x": x, "W": W}

def reference(x, W):
    T = x.shape[0]
    # scores = F.linear(x, W)
    scores = x @ W.T
    # softmax scoring in fp32
    scores = jax.nn.softmax(scores.astype(jnp.float32), axis=-1)
    original_scores = scores
    # bias is None since dim != 7168
    # group routing (n_groups > 1)
    sg = scores.reshape(T, N_GROUPS, -1)
    group_scores = sg.max(axis=-1)  # amax since bias is None
    _, gidx = jax.lax.top_k(group_scores, TOPK_GROUPS)
    mask = jnp.ones((T, N_GROUPS), dtype=bool).at[jnp.arange(T)[:, None], gidx].set(False)
    masked = jnp.where(mask[:, :, None], -jnp.inf, sg).reshape(T, -1)
    # select top-k experts over unmasked scores
    _, indices = jax.lax.top_k(masked, TOPK)
    weights = jnp.take_along_axis(original_scores, indices, axis=1)
    weights = weights * ROUTE_SCALE
    return weights.astype(x.dtype), indices

if __name__ == "__main__":
    import jax
    _d = setup_inputs()
    print(jax.jit(kernel)(*tuple(_d.values())))

</pallas_src>

<mosaic_0001>
#map = affine_map<(d0, d1) -> (0, 0)>
module attributes {stable_mosaic.version = 14 : i64} {
  func.func @_route_body(%arg0: i32, %arg1: i32, %arg2: memref<64x8192xf32, #tpu.memory_space<hbm>>, %arg3: memref<2x8192xf32, #tpu.memory_space<hbm>>, %arg4: memref<2x8192xi32, #tpu.memory_space<hbm>>, %arg5: memref<64x256xf32, #tpu.memory_space<vmem>>, %arg6: memref<2x256xf32, #tpu.memory_space<vmem>>, %arg7: memref<2x256xi32, #tpu.memory_space<vmem>>) attributes {dimension_semantics = [#tpu.dimension_semantics<core_parallel>, #tpu.dimension_semantics<subcore_parallel>], iteration_bounds = array<i64: 2, 16>, scalar_prefetch = 0 : i64, scratch_operands = 3 : i64, tpu.core_type = #tpu.core_type<sc_vector_subcore>, window_params = [{transform_indices = #map}, {transform_indices = #map}, {transform_indices = #map}]} {
    %mul3A = arith.constant 2 : i32
    %mul3A_0 = arith.muli %arg1, %mul3A : i32
    %add3A = arith.addi %mul3A_0, %arg0 : i32
    %mul3A_1 = arith.constant 256 : i32
    %mul3A_2 = arith.muli %add3A, %mul3A_1 : i32
    "tpu.region"() ({
      %run_scoped3A = tpu.sem_alloc : memref<!tpu.dma_semaphore, #tpu.memory_space<semaphore_mem>>
      %dma_start3A = arith.constant 0 : i32
      %dma_start3A_7 = tpu.memref_slice %arg2[%dma_start3A, %mul3A_2] : memref<64x8192xf32, #tpu.memory_space<hbm>> -> memref<64x256xf32, #tpu.memory_space<hbm>>
      %dma_start3A_8 = arith.constant 0 : i32
      %dma_start3A_9 = tpu.memref_slice %arg2[%dma_start3A_8, %mul3A_2] : memref<64x8192xf32, #tpu.memory_space<hbm>> -> memref<64x256xf32, #tpu.memory_space<hbm>>
      tpu.enqueue_dma source(%dma_start3A_9 : memref<64x256xf32, #tpu.memory_space<hbm>>) target(%arg5 : memref<64x256xf32, #tpu.memory_space<vmem>>) target_semaphore(%run_scoped3A : memref<!tpu.dma_semaphore, #tpu.memory_space<semaphore_mem>>)
      %dma_wait3A = arith.constant 0 : i32
      %dma_wait3A_10 = tpu.memref_slice %arg2[%dma_wait3A, %mul3A_2] : memref<64x8192xf32, #tpu.memory_space<hbm>> -> memref<64x256xf32, #tpu.memory_space<hbm>>
      %dma_wait3A_11 = arith.constant 0 : i32
      %dma_wait3A_12 = tpu.memref_slice %arg2[%dma_wait3A_11, %mul3A_2] : memref<64x8192xf32, #tpu.memory_space<hbm>> -> memref<64x256xf32, #tpu.memory_space<hbm>>
      tpu.wait_dma2 semaphore(%run_scoped3A : memref<!tpu.dma_semaphore, #tpu.memory_space<semaphore_mem>>) src(%dma_wait3A_12 : memref<64x256xf32, #tpu.memory_space<hbm>>) dst(%arg5 : memref<64x256xf32, #tpu.memory_space<vmem>>)
      tpu.yield
    }) : () -> ()
    %scan3A = arith.constant 0 : i32
    %scan3A_3 = arith.constant 16 : i32
    %scan3A_4 = arith.addi %scan3A, %scan3A_3 : i32
    %scan3A_5 = arith.constant 1 : i32
    scf.for %scan3A_7 = %scan3A to %scan3A_4 step %scan3A_5  : i32 {
      %mul3A_8 = arith.constant 16 : i32
      %mul3A_9 = arith.muli %scan3A_7, %mul3A_8 : i32
      %get3A = arith.constant 0 : i32
      %get3A_10 = arith.index_cast %get3A : i32 to index
      %get3A_11 = arith.index_cast %mul3A_9 : i32 to index
      %get3A_12 = tpu.vector_load %arg5[%get3A_10, %get3A_11] {strides = array<i32>} : memref<64x256xf32, #tpu.memory_space<vmem>>, vector<1x16xf32>,
      %get3A_13 = vector.shape_cast %get3A_12 : vector<1x16xf32> to vector<16xf32>
      %get3A_14 = arith.constant 1 : i32
      %get3A_15 = arith.index_cast %get3A_14 : i32 to index
      %get3A_16 = arith.index_cast %mul3A_9 : i32 to index
      %get3A_17 = tpu.vector_load %arg5[%get3A_15, %get3A_16] {strides = array<i32>} : memref<64x256xf32, #tpu.memory_space<vmem>>, vector<1x16xf32>,
      %get3A_18 = vector.shape_cast %get3A_17 : vector<1x16xf32> to vector<16xf32>
      %max3A = arith.maximumf %get3A_13, %get3A_18 : vector<16xf32>
      %get3A_19 = arith.constant 2 : i32
      %get3A_20 = arith.index_cast %get3A_19 : i32 to index
      %get3A_21 = arith.index_cast %mul3A_9 : i32 to index
      %get3A_22 = tpu.vector_load %arg5[%get3A_20, %get3A_21] {strides = array<i32>} : memref<64x256xf32, #tpu.memory_space<vmem>>, vector<1x16xf32>,
      %get3A_23 = vector.shape_cast %get3A_22 : vector<1x16xf32> to vector<16xf32>
      %max3A_24 = arith.maximumf %max3A, %get3A_23 : vector<16xf32>
      %get3A_25 = arith.constant 3 : i32
      %get3A_26 = arith.index_cast %get3A_25 : i32 to index
      %get3A_27 = arith.index_cast %mul3A_9 : i32 to index
      %get3A_28 = tpu.vector_load %arg5[%get3A_26, %get3A_27] {strides = array<i32>} : memref<64x256xf32, #tpu.memory_space<vmem>>, vector<1x16xf32>,
      %get3A_29 = vector.shape_cast %get3A_28 : vector<1x16xf32> to vector<16xf32>
      %max3A_30 = arith.maximumf %max3A_24, %get3A_29 : vector<16xf32>
      %get3A_31 = arith.constant 4 : i32
      %get3A_32 = arith.index_cast %get3A_31 : i32 to index
      %get3A_33 = arith.index_cast %mul3A_9 : i32 to index
      %get3A_34 = tpu.vector_load %arg5[%get3A_32, %get3A_33] {strides = array<i32>} : memref<64x256xf32, #tpu.memory_space<vmem>>, vector<1x16xf32>,
      %get3A_35 = vector.shape_cast %get3A_34 : vector<1x16xf32> to vector<16xf32>
      %max3A_36 = arith.maximumf %max3A_30, %get3A_35 : vector<16xf32>
      %get3A_37 = arith.constant 5 : i32
      %get3A_38 = arith.index_cast %get3A_37 : i32 to index
      %get3A_39 = arith.index_cast %mul3A_9 : i32 to index
      %get3A_40 = tpu.vector_load %arg5[%get3A_38, %get3A_39] {strides = array<i32>} : memref<64x256xf32, #tpu.memory_space<vmem>>, vector<1x16xf32>,
      %get3A_41 = vector.shape_cast %get3A_40 : vector<1x16xf32> to vector<16xf32>
      %max3A_42 = arith.maximumf %max3A_36, %get3A_41 : vector<16xf32>
      %get3A_43 = arith.constant 6 : i32
      %get3A_44 = arith.index_cast %get3A_43 : i32 to index
      %get3A_45 = arith.index_cast %mul3A_9 : i32 to index
      %get3A_46 = tpu.vector_load %arg5[%get3A_44, %get3A_45] {strides = array<i32>} : memref<64x256xf32, #tpu.memory_space<vmem>>, vector<1x16xf32>,
      %get3A_47 = vector.shape_cast %get3A_46 : vector<1x16xf32> to vector<16xf32>
      %max3A_48 = arith.maximumf %max3A_42, %get3A_47 : vector<16xf32>
      %get3A_49 = arith.constant 7 : i32
      %get3A_50 = arith.index_cast %get3A_49 : i32 to index
      %get3A_51 = arith.index_cast %mul3A_9 : i32 to index
      %get3A_52 = tpu.vector_load %arg5[%get3A_50, %get3A_51] {strides = array<i32>} : memref<64x256xf32, #tpu.memory_space<vmem>>, vector<1x16xf32>,
      %get3A_53 = vector.shape_cast %get3A_52 : vector<1x16xf32> to vector<16xf32>
      %max3A_54 = arith.maximumf %max3A_48, %get3A_53 : vector<16xf32>
      %get3A_55 = arith.constant 8 : i32
      %get3A_56 = arith.index_cast %get3A_55 : i32 to index
      %get3A_57 = arith.index_cast %mul3A_9 : i32 to index
      %get3A_58 = tpu.vector_load %arg5[%get3A_56, %get3A_57] {strides = array<i32>} : memref<64x256xf32, #tpu.memory_space<vmem>>, vector<1x16xf32>,
      %get3A_59 = vector.shape_cast %get3A_58 : vector<1x16xf32> to vector<16xf32>
      %get3A_60 = arith.constant 9 : i32
      %get3A_61 = arith.index_cast %get3A_60 : i32 to index
      %get3A_62 = arith.index_cast %mul3A_9 : i32 to index
      %get3A_63 = tpu.vector_load %arg5[%get3A_61, %get3A_62] {strides = array<i32>} : memref<64x256xf32, #tpu.memory_space<vmem>>, vector<1x16xf32>,
      %get3A_64 = vector.shape_cast %get3A_63 : vector<1x16xf32> to vector<16xf32>
      %max3A_65 = arith.maximumf %get3A_59, %get3A_64 : vector<16xf32>
      %get3A_66 = arith.constant 10 : i32
      %get3A_67 = arith.index_cast %get3A_66 : i32 to index
      %get3A_68 = arith.index_cast %mul3A_9 : i32 to index
      %get3A_69 = tpu.vector_load %arg5[%get3A_67, %get3A_68] {strides = array<i32>} : memref<64x256xf32, #tpu.memory_space<vmem>>, vector<1x16xf32>,
      %get3A_70 = vector.shape_cast %get3A_69 : vector<1x16xf32> to vector<16xf32>
      %max3A_71 = arith.maximumf %max3A_65, %get3A_70 : vector<16xf32>
      %get3A_72 = arith.constant 11 : i32
      %get3A_73 = arith.index_cast %get3A_72 : i32 to index
      %get3A_74 = arith.index_cast %mul3A_9 : i32 to index
      %get3A_75 = tpu.vector_load %arg5[%get3A_73, %get3A_74] {strides = array<i32>} : memref<64x256xf32, #tpu.memory_space<vmem>>, vector<1x16xf32>,
      %get3A_76 = vector.shape_cast %get3A_75 : vector<1x16xf32> to vector<16xf32>
      %max3A_77 = arith.maximumf %max3A_71, %get3A_76 : vector<16xf32>
      %get3A_78 = arith.constant 12 : i32
      %get3A_79 = arith.index_cast %get3A_78 : i32 to index
      %get3A_80 = arith.index_cast %mul3A_9 : i32 to index
      %get3A_81 = tpu.vector_load %arg5[%get3A_79, %get3A_80] {strides = array<i32>} : memref<64x256xf32, #tpu.memory_space<vmem>>, vector<1x16xf32>,
      %get3A_82 = vector.shape_cast %get3A_81 : vector<1x16xf32> to vector<16xf32>
      %max3A_83 = arith.maximumf %max3A_77, %get3A_82 : vector<16xf32>
      %get3A_84 = arith.constant 13 : i32
      %get3A_85 = arith.index_cast %get3A_84 : i32 to index
      %get3A_86 = arith.index_cast %mul3A_9 : i32 to index
      %get3A_87 = tpu.vector_load %arg5[%get3A_85, %get3A_86] {strides = array<i32>} : memref<64x256xf32, #tpu.memory_space<vmem>>, vector<1x16xf32>,
      %get3A_88 = vector.shape_cast %get3A_87 : vector<1x16xf32> to vector<16xf32>
      %max3A_89 = arith.maximumf %max3A_83, %get3A_88 : vector<16xf32>
      %get3A_90 = arith.constant 14 : i32
      %get3A_91 = arith.index_cast %get3A_90 : i32 to index
      %get3A_92 = arith.index_cast %mul3A_9 : i32 to index
      %get3A_93 = tpu.vector_load %arg5[%get3A_91, %get3A_92] {strides = array<i32>} : memref<64x256xf32, #tpu.memory_space<vmem>>, vector<1x16xf32>,
      %get3A_94 = vector.shape_cast %get3A_93 : vector<1x16xf32> to vector<16xf32>
      %max3A_95 = arith.maximumf %max3A_89, %get3A_94 : vector<16xf32>
      %get3A_96 = arith.constant 15 : i32
      %get3A_97 = arith.index_cast %get3A_96 : i32 to index
      %get3A_98 = arith.index_cast %mul3A_9 : i32 to index
      %get3A_99 = tpu.vector_load %arg5[%get3A_97, %get3A_98] {strides = array<i32>} : memref<64x256xf32, #tpu.memory_space<vmem>>, vector<1x16xf32>,
      %get3A_100 = vector.shape_cast %get3A_99 : vector<1x16xf32> to vector<16xf32>
      %max3A_101 = arith.maximumf %max3A_95, %get3A_100 : vector<16xf32>
      %get3A_102 = arith.constant 16 : i32
      %get3A_103 = arith.index_cast %get3A_102 : i32 to index
      %get3A_104 = arith.index_cast %mul3A_9 : i32 to index
      %get3A_105 = tpu.vector_load %arg5[%get3A_103, %get3A_104] {strides = array<i32>} : memref<64x256xf32, #tpu.memory_space<vmem>>, vector<1x16xf32>,
      %get3A_106 = vector.shape_cast %get3A_105 : vector<1x16xf32> to vector<16xf32>
      %get3A_107 = arith.constant 17 : i32
      %get3A_108 = arith.index_cast %get3A_107 : i32 to index
      %get3A_109 = arith.index_cast %mul3A_9 : i32 to index
      %get3A_110 = tpu.vector_load %arg5[%get3A_108, %get3A_109] {strides = array<i32>} : memref<64x256xf32, #tpu.memory_space<vmem>>, vector<1x16xf32>,
      %get3A_111 = vector.shape_cast %get3A_110 : vector<1x16xf32> to vector<16xf32>
      %max3A_112 = arith.maximumf %get3A_106, %get3A_111 : vector<16xf32>
      %get3A_113 = arith.constant 18 : i32
      %get3A_114 = arith.index_cast %get3A_113 : i32 to index
      %get3A_115 = arith.index_cast %mul3A_9 : i32 to index
      %get3A_116 = tpu.vector_load %arg5[%get3A_114, %get3A_115] {strides = array<i32>} : memref<64x256xf32, #tpu.memory_space<vmem>>, vector<1x16xf32>,
      %get3A_117 = vector.shape_cast %get3A_116 : vector<1x16xf32> to vector<16xf32>
      %max3A_118 = arith.maximumf %max3A_112, %get3A_117 : vector<16xf32>
      %get3A_119 = arith.constant 19 : i32
      %get3A_120 = arith.index_cast %get3A_119 : i32 to index
      %get3A_121 = arith.index_cast %mul3A_9 : i32 to index
      %get3A_122 = tpu.vector_load %arg5[%get3A_120, %get3A_121] {strides = array<i32>} : memref<64x256xf32, #tpu.memory_space<vmem>>, vector<1x16xf32>,
      %get3A_123 = vector.shape_cast %get3A_122 : vector<1x16xf32> to vector<16xf32>
      %max3A_124 = arith.maximumf %max3A_118, %get3A_123 : vector<16xf32>
      %get3A_125 = arith.constant 20 : i32
      %get3A_126 = arith.index_cast %get3A_125 : i32 to index
      %get3A_127 = arith.index_cast %mul3A_9 : i32 to index
      %get3A_128 = tpu.vector_load %arg5[%get3A_126, %get3A_127] {strides = array<i32>} : memref<64x256xf32, #tpu.memory_space<vmem>>, vector<1x16xf32>,
      %get3A_129 = vector.shape_cast %get3A_128 : vector<1x16xf32> to vector<16xf32>
      %max3A_130 = arith.maximumf %max3A_124, %get3A_129 : vector<16xf32>
      %get3A_131 = arith.constant 21 : i32
      %get3A_132 = arith.index_cast %get3A_131 : i32 to index
      %get3A_133 = arith.index_cast %mul3A_9 : i32 to index
      %get3A_134 = tpu.vector_load %arg5[%get3A_132, %get3A_133] {strides = array<i32>} : memref<64x256xf32, #tpu.memory_space<vmem>>, vector<1x16xf32>,
      %get3A_135 = vector.shape_cast %get3A_134 : vector<1x16xf32> to vector<16xf32>
      %max3A_136 = arith.maximumf %max3A_130, %get3A_135 : vector<16xf32>
      %get3A_137 = arith.constant 22 : i32
      %get3A_138 = arith.index_cast %get3A_137 : i32 to index
      %get3A_139 = arith.index_cast %mul3A_9 : i32 to index
      %get3A_140 = tpu.vector_load %arg5[%get3A_138, %get3A_139] {strides = array<i32>} : memref<64x256xf32, #tpu.memory_space<vmem>>, vector<1x16xf32>,
      %get3A_141 = vector.shape_cast %get3A_140 : vector<1x16xf32> to vector<16xf32>
      %max3A_142 = arith.maximumf %max3A_136, %get3A_141 : vector<16xf32>
      %get3A_143 = arith.constant 23 : i32
      %get3A_144 = arith.index_cast %get3A_143 : i32 to index
      %get3A_145 = arith.index_cast %mul3A_9 : i32 to index
      %get3A_146 = tpu.vector_load %arg5[%get3A_144, %get3A_145] {strides = array<i32>} : memref<64x256xf32, #tpu.memory_space<vmem>>, vector<1x16xf32>,
      %get3A_147 = vector.shape_cast %get3A_146 : vector<1x16xf32> to vector<16xf32>
      %max3A_148 = arith.maximumf %max3A_142, %get3A_147 : vector<16xf32>
      %get3A_149 = arith.constant 24 : i32
      %get3A_150 = arith.index_cast %get3A_149 : i32 to index
      %get3A_151 = arith.index_cast %mul3A_9 : i32 to index
      %get3A_152 = tpu.vector_load %arg5[%get3A_150, %get3A_151] {strides = array<i32>} : memref<64x256xf32, #tpu.memory_space<vmem>>, vector<1x16xf32>,
      %get3A_153 = vector.shape_cast %get3A_152 : vector<1x16xf32> to vector<16xf32>
      %get3A_154 = arith.constant 25 : i32
      %get3A_155 = arith.index_cast %get3A_154 : i32 to index
      %get3A_156 = arith.index_cast %mul3A_9 : i32 to index
      %get3A_157 = tpu.vector_load %arg5[%get3A_155, %get3A_156] {strides = array<i32>} : memref<64x256xf32, #tpu.memory_space<vmem>>, vector<1x16xf32>,
      %get3A_158 = vector.shape_cast %get3A_157 : vector<1x16xf32> to vector<16xf32>
      %max3A_159 = arith.maximumf %get3A_153, %get3A_158 : vector<16xf32>
      %get3A_160 = arith.constant 26 : i32
      %get3A_161 = arith.index_cast %get3A_160 : i32 to index
      %get3A_162 = arith.index_cast %mul3A_9 : i32 to index
      %get3A_163 = tpu.vector_load %arg5[%get3A_161, %get3A_162] {strides = array<i32>} : memref<64x256xf32, #tpu.memory_space<vmem>>, vector<1x16xf32>,
      %get3A_164 = vector.shape_cast %get3A_163 : vector<1x16xf32> to vector<16xf32>
      %max3A_165 = arith.maximumf %max3A_159, %get3A_164 : vector<16xf32>
      %get3A_166 = arith.constant 27 : i32
      %get3A_167 = arith.index_cast %get3A_166 : i32 to index
      %get3A_168 = arith.index_cast %mul3A_9 : i32 to index
      %get3A_169 = tpu.vector_load %arg5[%get3A_167, %get3A_168] {strides = array<i32>} : memref<64x256xf32, #tpu.memory_space<vmem>>, vector<1x16xf32>,
      %get3A_170 = vector.shape_cast %get3A_169 : vector<1x16xf32> to vector<16xf32>
      %max3A_171 = arith.maximumf %max3A_165, %get3A_170 : vector<16xf32>
      %get3A_172 = arith.constant 28 : i32
      %get3A_173 = arith.index_cast %get3A_172 : i32 to index
      %get3A_174 = arith.index_cast %mul3A_9 : i32 to index
      %get3A_175 = tpu.vector_load %arg5[%get3A_173, %get3A_174] {strides = array<i32>} : memref<64x256xf32, #tpu.memory_space<vmem>>, vector<1x16xf32>,
      %get3A_176 = vector.shape_cast %get3A_175 : vector<1x16xf32> to vector<16xf32>
      %max3A_177 = arith.maximumf %max3A_171, %get3A_176 : vector<16xf32>
      %get3A_178 = arith.constant 29 : i32
      %get3A_179 = arith.index_cast %get3A_178 : i32 to index
      %get3A_180 = arith.index_cast %mul3A_9 : i32 to index
      %get3A_181 = tpu.vector_load %arg5[%get3A_179, %get3A_180] {strides = array<i32>} : memref<64x256xf32, #tpu.memory_space<vmem>>, vector<1x16xf32>,
      %get3A_182 = vector.shape_cast %get3A_181 : vector<1x16xf32> to vector<16xf32>
      %max3A_183 = arith.maximumf %max3A_177, %get3A_182 : vector<16xf32>
      %get3A_184 = arith.constant 30 : i32
      %get3A_185 = arith.index_cast %get3A_184 : i32 to index
      %get3A_186 = arith.index_cast %mul3A_9 : i32 to index
      %get3A_187 = tpu.vector_load %arg5[%get3A_185, %get3A_186] {strides = array<i32>} : memref<64x256xf32, #tpu.memory_space<vmem>>, vector<1x16xf32>,
      %get3A_188 = vector.shape_cast %get3A_187 : vector<1x16xf32> to vector<16xf32>
      %max3A_189 = arith.maximumf %max3A_183, %get3A_188 : vector<16xf32>
      %get3A_190 = arith.constant 31 : i32
      %get3A_191 = arith.index_cast %get3A_190 : i32 to index
      %get3A_192 = arith.index_cast %mul3A_9 : i32 to index
      %get3A_193 = tpu.vector_load %arg5[%get3A_191, %get3A_192] {strides = array<i32>} : memref<64x256xf32, #tpu.memory_space<vmem>>, vector<1x16xf32>,
      %get3A_194 = vector.shape_cast %get3A_193 : vector<1x16xf32> to vector<16xf32>
      %max3A_195 = arith.maximumf %max3A_189, %get3A_194 : vector<16xf32>
      %get3A_196 = arith.constant 32 : i32
      %get3A_197 = arith.index_cast %get3A_196 : i32 to index
      %get3A_198 = arith.index_cast %mul3A_9 : i32 to index
      %get3A_199 = tpu.vector_load %arg5[%get3A_197, %get3A_198] {strides = array<i32>} : memref<64x256xf32, #tpu.memory_space<vmem>>, vector<1x16xf32>,
      %get3A_200 = vector.shape_cast %get3A_199 : vector<1x16xf32> to vector<16xf32>
      %get3A_201 = arith.constant 33 : i32
      %get3A_202 = arith.index_cast %get3A_201 : i32 to index
      %get3A_203 = arith.index_cast %mul3A_9 : i32 to index
      %get3A_204 = tpu.vector_load %arg5[%get3A_202, %get3A_203] {strides = array<i32>} : memref<64x256xf32, #tpu.memory_space<vmem>>, vector<1x16xf32>,
      %get3A_205 = vector.shape_cast %get3A_204 : vector<1x16xf32> to vector<16xf32>
      %max3A_206 = arith.maximumf %get3A_200, %get3A_205 : vector<16xf32>
      %get3A_207 = arith.constant 34 : i32
      %get3A_208 = arith.index_cast %get3A_207 : i32 to index
      %get3A_209 = arith.index_cast %mul3A_9 : i32 to index
      %get3A_210 = tpu.vector_load %arg5[%get3A_208, %get3A_209] {strides = array<i32>} : memref<64x256xf32, #tpu.memory_space<vmem>>, vector<1x16xf32>,
      %get3A_211 = vector.shape_cast %get3A_210 : vector<1x16xf32> to vector<16xf32>
      %max3A_212 = arith.maximumf %max3A_206, %get3A_211 : vector<16xf32>
      %get3A_213 = arith.constant 35 : i32
      %get3A_214 = arith.index_cast %get3A_213 : i32 to index
      %get3A_215 = arith.index_cast %mul3A_9 : i32 to index
      %get3A_216 = tpu.vector_load %arg5[%get3A_214, %get3A_215] {strides = array<i32>} : memref<64x256xf32, #tpu.memory_space<vmem>>, vector<1x16xf32>,
      %get3A_217 = vector.shape_cast %get3A_216 : vector<1x16xf32> to vector<16xf32>
      %max3A_218 = arith.maximumf %max3A_212, %get3A_217 : vector<16xf32>
      %get3A_219 = arith.constant 36 : i32
      %get3A_220 = arith.index_cast %get3A_219 : i32 to index
      %get3A_221 = arith.index_cast %mul3A_9 : i32 to index
      %get3A_222 = tpu.vector_load %arg5[%get3A_220, %get3A_221] {strides = array<i32>} : memref<64x256xf32, #tpu.memory_space<vmem>>, vector<1x16xf32>,
      %get3A_223 = vector.shape_cast %get3A_222 : vector<1x16xf32> to vector<16xf32>
      %max3A_224 = arith.maximumf %max3A_218, %get3A_223 : vector<16xf32>
      %get3A_225 = arith.constant 37 : i32
      %get3A_226 = arith.index_cast %get3A_225 : i32 to index
      %get3A_227 = arith.index_cast %mul3A_9 : i32 to index
      %get3A_228 = tpu.vector_load %arg5[%get3A_226, %get3A_227] {strides = array<i32>} : memref<64x256xf32, #tpu.memory_space<vmem>>, vector<1x16xf32>,
      %get3A_229 = vector.shape_cast %get3A_228 : vector<1x16xf32> to vector<16xf32>
      %max3A_230 = arith.maximumf %max3A_224, %get3A_229 : vector<16xf32>
      %get3A_231 = arith.constant 38 : i32
      %get3A_232 = arith.index_cast %get3A_231 : i32 to index
      %get3A_233 = arith.index_cast %mul3A_9 : i32 to index
      %get3A_234 = tpu.vector_load %arg5[%get3A_232, %get3A_233] {strides = array<i32>} : memref<64x256xf32, #tpu.memory_space<vmem>>, vector<1x16xf32>,
      %get3A_235 = vector.shape_cast %get3A_234 : vector<1x16xf32> to vector<16xf32>
      %max3A_236 = arith.maximumf %max3A_230, %get3A_235 : vector<16xf32>
      %get3A_237 = arith.constant 39 : i32
      %get3A_238 = arith.index_cast %get3A_237 : i32 to index
      %get3A_239 = arith.index_cast %mul3A_9 : i32 to index
      %get3A_240 = tpu.vector_load %arg5[%get3A_238, %get3A_239] {strides = array<i32>} : memref<64x256xf32, #tpu.memory_space<vmem>>, vector<1x16xf32>,
      %get3A_241 = vector.shape_cast %get3A_240 : vector<1x16xf32> to vector<16xf32>
      %max3A_242 = arith.maximumf %max3A_236, %get3A_241 : vector<16xf32>
      %get3A_243 = arith.constant 40 : i32
      %get3A_244 = arith.index_cast %get3A_243 : i32 to index
      %get3A_245 = arith.index_cast %mul3A_9 : i32 to index
      %get3A_246 = tpu.vector_load %arg5[%get3A_244, %get3A_245] {strides = array<i32>} : memref<64x256xf32, #tpu.memory_space<vmem>>, vector<1x16xf32>,
      %get3A_247 = vector.shape_cast %get3A_246 : vector<1x16xf32> to vector<16xf32>
      %get3A_248 = arith.constant 41 : i32
      %get3A_249 = arith.index_cast %get3A_248 : i32 to index
      %get3A_250 = arith.index_cast %mul3A_9 : i32 to index
      %get3A_251 = tpu.vector_load %arg5[%get3A_249, %get3A_250] {strides = array<i32>} : memref<64x256xf32, #tpu.memory_space<vmem>>, vector<1x16xf32>,
      %get3A_252 = vector.shape_cast %get3A_251 : vector<1x16xf32> to vector<16xf32>
      %max3A_253 = arith.maximumf %get3A_247, %get3A_252 : vector<16xf32>
      %get3A_254 = arith.constant 42 : i32
      %get3A_255 = arith.index_cast %get3A_254 : i32 to index
      %get3A_256 = arith.index_cast %mul3A_9 : i32 to index
      %get3A_257 = tpu.vector_load %arg5[%get3A_255, %get3A_256] {strides = array<i32>} : memref<64x256xf32, #tpu.memory_space<vmem>>, vector<1x16xf32>,
      %get3A_258 = vector.shape_cast %get3A_257 : vector<1x16xf32> to vector<16xf32>
      %max3A_259 = arith.maximumf %max3A_253, %get3A_258 : vector<16xf32>
      %get3A_260 = arith.constant 43 : i32
      %get3A_261 = arith.index_cast %get3A_260 : i32 to index
      %get3A_262 = arith.index_cast %mul3A_9 : i32 to index
      %get3A_263 = tpu.vector_load %arg5[%get3A_261, %get3A_262] {strides = array<i32>} : memref<64x256xf32, #tpu.memory_space<vmem>>, vector<1x16xf32>,
      %get3A_264 = vector.shape_cast %get3A_263 : vector<1x16xf32> to vector<16xf32>
      %max3A_265 = arith.maximumf %max3A_259, %get3A_264 : vector<16xf32>
      %get3A_266 = arith.constant 44 : i32
      %get3A_267 = arith.index_cast %get3A_266 : i32 to index
      %get3A_268 = arith.index_cast %mul3A_9 : i32 to index
      %get3A_269 = tpu.vector_load %arg5[%get3A_267, %get3A_268] {strides = array<i32>} : memref<64x256xf32, #tpu.memory_space<vmem>>, vector<1x16xf32>,
      %get3A_270 = vector.shape_cast %get3A_269 : vector<1x16xf32> to vector<16xf32>
      %max3A_271 = arith.maximumf %max3A_265, %get3A_270 : vector<16xf32>
      %get3A_272 = arith.constant 45 : i32
      %get3A_273 = arith.index_cast %get3A_272 : i32 to index
      %get3A_274 = arith.index_cast %mul3A_9 : i32 to index
      %get3A_275 = tpu.vector_load %arg5[%get3A_273, %get3A_274] {strides = array<i32>} : memref<64x256xf32, #tpu.memory_space<vmem>>, vector<1x16xf32>,
      %get3A_276 = vector.shape_cast %get3A_275 : vector<1x16xf32> to vector<16xf32>
      %max3A_277 = arith.maximumf %max3A_271, %get3A_276 : vector<16xf32>
      %get3A_278 = arith.constant 46 : i32
      %get3A_279 = arith.index_cast %get3A_278 : i32 to index
      %get3A_280 = arith.index_cast %mul3A_9 : i32 to index
      %get3A_281 = tpu.vector_load %arg5[%get3A_279, %get3A_280] {strides = array<i32>} : memref<64x256xf32, #tpu.memory_space<vmem>>, vector<1x16xf32>,
      %get3A_282 = vector.shape_cast %get3A_281 : vector<1x16xf32> to vector<16xf32>
      %max3A_283 = arith.maximumf %max3A_277, %get3A_282 : vector<16xf32>
      %get3A_284 = arith.constant 47 : i32
      %get3A_285 = arith.index_cast %get3A_284 : i32 to index
      %get3A_286 = arith.index_cast %mul3A_9 : i32 to index
      %get3A_287 = tpu.vector_load %arg5[%get3A_285, %get3A_286] {strides = array<i32>} : memref<64x256xf32, #tpu.memory_space<vmem>>, vector<1x16xf32>,
      %get3A_288 = vector.shape_cast %get3A_287 : vector<1x16xf32> to vector<16xf32>
      %max3A_289 = arith.maximumf %max3A_283, %get3A_288 : vector<16xf32>
      %get3A_290 = arith.constant 48 : i32
      %get3A_291 = arith.index_cast %get3A_290 : i32 to index
      %get3A_292 = arith.index_cast %mul3A_9 : i32 to index
      %get3A_293 = tpu.vector_load %arg5[%get3A_291, %get3A_292] {strides = array<i32>} : memref<64x256xf32, #tpu.memory_space<vmem>>, vector<1x16xf32>,
      %get3A_294 = vector.shape_cast %get3A_293 : vector<1x16xf32> to vector<16xf32>
      %get3A_295 = arith.constant 49 : i32
      %get3A_296 = arith.index_cast %get3A_295 : i32 to index
      %get3A_297 = arith.index_cast %mul3A_9 : i32 to index
      %get3A_298 = tpu.vector_load %arg5[%get3A_296, %get3A_297] {strides = array<i32>} : memref<64x256xf32, #tpu.memory_space<vmem>>, vector<1x16xf32>,
      %get3A_299 = vector.shape_cast %get3A_298 : vector<1x16xf32> to vector<16xf32>
      %max3A_300 = arith.maximumf %get3A_294, %get3A_299 : vector<16xf32>
      %get3A_301 = arith.constant 50 : i32
      %get3A_302 = arith.index_cast %get3A_301 : i32 to index
      %get3A_303 = arith.index_cast %mul3A_9 : i32 to index
      %get3A_304 = tpu.vector_load %arg5[%get3A_302, %get3A_303] {strides = array<i32>} : memref<64x256xf32, #tpu.memory_space<vmem>>, vector<1x16xf32>,
      %get3A_305 = vector.shape_cast %get3A_304 : vector<1x16xf32> to vector<16xf32>
      %max3A_306 = arith.maximumf %max3A_300, %get3A_305 : vector<16xf32>
      %get3A_307 = arith.constant 51 : i32
      %get3A_308 = arith.index_cast %get3A_307 : i32 to index
      %get3A_309 = arith.index_cast %mul3A_9 : i32 to index
      %get3A_310 = tpu.vector_load %arg5[%get3A_308, %get3A_309] {strides = array<i32>} : memref<64x256xf32, #tpu.memory_space<vmem>>, vector<1x16xf32>,
      %get3A_311 = vector.shape_cast %get3A_310 : vector<1x16xf32> to vector<16xf32>
      %max3A_312 = arith.maximumf %max3A_306, %get3A_311 : vector<16xf32>
      %get3A_313 = arith.constant 52 : i32
      %get3A_314 = arith.index_cast %get3A_313 : i32 to index
      %get3A_315 = arith.index_cast %mul3A_9 : i32 to index
      %get3A_316 = tpu.vector_load %arg5[%get3A_314, %get3A_315] {strides = array<i32>} : memref<64x256xf32, #tpu.memory_space<vmem>>, vector<1x16xf32>,
      %get3A_317 = vector.shape_cast %get3A_316 : vector<1x16xf32> to vector<16xf32>
      %max3A_318 = arith.maximumf %max3A_312, %get3A_317 : vector<16xf32>
      %get3A_319 = arith.constant 53 : i32
      %get3A_320 = arith.index_cast %get3A_319 : i32 to index
      %get3A_321 = arith.index_cast %mul3A_9 : i32 to index
      %get3A_322 = tpu.vector_load %arg5[%get3A_320, %get3A_321] {strides = array<i32>} : memref<64x256xf32, #tpu.memory_space<vmem>>, vector<1x16xf32>,
      %get3A_323 = vector.shape_cast %get3A_322 : vector<1x16xf32> to vector<16xf32>
      %max3A_324 = arith.maximumf %max3A_318, %get3A_323 : vector<16xf32>
      %get3A_325 = arith.constant 54 : i32
      %get3A_326 = arith.index_cast %get3A_325 : i32 to index
      %get3A_327 = arith.index_cast %mul3A_9 : i32 to index
      %get3A_328 = tpu.vector_load %arg5[%get3A_326, %get3A_327] {strides = array<i32>} : memref<64x256xf32, #tpu.memory_space<vmem>>, vector<1x16xf32>,
      %get3A_329 = vector.shape_cast %get3A_328 : vector<1x16xf32> to vector<16xf32>
      %max3A_330 = arith.maximumf %max3A_324, %get3A_329 : vector<16xf32>
      %get3A_331 = arith.constant 55 : i32
      %get3A_332 = arith.index_cast %get3A_331 : i32 to index
      %get3A_333 = arith.index_cast %mul3A_9 : i32 to index
      %get3A_334 = tpu.vector_load %arg5[%get3A_332, %get3A_333] {strides = array<i32>} : memref<64x256xf32, #tpu.memory_space<vmem>>, vector<1x16xf32>,
      %get3A_335 = vector.shape_cast %get3A_334 : vector<1x16xf32> to vector<16xf32>
      %max3A_336 = arith.maximumf %max3A_330, %get3A_335 : vector<16xf32>
      %get3A_337 = arith.constant 56 : i32
      %get3A_338 = arith.index_cast %get3A_337 : i32 to index
      %get3A_339 = arith.index_cast %mul3A_9 : i32 to index
      %get3A_340 = tpu.vector_load %arg5[%get3A_338, %get3A_339] {strides = array<i32>} : memref<64x256xf32, #tpu.memory_space<vmem>>, vector<1x16xf32>,
      %get3A_341 = vector.shape_cast %get3A_340 : vector<1x16xf32> to vector<16xf32>
      %get3A_342 = arith.constant 57 : i32
      %get3A_343 = arith.index_cast %get3A_342 : i32 to index
      %get3A_344 = arith.index_cast %mul3A_9 : i32 to index
      %get3A_345 = tpu.vector_load %arg5[%get3A_343, %get3A_344] {strides = array<i32>} : memref<64x256xf32, #tpu.memory_space<vmem>>, vector<1x16xf32>,
      %get3A_346 = vector.shape_cast %get3A_345 : vector<1x16xf32> to vector<16xf32>
      %max3A_347 = arith.maximumf %get3A_341, %get3A_346 : vector<16xf32>
      %get3A_348 = arith.constant 58 : i32
      %get3A_349 = arith.index_cast %get3A_348 : i32 to index
      %get3A_350 = arith.index_cast %mul3A_9 : i32 to index
      %get3A_351 = tpu.vector_load %arg5[%get3A_349, %get3A_350] {strides = array<i32>} : memref<64x256xf32, #tpu.memory_space<vmem>>, vector<1x16xf32>,
      %get3A_352 = vector.shape_cast %get3A_351 : vector<1x16xf32> to vector<16xf32>
      %max3A_353 = arith.maximumf %max3A_347, %get3A_352 : vector<16xf32>
      %get3A_354 = arith.constant 59 : i32
      %get3A_355 = arith.index_cast %get3A_354 : i32 to index
      %get3A_356 = arith.index_cast %mul3A_9 : i32 to index
      %get3A_357 = tpu.vector_load %arg5[%get3A_355, %get3A_356] {strides = array<i32>} : memref<64x256xf32, #tpu.memory_space<vmem>>, vector<1x16xf32>,
      %get3A_358 = vector.shape_cast %get3A_357 : vector<1x16xf32> to vector<16xf32>
      %max3A_359 = arith.maximumf %max3A_353, %get3A_358 : vector<16xf32>
      %get3A_360 = arith.constant 60 : i32
      %get3A_361 = arith.index_cast %get3A_360 : i32 to index
      %get3A_362 = arith.index_cast %mul3A_9 : i32 to index
      %get3A_363 = tpu.vector_load %arg5[%get3A_361, %get3A_362] {strides = array<i32>} : memref<64x256xf32, #tpu.memory_space<vmem>>, vector<1x16xf32>,
      %get3A_364 = vector.shape_cast %get3A_363 : vector<1x16xf32> to vector<16xf32>
      %max3A_365 = arith.maximumf %max3A_359, %get3A_364 : vector<16xf32>
      %get3A_366 = arith.constant 61 : i32
      %get3A_367 = arith.index_cast %get3A_366 : i32 to index
      %get3A_368 = arith.index_cast %mul3A_9 : i32 to index
      %get3A_369 = tpu.vector_load %arg5[%get3A_367, %get3A_368] {strides = array<i32>} : memref<64x256xf32, #tpu.memory_space<vmem>>, vector<1x16xf32>,
      %get3A_370 = vector.shape_cast %get3A_369 : vector<1x16xf32> to vector<16xf32>
      %max3A_371 = arith.maximumf %max3A_365, %get3A_370 : vector<16xf32>
      %get3A_372 = arith.constant 62 : i32
      %get3A_373 = arith.index_cast %get3A_372 : i32 to index
      %get3A_374 = arith.index_cast %mul3A_9 : i32 to index
      %get3A_375 = tpu.vector_load %arg5[%get3A_373, %get3A_374] {strides = array<i32>} : memref<64x256xf32, #tpu.memory_space<vmem>>, vector<1x16xf32>,
      %get3A_376 = vector.shape_cast %get3A_375 : vector<1x16xf32> to vector<16xf32>
      %max3A_377 = arith.maximumf %max3A_371, %get3A_376 : vector<16xf32>
      %get3A_378 = arith.constant 63 : i32
      %get3A_379 = arith.index_cast %get3A_378 : i32 to index
      %get3A_380 = arith.index_cast %mul3A_9 : i32 to index
      %get3A_381 = tpu.vector_load %arg5[%get3A_379, %get3A_380] {strides = array<i32>} : memref<64x256xf32, #tpu.memory_space<vmem>>, vector<1x16xf32>,
      %get3A_382 = vector.shape_cast %get3A_381 : vector<1x16xf32> to vector<16xf32>
      %max3A_383 = arith.maximumf %max3A_377, %get3A_382 : vector<16xf32>
      %max3A_384 = arith.maximumf %max3A_54, %max3A_101 : vector<16xf32>
      %max3A_385 = arith.maximumf %max3A_384, %max3A_148 : vector<16xf32>
      %max3A_386 = arith.maximumf %max3A_385, %max3A_195 : vector<16xf32>
      %max3A_387 = arith.maximumf %max3A_386, %max3A_242 : vector<16xf32>
      %max3A_388 = arith.maximumf %max3A_387, %max3A_289 : vector<16xf32>
      %max3A_389 = arith.maximumf %max3A_388, %max3A_336 : vector<16xf32>
      %max3A_390 = arith.maximumf %max3A_389, %max3A_383 : vector<16xf32>
      %broadcast_in_dim3A = arith.constant 0.000000e+00 : f32
      %broadcast_in_dim3A_391 = vector.broadcast %broadcast_in_dim3A : f32 to vector<16xf32>
      %get3A_392 = arith.constant 0 : i32
      %get3A_393 = arith.index_cast %get3A_392 : i32 to index
      %get3A_394 = arith.index_cast %mul3A_9 : i32 to index
      %get3A_395 = tpu.vector_load %arg5[%get3A_393, %get3A_394] {strides = array<i32>} : memref<64x256xf32, #tpu.memory_space<vmem>>, vector<1x16xf32>,
      %get3A_396 = vector.shape_cast %get3A_395 : vector<1x16xf32> to vector<16xf32>
      %sub3A = arith.subf %get3A_396, %max3A_390 : vector<16xf32>
      %exp3A = math.exp %sub3A : vector<16xf32>
      %add3A_397 = arith.addf %broadcast_in_dim3A_391, %exp3A : vector<16xf32>
      %swap3A = arith.constant 0 : i32
      %swap3A_398 = arith.index_cast %swap3A : i32 to index
      %swap3A_399 = arith.index_cast %mul3A_9 : i32 to index
      %swap3A_400 = tpu.vector_load %arg5[%swap3A_398, %swap3A_399] {strides = array<i32>} : memref<64x256xf32, #tpu.memory_space<vmem>>, vector<1x16xf32>,
      %swap3A_401 = vector.shape_cast %swap3A_400 : vector<1x16xf32> to vector<16xf32>
      %swap3A_402 = vector.shape_cast %exp3A : vector<16xf32> to vector<1x16xf32>
      tpu.vector_store %arg5[%swap3A_398, %swap3A_399], %swap3A_402 {strides = array<i32>} : memref<64x256xf32, #tpu.memory_space<vmem>>, vector<1x16xf32>,
      %get3A_403 = arith.constant 1 : i32
      %get3A_404 = arith.index_cast %get3A_403 : i32 to index
      %get3A_405 = arith.index_cast %mul3A_9 : i32 to index
      %get3A_406 = tpu.vector_load %arg5[%get3A_404, %get3A_405] {strides = array<i32>} : memref<64x256xf32, #tpu.memory_space<vmem>>, vector<1x16xf32>,
      %get3A_407 = vector.shape_cast %get3A_406 : vector<1x16xf32> to vector<16xf32>
      %sub3A_408 = arith.subf %get3A_407, %max3A_390 : vector<16xf32>
      %exp3A_409 = math.exp %sub3A_408 : vector<16xf32>
      %add3A_410 = arith.addf %add3A_397, %exp3A_409 : vector<16xf32>
      %swap3A_411 = arith.constant 1 : i32
      %swap3A_412 = arith.index_cast %swap3A_411 : i32 to index
      %swap3A_413 = arith.index_cast %mul3A_9 : i32 to index
      %swap3A_414 = tpu.vector_load %arg5[%swap3A_412, %swap3A_413] {strides = array<i32>} : memref<64x256xf32, #tpu.memory_space<vmem>>, vector<1x16xf32>,
      %swap3A_415 = vector.shape_cast %swap3A_414 : vector<1x16xf32> to vector<16xf32>
      %swap3A_416 = vector.shape_cast %exp3A_409 : vector<16xf32> to vector<1x16xf32>
      tpu.vector_store %arg5[%swap3A_412, %swap3A_413], %swap3A_416 {strides = array<i32>} : memref<64x256xf32, #tpu.memory_space<vmem>>, vector<1x16xf32>,
      %get3A_417 = arith.constant 2 : i32
      %get3A_418 = arith.index_cast %get3A_417 : i32 to index
      %get3A_419 = arith.index_cast %mul3A_9 : i32 to index
      %get3A_420 = tpu.vector_load %arg5[%get3A_418, %get3A_419] {strides = array<i32>} : memref<64x256xf32, #tpu.memory_space<vmem>>, vector<1x16xf32>,
      %get3A_421 = vector.shape_cast %get3A_420 : vector<1x16xf32> to vector<16xf32>
      %sub3A_422 = arith.subf %get3A_421, %max3A_390 : vector<16xf32>
      %exp3A_423 = math.exp %sub3A_422 : vector<16xf32>
      %add3A_424 = arith.addf %add3A_410, %exp3A_423 : vector<16xf32>
      %swap3A_425 = arith.constant 2 : i32
      %swap3A_426 = arith.index_cast %swap3A_425 : i32 to index
      %swap3A_427 = arith.index_cast %mul3A_9 : i32 to index
      %swap3A_428 = tpu.vector_load %arg5[%swap3A_426, %swap3A_427] {strides = array<i32>} : memref<64x256xf32, #tpu.memory_space<vmem>>, vector<1x16xf32>,
      %swap3A_429 = vector.shape_cast %swap3A_428 : vector<1x16xf32> to vector<16xf32>
      %swap3A_430 = vector.shape_cast %exp3A_423 : vector<16xf32> to vector<1x16xf32>
      tpu.vector_store %arg5[%swap3A_426, %swap3A_427], %swap3A_430 {strides = array<i32>} : memref<64x256xf32, #tpu.memory_space<vmem>>, vector<1x16xf32>,
      %get3A_431 = arith.constant 3 : i32
      %get3A_432 = arith.index_cast %get3A_431 : i32 to index
      %get3A_433 = arith.index_cast %mul3A_9 : i32 to index
      %get3A_434 = tpu.vector_load %arg5[%get3A_432, %get3A_433] {strides = array<i32>} : memref<64x256xf32, #tpu.memory_space<vmem>>, vector<1x16xf32>,
      %get3A_435 = vector.shape_cast %get3A_434 : vector<1x16xf32> to vector<16xf32>
      %sub3A_436 = arith.subf %get3A_435, %max3A_390 : vector<16xf32>
      %exp3A_437 = math.exp %sub3A_436 : vector<16xf32>
      %add3A_438 = arith.addf %add3A_424, %exp3A_437 : vector<16xf32>
      %swap3A_439 = arith.constant 3 : i32
      %swap3A_440 = arith.index_cast %swap3A_439 : i32 to index
      %swap3A_441 = arith.index_cast %mul3A_9 : i32 to index
      %swap3A_442 = tpu.vector_load %arg5[%swap3A_440, %swap3A_441] {strides = array<i32>} : memref<64x256xf32, #tpu.memory_space<vmem>>, vector<1x16xf32>,
      %swap3A_443 = vector.shape_cast %swap3A_442 : vector<1x16xf32> to vector<16xf32>
      %swap3A_444 = vector.shape_cast %exp3A_437 : vector<16xf32> to vector<1x16xf32>
      tpu.vector_store %arg5[%swap3A_440, %swap3A_441], %swap3A_444 {strides = array<i32>} : memref<64x256xf32, #tpu.memory_space<vmem>>, vector<1x16xf32>,
      %get3A_445 = arith.constant 4 : i32
      %get3A_446 = arith.index_cast %get3A_445 : i32 to index
      %get3A_447 = arith.index_cast %mul3A_9 : i32 to index
      %get3A_448 = tpu.vector_load %arg5[%get3A_446, %get3A_447] {strides = array<i32>} : memref<64x256xf32, #tpu.memory_space<vmem>>, vector<1x16xf32>,
      %get3A_449 = vector.shape_cast %get3A_448 : vector<1x16xf32> to vector<16xf32>
      %sub3A_450 = arith.subf %get3A_449, %max3A_390 : vector<16xf32>
      %exp3A_451 = math.exp %sub3A_450 : vector<16xf32>
      %add3A_452 = arith.addf %add3A_438, %exp3A_451 : vector<16xf32>
      %swap3A_453 = arith.constant 4 : i32
      %swap3A_454 = arith.index_cast %swap3A_453 : i32 to index
      %swap3A_455 = arith.index_cast %mul3A_9 : i32 to index
      %swap3A_456 = tpu.vector_load %arg5[%swap3A_454, %swap3A_455] {strides = array<i32>} : memref<64x256xf32, #tpu.memory_space<vmem>>, vector<1x16xf32>,
      %swap3A_457 = vector.shape_cast %swap3A_456 : vector<1x16xf32> to vector<16xf32>
      %swap3A_458 = vector.shape_cast %exp3A_451 : vector<16xf32> to vector<1x16xf32>
      tpu.vector_store %arg5[%swap3A_454, %swap3A_455], %swap3A_458 {strides = array<i32>} : memref<64x256xf32, #tpu.memory_space<vmem>>, vector<1x16xf32>,
      %get3A_459 = arith.constant 5 : i32
      %get3A_460 = arith.index_cast %get3A_459 : i32 to index
      %get3A_461 = arith.index_cast %mul3A_9 : i32 to index
      %get3A_462 = tpu.vector_load %arg5[%get3A_460, %get3A_461] {strides = array<i32>} : memref<64x256xf32, #tpu.memory_space<vmem>>, vector<1x16xf32>,
      %get3A_463 = vector.shape_cast %get3A_462 : vector<1x16xf32> to vector<16xf32>
      %sub3A_464 = arith.subf %get3A_463, %max3A_390 : vector<16xf32>
      %exp3A_465 = math.exp %sub3A_464 : vector<16xf32>
      %add3A_466 = arith.addf %add3A_452, %exp3A_465 : vector<16xf32>
      %swap3A_467 = arith.constant 5 : i32
      %swap3A_468 = arith.index_cast %swap3A_467 : i32 to index
      %swap3A_469 = arith.index_cast %mul3A_9 : i32 to index
      %swap3A_470 = tpu.vector_load %arg5[%swap3A_468, %swap3A_469] {strides = array<i32>} : memref<64x256xf32, #tpu.memory_space<vmem>>, vector<1x16xf32>,
      %swap3A_471 = vector.shape_cast %swap3A_470 : vector<1x16xf32> to vector<16xf32>
      %swap3A_472 = vector.shape_cast %exp3A_465 : vector<16xf32> to vector<1x16xf32>
      tpu.vector_store %arg5[%swap3A_468, %swap3A_469], %swap3A_472 {strides = array<i32>} : memref<64x256xf32, #tpu.memory_space<vmem>>, vector<1x16xf32>,
      %get3A_473 = arith.constant 6 : i32
      %get3A_474 = arith.index_cast %get3A_473 : i32 to index
      %get3A_475 = arith.index_cast %mul3A_9 : i32 to index
      %get3A_476 = tpu.vector_load %arg5[%get3A_474, %get3A_475] {strides = array<i32>} : memref<64x256xf32, #tpu.memory_space<vmem>>, vector<1x16xf32>,
      %get3A_477 = vector.shape_cast %get3A_476 : vector<1x16xf32> to vector<16xf32>
      %sub3A_478 = arith.subf %get3A_477, %max3A_390 : vector<16xf32>
      %exp3A_479 = math.exp %sub3A_478 : vector<16xf32>
      %add3A_480 = arith.addf %add3A_466, %exp3A_479 : vector<16xf32>
      %swap3A_481 = arith.constant 6 : i32
      %swap3A_482 = arith.index_cast %swap3A_481 : i32 to index
      %swap3A_483 = arith.index_cast %mul3A_9 : i32 to index
      %swap3A_484 = tpu.vector_load %arg5[%swap3A_482, %swap3A_483] {strides = array<i32>} : memref<64x256xf32, #tpu.memory_space<vmem>>, vector<1x16xf32>,
      %swap3A_485 = vector.shape_cast %swap3A_484 : vector<1x16xf32> to vector<16xf32>
      %swap3A_486 = vector.shape_cast %exp3A_479 : vector<16xf32> to vector<1x16xf32>
      tpu.vector_store %arg5[%swap3A_482, %swap3A_483], %swap3A_486 {strides = array<i32>} : memref<64x256xf32, #tpu.memory_space<vmem>>, vector<1x16xf32>,
      %get3A_487 = arith.constant 7 : i32
      %get3A_488 = arith.index_cast %get3A_487 : i32 to index
      %get3A_489 = arith.index_cast %mul3A_9 : i32 to index
      %get3A_490 = tpu.vector_load %arg5[%get3A_488, %get3A_489] {strides = array<i32>} : memref<64x256xf32, #tpu.memory_space<vmem>>, vector<1x16xf32>,
      %get3A_491 = vector.shape_cast %get3A_490 : vector<1x16xf32> to vector<16xf32>
      %sub3A_492 = arith.subf %get3A_491, %max3A_390 : vector<16xf32>
      %exp3A_493 = math.exp %sub3A_492 : vector<16xf32>
      %add3A_494 = arith.addf %add3A_480, %exp3A_493 : vector<16xf32>
      %swap3A_495 = arith.constant 7 : i32
      %swap3A_496 = arith.index_cast %swap3A_495 : i32 to index
      %swap3A_497 = arith.index_cast %mul3A_9 : i32 to index
      %swap3A_498 = tpu.vector_load %arg5[%swap3A_496, %swap3A_497] {strides = array<i32>} : memref<64x256xf32, #tpu.memory_space<vmem>>, vector<1x16xf32>,
      %swap3A_499 = vector.shape_cast %swap3A_498 : vector<1x16xf32> to vector<16xf32>
      %swap3A_500 = vector.shape_cast %exp3A_493 : vector<16xf32> to vector<1x16xf32>
      tpu.vector_store %arg5[%swap3A_496, %swap3A_497], %swap3A_500 {strides = array<i32>} : memref<64x256xf32, #tpu.memory_space<vmem>>, vector<1x16xf32>,
      %get3A_501 = arith.constant 8 : i32
      %get3A_502 = arith.index_cast %get3A_501 : i32 to index
      %get3A_503 = arith.index_cast %mul3A_9 : i32 to index
      %get3A_504 = tpu.vector_load %arg5[%get3A_502, %get3A_503] {strides = array<i32>} : memref<64x256xf32, #tpu.memory_space<vmem>>, vector<1x16xf32>,
      %get3A_505 = vector.shape_cast %get3A_504 : vector<1x16xf32> to vector<16xf32>
      %sub3A_506 = arith.subf %get3A_505, %max3A_390 : vector<16xf32>
      %exp3A_507 = math.exp %sub3A_506 : vector<16xf32>
      %add3A_508 = arith.addf %add3A_494, %exp3A_507 : vector<16xf32>
      %swap3A_509 = arith.constant 8 : i32
      %swap3A_510 = arith.index_cast %swap3A_509 : i32 to index
      %swap3A_511 = arith.index_cast %mul3A_9 : i32 to index
      %swap3A_512 = tpu.vector_load %arg5[%swap3A_510, %swap3A_511] {strides = array<i32>} : memref<64x256xf32, #tpu.memory_space<vmem>>, vector<1x16xf32>,
      %swap3A_513 = vector.shape_cast %swap3A_512 : vector<1x16xf32> to vector<16xf32>
      %swap3A_514 = vector.shape_cast %exp3A_507 : vector<16xf32> to vector<1x16xf32>
      tpu.vector_store %arg5[%swap3A_510, %swap3A_511], %swap3A_514 {strides = array<i32>} : memref<64x256xf32, #tpu.memory_space<vmem>>, vector<1x16xf32>,
      %get3A_515 = arith.constant 9 : i32
      %get3A_516 = arith.index_cast %get3A_515 : i32 to index
      %get3A_517 = arith.index_cast %mul3A_9 : i32 to index
      %get3A_518 = tpu.vector_load %arg5[%get3A_516, %get3A_517] {strides = array<i32>} : memref<64x256xf32, #tpu.memory_space<vmem>>, vector<1x16xf32>,
      %get3A_519 = vector.shape_cast %get3A_518 : vector<1x16xf32> to vector<16xf32>
      %sub3A_520 = arith.subf %get3A_519, %max3A_390 : vector<16xf32>
      %exp3A_521 = math.exp %sub3A_520 : vector<16xf32>
      %add3A_522 = arith.addf %add3A_508, %exp3A_521 : vector<16xf32>
      %swap3A_523 = arith.constant 9 : i32
      %swap3A_524 = arith.index_cast %swap3A_523 : i32 to index
      %swap3A_525 = arith.index_cast %mul3A_9 : i32 to index
      %swap3A_526 = tpu.vector_load %arg5[%swap3A_524, %swap3A_525] {strides = array<i32>} : memref<64x256xf32, #tpu.memory_space<vmem>>, vector<1x16xf32>,
      %swap3A_527 = vector.shape_cast %swap3A_526 : vector<1x16xf32> to vector<16xf32>
      %swap3A_528 = vector.shape_cast %exp3A_521 : vector<16xf32> to vector<1x16xf32>
      tpu.vector_store %arg5[%swap3A_524, %swap3A_525], %swap3A_528 {strides = array<i32>} : memref<64x256xf32, #tpu.memory_space<vmem>>, vector<1x16xf32>,
      %get3A_529 = arith.constant 10 : i32
      %get3A_530 = arith.index_cast %get3A_529 : i32 to index
      %get3A_531 = arith.index_cast %mul3A_9 : i32 to index
      %get3A_532 = tpu.vector_load %arg5[%get3A_530, %get3A_531] {strides = array<i32>} : memref<64x256xf32, #tpu.memory_space<vmem>>, vector<1x16xf32>,
      %get3A_533 = vector.shape_cast %get3A_532 : vector<1x16xf32> to vector<16xf32>
      %sub3A_534 = arith.subf %get3A_533, %max3A_390 : vector<16xf32>
      %exp3A_535 = math.exp %sub3A_534 : vector<16xf32>
      %add3A_536 = arith.addf %add3A_522, %exp3A_535 : vector<16xf32>
      %swap3A_537 = arith.constant 10 : i32
      %swap3A_538 = arith.index_cast %swap3A_537 : i32 to index
      %swap3A_539 = arith.index_cast %mul3A_9 : i32 to index
      %swap3A_540 = tpu.vector_load %arg5[%swap3A_538, %swap3A_539] {strides = array<i32>} : memref<64x256xf32, #tpu.memory_space<vmem>>, vector<1x16xf32>,
      %swap3A_541 = vector.shape_cast %swap3A_540 : vector<1x16xf32> to vector<16xf32>
      %swap3A_542 = vector.shape_cast %exp3A_535 : vector<16xf32> to vector<1x16xf32>
      tpu.vector_store %arg5[%swap3A_538, %swap3A_539], %swap3A_542 {strides = array<i32>} : memref<64x256xf32, #tpu.memory_space<vmem>>, vector<1x16xf32>,
      %get3A_543 = arith.constant 11 : i32
      %get3A_544 = arith.index_cast %get3A_543 : i32 to index
      %get3A_545 = arith.index_cast %mul3A_9 : i32 to index
      %get3A_546 = tpu.vector_load %arg5[%get3A_544, %get3A_545] {strides = array<i32>} : memref<64x256xf32, #tpu.memory_space<vmem>>, vector<1x16xf32>,
      %get3A_547 = vector.shape_cast %get3A_546 : vector<1x16xf32> to vector<16xf32>
      %sub3A_548 = arith.subf %get3A_547, %max3A_390 : vector<16xf32>
      %exp3A_549 = math.exp %sub3A_548 : vector<16xf32>
      %add3A_550 = arith.addf %add3A_536, %exp3A_549 : vector<16xf32>
      %swap3A_551 = arith.constant 11 : i32
      %swap3A_552 = arith.index_cast %swap3A_551 : i32 to index
      %swap3A_553 = arith.index_cast %mul3A_9 : i32 to index
      %swap3A_554 = tpu.vector_load %arg5[%swap3A_552, %swap3A_553] {strides = array<i32>} : memref<64x256xf32, #tpu.memory_space<vmem>>, vector<1x16xf32>,
      %swap3A_555 = vector.shape_cast %swap3A_554 : vector<1x16xf32> to vector<16xf32>
      %swap3A_556 = vector.shape_cast %exp3A_549 : vector<16xf32> to vector<1x16xf32>
      tpu.vector_store %arg5[%swap3A_552, %swap3A_553], %swap3A_556 {strides = array<i32>} : memref<64x256xf32, #tpu.memory_space<vmem>>, vector<1x16xf32>,
      %get3A_557 = arith.constant 12 : i32
      %get3A_558 = arith.index_cast %get3A_557 : i32 to index
      %get3A_559 = arith.index_cast %mul3A_9 : i32 to index
      %get3A_560 = tpu.vector_load %arg5[%get3A_558, %get3A_559] {strides = array<i32>} : memref<64x256xf32, #tpu.memory_space<vmem>>, vector<1x16xf32>,
      %get3A_561 = vector.shape_cast %get3A_560 : vector<1x16xf32> to vector<16xf32>
      %sub3A_562 = arith.subf %get3A_561, %max3A_390 : vector<16xf32>
      %exp3A_563 = math.exp %sub3A_562 : vector<16xf32>
      %add3A_564 = arith.addf %add3A_550, %exp3A_563 : vector<16xf32>
      %swap3A_565 = arith.constant 12 : i32
      %swap3A_566 = arith.index_cast %swap3A_565 : i32 to index
      %swap3A_567 = arith.index_cast %mul3A_9 : i32 to index
      %swap3A_568 = tpu.vector_load %arg5[%swap3A_566, %swap3A_567] {strides = array<i32>} : memref<64x256xf32, #tpu.memory_space<vmem>>, vector<1x16xf32>,
      %swap3A_569 = vector.shape_cast %swap3A_568 : vector<1x16xf32> to vector<16xf32>
      %swap3A_570 = vector.shape_cast %exp3A_563 : vector<16xf32> to vector<1x16xf32>
      tpu.vector_store %arg5[%swap3A_566, %swap3A_567], %swap3A_570 {strides = array<i32>} : memref<64x256xf32, #tpu.memory_space<vmem>>, vector<1x16xf32>,
      %get3A_571 = arith.constant 13 : i32
      %get3A_572 = arith.index_cast %get3A_571 : i32 to index
      %get3A_573 = arith.index_cast %mul3A_9 : i32 to index
      %get3A_574 = tpu.vector_load %arg5[%get3A_572, %get3A_573] {strides = array<i32>} : memref<64x256xf32, #tpu.memory_space<vmem>>, vector<1x16xf32>,
      %get3A_575 = vector.shape_cast %get3A_574 : vector<1x16xf32> to vector<16xf32>
      %sub3A_576 = arith.subf %get3A_575, %max3A_390 : vector<16xf32>
      %exp3A_577 = math.exp %sub3A_576 : vector<16xf32>
      %add3A_578 = arith.addf %add3A_564, %exp3A_577 : vector<16xf32>
      %swap3A_579 = arith.constant 13 : i32
      %swap3A_580 = arith.index_cast %swap3A_579 : i32 to index
      %swap3A_581 = arith.index_cast %mul3A_9 : i32 to index
      %swap3A_582 = tpu.vector_load %arg5[%swap3A_580, %swap3A_581] {strides = array<i32>} : memref<64x256xf32, #tpu.memory_space<vmem>>, vector<1x16xf32>,
      %swap3A_583 = vector.shape_cast %swap3A_582 : vector<1x16xf32> to vector<16xf32>
      %swap3A_584 = vector.shape_cast %exp3A_577 : vector<16xf32> to vector<1x16xf32>
      tpu.vector_store %arg5[%swap3A_580, %swap3A_581], %swap3A_584 {strides = array<i32>} : memref<64x256xf32, #tpu.memory_space<vmem>>, vector<1x16xf32>,
      %get3A_585 = arith.constant 14 : i32
      %get3A_586 = arith.index_cast %get3A_585 : i32 to index
      %get3A_587 = arith.index_cast %mul3A_9 : i32 to index
      %get3A_588 = tpu.vector_load %arg5[%get3A_586, %get3A_587] {strides = array<i32>} : memref<64x256xf32, #tpu.memory_space<vmem>>, vector<1x16xf32>,
      %get3A_589 = vector.shape_cast %get3A_588 : vector<1x16xf32> to vector<16xf32>
      %sub3A_590 = arith.subf %get3A_589, %max3A_390 : vector<16xf32>
      %exp3A_591 = math.exp %sub3A_590 : vector<16xf32>
      %add3A_592 = arith.addf %add3A_578, %exp3A_591 : vector<16xf32>
      %swap3A_593 = arith.constant 14 : i32
      %swap3A_594 = arith.index_cast %swap3A_593 : i32 to index
      %swap3A_595 = arith.index_cast %mul3A_9 : i32 to index
      %swap3A_596 = tpu.vector_load %arg5[%swap3A_594, %swap3A_595] {strides = array<i32>} : memref<64x256xf32, #tpu.memory_space<vmem>>, vector<1x16xf32>,
      %swap3A_597 = vector.shape_cast %swap3A_596 : vector<1x16xf32> to vector<16xf32>
      %swap3A_598 = vector.shape_cast %exp3A_591 : vector<16xf32> to vector<1x16xf32>
      tpu.vector_store %arg5[%swap3A_594, %swap3A_595], %swap3A_598 {strides = array<i32>} : memref<64x256xf32, #tpu.memory_space<vmem>>, vector<1x16xf32>,
      %get3A_599 = arith.constant 15 : i32
      %get3A_600 = arith.index_cast %get3A_599 : i32 to index
      %get3A_601 = arith.index_cast %mul3A_9 : i32 to index
      %get3A_602 = tpu.vector_load %arg5[%get3A_600, %get3A_601] {strides = array<i32>} : memref<64x256xf32, #tpu.memory_space<vmem>>, vector<1x16xf32>,
      %get3A_603 = vector.shape_cast %get3A_602 : vector<1x16xf32> to vector<16xf32>
      %sub3A_604 = arith.subf %get3A_603, %max3A_390 : vector<16xf32>
      %exp3A_605 = math.exp %sub3A_604 : vector<16xf32>
      %add3A_606 = arith.addf %add3A_592, %exp3A_605 : vector<16xf32>
      %swap3A_607 = arith.constant 15 : i32
      %swap3A_608 = arith.index_cast %swap3A_607 : i32 to index
      %swap3A_609 = arith.index_cast %mul3A_9 : i32 to index
      %swap3A_610 = tpu.vector_load %arg5[%swap3A_608, %swap3A_609] {strides = array<i32>} : memref<64x256xf32, #tpu.memory_space<vmem>>, vector<1x16xf32>,
      %swap3A_611 = vector.shape_cast %swap3A_610 : vector<1x16xf32> to vector<16xf32>
      %swap3A_612 = vector.shape_cast %exp3A_605 : vector<16xf32> to vector<1x16xf32>
      tpu.vector_store %arg5[%swap3A_608, %swap3A_609], %swap3A_612 {strides = array<i32>} : memref<64x256xf32, #tpu.memory_space<vmem>>, vector<1x16xf32>,
      %get3A_613 = arith.constant 16 : i32
      %get3A_614 = arith.index_cast %get3A_613 : i32 to index
      %get3A_615 = arith.index_cast %mul3A_9 : i32 to index
      %get3A_616 = tpu.vector_load %arg5[%get3A_614, %get3A_615] {strides = array<i32>} : memref<64x256xf32, #tpu.memory_space<vmem>>, vector<1x16xf32>,
      %get3A_617 = vector.shape_cast %get3A_616 : vector<1x16xf32> to vector<16xf32>
      %sub3A_618 = arith.subf %get3A_617, %max3A_390 : vector<16xf32>
      %exp3A_619 = math.exp %sub3A_618 : vector<16xf32>
      %add3A_620 = arith.addf %add3A_606, %exp3A_619 : vector<16xf32>
      %swap3A_621 = arith.constant 16 : i32
      %swap3A_622 = arith.index_cast %swap3A_621 : i32 to index
      %swap3A_623 = arith.index_cast %mul3A_9 : i32 to index
      %swap3A_624 = tpu.vector_load %arg5[%swap3A_622, %swap3A_623] {strides = array<i32>} : memref<64x256xf32, #tpu.memory_space<vmem>>, vector<1x16xf32>,
      %swap3A_625 = vector.shape_cast %swap3A_624 : vector<1x16xf32> to vector<16xf32>
      %swap3A_626 = vector.shape_cast %exp3A_619 : vector<16xf32> to vector<1x16xf32>
      tpu.vector_store %arg5[%swap3A_622, %swap3A_623], %swap3A_626 {strides = array<i32>} : memref<64x256xf32, #tpu.memory_space<vmem>>, vector<1x16xf32>,
      %get3A_627 = arith.constant 17 : i32
      %get3A_628 = arith.index_cast %get3A_627 : i32 to index
      %get3A_629 = arith.index_cast %mul3A_9 : i32 to index
      %get3A_630 = tpu.vector_load %arg5[%get3A_628, %get3A_629] {strides = array<i32>} : memref<64x256xf32, #tpu.memory_space<vmem>>, vector<1x16xf32>,
      %get3A_631 = vector.shape_cast %get3A_630 : vector<1x16xf32> to vector<16xf32>
      %sub3A_632 = arith.subf %get3A_631, %max3A_390 : vector<16xf32>
      %exp3A_633 = math.exp %sub3A_632 : vector<16xf32>
      %add3A_634 = arith.addf %add3A_620, %exp3A_633 : vector<16xf32>
      %swap3A_635 = arith.constant 17 : i32
      %swap3A_636 = arith.index_cast %swap3A_635 : i32 to index
      %swap3A_637 = arith.index_cast %mul3A_9 : i32 to index
      %swap3A_638 = tpu.vector_load %arg5[%swap3A_636, %swap3A_637] {strides = array<i32>} : memref<64x256xf32, #tpu.memory_space<vmem>>, vector<1x16xf32>,
      %swap3A_639 = vector.shape_cast %swap3A_638 : vector<1x16xf32> to vector<16xf32>
      %swap3A_640 = vector.shape_cast %exp3A_633 : vector<16xf32> to vector<1x16xf32>
      tpu.vector_store %arg5[%swap3A_636, %swap3A_637], %swap3A_640 {strides = array<i32>} : memref<64x256xf32, #tpu.memory_space<vmem>>, vector<1x16xf32>,
      %get3A_641 = arith.constant 18 : i32
      %get3A_642 = arith.index_cast %get3A_641 : i32 to index
      %get3A_643 = arith.index_cast %mul3A_9 : i32 to index
      %get3A_644 = tpu.vector_load %arg5[%get3A_642, %get3A_643] {strides = array<i32>} : memref<64x256xf32, #tpu.memory_space<vmem>>, vector<1x16xf32>,
      %get3A_645 = vector.shape_cast %get3A_644 : vector<1x16xf32> to vector<16xf32>
      %sub3A_646 = arith.subf %get3A_645, %max3A_390 : vector<16xf32>
      %exp3A_647 = math.exp %sub3A_646 : vector<16xf32>
      %add3A_648 = arith.addf %add3A_634, %exp3A_647 : vector<16xf32>
      %swap3A_649 = arith.constant 18 : i32
      %swap3A_650 = arith.index_cast %swap3A_649 : i32 to index
      %swap3A_651 = arith.index_cast %mul3A_9 : i32 to index
      %swap3A_652 = tpu.vector_load %arg5[%swap3A_650, %swap3A_651] {strides = array<i32>} : memref<64x256xf32, #tpu.memory_space<vmem>>, vector<1x16xf32>,
      %swap3A_653 = vector.shape_cast %swap3A_652 : vector<1x16xf32> to vector<16xf32>
      %swap3A_654 = vector.shape_cast %exp3A_647 : vector<16xf32> to vector<1x16xf32>
      tpu.vector_store %arg5[%swap3A_650, %swap3A_651], %swap3A_654 {strides = array<i32>} : memref<64x256xf32, #tpu.memory_space<vmem>>, vector<1x16xf32>,
      %get3A_655 = arith.constant 19 : i32
      %get3A_656 = arith.index_cast %get3A_655 : i32 to index
      %get3A_657 = arith.index_cast %mul3A_9 : i32 to index
      %get3A_658 = tpu.vector_load %arg5[%get3A_656, %get3A_657] {strides = array<i32>} : memref<64x256xf32, #tpu.memory_space<vmem>>, vector<1x16xf32>,
      %get3A_659 = vector.shape_cast %get3A_658 : vector<1x16xf32> to vector<16xf32>
      %sub3A_660 = arith.subf %get3A_659, %max3A_390 : vector<16xf32>
      %exp3A_661 = math.exp %sub3A_660 : vector<16xf32>
      %add3A_662 = arith.addf %add3A_648, %exp3A_661 : vector<16xf32>
      %swap3A_663 = arith.constant 19 : i32
      %swap3A_664 = arith.index_cast %swap3A_663 : i32 to index
      %swap3A_665 = arith.index_cast %mul3A_9 : i32 to index
      %swap3A_666 = tpu.vector_load %arg5[%swap3A_664, %swap3A_665] {strides = array<i32>} : memref<64x256xf32, #tpu.memory_space<vmem>>, vector<1x16xf32>,
      %swap3A_667 = vector.shape_cast %swap3A_666 : vector<1x16xf32> to vector<16xf32>
      %swap3A_668 = vector.shape_cast %exp3A_661 : vector<16xf32> to vector<1x16xf32>
      tpu.vector_store %arg5[%swap3A_664, %swap3A_665], %swap3A_668 {strides = array<i32>} : memref<64x256xf32, #tpu.memory_space<vmem>>, vector<1x16xf32>,
      %get3A_669 = arith.constant 20 : i32
      %get3A_670 = arith.index_cast %get3A_669 : i32 to index
      %get3A_671 = arith.index_cast %mul3A_9 : i32 to index
      %get3A_672 = tpu.vector_load %arg5[%get3A_670, %get3A_671] {strides = array<i32>} : memref<64x256xf32, #tpu.memory_space<vmem>>, vector<1x16xf32>,
      %get3A_673 = vector.shape_cast %get3A_672 : vector<1x16xf32> to vector<16xf32>
      %sub3A_674 = arith.subf %get3A_673, %max3A_390 : vector<16xf32>
      %exp3A_675 = math.exp %sub3A_674 : vector<16xf32>
      %add3A_676 = arith.addf %add3A_662, %exp3A_675 : vector<16xf32>
      %swap3A_677 = arith.constant 20 : i32
      %swap3A_678 = arith.index_cast %swap3A_677 : i32 to index
      %swap3A_679 = arith.index_cast %mul3A_9 : i32 to index
      %swap3A_680 = tpu.vector_load %arg5[%swap3A_678, %swap3A_679] {strides = array<i32>} : memref<64x256xf32, #tpu.memory_space<vmem>>, vector<1x16xf32>,
      %swap3A_681 = vector.shape_cast %swap3A_680 : vector<1x16xf32> to vector<16xf32>
      %swap3A_682 = vector.shape_cast %exp3A_675 : vector<16xf32> to vector<1x16xf32>
      tpu.vector_store %arg5[%swap3A_678, %swap3A_679], %swap3A_682 {strides = array<i32>} : memref<64x256xf32, #tpu.memory_space<vmem>>, vector<1x16xf32>,
      %get3A_683 = arith.constant 21 : i32
      %get3A_684 = arith.index_cast %get3A_683 : i32 to index
      %get3A_685 = arith.index_cast %mul3A_9 : i32 to index
      %get3A_686 = tpu.vector_load %arg5[%get3A_684, %get3A_685] {strides = array<i32>} : memref<64x256xf32, #tpu.memory_space<vmem>>, vector<1x16xf32>,
      %get3A_687 = vector.shape_cast %get3A_686 : vector<1x16xf32> to vector<16xf32>
      %sub3A_688 = arith.subf %get3A_687, %max3A_390 : vector<16xf32>
      %exp3A_689 = math.exp %sub3A_688 : vector<16xf32>
      %add3A_690 = arith.addf %add3A_676, %exp3A_689 : vector<16xf32>
      %swap3A_691 = arith.constant 21 : i32
      %swap3A_692 = arith.index_cast %swap3A_691 : i32 to index
      %swap3A_693 = arith.index_cast %mul3A_9 : i32 to index
      %swap3A_694 = tpu.vector_load %arg5[%swap3A_692, %swap3A_693] {strides = array<i32>} : memref<64x256xf32, #tpu.memory_space<vmem>>, vector<1x16xf32>,
      %swap3A_695 = vector.shape_cast %swap3A_694 : vector<1x16xf32> to vector<16xf32>
      %swap3A_696 = vector.shape_cast %exp3A_689 : vector<16xf32> to vector<1x16xf32>
      tpu.vector_store %arg5[%swap3A_692, %swap3A_693], %swap3A_696 {strides = array<i32>} : memref<64x256xf32, #tpu.memory_space<vmem>>, vector<1x16xf32>,
      %get3A_697 = arith.constant 22 : i32
      %get3A_698 = arith.index_cast %get3A_697 : i32 to index
      %get3A_699 = arith.index_cast %mul3A_9 : i32 to index
      %get3A_700 = tpu.vector_load %arg5[%get3A_698, %get3A_699] {strides = array<i32>} : memref<64x256xf32, #tpu.memory_space<vmem>>, vector<1x16xf32>,
      %get3A_701 = vector.shape_cast %get3A_700 : vector<1x16xf32> to vector<16xf32>
      %sub3A_702 = arith.subf %get3A_701, %max3A_390 : vector<16xf32>
      %exp3A_703 = math.exp %sub3A_702 : vector<16xf32>
      %add3A_704 = arith.addf %add3A_690, %exp3A_703 : vector<16xf32>
      %swap3A_705 = arith.constant 22 : i32
      %swap3A_706 = arith.index_cast %swap3A_705 : i32 to index
      %swap3A_707 = arith.index_cast %mul3A_9 : i32 to index
      %swap3A_708 = tpu.vector_load %arg5[%swap3A_706, %swap3A_707] {strides = array<i32>} : memref<64x256xf32, #tpu.memory_space<vmem>>, vector<1x16xf32>,
      %swap3A_709 = vector.shape_cast %swap3A_708 : vector<1x16xf32> to vector<16xf32>
      %swap3A_710 = vector.shape_cast %exp3A_703 : vector<16xf32> to vector<1x16xf32>
      tpu.vector_store %arg5[%swap3A_706, %swap3A_707], %swap3A_710 {strides = array<i32>} : memref<64x256xf32, #tpu.memory_space<vmem>>, vector<1x16xf32>,
      %get3A_711 = arith.constant 23 : i32
      %get3A_712 = arith.index_cast %get3A_711 : i32 to index
      %get3A_713 = arith.index_cast %mul3A_9 : i32 to index
      %get3A_714 = tpu.vector_load %arg5[%get3A_712, %get3A_713] {strides = array<i32>} : memref<64x256xf32, #tpu.memory_space<vmem>>, vector<1x16xf32>,
      %get3A_715 = vector.shape_cast %get3A_714 : vector<1x16xf32> to vector<16xf32>
      %sub3A_716 = arith.subf %get3A_715, %max3A_390 : vector<16xf32>
      %exp3A_717 = math.exp %sub3A_716 : vector<16xf32>
      %add3A_718 = arith.addf %add3A_704, %exp3A_717 : vector<16xf32>
      %swap3A_719 = arith.constant 23 : i32
      %swap3A_720 = arith.index_cast %swap3A_719 : i32 to index
      %swap3A_721 = arith.index_cast %mul3A_9 : i32 to index
      %swap3A_722 = tpu.vector_load %arg5[%swap3A_720, %swap3A_721] {strides = array<i32>} : memref<64x256xf32, #tpu.memory_space<vmem>>, vector<1x16xf32>,
      %swap3A_723 = vector.shape_cast %swap3A_722 : vector<1x16xf32> to vector<16xf32>
      %swap3A_724 = vector.shape_cast %exp3A_717 : vector<16xf32> to vector<1x16xf32>
      tpu.vector_store %arg5[%swap3A_720, %swap3A_721], %swap3A_724 {strides = array<i32>} : memref<64x256xf32, #tpu.memory_space<vmem>>, vector<1x16xf32>,
      %get3A_725 = arith.constant 24 : i32
      %get3A_726 = arith.index_cast %get3A_725 : i32 to index
      %get3A_727 = arith.index_cast %mul3A_9 : i32 to index
      %get3A_728 = tpu.vector_load %arg5[%get3A_726, %get3A_727] {strides = array<i32>} : memref<64x256xf32, #tpu.memory_space<vmem>>, vector<1x16xf32>,
      %get3A_729 = vector.shape_cast %get3A_728 : vector<1x16xf32> to vector<16xf32>
      %sub3A_730 = arith.subf %get3A_729, %max3A_390 : vector<16xf32>
      %exp3A_731 = math.exp %sub3A_730 : vector<16xf32>
      %add3A_732 = arith.addf %add3A_718, %exp3A_731 : vector<16xf32>
      %swap3A_733 = arith.constant 24 : i32
      %swap3A_734 = arith.index_cast %swap3A_733 : i32 to index
      %swap3A_735 = arith.index_cast %mul3A_9 : i32 to index
      %swap3A_736 = tpu.vector_load %arg5[%swap3A_734, %swap3A_735] {strides = array<i32>} : memref<64x256xf32, #tpu.memory_space<vmem>>, vector<1x16xf32>,
      %swap3A_737 = vector.shape_cast %swap3A_736 : vector<1x16xf32> to vector<16xf32>
      %swap3A_738 = vector.shape_cast %exp3A_731 : vector<16xf32> to vector<1x16xf32>
      tpu.vector_store %arg5[%swap3A_734, %swap3A_735], %swap3A_738 {strides = array<i32>} : memref<64x256xf32, #tpu.memory_space<vmem>>, vector<1x16xf32>,
      %get3A_739 = arith.constant 25 : i32
      %get3A_740 = arith.index_cast %get3A_739 : i32 to index
      %get3A_741 = arith.index_cast %mul3A_9 : i32 to index
      %get3A_742 = tpu.vector_load %arg5[%get3A_740, %get3A_741] {strides = array<i32>} : memref<64x256xf32, #tpu.memory_space<vmem>>, vector<1x16xf32>,
      %get3A_743 = vector.shape_cast %get3A_742 : vector<1x16xf32> to vector<16xf32>
      %sub3A_744 = arith.subf %get3A_743, %max3A_390 : vector<16xf32>
      %exp3A_745 = math.exp %sub3A_744 : vector<16xf32>
      %add3A_746 = arith.addf %add3A_732, %exp3A_745 : vector<16xf32>
      %swap3A_747 = arith.constant 25 : i32
      %swap3A_748 = arith.index_cast %swap3A_747 : i32 to index
      %swap3A_749 = arith.index_cast %mul3A_9 : i32 to index
      %swap3A_750 = tpu.vector_load %arg5[%swap3A_748, %swap3A_749] {strides = array<i32>} : memref<64x256xf32, #tpu.memory_space<vmem>>, vector<1x16xf32>,
      %swap3A_751 = vector.shape_cast %swap3A_750 : vector<1x16xf32> to vector<16xf32>
      %swap3A_752 = vector.shape_cast %exp3A_745 : vector<16xf32> to vector<1x16xf32>
      tpu.vector_store %arg5[%swap3A_748, %swap3A_749], %swap3A_752 {strides = array<i32>} : memref<64x256xf32, #tpu.memory_space<vmem>>, vector<1x16xf32>,
      %get3A_753 = arith.constant 26 : i32
      %get3A_754 = arith.index_cast %get3A_753 : i32 to index
      %get3A_755 = arith.index_cast %mul3A_9 : i32 to index
      %get3A_756 = tpu.vector_load %arg5[%get3A_754, %get3A_755] {strides = array<i32>} : memref<64x256xf32, #tpu.memory_space<vmem>>, vector<1x16xf32>,
      %get3A_757 = vector.shape_cast %get3A_756 : vector<1x16xf32> to vector<16xf32>
      %sub3A_758 = arith.subf %get3A_757, %max3A_390 : vector<16xf32>
      %exp3A_759 = math.exp %sub3A_758 : vector<16xf32>
      %add3A_760 = arith.addf %add3A_746, %exp3A_759 : vector<16xf32>
      %swap3A_761 = arith.constant 26 : i32
      %swap3A_762 = arith.index_cast %swap3A_761 : i32 to index
      %swap3A_763 = arith.index_cast %mul3A_9 : i32 to index
      %swap3A_764 = tpu.vector_load %arg5[%swap3A_762, %swap3A_763] {strides = array<i32>} : memref<64x256xf32, #tpu.memory_space<vmem>>, vector<1x16xf32>,
      %swap3A_765 = vector.shape_cast %swap3A_764 : vector<1x16xf32> to vector<16xf32>
      %swap3A_766 = vector.shape_cast %exp3A_759 : vector<16xf32> to vector<1x16xf32>
      tpu.vector_store %arg5[%swap3A_762, %swap3A_763], %swap3A_766 {strides = array<i32>} : memref<64x256xf32, #tpu.memory_space<vmem>>, vector<1x16xf32>,
      %get3A_767 = arith.constant 27 : i32
      %get3A_768 = arith.index_cast %get3A_767 : i32 to index
      %get3A_769 = arith.index_cast %mul3A_9 : i32 to index
      %get3A_770 = tpu.vector_load %arg5[%get3A_768, %get3A_769] {strides = array<i32>} : memref<64x256xf32, #tpu.memory_space<vmem>>, vector<1x16xf32>,
      %get3A_771 = vector.shape_cast %get3A_770 : vector<1x16xf32> to vector<16xf32>
      %sub3A_772 = arith.subf %get3A_771, %max3A_390 : vector<16xf32>
      %exp3A_773 = math.exp %sub3A_772 : vector<16xf32>
      %add3A_774 = arith.addf %add3A_760, %exp3A_773 : vector<16xf32>
      %swap3A_775 = arith.constant 27 : i32
      %swap3A_776 = arith.index_cast %swap3A_775 : i32 to index
      %swap3A_777 = arith.index_cast %mul3A_9 : i32 to index
      %swap3A_778 = tpu.vector_load %arg5[%swap3A_776, %swap3A_777] {strides = array<i32>} : memref<64x256xf32, #tpu.memory_space<vmem>>, vector<1x16xf32>,
      %swap3A_779 = vector.shape_cast %swap3A_778 : vector<1x16xf32> to vector<16xf32>
      %swap3A_780 = vector.shape_cast %exp3A_773 : vector<16xf32> to vector<1x16xf32>
      tpu.vector_store %arg5[%swap3A_776, %swap3A_777], %swap3A_780 {strides = array<i32>} : memref<64x256xf32, #tpu.memory_space<vmem>>, vector<1x16xf32>,
      %get3A_781 = arith.constant 28 : i32
      %get3A_782 = arith.index_cast %get3A_781 : i32 to index
      %get3A_783 = arith.index_cast %mul3A_9 : i32 to index
      %get3A_784 = tpu.vector_load %arg5[%get3A_782, %get3A_783] {strides = array<i32>} : memref<64x256xf32, #tpu.memory_space<vmem>>, vector<1x16xf32>,
      %get3A_785 = vector.shape_cast %get3A_784 : vector<1x16xf32> to vector<16xf32>
      %sub3A_786 = arith.subf %get3A_785, %max3A_390 : vector<16xf32>
      %exp3A_787 = math.exp %sub3A_786 : vector<16xf32>
      %add3A_788 = arith.addf %add3A_774, %exp3A_787 : vector<16xf32>
      %swap3A_789 = arith.constant 28 : i32
      %swap3A_790 = arith.index_cast %swap3A_789 : i32 to index
      %swap3A_791 = arith.index_cast %mul3A_9 : i32 to index
      %swap3A_792 = tpu.vector_load %arg5[%swap3A_790, %swap3A_791] {strides = array<i32>} : memref<64x256xf32, #tpu.memory_space<vmem>>, vector<1x16xf32>,
      %swap3A_793 = vector.shape_cast %swap3A_792 : vector<1x16xf32> to vector<16xf32>
      %swap3A_794 = vector.shape_cast %exp3A_787 : vector<16xf32> to vector<1x16xf32>
      tpu.vector_store %arg5[%swap3A_790, %swap3A_791], %swap3A_794 {strides = array<i32>} : memref<64x256xf32, #tpu.memory_space<vmem>>, vector<1x16xf32>,
      %get3A_795 = arith.constant 29 : i32
      %get3A_796 = arith.index_cast %get3A_795 : i32 to index
      %get3A_797 = arith.index_cast %mul3A_9 : i32 to index
      %get3A_798 = tpu.vector_load %arg5[%get3A_796, %get3A_797] {strides = array<i32>} : memref<64x256xf32, #tpu.memory_space<vmem>>, vector<1x16xf32>,
      %get3A_799 = vector.shape_cast %get3A_798 : vector<1x16xf32> to vector<16xf32>
      %sub3A_800 = arith.subf %get3A_799, %max3A_390 : vector<16xf32>
      %exp3A_801 = math.exp %sub3A_800 : vector<16xf32>
      %add3A_802 = arith.addf %add3A_788, %exp3A_801 : vector<16xf32>
      %swap3A_803 = arith.constant 29 : i32
      %swap3A_804 = arith.index_cast %swap3A_803 : i32 to index
      %swap3A_805 = arith.index_cast %mul3A_9 : i32 to index
      %swap3A_806 = tpu.vector_load %arg5[%swap3A_804, %swap3A_805] {strides = array<i32>} : memref<64x256xf32, #tpu.memory_space<vmem>>, vector<1x16xf32>,
      %swap3A_807 = vector.shape_cast %swap3A_806 : vector<1x16xf32> to vector<16xf32>
      %swap3A_808 = vector.shape_cast %exp3A_801 : vector<16xf32> to vector<1x16xf32>
      tpu.vector_store %arg5[%swap3A_804, %swap3A_805], %swap3A_808 {strides = array<i32>} : memref<64x256xf32, #tpu.memory_space<vmem>>, vector<1x16xf32>,
      %get3A_809 = arith.constant 30 : i32
      %get3A_810 = arith.index_cast %get3A_809 : i32 to index
      %get3A_811 = arith.index_cast %mul3A_9 : i32 to index
      %get3A_812 = tpu.vector_load %arg5[%get3A_810, %get3A_811] {strides = array<i32>} : memref<64x256xf32, #tpu.memory_space<vmem>>, vector<1x16xf32>,
      %get3A_813 = vector.shape_cast %get3A_812 : vector<1x16xf32> to vector<16xf32>
      %sub3A_814 = arith.subf %get3A_813, %max3A_390 : vector<16xf32>
      %exp3A_815 = math.exp %sub3A_814 : vector<16xf32>
      %add3A_816 = arith.addf %add3A_802, %exp3A_815 : vector<16xf32>
      %swap3A_817 = arith.constant 30 : i32
      %swap3A_818 = arith.index_cast %swap3A_817 : i32 to index
      %swap3A_819 = arith.index_cast %mul3A_9 : i32 to index
      %swap3A_820 = tpu.vector_load %arg5[%swap3A_818, %swap3A_819] {strides = array<i32>} : memref<64x256xf32, #tpu.memory_space<vmem>>, vector<1x16xf32>,
      %swap3A_821 = vector.shape_cast %swap3A_820 : vector<1x16xf32> to vector<16xf32>
      %swap3A_822 = vector.shape_cast %exp3A_815 : vector<16xf32> to vector<1x16xf32>
      tpu.vector_store %arg5[%swap3A_818, %swap3A_819], %swap3A_822 {strides = array<i32>} : memref<64x256xf32, #tpu.memory_space<vmem>>, vector<1x16xf32>,
      %get3A_823 = arith.constant 31 : i32
      %get3A_824 = arith.index_cast %get3A_823 : i32 to index
      %get3A_825 = arith.index_cast %mul3A_9 : i32 to index
      %get3A_826 = tpu.vector_load %arg5[%get3A_824, %get3A_825] {strides = array<i32>} : memref<64x256xf32, #tpu.memory_space<vmem>>, vector<1x16xf32>,
      %get3A_827 = vector.shape_cast %get3A_826 : vector<1x16xf32> to vector<16xf32>
      %sub3A_828 = arith.subf %get3A_827, %max3A_390 : vector<16xf32>
      %exp3A_829 = math.exp %sub3A_828 : vector<16xf32>
      %add3A_830 = arith.addf %add3A_816, %exp3A_829 : vector<16xf32>
      %swap3A_831 = arith.constant 31 : i32
      %swap3A_832 = arith.index_cast %swap3A_831 : i32 to index
      %swap3A_833 = arith.index_cast %mul3A_9 : i32 to index
      %swap3A_834 = tpu.vector_load %arg5[%swap3A_832, %swap3A_833] {strides = array<i32>} : memref<64x256xf32, #tpu.memory_space<vmem>>, vector<1x16xf32>,
      %swap3A_835 = vector.shape_cast %swap3A_834 : vector<1x16xf32> to vector<16xf32>
      %swap3A_836 = vector.shape_cast %exp3A_829 : vector<16xf32> to vector<1x16xf32>
      tpu.vector_store %arg5[%swap3A_832, %swap3A_833], %swap3A_836 {strides = array<i32>} : memref<64x256xf32, #tpu.memory_space<vmem>>, vector<1x16xf32>,
      %get3A_837 = arith.constant 32 : i32
      %get3A_838 = arith.index_cast %get3A_837 : i32 to index
      %get3A_839 = arith.index_cast %mul3A_9 : i32 to index
      %get3A_840 = tpu.vector_load %arg5[%get3A_838, %get3A_839] {strides = array<i32>} : memref<64x256xf32, #tpu.memory_space<vmem>>, vector<1x16xf32>,
      %get3A_841 = vector.shape_cast %get3A_840 : vector<1x16xf32> to vector<16xf32>
      %sub3A_842 = arith.subf %get3A_841, %max3A_390 : vector<16xf32>
      %exp3A_843 = math.exp %sub3A_842 : vector<16xf32>
      %add3A_844 = arith.addf %add3A_830, %exp3A_843 : vector<16xf32>
      %swap3A_845 = arith.constant 32 : i32
      %swap3A_846 = arith.index_cast %swap3A_845 : i32 to index
      %swap3A_847 = arith.index_cast %mul3A_9 : i32 to index
      %swap3A_848 = tpu.vector_load %arg5[%swap3A_846, %swap3A_847] {strides = array<i32>} : memref<64x256xf32, #tpu.memory_space<vmem>>, vector<1x16xf32>,
      %swap3A_849 = vector.shape_cast %swap3A_848 : vector<1x16xf32> to vector<16xf32>
      %swap3A_850 = vector.shape_cast %exp3A_843 : vector<16xf32> to vector<1x16xf32>
      tpu.vector_store %arg5[%swap3A_846, %swap3A_847], %swap3A_850 {strides = array<i32>} : memref<64x256xf32, #tpu.memory_space<vmem>>, vector<1x16xf32>,
      %get3A_851 = arith.constant 33 : i32
      %get3A_852 = arith.index_cast %get3A_851 : i32 to index
      %get3A_853 = arith.index_cast %mul3A_9 : i32 to index
      %get3A_854 = tpu.vector_load %arg5[%get3A_852, %get3A_853] {strides = array<i32>} : memref<64x256xf32, #tpu.memory_space<vmem>>, vector<1x16xf32>,
      %get3A_855 = vector.shape_cast %get3A_854 : vector<1x16xf32> to vector<16xf32>
      %sub3A_856 = arith.subf %get3A_855, %max3A_390 : vector<16xf32>
      %exp3A_857 = math.exp %sub3A_856 : vector<16xf32>
      %add3A_858 = arith.addf %add3A_844, %exp3A_857 : vector<16xf32>
      %swap3A_859 = arith.constant 33 : i32
      %swap3A_860 = arith.index_cast %swap3A_859 : i32 to index
      %swap3A_861 = arith.index_cast %mul3A_9 : i32 to index
      %swap3A_862 = tpu.vector_load %arg5[%swap3A_860, %swap3A_861] {strides = array<i32>} : memref<64x256xf32, #tpu.memory_space<vmem>>, vector<1x16xf32>,
      %swap3A_863 = vector.shape_cast %swap3A_862 : vector<1x16xf32> to vector<16xf32>
      %swap3A_864 = vector.shape_cast %exp3A_857 : vector<16xf32> to vector<1x16xf32>
      tpu.vector_store %arg5[%swap3A_860, %swap3A_861], %swap3A_864 {strides = array<i32>} : memref<64x256xf32, #tpu.memory_space<vmem>>, vector<1x16xf32>,
      %get3A_865 = arith.constant 34 : i32
      %get3A_866 = arith.index_cast %get3A_865 : i32 to index
      %get3A_867 = arith.index_cast %mul3A_9 : i32 to index
      %get3A_868 = tpu.vector_load %arg5[%get3A_866, %get3A_867] {strides = array<i32>} : memref<64x256xf32, #tpu.memory_space<vmem>>, vector<1x16xf32>,
      %get3A_869 = vector.shape_cast %get3A_868 : vector<1x16xf32> to vector<16xf32>
      %sub3A_870 = arith.subf %get3A_869, %max3A_390 : vector<16xf32>
      %exp3A_871 = math.exp %sub3A_870 : vector<16xf32>
      %add3A_872 = arith.addf %add3A_858, %exp3A_871 : vector<16xf32>
      %swap3A_873 = arith.constant 34 : i32
      %swap3A_874 = arith.index_cast %swap3A_873 : i32 to index
      %swap3A_875 = arith.index_cast %mul3A_9 : i32 to index
      %swap3A_876 = tpu.vector_load %arg5[%swap3A_874, %swap3A_875] {strides = array<i32>} : memref<64x256xf32, #tpu.memory_space<vmem>>, vector<1x16xf32>,
      %swap3A_877 = vector.shape_cast %swap3A_876 : vector<1x16xf32> to vector<16xf32>
      %swap3A_878 = vector.shape_cast %exp3A_871 : vector<16xf32> to vector<1x16xf32>
      tpu.vector_store %arg5[%swap3A_874, %swap3A_875], %swap3A_878 {strides = array<i32>} : memref<64x256xf32, #tpu.memory_space<vmem>>, vector<1x16xf32>,
      %get3A_879 = arith.constant 35 : i32
      %get3A_880 = arith.index_cast %get3A_879 : i32 to index
      %get3A_881 = arith.index_cast %mul3A_9 : i32 to index
      %get3A_882 = tpu.vector_load %arg5[%get3A_880, %get3A_881] {strides = array<i32>} : memref<64x256xf32, #tpu.memory_space<vmem>>, vector<1x16xf32>,
      %get3A_883 = vector.shape_cast %get3A_882 : vector<1x16xf32> to vector<16xf32>
      %sub3A_884 = arith.subf %get3A_883, %max3A_390 : vector<16xf32>
      %exp3A_885 = math.exp %sub3A_884 : vector<16xf32>
      %add3A_886 = arith.addf %add3A_872, %exp3A_885 : vector<16xf32>
      %swap3A_887 = arith.constant 35 : i32
      %swap3A_888 = arith.index_cast %swap3A_887 : i32 to index
      %swap3A_889 = arith.index_cast %mul3A_9 : i32 to index
      %swap3A_890 = tpu.vector_load %arg5[%swap3A_888, %swap3A_889] {strides = array<i32>} : memref<64x256xf32, #tpu.memory_space<vmem>>, vector<1x16xf32>,
      %swap3A_891 = vector.shape_cast %swap3A_890 : vector<1x16xf32> to vector<16xf32>
      %swap3A_892 = vector.shape_cast %exp3A_885 : vector<16xf32> to vector<1x16xf32>
      tpu.vector_store %arg5[%swap3A_888, %swap3A_889], %swap3A_892 {strides = array<i32>} : memref<64x256xf32, #tpu.memory_space<vmem>>, vector<1x16xf32>,
      %get3A_893 = arith.constant 36 : i32
      %get3A_894 = arith.index_cast %get3A_893 : i32 to index
      %get3A_895 = arith.index_cast %mul3A_9 : i32 to index
      %get3A_896 = tpu.vector_load %arg5[%get3A_894, %get3A_895] {strides = array<i32>} : memref<64x256xf32, #tpu.memory_space<vmem>>, vector<1x16xf32>,
      %get3A_897 = vector.shape_cast %get3A_896 : vector<1x16xf32> to vector<16xf32>
      %sub3A_898 = arith.subf %get3A_897, %max3A_390 : vector<16xf32>
      %exp3A_899 = math.exp %sub3A_898 : vector<16xf32>
      %add3A_900 = arith.addf %add3A_886, %exp3A_899 : vector<16xf32>
      %swap3A_901 = arith.constant 36 : i32
      %swap3A_902 = arith.index_cast %swap3A_901 : i32 to index
      %swap3A_903 = arith.index_cast %mul3A_9 : i32 to index
      %swap3A_904 = tpu.vector_load %arg5[%swap3A_902, %swap3A_903] {strides = array<i32>} : memref<64x256xf32, #tpu.memory_space<vmem>>, vector<1x16xf32>,
      %swap3A_905 = vector.shape_cast %swap3A_904 : vector<1x16xf32> to vector<16xf32>
      %swap3A_906 = vector.shape_cast %exp3A_899 : vector<16xf32> to vector<1x16xf32>
      tpu.vector_store %arg5[%swap3A_902, %swap3A_903], %swap3A_906 {strides = array<i32>} : memref<64x256xf32, #tpu.memory_space<vmem>>, vector<1x16xf32>,
      %get3A_907 = arith.constant 37 : i32
      %get3A_908 = arith.index_cast %get3A_907 : i32 to index
      %get3A_909 = arith.index_cast %mul3A_9 : i32 to index
      %get3A_910 = tpu.vector_load %arg5[%get3A_908, %get3A_909] {strides = array<i32>} : memref<64x256xf32, #tpu.memory_space<vmem>>, vector<1x16xf32>,
      %get3A_911 = vector.shape_cast %get3A_910 : vector<1x16xf32> to vector<16xf32>
      %sub3A_912 = arith.subf %get3A_911, %max3A_390 : vector<16xf32>
      %exp3A_913 = math.exp %sub3A_912 : vector<16xf32>
      %add3A_914 = arith.addf %add3A_900, %exp3A_913 : vector<16xf32>
      %swap3A_915 = arith.constant 37 : i32
      %swap3A_916 = arith.index_cast %swap3A_915 : i32 to index
      %swap3A_917 = arith.index_cast %mul3A_9 : i32 to index
      %swap3A_918 = tpu.vector_load %arg5[%swap3A_916, %swap3A_917] {strides = array<i32>} : memref<64x256xf32, #tpu.memory_space<vmem>>, vector<1x16xf32>,
      %swap3A_919 = vector.shape_cast %swap3A_918 : vector<1x16xf32> to vector<16xf32>
      %swap3A_920 = vector.shape_cast %exp3A_913 : vector<16xf32> to vector<1x16xf32>
      tpu.vector_store %arg5[%swap3A_916, %swap3A_917], %swap3A_920 {strides = array<i32>} : memref<64x256xf32, #tpu.memory_space<vmem>>, vector<1x16xf32>,
      %get3A_921 = arith.constant 38 : i32
      %get3A_922 = arith.index_cast %get3A_921 : i32 to index
      %get3A_923 = arith.index_cast %mul3A_9 : i32 to index
      %get3A_924 = tpu.vector_load %arg5[%get3A_922, %get3A_923] {strides = array<i32>} : memref<64x256xf32, #tpu.memory_space<vmem>>, vector<1x16xf32>,
      %get3A_925 = vector.shape_cast %get3A_924 : vector<1x16xf32> to vector<16xf32>
      %sub3A_926 = arith.subf %get3A_925, %max3A_390 : vector<16xf32>
      %exp3A_927 = math.exp %sub3A_926 : vector<16xf32>
      %add3A_928 = arith.addf %add3A_914, %exp3A_927 : vector<16xf32>
      %swap3A_929 = arith.constant 38 : i32
      %swap3A_930 = arith.index_cast %swap3A_929 : i32 to index
      %swap3A_931 = arith.index_cast %mul3A_9 : i32 to index
      %swap3A_932 = tpu.vector_load %arg5[%swap3A_930, %swap3A_931] {strides = array<i32>} : memref<64x256xf32, #tpu.memory_space<vmem>>, vector<1x16xf32>,
      %swap3A_933 = vector.shape_cast %swap3A_932 : vector<1x16xf32> to vector<16xf32>
      %swap3A_934 = vector.shape_cast %exp3A_927 : vector<16xf32> to vector<1x16xf32>
      tpu.vector_store %arg5[%swap3A_930, %swap3A_931], %swap3A_934 {strides = array<i32>} : memref<64x256xf32, #tpu.memory_space<vmem>>, vector<1x16xf32>,
      %get3A_935 = arith.constant 39 : i32
      %get3A_936 = arith.index_cast %get3A_935 : i32 to index
      %get3A_937 = arith.index_cast %mul3A_9 : i32 to index
      %get3A_938 = tpu.vector_load %arg5[%get3A_936, %get3A_937] {strides = array<i32>} : memref<64x256xf32, #tpu.memory_space<vmem>>, vector<1x16xf32>,
      %get3A_939 = vector.shape_cast %get3A_938 : vector<1x16xf32> to vector<16xf32>
      %sub3A_940 = arith.subf %get3A_939, %max3A_390 : vector<16xf32>
      %exp3A_941 = math.exp %sub3A_940 : vector<16xf32>
      %add3A_942 = arith.addf %add3A_928, %exp3A_941 : vector<16xf32>
      %swap3A_943 = arith.constant 39 : i32
      %swap3A_944 = arith.index_cast %swap3A_943 : i32 to index
      %swap3A_945 = arith.index_cast %mul3A_9 : i32 to index
      %swap3A_946 = tpu.vector_load %arg5[%swap3A_944, %swap3A_945] {strides = array<i32>} : memref<64x256xf32, #tpu.memory_space<vmem>>, vector<1x16xf32>,
      %swap3A_947 = vector.shape_cast %swap3A_946 : vector<1x16xf32> to vector<16xf32>
      %swap3A_948 = vector.shape_cast %exp3A_941 : vector<16xf32> to vector<1x16xf32>
      tpu.vector_store %arg5[%swap3A_944, %swap3A_945], %swap3A_948 {strides = array<i32>} : memref<64x256xf32, #tpu.memory_space<vmem>>, vector<1x16xf32>,
      %get3A_949 = arith.constant 40 : i32
      %get3A_950 = arith.index_cast %get3A_949 : i32 to index
      %get3A_951 = arith.index_cast %mul3A_9 : i32 to index
      %get3A_952 = tpu.vector_load %arg5[%get3A_950, %get3A_951] {strides = array<i32>} : memref<64x256xf32, #tpu.memory_space<vmem>>, vector<1x16xf32>,
      %get3A_953 = vector.shape_cast %get3A_952 : vector<1x16xf32> to vector<16xf32>
      %sub3A_954 = arith.subf %get3A_953, %max3A_390 : vector<16xf32>
      %exp3A_955 = math.exp %sub3A_954 : vector<16xf32>
      %add3A_956 = arith.addf %add3A_942, %exp3A_955 : vector<16xf32>
      %swap3A_957 = arith.constant 40 : i32
      %swap3A_958 = arith.index_cast %swap3A_957 : i32 to index
      %swap3A_959 = arith.index_cast %mul3A_9 : i32 to index
      %swap3A_960 = tpu.vector_load %arg5[%swap3A_958, %swap3A_959] {strides = array<i32>} : memref<64x256xf32, #tpu.memory_space<vmem>>, vector<1x16xf32>,
      %swap3A_961 = vector.shape_cast %swap3A_960 : vector<1x16xf32> to vector<16xf32>
      %swap3A_962 = vector.shape_cast %exp3A_955 : vector<16xf32> to vector<1x16xf32>
      tpu.vector_store %arg5[%swap3A_958, %swap3A_959], %swap3A_962 {strides = array<i32>} : memref<64x256xf32, #tpu.memory_space<vmem>>, vector<1x16xf32>,
      %get3A_963 = arith.constant 41 : i32
      %get3A_964 = arith.index_cast %get3A_963 : i32 to index
      %get3A_965 = arith.index_cast %mul3A_9 : i32 to index
      %get3A_966 = tpu.vector_load %arg5[%get3A_964, %get3A_965] {strides = array<i32>} : memref<64x256xf32, #tpu.memory_space<vmem>>, vector<1x16xf32>,
      %get3A_967 = vector.shape_cast %get3A_966 : vector<1x16xf32> to vector<16xf32>
      %sub3A_968 = arith.subf %get3A_967, %max3A_390 : vector<16xf32>
      %exp3A_969 = math.exp %sub3A_968 : vector<16xf32>
      %add3A_970 = arith.addf %add3A_956, %exp3A_969 : vector<16xf32>
      %swap3A_971 = arith.constant 41 : i32
      %swap3A_972 = arith.index_cast %swap3A_971 : i32 to index
      %swap3A_973 = arith.index_cast %mul3A_9 : i32 to index
      %swap3A_974 = tpu.vector_load %arg5[%swap3A_972, %swap3A_973] {strides = array<i32>} : memref<64x256xf32, #tpu.memory_space<vmem>>, vector<1x16xf32>,
      %swap3A_975 = vector.shape_cast %swap3A_974 : vector<1x16xf32> to vector<16xf32>
      %swap3A_976 = vector.shape_cast %exp3A_969 : vector<16xf32> to vector<1x16xf32>
      tpu.vector_store %arg5[%swap3A_972, %swap3A_973], %swap3A_976 {strides = array<i32>} : memref<64x256xf32, #tpu.memory_space<vmem>>, vector<1x16xf32>,
      %get3A_977 = arith.constant 42 : i32
      %get3A_978 = arith.index_cast %get3A_977 : i32 to index
      %get3A_979 = arith.index_cast %mul3A_9 : i32 to index
      %get3A_980 = tpu.vector_load %arg5[%get3A_978, %get3A_979] {strides = array<i32>} : memref<64x256xf32, #tpu.memory_space<vmem>>, vector<1x16xf32>,
      %get3A_981 = vector.shape_cast %get3A_980 : vector<1x16xf32> to vector<16xf32>
      %sub3A_982 = arith.subf %get3A_981, %max3A_390 : vector<16xf32>
      %exp3A_983 = math.exp %sub3A_982 : vector<16xf32>
      %add3A_984 = arith.addf %add3A_970, %exp3A_983 : vector<16xf32>
      %swap3A_985 = arith.constant 42 : i32
      %swap3A_986 = arith.index_cast %swap3A_985 : i32 to index
      %swap3A_987 = arith.index_cast %mul3A_9 : i32 to index
      %swap3A_988 = tpu.vector_load %arg5[%swap3A_986, %swap3A_987] {strides = array<i32>} : memref<64x256xf32, #tpu.memory_space<vmem>>, vector<1x16xf32>,
      %swap3A_989 = vector.shape_cast %swap3A_988 : vector<1x16xf32> to vector<16xf32>
      %swap3A_990 = vector.shape_cast %exp3A_983 : vector<16xf32> to vector<1x16xf32>
      tpu.vector_store %arg5[%swap3A_986, %swap3A_987], %swap3A_990 {strides = array<i32>} : memref<64x256xf32, #tpu.memory_space<vmem>>, vector<1x16xf32>,
      %get3A_991 = arith.constant 43 : i32
      %get3A_992 = arith.index_cast %get3A_991 : i32 to index
      %get3A_993 = arith.index_cast %mul3A_9 : i32 to index
      %get3A_994 = tpu.vector_load %arg5[%get3A_992, %get3A_993] {strides = array<i32>} : memref<64x256xf32, #tpu.memory_space<vmem>>, vector<1x16xf32>,
      %get3A_995 = vector.shape_cast %get3A_994 : vector<1x16xf32> to vector<16xf32>
      %sub3A_996 = arith.subf %get3A_995, %max3A_390 : vector<16xf32>
      %exp3A_997 = math.exp %sub3A_996 : vector<16xf32>
      %add3A_998 = arith.addf %add3A_984, %exp3A_997 : vector<16xf32>
      %swap3A_999 = arith.constant 43 : i32
      %swap3A_1000 = arith.index_cast %swap3A_999 : i32 to index
      %swap3A_1001 = arith.index_cast %mul3A_9 : i32 to index
      %swap3A_1002 = tpu.vector_load %arg5[%swap3A_1000, %swap3A_1001] {strides = array<i32>} : memref<64x256xf32, #tpu.memory_space<vmem>>, vector<1x16xf32>,
      %swap3A_1003 = vector.shape_cast %swap3A_1002 : vector<1x16xf32> to vector<16xf32>
      %swap3A_1004 = vector.shape_cast %exp3A_997 : vector<16xf32> to vector<1x16xf32>
      tpu.vector_store %arg5[%swap3A_1000, %swap3A_1001], %swap3A_1004 {strides = array<i32>} : memref<64x256xf32, #tpu.memory_space<vmem>>, vector<1x16xf32>,
      %get3A_1005 = arith.constant 44 : i32
      %get3A_1006 = arith.index_cast %get3A_1005 : i32 to index
      %get3A_1007 = arith.index_cast %mul3A_9 : i32 to index
      %get3A_1008 = tpu.vector_load %arg5[%get3A_1006, %get3A_1007] {strides = array<i32>} : memref<64x256xf32, #tpu.memory_space<vmem>>, vector<1x16xf32>,
      %get3A_1009 = vector.shape_cast %get3A_1008 : vector<1x16xf32> to vector<16xf32>
      %sub3A_1010 = arith.subf %get3A_1009, %max3A_390 : vector<16xf32>
      %exp3A_1011 = math.exp %sub3A_1010 : vector<16xf32>
      %add3A_1012 = arith.addf %add3A_998, %exp3A_1011 : vector<16xf32>
      %swap3A_1013 = arith.constant 44 : i32
      %swap3A_1014 = arith.index_cast %swap3A_1013 : i32 to index
      %swap3A_1015 = arith.index_cast %mul3A_9 : i32 to index
      %swap3A_1016 = tpu.vector_load %arg5[%swap3A_1014, %swap3A_1015] {strides = array<i32>} : memref<64x256xf32, #tpu.memory_space<vmem>>, vector<1x16xf32>,
      %swap3A_1017 = vector.shape_cast %swap3A_1016 : vector<1x16xf32> to vector<16xf32>
      %swap3A_1018 = vector.shape_cast %exp3A_1011 : vector<16xf32> to vector<1x16xf32>
      tpu.vector_store %arg5[%swap3A_1014, %swap3A_1015], %swap3A_1018 {strides = array<i32>} : memref<64x256xf32, #tpu.memory_space<vmem>>, vector<1x16xf32>,
      %get3A_1019 = arith.constant 45 : i32
      %get3A_1020 = arith.index_cast %get3A_1019 : i32 to index
      %get3A_1021 = arith.index_cast %mul3A_9 : i32 to index
      %get3A_1022 = tpu.vector_load %arg5[%get3A_1020, %get3A_1021] {strides = array<i32>} : memref<64x256xf32, #tpu.memory_space<vmem>>, vector<1x16xf32>,
      %get3A_1023 = vector.shape_cast %get3A_1022 : vector<1x16xf32> to vector<16xf32>
      %sub3A_1024 = arith.subf %get3A_1023, %max3A_390 : vector<16xf32>
      %exp3A_1025 = math.exp %sub3A_1024 : vector<16xf32>
      %add3A_1026 = arith.addf %add3A_1012, %exp3A_1025 : vector<16xf32>
      %swap3A_1027 = arith.constant 45 : i32
      %swap3A_1028 = arith.index_cast %swap3A_1027 : i32 to index
      %swap3A_1029 = arith.index_cast %mul3A_9 : i32 to index
      %swap3A_1030 = tpu.vector_load %arg5[%swap3A_1028, %swap3A_1029] {strides = array<i32>} : memref<64x256xf32, #tpu.memory_space<vmem>>, vector<1x16xf32>,
      %swap3A_1031 = vector.shape_cast %swap3A_1030 : vector<1x16xf32> to vector<16xf32>
      %swap3A_1032 = vector.shape_cast %exp3A_1025 : vector<16xf32> to vector<1x16xf32>
      tpu.vector_store %arg5[%swap3A_1028, %swap3A_1029], %swap3A_1032 {strides = array<i32>} : memref<64x256xf32, #tpu.memory_space<vmem>>, vector<1x16xf32>,
      %get3A_1033 = arith.constant 46 : i32
      %get3A_1034 = arith.index_cast %get3A_1033 : i32 to index
      %get3A_1035 = arith.index_cast %mul3A_9 : i32 to index
      %get3A_1036 = tpu.vector_load %arg5[%get3A_1034, %get3A_1035] {strides = array<i32>} : memref<64x256xf32, #tpu.memory_space<vmem>>, vector<1x16xf32>,
      %get3A_1037 = vector.shape_cast %get3A_1036 : vector<1x16xf32> to vector<16xf32>
      %sub3A_1038 = arith.subf %get3A_1037, %max3A_390 : vector<16xf32>
      %exp3A_1039 = math.exp %sub3A_1038 : vector<16xf32>
      %add3A_1040 = arith.addf %add3A_1026, %exp3A_1039 : vector<16xf32>
      %swap3A_1041 = arith.constant 46 : i32
      %swap3A_1042 = arith.index_cast %swap3A_1041 : i32 to index
      %swap3A_1043 = arith.index_cast %mul3A_9 : i32 to index
      %swap3A_1044 = tpu.vector_load %arg5[%swap3A_1042, %swap3A_1043] {strides = array<i32>} : memref<64x256xf32, #tpu.memory_space<vmem>>, vector<1x16xf32>,
      %swap3A_1045 = vector.shape_cast %swap3A_1044 : vector<1x16xf32> to vector<16xf32>
      %swap3A_1046 = vector.shape_cast %exp3A_1039 : vector<16xf32> to vector<1x16xf32>
      tpu.vector_store %arg5[%swap3A_1042, %swap3A_1043], %swap3A_1046 {strides = array<i32>} : memref<64x256xf32, #tpu.memory_space<vmem>>, vector<1x16xf32>,
      %get3A_1047 = arith.constant 47 : i32
      %get3A_1048 = arith.index_cast %get3A_1047 : i32 to index
      %get3A_1049 = arith.index_cast %mul3A_9 : i32 to index
      %get3A_1050 = tpu.vector_load %arg5[%get3A_1048, %get3A_1049] {strides = array<i32>} : memref<64x256xf32, #tpu.memory_space<vmem>>, vector<1x16xf32>,
      %get3A_1051 = vector.shape_cast %get3A_1050 : vector<1x16xf32> to vector<16xf32>
      %sub3A_1052 = arith.subf %get3A_1051, %max3A_390 : vector<16xf32>
      %exp3A_1053 = math.exp %sub3A_1052 : vector<16xf32>
      %add3A_1054 = arith.addf %add3A_1040, %exp3A_1053 : vector<16xf32>
      %swap3A_1055 = arith.constant 47 : i32
      %swap3A_1056 = arith.index_cast %swap3A_1055 : i32 to index
      %swap3A_1057 = arith.index_cast %mul3A_9 : i32 to index
      %swap3A_1058 = tpu.vector_load %arg5[%swap3A_1056, %swap3A_1057] {strides = array<i32>} : memref<64x256xf32, #tpu.memory_space<vmem>>, vector<1x16xf32>,
      %swap3A_1059 = vector.shape_cast %swap3A_1058 : vector<1x16xf32> to vector<16xf32>
      %swap3A_1060 = vector.shape_cast %exp3A_1053 : vector<16xf32> to vector<1x16xf32>
      tpu.vector_store %arg5[%swap3A_1056, %swap3A_1057], %swap3A_1060 {strides = array<i32>} : memref<64x256xf32, #tpu.memory_space<vmem>>, vector<1x16xf32>,
      %get3A_1061 = arith.constant 48 : i32
      %get3A_1062 = arith.index_cast %get3A_1061 : i32 to index
      %get3A_1063 = arith.index_cast %mul3A_9 : i32 to index
      %get3A_1064 = tpu.vector_load %arg5[%get3A_1062, %get3A_1063] {strides = array<i32>} : memref<64x256xf32, #tpu.memory_space<vmem>>, vector<1x16xf32>,
      %get3A_1065 = vector.shape_cast %get3A_1064 : vector<1x16xf32> to vector<16xf32>
      %sub3A_1066 = arith.subf %get3A_1065, %max3A_390 : vector<16xf32>
      %exp3A_1067 = math.exp %sub3A_1066 : vector<16xf32>
      %add3A_1068 = arith.addf %add3A_1054, %exp3A_1067 : vector<16xf32>
      %swap3A_1069 = arith.constant 48 : i32
      %swap3A_1070 = arith.index_cast %swap3A_1069 : i32 to index
      %swap3A_1071 = arith.index_cast %mul3A_9 : i32 to index
      %swap3A_1072 = tpu.vector_load %arg5[%swap3A_1070, %swap3A_1071] {strides = array<i32>} : memref<64x256xf32, #tpu.memory_space<vmem>>, vector<1x16xf32>,
      %swap3A_1073 = vector.shape_cast %swap3A_1072 : vector<1x16xf32> to vector<16xf32>
      %swap3A_1074 = vector.shape_cast %exp3A_1067 : vector<16xf32> to vector<1x16xf32>
      tpu.vector_store %arg5[%swap3A_1070, %swap3A_1071], %swap3A_1074 {strides = array<i32>} : memref<64x256xf32, #tpu.memory_space<vmem>>, vector<1x16xf32>,
      %get3A_1075 = arith.constant 49 : i32
      %get3A_1076 = arith.index_cast %get3A_1075 : i32 to index
      %get3A_1077 = arith.index_cast %mul3A_9 : i32 to index
      %get3A_1078 = tpu.vector_load %arg5[%get3A_1076, %get3A_1077] {strides = array<i32>} : memref<64x256xf32, #tpu.memory_space<vmem>>, vector<1x16xf32>,
      %get3A_1079 = vector.shape_cast %get3A_1078 : vector<1x16xf32> to vector<16xf32>
      %sub3A_1080 = arith.subf %get3A_1079, %max3A_390 : vector<16xf32>
      %exp3A_1081 = math.exp %sub3A_1080 : vector<16xf32>
      %add3A_1082 = arith.addf %add3A_1068, %exp3A_1081 : vector<16xf32>
      %swap3A_1083 = arith.constant 49 : i32
      %swap3A_1084 = arith.index_cast %swap3A_1083 : i32 to index
      %swap3A_1085 = arith.index_cast %mul3A_9 : i32 to index
      %swap3A_1086 = tpu.vector_load %arg5[%swap3A_1084, %swap3A_1085] {strides = array<i32>} : memref<64x256xf32, #tpu.memory_space<vmem>>, vector<1x16xf32>,
      %swap3A_1087 = vector.shape_cast %swap3A_1086 : vector<1x16xf32> to vector<16xf32>
      %swap3A_1088 = vector.shape_cast %exp3A_1081 : vector<16xf32> to vector<1x16xf32>
      tpu.vector_store %arg5[%swap3A_1084, %swap3A_1085], %swap3A_1088 {strides = array<i32>} : memref<64x256xf32, #tpu.memory_space<vmem>>, vector<1x16xf32>,
      %get3A_1089 = arith.constant 50 : i32
      %get3A_1090 = arith.index_cast %get3A_1089 : i32 to index
      %get3A_1091 = arith.index_cast %mul3A_9 : i32 to index
      %get3A_1092 = tpu.vector_load %arg5[%get3A_1090, %get3A_1091] {strides = array<i32>} : memref<64x256xf32, #tpu.memory_space<vmem>>, vector<1x16xf32>,
      %get3A_1093 = vector.shape_cast %get3A_1092 : vector<1x16xf32> to vector<16xf32>
      %sub3A_1094 = arith.subf %get3A_1093, %max3A_390 : vector<16xf32>
      %exp3A_1095 = math.exp %sub3A_1094 : vector<16xf32>
      %add3A_1096 = arith.addf %add3A_1082, %exp3A_1095 : vector<16xf32>
      %swap3A_1097 = arith.constant 50 : i32
      %swap3A_1098 = arith.index_cast %swap3A_1097 : i32 to index
      %swap3A_1099 = arith.index_cast %mul3A_9 : i32 to index
      %swap3A_1100 = tpu.vector_load %arg5[%swap3A_1098, %swap3A_1099] {strides = array<i32>} : memref<64x256xf32, #tpu.memory_space<vmem>>, vector<1x16xf32>,
      %swap3A_1101 = vector.shape_cast %swap3A_1100 : vector<1x16xf32> to vector<16xf32>
      %swap3A_1102 = vector.shape_cast %exp3A_1095 : vector<16xf32> to vector<1x16xf32>
      tpu.vector_store %arg5[%swap3A_1098, %swap3A_1099], %swap3A_1102 {strides = array<i32>} : memref<64x256xf32, #tpu.memory_space<vmem>>, vector<1x16xf32>,
      %get3A_1103 = arith.constant 51 : i32
      %get3A_1104 = arith.index_cast %get3A_1103 : i32 to index
      %get3A_1105 = arith.index_cast %mul3A_9 : i32 to index
      %get3A_1106 = tpu.vector_load %arg5[%get3A_1104, %get3A_1105] {strides = array<i32>} : memref<64x256xf32, #tpu.memory_space<vmem>>, vector<1x16xf32>,
      %get3A_1107 = vector.shape_cast %get3A_1106 : vector<1x16xf32> to vector<16xf32>
      %sub3A_1108 = arith.subf %get3A_1107, %max3A_390 : vector<16xf32>
      %exp3A_1109 = math.exp %sub3A_1108 : vector<16xf32>
      %add3A_1110 = arith.addf %add3A_1096, %exp3A_1109 : vector<16xf32>
      %swap3A_1111 = arith.constant 51 : i32
      %swap3A_1112 = arith.index_cast %swap3A_1111 : i32 to index
      %swap3A_1113 = arith.index_cast %mul3A_9 : i32 to index
      %swap3A_1114 = tpu.vector_load %arg5[%swap3A_1112, %swap3A_1113] {strides = array<i32>} : memref<64x256xf32, #tpu.memory_space<vmem>>, vector<1x16xf32>,
      %swap3A_1115 = vector.shape_cast %swap3A_1114 : vector<1x16xf32> to vector<16xf32>
      %swap3A_1116 = vector.shape_cast %exp3A_1109 : vector<16xf32> to vector<1x16xf32>
      tpu.vector_store %arg5[%swap3A_1112, %swap3A_1113], %swap3A_1116 {strides = array<i32>} : memref<64x256xf32, #tpu.memory_space<vmem>>, vector<1x16xf32>,
      %get3A_1117 = arith.constant 52 : i32
      %get3A_1118 = arith.index_cast %get3A_1117 : i32 to index
      %get3A_1119 = arith.index_cast %mul3A_9 : i32 to index
      %get3A_1120 = tpu.vector_load %arg5[%get3A_1118, %get3A_1119] {strides = array<i32>} : memref<64x256xf32, #tpu.memory_space<vmem>>, vector<1x16xf32>,
      %get3A_1121 = vector.shape_cast %get3A_1120 : vector<1x16xf32> to vector<16xf32>
      %sub3A_1122 = arith.subf %get3A_1121, %max3A_390 : vector<16xf32>
      %exp3A_1123 = math.exp %sub3A_1122 : vector<16xf32>
      %add3A_1124 = arith.addf %add3A_1110, %exp3A_1123 : vector<16xf32>
      %swap3A_1125 = arith.constant 52 : i32
      %swap3A_1126 = arith.index_cast %swap3A_1125 : i32 to index
      %swap3A_1127 = arith.index_cast %mul3A_9 : i32 to index
      %swap3A_1128 = tpu.vector_load %arg5[%swap3A_1126, %swap3A_1127] {strides = array<i32>} : memref<64x256xf32, #tpu.memory_space<vmem>>, vector<1x16xf32>,
      %swap3A_1129 = vector.shape_cast %swap3A_1128 : vector<1x16xf32> to vector<16xf32>
      %swap3A_1130 = vector.shape_cast %exp3A_1123 : vector<16xf32> to vector<1x16xf32>
      tpu.vector_store %arg5[%swap3A_1126, %swap3A_1127], %swap3A_1130 {strides = array<i32>} : memref<64x256xf32, #tpu.memory_space<vmem>>, vector<1x16xf32>,
      %get3A_1131 = arith.constant 53 : i32
      %get3A_1132 = arith.index_cast %get3A_1131 : i32 to index
      %get3A_1133 = arith.index_cast %mul3A_9 : i32 to index
      %get3A_1134 = tpu.vector_load %arg5[%get3A_1132, %get3A_1133] {strides = array<i32>} : memref<64x256xf32, #tpu.memory_space<vmem>>, vector<1x16xf32>,
      %get3A_1135 = vector.shape_cast %get3A_1134 : vector<1x16xf32> to vector<16xf32>
      %sub3A_1136 = arith.subf %get3A_1135, %max3A_390 : vector<16xf32>
      %exp3A_1137 = math.exp %sub3A_1136 : vector<16xf32>
      %add3A_1138 = arith.addf %add3A_1124, %exp3A_1137 : vector<16xf32>
      %swap3A_1139 = arith.constant 53 : i32
      %swap3A_1140 = arith.index_cast %swap3A_1139 : i32 to index
      %swap3A_1141 = arith.index_cast %mul3A_9 : i32 to index
      %swap3A_1142 = tpu.vector_load %arg5[%swap3A_1140, %swap3A_1141] {strides = array<i32>} : memref<64x256xf32, #tpu.memory_space<vmem>>, vector<1x16xf32>,
      %swap3A_1143 = vector.shape_cast %swap3A_1142 : vector<1x16xf32> to vector<16xf32>
      %swap3A_1144 = vector.shape_cast %exp3A_1137 : vector<16xf32> to vector<1x16xf32>
      tpu.vector_store %arg5[%swap3A_1140, %swap3A_1141], %swap3A_1144 {strides = array<i32>} : memref<64x256xf32, #tpu.memory_space<vmem>>, vector<1x16xf32>,
      %get3A_1145 = arith.constant 54 : i32
      %get3A_1146 = arith.index_cast %get3A_1145 : i32 to index
      %get3A_1147 = arith.index_cast %mul3A_9 : i32 to index
      %get3A_1148 = tpu.vector_load %arg5[%get3A_1146, %get3A_1147] {strides = array<i32>} : memref<64x256xf32, #tpu.memory_space<vmem>>, vector<1x16xf32>,
      %get3A_1149 = vector.shape_cast %get3A_1148 : vector<1x16xf32> to vector<16xf32>
      %sub3A_1150 = arith.subf %get3A_1149, %max3A_390 : vector<16xf32>
      %exp3A_1151 = math.exp %sub3A_1150 : vector<16xf32>
      %add3A_1152 = arith.addf %add3A_1138, %exp3A_1151 : vector<16xf32>
      %swap3A_1153 = arith.constant 54 : i32
      %swap3A_1154 = arith.index_cast %swap3A_1153 : i32 to index
      %swap3A_1155 = arith.index_cast %mul3A_9 : i32 to index
      %swap3A_1156 = tpu.vector_load %arg5[%swap3A_1154, %swap3A_1155] {strides = array<i32>} : memref<64x256xf32, #tpu.memory_space<vmem>>, vector<1x16xf32>,
      %swap3A_1157 = vector.shape_cast %swap3A_1156 : vector<1x16xf32> to vector<16xf32>
      %swap3A_1158 = vector.shape_cast %exp3A_1151 : vector<16xf32> to vector<1x16xf32>
      tpu.vector_store %arg5[%swap3A_1154, %swap3A_1155], %swap3A_1158 {strides = array<i32>} : memref<64x256xf32, #tpu.memory_space<vmem>>, vector<1x16xf32>,
      %get3A_1159 = arith.constant 55 : i32
      %get3A_1160 = arith.index_cast %get3A_1159 : i32 to index
      %get3A_1161 = arith.index_cast %mul3A_9 : i32 to index
      %get3A_1162 = tpu.vector_load %arg5[%get3A_1160, %get3A_1161] {strides = array<i32>} : memref<64x256xf32, #tpu.memory_space<vmem>>, vector<1x16xf32>,
      %get3A_1163 = vector.shape_cast %get3A_1162 : vector<1x16xf32> to vector<16xf32>
      %sub3A_1164 = arith.subf %get3A_1163, %max3A_390 : vector<16xf32>
      %exp3A_1165 = math.exp %sub3A_1164 : vector<16xf32>
      %add3A_1166 = arith.addf %add3A_1152, %exp3A_1165 : vector<16xf32>
      %swap3A_1167 = arith.constant 55 : i32
      %swap3A_1168 = arith.index_cast %swap3A_1167 : i32 to index
      %swap3A_1169 = arith.index_cast %mul3A_9 : i32 to index
      %swap3A_1170 = tpu.vector_load %arg5[%swap3A_1168, %swap3A_1169] {strides = array<i32>} : memref<64x256xf32, #tpu.memory_space<vmem>>, vector<1x16xf32>,
      %swap3A_1171 = vector.shape_cast %swap3A_1170 : vector<1x16xf32> to vector<16xf32>
      %swap3A_1172 = vector.shape_cast %exp3A_1165 : vector<16xf32> to vector<1x16xf32>
      tpu.vector_store %arg5[%swap3A_1168, %swap3A_1169], %swap3A_1172 {strides = array<i32>} : memref<64x256xf32, #tpu.memory_space<vmem>>, vector<1x16xf32>,
      %get3A_1173 = arith.constant 56 : i32
      %get3A_1174 = arith.index_cast %get3A_1173 : i32 to index
      %get3A_1175 = arith.index_cast %mul3A_9 : i32 to index
      %get3A_1176 = tpu.vector_load %arg5[%get3A_1174, %get3A_1175] {strides = array<i32>} : memref<64x256xf32, #tpu.memory_space<vmem>>, vector<1x16xf32>,
      %get3A_1177 = vector.shape_cast %get3A_1176 : vector<1x16xf32> to vector<16xf32>
      %sub3A_1178 = arith.subf %get3A_1177, %max3A_390 : vector<16xf32>
      %exp3A_1179 = math.exp %sub3A_1178 : vector<16xf32>
      %add3A_1180 = arith.addf %add3A_1166, %exp3A_1179 : vector<16xf32>
      %swap3A_1181 = arith.constant 56 : i32
      %swap3A_1182 = arith.index_cast %swap3A_1181 : i32 to index
      %swap3A_1183 = arith.index_cast %mul3A_9 : i32 to index
      %swap3A_1184 = tpu.vector_load %arg5[%swap3A_1182, %swap3A_1183] {strides = array<i32>} : memref<64x256xf32, #tpu.memory_space<vmem>>, vector<1x16xf32>,
      %swap3A_1185 = vector.shape_cast %swap3A_1184 : vector<1x16xf32> to vector<16xf32>
      %swap3A_1186 = vector.shape_cast %exp3A_1179 : vector<16xf32> to vector<1x16xf32>
      tpu.vector_store %arg5[%swap3A_1182, %swap3A_1183], %swap3A_1186 {strides = array<i32>} : memref<64x256xf32, #tpu.memory_space<vmem>>, vector<1x16xf32>,
      %get3A_1187 = arith.constant 57 : i32
      %get3A_1188 = arith.index_cast %get3A_1187 : i32 to index
      %get3A_1189 = arith.index_cast %mul3A_9 : i32 to index
      %get3A_1190 = tpu.vector_load %arg5[%get3A_1188, %get3A_1189] {strides = array<i32>} : memref<64x256xf32, #tpu.memory_space<vmem>>, vector<1x16xf32>,
      %get3A_1191 = vector.shape_cast %get3A_1190 : vector<1x16xf32> to vector<16xf32>
      %sub3A_1192 = arith.subf %get3A_1191, %max3A_390 : vector<16xf32>
      %exp3A_1193 = math.exp %sub3A_1192 : vector<16xf32>
      %add3A_1194 = arith.addf %add3A_1180, %exp3A_1193 : vector<16xf32>
      %swap3A_1195 = arith.constant 57 : i32
      %swap3A_1196 = arith.index_cast %swap3A_1195 : i32 to index
      %swap3A_1197 = arith.index_cast %mul3A_9 : i32 to index
      %swap3A_1198 = tpu.vector_load %arg5[%swap3A_1196, %swap3A_1197] {strides = array<i32>} : memref<64x256xf32, #tpu.memory_space<vmem>>, vector<1x16xf32>,
      %swap3A_1199 = vector.shape_cast %swap3A_1198 : vector<1x16xf32> to vector<16xf32>
      %swap3A_1200 = vector.shape_cast %exp3A_1193 : vector<16xf32> to vector<1x16xf32>
      tpu.vector_store %arg5[%swap3A_1196, %swap3A_1197], %swap3A_1200 {strides = array<i32>} : memref<64x256xf32, #tpu.memory_space<vmem>>, vector<1x16xf32>,
      %get3A_1201 = arith.constant 58 : i32
      %get3A_1202 = arith.index_cast %get3A_1201 : i32 to index
      %get3A_1203 = arith.index_cast %mul3A_9 : i32 to index
      %get3A_1204 = tpu.vector_load %arg5[%get3A_1202, %get3A_1203] {strides = array<i32>} : memref<64x256xf32, #tpu.memory_space<vmem>>, vector<1x16xf32>,
      %get3A_1205 = vector.shape_cast %get3A_1204 : vector<1x16xf32> to vector<16xf32>
      %sub3A_1206 = arith.subf %get3A_1205, %max3A_390 : vector<16xf32>
      %exp3A_1207 = math.exp %sub3A_1206 : vector<16xf32>
      %add3A_1208 = arith.addf %add3A_1194, %exp3A_1207 : vector<16xf32>
      %swap3A_1209 = arith.constant 58 : i32
      %swap3A_1210 = arith.index_cast %swap3A_1209 : i32 to index
      %swap3A_1211 = arith.index_cast %mul3A_9 : i32 to index
      %swap3A_1212 = tpu.vector_load %arg5[%swap3A_1210, %swap3A_1211] {strides = array<i32>} : memref<64x256xf32, #tpu.memory_space<vmem>>, vector<1x16xf32>,
      %swap3A_1213 = vector.shape_cast %swap3A_1212 : vector<1x16xf32> to vector<16xf32>
      %swap3A_1214 = vector.shape_cast %exp3A_1207 : vector<16xf32> to vector<1x16xf32>
      tpu.vector_store %arg5[%swap3A_1210, %swap3A_1211], %swap3A_1214 {strides = array<i32>} : memref<64x256xf32, #tpu.memory_space<vmem>>, vector<1x16xf32>,
      %get3A_1215 = arith.constant 59 : i32
      %get3A_1216 = arith.index_cast %get3A_1215 : i32 to index
      %get3A_1217 = arith.index_cast %mul3A_9 : i32 to index
      %get3A_1218 = tpu.vector_load %arg5[%get3A_1216, %get3A_1217] {strides = array<i32>} : memref<64x256xf32, #tpu.memory_space<vmem>>, vector<1x16xf32>,
      %get3A_1219 = vector.shape_cast %get3A_1218 : vector<1x16xf32> to vector<16xf32>
      %sub3A_1220 = arith.subf %get3A_1219, %max3A_390 : vector<16xf32>
      %exp3A_1221 = math.exp %sub3A_1220 : vector<16xf32>
      %add3A_1222 = arith.addf %add3A_1208, %exp3A_1221 : vector<16xf32>
      %swap3A_1223 = arith.constant 59 : i32
      %swap3A_1224 = arith.index_cast %swap3A_1223 : i32 to index
      %swap3A_1225 = arith.index_cast %mul3A_9 : i32 to index
      %swap3A_1226 = tpu.vector_load %arg5[%swap3A_1224, %swap3A_1225] {strides = array<i32>} : memref<64x256xf32, #tpu.memory_space<vmem>>, vector<1x16xf32>,
      %swap3A_1227 = vector.shape_cast %swap3A_1226 : vector<1x16xf32> to vector<16xf32>
      %swap3A_1228 = vector.shape_cast %exp3A_1221 : vector<16xf32> to vector<1x16xf32>
      tpu.vector_store %arg5[%swap3A_1224, %swap3A_1225], %swap3A_1228 {strides = array<i32>} : memref<64x256xf32, #tpu.memory_space<vmem>>, vector<1x16xf32>,
      %get3A_1229 = arith.constant 60 : i32
      %get3A_1230 = arith.index_cast %get3A_1229 : i32 to index
      %get3A_1231 = arith.index_cast %mul3A_9 : i32 to index
      %get3A_1232 = tpu.vector_load %arg5[%get3A_1230, %get3A_1231] {strides = array<i32>} : memref<64x256xf32, #tpu.memory_space<vmem>>, vector<1x16xf32>,
      %get3A_1233 = vector.shape_cast %get3A_1232 : vector<1x16xf32> to vector<16xf32>
      %sub3A_1234 = arith.subf %get3A_1233, %max3A_390 : vector<16xf32>
      %exp3A_1235 = math.exp %sub3A_1234 : vector<16xf32>
      %add3A_1236 = arith.addf %add3A_1222, %exp3A_1235 : vector<16xf32>
      %swap3A_1237 = arith.constant 60 : i32
      %swap3A_1238 = arith.index_cast %swap3A_1237 : i32 to index
      %swap3A_1239 = arith.index_cast %mul3A_9 : i32 to index
      %swap3A_1240 = tpu.vector_load %arg5[%swap3A_1238, %swap3A_1239] {strides = array<i32>} : memref<64x256xf32, #tpu.memory_space<vmem>>, vector<1x16xf32>,
      %swap3A_1241 = vector.shape_cast %swap3A_1240 : vector<1x16xf32> to vector<16xf32>
      %swap3A_1242 = vector.shape_cast %exp3A_1235 : vector<16xf32> to vector<1x16xf32>
      tpu.vector_store %arg5[%swap3A_1238, %swap3A_1239], %swap3A_1242 {strides = array<i32>} : memref<64x256xf32, #tpu.memory_space<vmem>>, vector<1x16xf32>,
      %get3A_1243 = arith.constant 61 : i32
      %get3A_1244 = arith.index_cast %get3A_1243 : i32 to index
      %get3A_1245 = arith.index_cast %mul3A_9 : i32 to index
      %get3A_1246 = tpu.vector_load %arg5[%get3A_1244, %get3A_1245] {strides = array<i32>} : memref<64x256xf32, #tpu.memory_space<vmem>>, vector<1x16xf32>,
      %get3A_1247 = vector.shape_cast %get3A_1246 : vector<1x16xf32> to vector<16xf32>
      %sub3A_1248 = arith.subf %get3A_1247, %max3A_390 : vector<16xf32>
      %exp3A_1249 = math.exp %sub3A_1248 : vector<16xf32>
      %add3A_1250 = arith.addf %add3A_1236, %exp3A_1249 : vector<16xf32>
      %swap3A_1251 = arith.constant 61 : i32
      %swap3A_1252 = arith.index_cast %swap3A_1251 : i32 to index
      %swap3A_1253 = arith.index_cast %mul3A_9 : i32 to index
      %swap3A_1254 = tpu.vector_load %arg5[%swap3A_1252, %swap3A_1253] {strides = array<i32>} : memref<64x256xf32, #tpu.memory_space<vmem>>, vector<1x16xf32>,
      %swap3A_1255 = vector.shape_cast %swap3A_1254 : vector<1x16xf32> to vector<16xf32>
      %swap3A_1256 = vector.shape_cast %exp3A_1249 : vector<16xf32> to vector<1x16xf32>
      tpu.vector_store %arg5[%swap3A_1252, %swap3A_1253], %swap3A_1256 {strides = array<i32>} : memref<64x256xf32, #tpu.memory_space<vmem>>, vector<1x16xf32>,
      %get3A_1257 = arith.constant 62 : i32
      %get3A_1258 = arith.index_cast %get3A_1257 : i32 to index
      %get3A_1259 = arith.index_cast %mul3A_9 : i32 to index
      %get3A_1260 = tpu.vector_load %arg5[%get3A_1258, %get3A_1259] {strides = array<i32>} : memref<64x256xf32, #tpu.memory_space<vmem>>, vector<1x16xf32>,
      %get3A_1261 = vector.shape_cast %get3A_1260 : vector<1x16xf32> to vector<16xf32>
      %sub3A_1262 = arith.subf %get3A_1261, %max3A_390 : vector<16xf32>
      %exp3A_1263 = math.exp %sub3A_1262 : vector<16xf32>
      %add3A_1264 = arith.addf %add3A_1250, %exp3A_1263 : vector<16xf32>
      %swap3A_1265 = arith.constant 62 : i32
      %swap3A_1266 = arith.index_cast %swap3A_1265 : i32 to index
      %swap3A_1267 = arith.index_cast %mul3A_9 : i32 to index
      %swap3A_1268 = tpu.vector_load %arg5[%swap3A_1266, %swap3A_1267] {strides = array<i32>} : memref<64x256xf32, #tpu.memory_space<vmem>>, vector<1x16xf32>,
      %swap3A_1269 = vector.shape_cast %swap3A_1268 : vector<1x16xf32> to vector<16xf32>
      %swap3A_1270 = vector.shape_cast %exp3A_1263 : vector<16xf32> to vector<1x16xf32>
      tpu.vector_store %arg5[%swap3A_1266, %swap3A_1267], %swap3A_1270 {strides = array<i32>} : memref<64x256xf32, #tpu.memory_space<vmem>>, vector<1x16xf32>,
      %get3A_1271 = arith.constant 63 : i32
      %get3A_1272 = arith.index_cast %get3A_1271 : i32 to index
      %get3A_1273 = arith.index_cast %mul3A_9 : i32 to index
      %get3A_1274 = tpu.vector_load %arg5[%get3A_1272, %get3A_1273] {strides = array<i32>} : memref<64x256xf32, #tpu.memory_space<vmem>>, vector<1x16xf32>,
      %get3A_1275 = vector.shape_cast %get3A_1274 : vector<1x16xf32> to vector<16xf32>
      %sub3A_1276 = arith.subf %get3A_1275, %max3A_390 : vector<16xf32>
      %exp3A_1277 = math.exp %sub3A_1276 : vector<16xf32>
      %add3A_1278 = arith.addf %add3A_1264, %exp3A_1277 : vector<16xf32>
      %swap3A_1279 = arith.constant 63 : i32
      %swap3A_1280 = arith.index_cast %swap3A_1279 : i32 to index
      %swap3A_1281 = arith.index_cast %mul3A_9 : i32 to index
      %swap3A_1282 = tpu.vector_load %arg5[%swap3A_1280, %swap3A_1281] {strides = array<i32>} : memref<64x256xf32, #tpu.memory_space<vmem>>, vector<1x16xf32>,
      %swap3A_1283 = vector.shape_cast %swap3A_1282 : vector<1x16xf32> to vector<16xf32>
      %swap3A_1284 = vector.shape_cast %exp3A_1277 : vector<16xf32> to vector<1x16xf32>
      tpu.vector_store %arg5[%swap3A_1280, %swap3A_1281], %swap3A_1284 {strides = array<i32>} : memref<64x256xf32, #tpu.memory_space<vmem>>, vector<1x16xf32>,
      %sub3A_1285 = arith.subf %max3A_54, %max3A_390 : vector<16xf32>
      %exp3A_1286 = math.exp %sub3A_1285 : vector<16xf32>
      %div3A = arith.divf %exp3A_1286, %add3A_1278 : vector<16xf32>
      %sub3A_1287 = arith.subf %max3A_101, %max3A_390 : vector<16xf32>
      %exp3A_1288 = math.exp %sub3A_1287 : vector<16xf32>
      %div3A_1289 = arith.divf %exp3A_1288, %add3A_1278 : vector<16xf32>
      %sub3A_1290 = arith.subf %max3A_148, %max3A_390 : vector<16xf32>
      %exp3A_1291 = math.exp %sub3A_1290 : vector<16xf32>
      %div3A_1292 = arith.divf %exp3A_1291, %add3A_1278 : vector<16xf32>
      %sub3A_1293 = arith.subf %max3A_195, %max3A_390 : vector<16xf32>
      %exp3A_1294 = math.exp %sub3A_1293 : vector<16xf32>
      %div3A_1295 = arith.divf %exp3A_1294, %add3A_1278 : vector<16xf32>
      %sub3A_1296 = arith.subf %max3A_242, %max3A_390 : vector<16xf32>
      %exp3A_1297 = math.exp %sub3A_1296 : vector<16xf32>
      %div3A_1298 = arith.divf %exp3A_1297, %add3A_1278 : vector<16xf32>
      %sub3A_1299 = arith.subf %max3A_289, %max3A_390 : vector<16xf32>
      %exp3A_1300 = math.exp %sub3A_1299 : vector<16xf32>
      %div3A_1301 = arith.divf %exp3A_1300, %add3A_1278 : vector<16xf32>
      %sub3A_1302 = arith.subf %max3A_336, %max3A_390 : vector<16xf32>
      %exp3A_1303 = math.exp %sub3A_1302 : vector<16xf32>
      %div3A_1304 = arith.divf %exp3A_1303, %add3A_1278 : vector<16xf32>
      %sub3A_1305 = arith.subf %max3A_383, %max3A_390 : vector<16xf32>
      %exp3A_1306 = math.exp %sub3A_1305 : vector<16xf32>
      %div3A_1307 = arith.divf %exp3A_1306, %add3A_1278 : vector<16xf32>
      %broadcast_in_dim3A_1308 = arith.constant 1 : i32
      %broadcast_in_dim3A_1309 = vector.broadcast %broadcast_in_dim3A_1308 : i32 to vector<16xi32>
      %broadcast_in_dim3A_1310 = arith.constant 0 : i32
      %broadcast_in_dim3A_1311 = vector.broadcast %broadcast_in_dim3A_1310 : i32 to vector<16xi32>
      %gt3A = arith.cmpf ogt, %div3A_1289, %div3A : vector<16xf32>
      %select_n3A = arith.select %gt3A, %broadcast_in_dim3A_1309, %broadcast_in_dim3A_1311 : vector<16xi1>, vector<16xi32>
      %add3A_1312 = arith.addi %broadcast_in_dim3A_1311, %select_n3A : vector<16xi32>
      %gt3A_1313 = arith.cmpf ogt, %div3A_1292, %div3A : vector<16xf32>
      %select_n3A_1314 = arith.select %gt3A_1313, %broadcast_in_dim3A_1309, %broadcast_in_dim3A_1311 : vector<16xi1>, vector<16xi32>
      %add3A_1315 = arith.addi %add3A_1312, %select_n3A_1314 : vector<16xi32>
      %gt3A_1316 = arith.cmpf ogt, %div3A_1295, %div3A : vector<16xf32>
      %select_n3A_1317 = arith.select %gt3A_1316, %broadcast_in_dim3A_1309, %broadcast_in_dim3A_1311 : vector<16xi1>, vector<16xi32>
      %add3A_1318 = arith.addi %add3A_1315, %select_n3A_1317 : vector<16xi32>
      %gt3A_1319 = arith.cmpf ogt, %div3A_1298, %div3A : vector<16xf32>
      %select_n3A_1320 = arith.select %gt3A_1319, %broadcast_in_dim3A_1309, %broadcast_in_dim3A_1311 : vector<16xi1>, vector<16xi32>
      %add3A_1321 = arith.addi %add3A_1318, %select_n3A_1320 : vector<16xi32>
      %gt3A_1322 = arith.cmpf ogt, %div3A_1301, %div3A : vector<16xf32>
      %select_n3A_1323 = arith.select %gt3A_1322, %broadcast_in_dim3A_1309, %broadcast_in_dim3A_1311 : vector<16xi1>, vector<16xi32>
      %add3A_1324 = arith.addi %add3A_1321, %select_n3A_1323 : vector<16xi32>
      %gt3A_1325 = arith.cmpf ogt, %div3A_1304, %div3A : vector<16xf32>
      %select_n3A_1326 = arith.select %gt3A_1325, %broadcast_in_dim3A_1309, %broadcast_in_dim3A_1311 : vector<16xi1>, vector<16xi32>
      %add3A_1327 = arith.addi %add3A_1324, %select_n3A_1326 : vector<16xi32>
      %gt3A_1328 = arith.cmpf ogt, %div3A_1307, %div3A : vector<16xf32>
      %select_n3A_1329 = arith.select %gt3A_1328, %broadcast_in_dim3A_1309, %broadcast_in_dim3A_1311 : vector<16xi1>, vector<16xi32>
      %add3A_1330 = arith.addi %add3A_1327, %select_n3A_1329 : vector<16xi32>
      %lt3A = arith.constant 4 : i32
      %lt3A_1331 = vector.broadcast %lt3A : i32 to vector<16xi32>
      %lt3A_1332 = arith.cmpi slt, %add3A_1330, %lt3A_1331 : vector<16xi32>
      %ge3A = arith.cmpf oge, %div3A, %div3A_1289 : vector<16xf32>
      %select_n3A_1333 = arith.select %ge3A, %broadcast_in_dim3A_1309, %broadcast_in_dim3A_1311 : vector<16xi1>, vector<16xi32>
      %add3A_1334 = arith.addi %broadcast_in_dim3A_1311, %select_n3A_1333 : vector<16xi32>
      %gt3A_1335 = arith.cmpf ogt, %div3A_1292, %div3A_1289 : vector<16xf32>
      %select_n3A_1336 = arith.select %gt3A_1335, %broadcast_in_dim3A_1309, %broadcast_in_dim3A_1311 : vector<16xi1>, vector<16xi32>
      %add3A_1337 = arith.addi %add3A_1334, %select_n3A_1336 : vector<16xi32>
      %gt3A_1338 = arith.cmpf ogt, %div3A_1295, %div3A_1289 : vector<16xf32>
      %select_n3A_1339 = arith.select %gt3A_1338, %broadcast_in_dim3A_1309, %broadcast_in_dim3A_1311 : vector<16xi1>, vector<16xi32>
      %add3A_1340 = arith.addi %add3A_1337, %select_n3A_1339 : vector<16xi32>
      %gt3A_1341 = arith.cmpf ogt, %div3A_1298, %div3A_1289 : vector<16xf32>
      %select_n3A_1342 = arith.select %gt3A_1341, %broadcast_in_dim3A_1309, %broadcast_in_dim3A_1311 : vector<16xi1>, vector<16xi32>
      %add3A_1343 = arith.addi %add3A_1340, %select_n3A_1342 : vector<16xi32>
      %gt3A_1344 = arith.cmpf ogt, %div3A_1301, %div3A_1289 : vector<16xf32>
      %select_n3A_1345 = arith.select %gt3A_1344, %broadcast_in_dim3A_1309, %broadcast_in_dim3A_1311 : vector<16xi1>, vector<16xi32>
      %add3A_1346 = arith.addi %add3A_1343, %select_n3A_1345 : vector<16xi32>
      %gt3A_1347 = arith.cmpf ogt, %div3A_1304, %div3A_1289 : vector<16xf32>
      %select_n3A_1348 = arith.select %gt3A_1347, %broadcast_in_dim3A_1309, %broadcast_in_dim3A_1311 : vector<16xi1>, vector<16xi32>
      %add3A_1349 = arith.addi %add3A_1346, %select_n3A_1348 : vector<16xi32>
      %gt3A_1350 = arith.cmpf ogt, %div3A_1307, %div3A_1289 : vector<16xf32>
      %select_n3A_1351 = arith.select %gt3A_1350, %broadcast_in_dim3A_1309, %broadcast_in_dim3A_1311 : vector<16xi1>, vector<16xi32>
      %add3A_1352 = arith.addi %add3A_1349, %select_n3A_1351 : vector<16xi32>
      %lt3A_1353 = arith.constant 4 : i32
      %lt3A_1354 = vector.broadcast %lt3A_1353 : i32 to vector<16xi32>
      %lt3A_1355 = arith.cmpi slt, %add3A_1352, %lt3A_1354 : vector<16xi32>
      %ge3A_1356 = arith.cmpf oge, %div3A, %div3A_1292 : vector<16xf32>
      %select_n3A_1357 = arith.select %ge3A_1356, %broadcast_in_dim3A_1309, %broadcast_in_dim3A_1311 : vector<16xi1>, vector<16xi32>
      %add3A_1358 = arith.addi %broadcast_in_dim3A_1311, %select_n3A_1357 : vector<16xi32>
      %ge3A_1359 = arith.cmpf oge, %div3A_1289, %div3A_1292 : vector<16xf32>
      %select_n3A_1360 = arith.select %ge3A_1359, %broadcast_in_dim3A_1309, %broadcast_in_dim3A_1311 : vector<16xi1>, vector<16xi32>
      %add3A_1361 = arith.addi %add3A_1358, %select_n3A_1360 : vector<16xi32>
      %gt3A_1362 = arith.cmpf ogt, %div3A_1295, %div3A_1292 : vector<16xf32>
      %select_n3A_1363 = arith.select %gt3A_1362, %broadcast_in_dim3A_1309, %broadcast_in_dim3A_1311 : vector<16xi1>, vector<16xi32>
      %add3A_1364 = arith.addi %add3A_1361, %select_n3A_1363 : vector<16xi32>
      %gt3A_1365 = arith.cmpf ogt, %div3A_1298, %div3A_1292 : vector<16xf32>
      %select_n3A_1366 = arith.select %gt3A_1365, %broadcast_in_dim3A_1309, %broadcast_in_dim3A_1311 : vector<16xi1>, vector<16xi32>
      %add3A_1367 = arith.addi %add3A_1364, %select_n3A_1366 : vector<16xi32>
      %gt3A_1368 = arith.cmpf ogt, %div3A_1301, %div3A_1292 : vector<16xf32>
      %select_n3A_1369 = arith.select %gt3A_1368, %broadcast_in_dim3A_1309, %broadcast_in_dim3A_1311 : vector<16xi1>, vector<16xi32>
      %add3A_1370 = arith.addi %add3A_1367, %select_n3A_1369 : vector<16xi32>
      %gt3A_1371 = arith.cmpf ogt, %div3A_1304, %div3A_1292 : vector<16xf32>
      %select_n3A_1372 = arith.select %gt3A_1371, %broadcast_in_dim3A_1309, %broadcast_in_dim3A_1311 : vector<16xi1>, vector<16xi32>
      %add3A_1373 = arith.addi %add3A_1370, %select_n3A_1372 : vector<16xi32>
      %gt3A_1374 = arith.cmpf ogt, %div3A_1307, %div3A_1292 : vector<16xf32>
      %select_n3A_1375 = arith.select %gt3A_1374, %broadcast_in_dim3A_1309, %broadcast_in_dim3A_1311 : vector<16xi1>, vector<16xi32>
      %add3A_1376 = arith.addi %add3A_1373, %select_n3A_1375 : vector<16xi32>
      %lt3A_1377 = arith.constant 4 : i32
      %lt3A_1378 = vector.broadcast %lt3A_1377 : i32 to vector<16xi32>
      %lt3A_1379 = arith.cmpi slt, %add3A_1376, %lt3A_1378 : vector<16xi32>
      %ge3A_1380 = arith.cmpf oge, %div3A, %div3A_1295 : vector<16xf32>
      %select_n3A_1381 = arith.select %ge3A_1380, %broadcast_in_dim3A_1309, %broadcast_in_dim3A_1311 : vector<16xi1>, vector<16xi32>
      %add3A_1382 = arith.addi %broadcast_in_dim3A_1311, %select_n3A_1381 : vector<16xi32>
      %ge3A_1383 = arith.cmpf oge, %div3A_1289, %div3A_1295 : vector<16xf32>
      %select_n3A_1384 = arith.select %ge3A_1383, %broadcast_in_dim3A_1309, %broadcast_in_dim3A_1311 : vector<16xi1>, vector<16xi32>
      %add3A_1385 = arith.addi %add3A_1382, %select_n3A_1384 : vector<16xi32>
      %ge3A_1386 = arith.cmpf oge, %div3A_1292, %div3A_1295 : vector<16xf32>
      %select_n3A_1387 = arith.select %ge3A_1386, %broadcast_in_dim3A_1309, %broadcast_in_dim3A_1311 : vector<16xi1>, vector<16xi32>
      %add3A_1388 = arith.addi %add3A_1385, %select_n3A_1387 : vector<16xi32>
      %gt3A_1389 = arith.cmpf ogt, %div3A_1298, %div3A_1295 : vector<16xf32>
      %select_n3A_1390 = arith.select %gt3A_1389, %broadcast_in_dim3A_1309, %broadcast_in_dim3A_1311 : vector<16xi1>, vector<16xi32>
      %add3A_1391 = arith.addi %add3A_1388, %select_n3A_1390 : vector<16xi32>
      %gt3A_1392 = arith.cmpf ogt, %div3A_1301, %div3A_1295 : vector<16xf32>
      %select_n3A_1393 = arith.select %gt3A_1392, %broadcast_in_dim3A_1309, %broadcast_in_dim3A_1311 : vector<16xi1>, vector<16xi32>
      %add3A_1394 = arith.addi %add3A_1391, %select_n3A_1393 : vector<16xi32>
      %gt3A_1395 = arith.cmpf ogt, %div3A_1304, %div3A_1295 : vector<16xf32>
      %select_n3A_1396 = arith.select %gt3A_1395, %broadcast_in_dim3A_1309, %broadcast_in_dim3A_1311 : vector<16xi1>, vector<16xi32>
      %add3A_1397 = arith.addi %add3A_1394, %select_n3A_1396 : vector<16xi32>
      %gt3A_1398 = arith.cmpf ogt, %div3A_1307, %div3A_1295 : vector<16xf32>
      %select_n3A_1399 = arith.select %gt3A_1398, %broadcast_in_dim3A_1309, %broadcast_in_dim3A_1311 : vector<16xi1>, vector<16xi32>
      %add3A_1400 = arith.addi %add3A_1397, %select_n3A_1399 : vector<16xi32>
      %lt3A_1401 = arith.constant 4 : i32
      %lt3A_1402 = vector.broadcast %lt3A_1401 : i32 to vector<16xi32>
      %lt3A_1403 = arith.cmpi slt, %add3A_1400, %lt3A_1402 : vector<16xi32>
      %ge3A_1404 = arith.cmpf oge, %div3A, %div3A_1298 : vector<16xf32>
      %select_n3A_1405 = arith.select %ge3A_1404, %broadcast_in_dim3A_1309, %broadcast_in_dim3A_1311 : vector<16xi1>, vector<16xi32>
      %add3A_1406 = arith.addi %broadcast_in_dim3A_1311, %select_n3A_1405 : vector<16xi32>
      %ge3A_1407 = arith.cmpf oge, %div3A_1289, %div3A_1298 : vector<16xf32>
      %select_n3A_1408 = arith.select %ge3A_1407, %broadcast_in_dim3A_1309, %broadcast_in_dim3A_1311 : vector<16xi1>, vector<16xi32>
      %add3A_1409 = arith.addi %add3A_1406, %select_n3A_1408 : vector<16xi32>
      %ge3A_1410 = arith.cmpf oge, %div3A_1292, %div3A_1298 : vector<16xf32>
      %select_n3A_1411 = arith.select %ge3A_1410, %broadcast_in_dim3A_1309, %broadcast_in_dim3A_1311 : vector<16xi1>, vector<16xi32>
      %add3A_1412 = arith.addi %add3A_1409, %select_n3A_1411 : vector<16xi32>
      %ge3A_1413 = arith.cmpf oge, %div3A_1295, %div3A_1298 : vector<16xf32>
      %select_n3A_1414 = arith.select %ge3A_1413, %broadcast_in_dim3A_1309, %broadcast_in_dim3A_1311 : vector<16xi1>, vector<16xi32>
      %add3A_1415 = arith.addi %add3A_1412, %select_n3A_1414 : vector<16xi32>
      %gt3A_1416 = arith.cmpf ogt, %div3A_1301, %div3A_1298 : vector<16xf32>
      %select_n3A_1417 = arith.select %gt3A_1416, %broadcast_in_dim3A_1309, %broadcast_in_dim3A_1311 : vector<16xi1>, vector<16xi32>
      %add3A_1418 = arith.addi %add3A_1415, %select_n3A_1417 : vector<16xi32>
      %gt3A_1419 = arith.cmpf ogt, %div3A_1304, %div3A_1298 : vector<16xf32>
      %select_n3A_1420 = arith.select %gt3A_1419, %broadcast_in_dim3A_1309, %broadcast_in_dim3A_1311 : vector<16xi1>, vector<16xi32>
      %add3A_1421 = arith.addi %add3A_1418, %select_n3A_1420 : vector<16xi32>
      %gt3A_1422 = arith.cmpf ogt, %div3A_1307, %div3A_1298 : vector<16xf32>
      %select_n3A_1423 = arith.select %gt3A_1422, %broadcast_in_dim3A_1309, %broadcast_in_dim3A_1311 : vector<16xi1>, vector<16xi32>
      %add3A_1424 = arith.addi %add3A_1421, %select_n3A_1423 : vector<16xi32>
      %lt3A_1425 = arith.constant 4 : i32
      %lt3A_1426 = vector.broadcast %lt3A_1425 : i32 to vector<16xi32>
      %lt3A_1427 = arith.cmpi slt, %add3A_1424, %lt3A_1426 : vector<16xi32>
      %ge3A_1428 = arith.cmpf oge, %div3A, %div3A_1301 : vector<16xf32>
      %select_n3A_1429 = arith.select %ge3A_1428, %broadcast_in_dim3A_1309, %broadcast_in_dim3A_1311 : vector<16xi1>, vector<16xi32>
      %add3A_1430 = arith.addi %broadcast_in_dim3A_1311, %select_n3A_1429 : vector<16xi32>
      %ge3A_1431 = arith.cmpf oge, %div3A_1289, %div3A_1301 : vector<16xf32>
      %select_n3A_1432 = arith.select %ge3A_1431, %broadcast_in_dim3A_1309, %broadcast_in_dim3A_1311 : vector<16xi1>, vector<16xi32>
      %add3A_1433 = arith.addi %add3A_1430, %select_n3A_1432 : vector<16xi32>
      %ge3A_1434 = arith.cmpf oge, %div3A_1292, %div3A_1301 : vector<16xf32>
      %select_n3A_1435 = arith.select %ge3A_1434, %broadcast_in_dim3A_1309, %broadcast_in_dim3A_1311 : vector<16xi1>, vector<16xi32>
      %add3A_1436 = arith.addi %add3A_1433, %select_n3A_1435 : vector<16xi32>
      %ge3A_1437 = arith.cmpf oge, %div3A_1295, %div3A_1301 : vector<16xf32>
      %select_n3A_1438 = arith.select %ge3A_1437, %broadcast_in_dim3A_1309, %broadcast_in_dim3A_1311 : vector<16xi1>, vector<16xi32>
      %add3A_1439 = arith.addi %add3A_1436, %select_n3A_1438 : vector<16xi32>
      %ge3A_1440 = arith.cmpf oge, %div3A_1298, %div3A_1301 : vector<16xf32>
      %select_n3A_1441 = arith.select %ge3A_1440, %broadcast_in_dim3A_1309, %broadcast_in_dim3A_1311 : vector<16xi1>, vector<16xi32>
      %add3A_1442 = arith.addi %add3A_1439, %select_n3A_1441 : vector<16xi32>
      %gt3A_1443 = arith.cmpf ogt, %div3A_1304, %div3A_1301 : vector<16xf32>
      %select_n3A_1444 = arith.select %gt3A_1443, %broadcast_in_dim3A_1309, %broadcast_in_dim3A_1311 : vector<16xi1>, vector<16xi32>
      %add3A_1445 = arith.addi %add3A_1442, %select_n3A_1444 : vector<16xi32>
      %gt3A_1446 = arith.cmpf ogt, %div3A_1307, %div3A_1301 : vector<16xf32>
      %select_n3A_1447 = arith.select %gt3A_1446, %broadcast_in_dim3A_1309, %broadcast_in_dim3A_1311 : vector<16xi1>, vector<16xi32>
      %add3A_1448 = arith.addi %add3A_1445, %select_n3A_1447 : vector<16xi32>
      %lt3A_1449 = arith.constant 4 : i32
      %lt3A_1450 = vector.broadcast %lt3A_1449 : i32 to vector<16xi32>
      %lt3A_1451 = arith.cmpi slt, %add3A_1448, %lt3A_1450 : vector<16xi32>
      %ge3A_1452 = arith.cmpf oge, %div3A, %div3A_1304 : vector<16xf32>
      %select_n3A_1453 = arith.select %ge3A_1452, %broadcast_in_dim3A_1309, %broadcast_in_dim3A_1311 : vector<16xi1>, vector<16xi32>
      %add3A_1454 = arith.addi %broadcast_in_dim3A_1311, %select_n3A_1453 : vector<16xi32>
      %ge3A_1455 = arith.cmpf oge, %div3A_1289, %div3A_1304 : vector<16xf32>
      %select_n3A_1456 = arith.select %ge3A_1455, %broadcast_in_dim3A_1309, %broadcast_in_dim3A_1311 : vector<16xi1>, vector<16xi32>
      %add3A_1457 = arith.addi %add3A_1454, %select_n3A_1456 : vector<16xi32>
      %ge3A_1458 = arith.cmpf oge, %div3A_1292, %div3A_1304 : vector<16xf32>
      %select_n3A_1459 = arith.select %ge3A_1458, %broadcast_in_dim3A_1309, %broadcast_in_dim3A_1311 : vector<16xi1>, vector<16xi32>
      %add3A_1460 = arith.addi %add3A_1457, %select_n3A_1459 : vector<16xi32>
      %ge3A_1461 = arith.cmpf oge, %div3A_1295, %div3A_1304 : vector<16xf32>
      %select_n3A_1462 = arith.select %ge3A_1461, %broadcast_in_dim3A_1309, %broadcast_in_dim3A_1311 : vector<16xi1>, vector<16xi32>
      %add3A_1463 = arith.addi %add3A_1460, %select_n3A_1462 : vector<16xi32>
      %ge3A_1464 = arith.cmpf oge, %div3A_1298, %div3A_1304 : vector<16xf32>
      %select_n3A_1465 = arith.select %ge3A_1464, %broadcast_in_dim3A_1309, %broadcast_in_dim3A_1311 : vector<16xi1>, vector<16xi32>
      %add3A_1466 = arith.addi %add3A_1463, %select_n3A_1465 : vector<16xi32>
      %ge3A_1467 = arith.cmpf oge, %div3A_1301, %div3A_1304 : vector<16xf32>
      %select_n3A_1468 = arith.select %ge3A_1467, %broadcast_in_dim3A_1309, %broadcast_in_dim3A_1311 : vector<16xi1>, vector<16xi32>
      %add3A_1469 = arith.addi %add3A_1466, %select_n3A_1468 : vector<16xi32>
      %gt3A_1470 = arith.cmpf ogt, %div3A_1307, %div3A_1304 : vector<16xf32>
      %select_n3A_1471 = arith.select %gt3A_1470, %broadcast_in_dim3A_1309, %broadcast_in_dim3A_1311 : vector<16xi1>, vector<16xi32>
      %add3A_1472 = arith.addi %add3A_1469, %select_n3A_1471 : vector<16xi32>
      %lt3A_1473 = arith.constant 4 : i32
      %lt3A_1474 = vector.broadcast %lt3A_1473 : i32 to vector<16xi32>
      %lt3A_1475 = arith.cmpi slt, %add3A_1472, %lt3A_1474 : vector<16xi32>
      %ge3A_1476 = arith.cmpf oge, %div3A, %div3A_1307 : vector<16xf32>
      %select_n3A_1477 = arith.select %ge3A_1476, %broadcast_in_dim3A_1309, %broadcast_in_dim3A_1311 : vector<16xi1>, vector<16xi32>
      %add3A_1478 = arith.addi %broadcast_in_dim3A_1311, %select_n3A_1477 : vector<16xi32>
      %ge3A_1479 = arith.cmpf oge, %div3A_1289, %div3A_1307 : vector<16xf32>
      %select_n3A_1480 = arith.select %ge3A_1479, %broadcast_in_dim3A_1309, %broadcast_in_dim3A_1311 : vector<16xi1>, vector<16xi32>
      %add3A_1481 = arith.addi %add3A_1478, %select_n3A_1480 : vector<16xi32>
      %ge3A_1482 = arith.cmpf oge, %div3A_1292, %div3A_1307 : vector<16xf32>
      %select_n3A_1483 = arith.select %ge3A_1482, %broadcast_in_dim3A_1309, %broadcast_in_dim3A_1311 : vector<16xi1>, vector<16xi32>
      %add3A_1484 = arith.addi %add3A_1481, %select_n3A_1483 : vector<16xi32>
      %ge3A_1485 = arith.cmpf oge, %div3A_1295, %div3A_1307 : vector<16xf32>
      %select_n3A_1486 = arith.select %ge3A_1485, %broadcast_in_dim3A_1309, %broadcast_in_dim3A_1311 : vector<16xi1>, vector<16xi32>
      %add3A_1487 = arith.addi %add3A_1484, %select_n3A_1486 : vector<16xi32>
      %ge3A_1488 = arith.cmpf oge, %div3A_1298, %div3A_1307 : vector<16xf32>
      %select_n3A_1489 = arith.select %ge3A_1488, %broadcast_in_dim3A_1309, %broadcast_in_dim3A_1311 : vector<16xi1>, vector<16xi32>
      %add3A_1490 = arith.addi %add3A_1487, %select_n3A_1489 : vector<16xi32>
      %ge3A_1491 = arith.cmpf oge, %div3A_1301, %div3A_1307 : vector<16xf32>
      %select_n3A_1492 = arith.select %ge3A_1491, %broadcast_in_dim3A_1309, %broadcast_in_dim3A_1311 : vector<16xi1>, vector<16xi32>
      %add3A_1493 = arith.addi %add3A_1490, %select_n3A_1492 : vector<16xi32>
      %ge3A_1494 = arith.cmpf oge, %div3A_1304, %div3A_1307 : vector<16xf32>
      %select_n3A_1495 = arith.select %ge3A_1494, %broadcast_in_dim3A_1309, %broadcast_in_dim3A_1311 : vector<16xi1>, vector<16xi32>
      %add3A_1496 = arith.addi %add3A_1493, %select_n3A_1495 : vector<16xi32>
      %lt3A_1497 = arith.constant 4 : i32
      %lt3A_1498 = vector.broadcast %lt3A_1497 : i32 to vector<16xi32>
      %lt3A_1499 = arith.cmpi slt, %add3A_1496, %lt3A_1498 : vector<16xi32>
      %broadcast_in_dim3A_1500 = arith.constant -1.000000e+00 : f32
      %broadcast_in_dim3A_1501 = vector.broadcast %broadcast_in_dim3A_1500 : f32 to vector<16xf32>
      %broadcast_in_dim3A_1502 = arith.constant 0 : i32
      %broadcast_in_dim3A_1503 = vector.broadcast %broadcast_in_dim3A_1502 : i32 to vector<16xi32>
      %broadcast_in_dim3A_1504 = arith.constant 0 : i32
      %broadcast_in_dim3A_1505 = vector.broadcast %broadcast_in_dim3A_1504 : i32 to vector<16xi32>
      %get3A_1506 = arith.constant 0 : i32
      %get3A_1507 = arith.index_cast %get3A_1506 : i32 to index
      %get3A_1508 = arith.index_cast %mul3A_9 : i32 to index
      %get3A_1509 = tpu.vector_load %arg5[%get3A_1507, %get3A_1508] {strides = array<i32>} : memref<64x256xf32, #tpu.memory_space<vmem>>, vector<1x16xf32>,
      %get3A_1510 = vector.shape_cast %get3A_1509 : vector<1x16xf32> to vector<16xf32>
      %div3A_1511 = arith.divf %get3A_1510, %add3A_1278 : vector<16xf32>
      %select_n3A_1512 = arith.select %lt3A_1332, %div3A_1511, %broadcast_in_dim3A_1501 : vector<16xi1>, vector<16xf32>
      %broadcast_in_dim3A_1513 = arith.constant 0 : i32
      %broadcast_in_dim3A_1514 = vector.broadcast %broadcast_in_dim3A_1513 : i32 to vector<16xi32>
      %gt3A_1515 = arith.cmpf ogt, %select_n3A_1512, %broadcast_in_dim3A_1501 : vector<16xf32>
      %gt3A_1516 = arith.cmpf ogt, %select_n3A_1512, %broadcast_in_dim3A_1501 : vector<16xf32>
      %select_n3A_1517 = arith.select %gt3A_1516, %select_n3A_1512, %broadcast_in_dim3A_1501 : vector<16xi1>, vector<16xf32>
      %select_n3A_1518 = arith.select %gt3A_1515, %broadcast_in_dim3A_1501, %select_n3A_1517 : vector<16xi1>, vector<16xf32>
      %select_n3A_1519 = arith.select %gt3A_1516, %broadcast_in_dim3A_1514, %broadcast_in_dim3A_1505 : vector<16xi1>, vector<16xi32>
      %select_n3A_1520 = arith.select %gt3A_1515, %broadcast_in_dim3A_1503, %select_n3A_1519 : vector<16xi1>, vector<16xi32>
      %select_n3A_1521 = arith.select %gt3A_1515, %select_n3A_1512, %broadcast_in_dim3A_1501 : vector<16xi1>, vector<16xf32>
      %select_n3A_1522 = arith.select %gt3A_1515, %broadcast_in_dim3A_1514, %broadcast_in_dim3A_1503 : vector<16xi1>, vector<16xi32>
      %get3A_1523 = arith.constant 1 : i32
      %get3A_1524 = arith.index_cast %get3A_1523 : i32 to index
      %get3A_1525 = arith.index_cast %mul3A_9 : i32 to index
      %get3A_1526 = tpu.vector_load %arg5[%get3A_1524, %get3A_1525] {strides = array<i32>} : memref<64x256xf32, #tpu.memory_space<vmem>>, vector<1x16xf32>,
      %get3A_1527 = vector.shape_cast %get3A_1526 : vector<1x16xf32> to vector<16xf32>
      %div3A_1528 = arith.divf %get3A_1527, %add3A_1278 : vector<16xf32>
      %select_n3A_1529 = arith.select %lt3A_1332, %div3A_1528, %broadcast_in_dim3A_1501 : vector<16xi1>, vector<16xf32>
      %broadcast_in_dim3A_1530 = arith.constant 1 : i32
      %broadcast_in_dim3A_1531 = vector.broadcast %broadcast_in_dim3A_1530 : i32 to vector<16xi32>
      %gt3A_1532 = arith.cmpf ogt, %select_n3A_1529, %select_n3A_1521 : vector<16xf32>
      %gt3A_1533 = arith.cmpf ogt, %select_n3A_1529, %select_n3A_1518 : vector<16xf32>
      %select_n3A_1534 = arith.select %gt3A_1533, %select_n3A_1529, %select_n3A_1518 : vector<16xi1>, vector<16xf32>
      %select_n3A_1535 = arith.select %gt3A_1532, %select_n3A_1521, %select_n3A_1534 : vector<16xi1>, vector<16xf32>
      %select_n3A_1536 = arith.select %gt3A_1533, %broadcast_in_dim3A_1531, %select_n3A_1520 : vector<16xi1>, vector<16xi32>
      %select_n3A_1537 = arith.select %gt3A_1532, %select_n3A_1522, %select_n3A_1536 : vector<16xi1>, vector<16xi32>
      %select_n3A_1538 = arith.select %gt3A_1532, %select_n3A_1529, %select_n3A_1521 : vector<16xi1>, vector<16xf32>
      %select_n3A_1539 = arith.select %gt3A_1532, %broadcast_in_dim3A_1531, %select_n3A_1522 : vector<16xi1>, vector<16xi32>
      %get3A_1540 = arith.constant 2 : i32
      %get3A_1541 = arith.index_cast %get3A_1540 : i32 to index
      %get3A_1542 = arith.index_cast %mul3A_9 : i32 to index
      %get3A_1543 = tpu.vector_load %arg5[%get3A_1541, %get3A_1542] {strides = array<i32>} : memref<64x256xf32, #tpu.memory_space<vmem>>, vector<1x16xf32>,
      %get3A_1544 = vector.shape_cast %get3A_1543 : vector<1x16xf32> to vector<16xf32>
      %div3A_1545 = arith.divf %get3A_1544, %add3A_1278 : vector<16xf32>
      %select_n3A_1546 = arith.select %lt3A_1332, %div3A_1545, %broadcast_in_dim3A_1501 : vector<16xi1>, vector<16xf32>
      %broadcast_in_dim3A_1547 = arith.constant 2 : i32
      %broadcast_in_dim3A_1548 = vector.broadcast %broadcast_in_dim3A_1547 : i32 to vector<16xi32>
      %gt3A_1549 = arith.cmpf ogt, %select_n3A_1546, %select_n3A_1538 : vector<16xf32>
      %gt3A_1550 = arith.cmpf ogt, %select_n3A_1546, %select_n3A_1535 : vector<16xf32>
      %select_n3A_1551 = arith.select %gt3A_1550, %select_n3A_1546, %select_n3A_1535 : vector<16xi1>, vector<16xf32>
      %select_n3A_1552 = arith.select %gt3A_1549, %select_n3A_1538, %select_n3A_1551 : vector<16xi1>, vector<16xf32>
      %select_n3A_1553 = arith.select %gt3A_1550, %broadcast_in_dim3A_1548, %select_n3A_1537 : vector<16xi1>, vector<16xi32>
      %select_n3A_1554 = arith.select %gt3A_1549, %select_n3A_1539, %select_n3A_1553 : vector<16xi1>, vector<16xi32>
      %select_n3A_1555 = arith.select %gt3A_1549, %select_n3A_1546, %select_n3A_1538 : vector<16xi1>, vector<16xf32>
      %select_n3A_1556 = arith.select %gt3A_1549, %broadcast_in_dim3A_1548, %select_n3A_1539 : vector<16xi1>, vector<16xi32>
      %get3A_1557 = arith.constant 3 : i32
      %get3A_1558 = arith.index_cast %get3A_1557 : i32 to index
      %get3A_1559 = arith.index_cast %mul3A_9 : i32 to index
      %get3A_1560 = tpu.vector_load %arg5[%get3A_1558, %get3A_1559] {strides = array<i32>} : memref<64x256xf32, #tpu.memory_space<vmem>>, vector<1x16xf32>,
      %get3A_1561 = vector.shape_cast %get3A_1560 : vector<1x16xf32> to vector<16xf32>
      %div3A_1562 = arith.divf %get3A_1561, %add3A_1278 : vector<16xf32>
      %select_n3A_1563 = arith.select %lt3A_1332, %div3A_1562, %broadcast_in_dim3A_1501 : vector<16xi1>, vector<16xf32>
      %broadcast_in_dim3A_1564 = arith.constant 3 : i32
      %broadcast_in_dim3A_1565 = vector.broadcast %broadcast_in_dim3A_1564 : i32 to vector<16xi32>
      %gt3A_1566 = arith.cmpf ogt, %select_n3A_1563, %select_n3A_1555 : vector<16xf32>
      %gt3A_1567 = arith.cmpf ogt, %select_n3A_1563, %select_n3A_1552 : vector<16xf32>
      %select_n3A_1568 = arith.select %gt3A_1567, %select_n3A_1563, %select_n3A_1552 : vector<16xi1>, vector<16xf32>
      %select_n3A_1569 = arith.select %gt3A_1566, %select_n3A_1555, %select_n3A_1568 : vector<16xi1>, vector<16xf32>
      %select_n3A_1570 = arith.select %gt3A_1567, %broadcast_in_dim3A_1565, %select_n3A_1554 : vector<16xi1>, vector<16xi32>
      %select_n3A_1571 = arith.select %gt3A_1566, %select_n3A_1556, %select_n3A_1570 : vector<16xi1>, vector<16xi32>
      %select_n3A_1572 = arith.select %gt3A_1566, %select_n3A_1563, %select_n3A_1555 : vector<16xi1>, vector<16xf32>
      %select_n3A_1573 = arith.select %gt3A_1566, %broadcast_in_dim3A_1565, %select_n3A_1556 : vector<16xi1>, vector<16xi32>
      %get3A_1574 = arith.constant 4 : i32
      %get3A_1575 = arith.index_cast %get3A_1574 : i32 to index
      %get3A_1576 = arith.index_cast %mul3A_9 : i32 to index
      %get3A_1577 = tpu.vector_load %arg5[%get3A_1575, %get3A_1576] {strides = array<i32>} : memref<64x256xf32, #tpu.memory_space<vmem>>, vector<1x16xf32>,
      %get3A_1578 = vector.shape_cast %get3A_1577 : vector<1x16xf32> to vector<16xf32>
      %div3A_1579 = arith.divf %get3A_1578, %add3A_1278 : vector<16xf32>
      %select_n3A_1580 = arith.select %lt3A_1332, %div3A_1579, %broadcast_in_dim3A_1501 : vector<16xi1>, vector<16xf32>
      %broadcast_in_dim3A_1581 = arith.constant 4 : i32
      %broadcast_in_dim3A_1582 = vector.broadcast %broadcast_in_dim3A_1581 : i32 to vector<16xi32>
      %gt3A_1583 = arith.cmpf ogt, %select_n3A_1580, %select_n3A_1572 : vector<16xf32>
      %gt3A_1584 = arith.cmpf ogt, %select_n3A_1580, %select_n3A_1569 : vector<16xf32>
      %select_n3A_1585 = arith.select %gt3A_1584, %select_n3A_1580, %select_n3A_1569 : vector<16xi1>, vector<16xf32>
      %select_n3A_1586 = arith.select %gt3A_1583, %select_n3A_1572, %select_n3A_1585 : vector<16xi1>, vector<16xf32>
      %select_n3A_1587 = arith.select %gt3A_1584, %broadcast_in_dim3A_1582, %select_n3A_1571 : vector<16xi1>, vector<16xi32>
      %select_n3A_1588 = arith.select %gt3A_1583, %select_n3A_1573, %select_n3A_1587 : vector<16xi1>, vector<16xi32>
      %select_n3A_1589 = arith.select %gt3A_1583, %select_n3A_1580, %select_n3A_1572 : vector<16xi1>, vector<16xf32>
      %select_n3A_1590 = arith.select %gt3A_1583, %broadcast_in_dim3A_1582, %select_n3A_1573 : vector<16xi1>, vector<16xi32>
      %get3A_1591 = arith.constant 5 : i32
      %get3A_1592 = arith.index_cast %get3A_1591 : i32 to index
      %get3A_1593 = arith.index_cast %mul3A_9 : i32 to index
      %get3A_1594 = tpu.vector_load %arg5[%get3A_1592, %get3A_1593] {strides = array<i32>} : memref<64x256xf32, #tpu.memory_space<vmem>>, vector<1x16xf32>,
      %get3A_1595 = vector.shape_cast %get3A_1594 : vector<1x16xf32> to vector<16xf32>
      %div3A_1596 = arith.divf %get3A_1595, %add3A_1278 : vector<16xf32>
      %select_n3A_1597 = arith.select %lt3A_1332, %div3A_1596, %broadcast_in_dim3A_1501 : vector<16xi1>, vector<16xf32>
      %broadcast_in_dim3A_1598 = arith.constant 5 : i32
      %broadcast_in_dim3A_1599 = vector.broadcast %broadcast_in_dim3A_1598 : i32 to vector<16xi32>
      %gt3A_1600 = arith.cmpf ogt, %select_n3A_1597, %select_n3A_1589 : vector<16xf32>
      %gt3A_1601 = arith.cmpf ogt, %select_n3A_1597, %select_n3A_1586 : vector<16xf32>
      %select_n3A_1602 = arith.select %gt3A_1601, %select_n3A_1597, %select_n3A_1586 : vector<16xi1>, vector<16xf32>
      %select_n3A_1603 = arith.select %gt3A_1600, %select_n3A_1589, %select_n3A_1602 : vector<16xi1>, vector<16xf32>
      %select_n3A_1604 = arith.select %gt3A_1601, %broadcast_in_dim3A_1599, %select_n3A_1588 : vector<16xi1>, vector<16xi32>
      %select_n3A_1605 = arith.select %gt3A_1600, %select_n3A_1590, %select_n3A_1604 : vector<16xi1>, vector<16xi32>
      %select_n3A_1606 = arith.select %gt3A_1600, %select_n3A_1597, %select_n3A_1589 : vector<16xi1>, vector<16xf32>
      %select_n3A_1607 = arith.select %gt3A_1600, %broadcast_in_dim3A_1599, %select_n3A_1590 : vector<16xi1>, vector<16xi32>
      %get3A_1608 = arith.constant 6 : i32
      %get3A_1609 = arith.index_cast %get3A_1608 : i32 to index
      %get3A_1610 = arith.index_cast %mul3A_9 : i32 to index
      %get3A_1611 = tpu.vector_load %arg5[%get3A_1609, %get3A_1610] {strides = array<i32>} : memref<64x256xf32, #tpu.memory_space<vmem>>, vector<1x16xf32>,
      %get3A_1612 = vector.shape_cast %get3A_1611 : vector<1x16xf32> to vector<16xf32>
      %div3A_1613 = arith.divf %get3A_1612, %add3A_1278 : vector<16xf32>
      %select_n3A_1614 = arith.select %lt3A_1332, %div3A_1613, %broadcast_in_dim3A_1501 : vector<16xi1>, vector<16xf32>
      %broadcast_in_dim3A_1615 = arith.constant 6 : i32
      %broadcast_in_dim3A_1616 = vector.broadcast %broadcast_in_dim3A_1615 : i32 to vector<16xi32>
      %gt3A_1617 = arith.cmpf ogt, %select_n3A_1614, %select_n3A_1606 : vector<16xf32>
      %gt3A_1618 = arith.cmpf ogt, %select_n3A_1614, %select_n3A_1603 : vector<16xf32>
      %select_n3A_1619 = arith.select %gt3A_1618, %select_n3A_1614, %select_n3A_1603 : vector<16xi1>, vector<16xf32>
      %select_n3A_1620 = arith.select %gt3A_1617, %select_n3A_1606, %select_n3A_1619 : vector<16xi1>, vector<16xf32>
      %select_n3A_1621 = arith.select %gt3A_1618, %broadcast_in_dim3A_1616, %select_n3A_1605 : vector<16xi1>, vector<16xi32>
      %select_n3A_1622 = arith.select %gt3A_1617, %select_n3A_1607, %select_n3A_1621 : vector<16xi1>, vector<16xi32>
      %select_n3A_1623 = arith.select %gt3A_1617, %select_n3A_1614, %select_n3A_1606 : vector<16xi1>, vector<16xf32>
      %select_n3A_1624 = arith.select %gt3A_1617, %broadcast_in_dim3A_1616, %select_n3A_1607 : vector<16xi1>, vector<16xi32>
      %get3A_1625 = arith.constant 7 : i32
      %get3A_1626 = arith.index_cast %get3A_1625 : i32 to index
      %get3A_1627 = arith.index_cast %mul3A_9 : i32 to index
      %get3A_1628 = tpu.vector_load %arg5[%get3A_1626, %get3A_1627] {strides = array<i32>} : memref<64x256xf32, #tpu.memory_space<vmem>>, vector<1x16xf32>,
      %get3A_1629 = vector.shape_cast %get3A_1628 : vector<1x16xf32> to vector<16xf32>
      %div3A_1630 = arith.divf %get3A_1629, %add3A_1278 : vector<16xf32>
      %select_n3A_1631 = arith.select %lt3A_1332, %div3A_1630, %broadcast_in_dim3A_1501 : vector<16xi1>, vector<16xf32>
      %broadcast_in_dim3A_1632 = arith.constant 7 : i32
      %broadcast_in_dim3A_1633 = vector.broadcast %broadcast_in_dim3A_1632 : i32 to vector<16xi32>
      %gt3A_1634 = arith.cmpf ogt, %select_n3A_1631, %select_n3A_1623 : vector<16xf32>
      %gt3A_1635 = arith.cmpf ogt, %select_n3A_1631, %select_n3A_1620 : vector<16xf32>
      %select_n3A_1636 = arith.select %gt3A_1635, %select_n3A_1631, %select_n3A_1620 : vector<16xi1>, vector<16xf32>
      %select_n3A_1637 = arith.select %gt3A_1634, %select_n3A_1623, %select_n3A_1636 : vector<16xi1>, vector<16xf32>
      %select_n3A_1638 = arith.select %gt3A_1635, %broadcast_in_dim3A_1633, %select_n3A_1622 : vector<16xi1>, vector<16xi32>
      %select_n3A_1639 = arith.select %gt3A_1634, %select_n3A_1624, %select_n3A_1638 : vector<16xi1>, vector<16xi32>
      %select_n3A_1640 = arith.select %gt3A_1634, %select_n3A_1631, %select_n3A_1623 : vector<16xi1>, vector<16xf32>
      %select_n3A_1641 = arith.select %gt3A_1634, %broadcast_in_dim3A_1633, %select_n3A_1624 : vector<16xi1>, vector<16xi32>
      %get3A_1642 = arith.constant 8 : i32
      %get3A_1643 = arith.index_cast %get3A_1642 : i32 to index
      %get3A_1644 = arith.index_cast %mul3A_9 : i32 to index
      %get3A_1645 = tpu.vector_load %arg5[%get3A_1643, %get3A_1644] {strides = array<i32>} : memref<64x256xf32, #tpu.memory_space<vmem>>, vector<1x16xf32>,
      %get3A_1646 = vector.shape_cast %get3A_1645 : vector<1x16xf32> to vector<16xf32>
      %div3A_1647 = arith.divf %get3A_1646, %add3A_1278 : vector<16xf32>
      %select_n3A_1648 = arith.select %lt3A_1355, %div3A_1647, %broadcast_in_dim3A_1501 : vector<16xi1>, vector<16xf32>
      %broadcast_in_dim3A_1649 = arith.constant 8 : i32
      %broadcast_in_dim3A_1650 = vector.broadcast %broadcast_in_dim3A_1649 : i32 to vector<16xi32>
      %gt3A_1651 = arith.cmpf ogt, %select_n3A_1648, %select_n3A_1640 : vector<16xf32>
      %gt3A_1652 = arith.cmpf ogt, %select_n3A_1648, %select_n3A_1637 : vector<16xf32>
      %select_n3A_1653 = arith.select %gt3A_1652, %select_n3A_1648, %select_n3A_1637 : vector<16xi1>, vector<16xf32>
      %select_n3A_1654 = arith.select %gt3A_1651, %select_n3A_1640, %select_n3A_1653 : vector<16xi1>, vector<16xf32>
      %select_n3A_1655 = arith.select %gt3A_1652, %broadcast_in_dim3A_1650, %select_n3A_1639 : vector<16xi1>, vector<16xi32>
      %select_n3A_1656 = arith.select %gt3A_1651, %select_n3A_1641, %select_n3A_1655 : vector<16xi1>, vector<16xi32>
      %select_n3A_1657 = arith.select %gt3A_1651, %select_n3A_1648, %select_n3A_1640 : vector<16xi1>, vector<16xf32>
      %select_n3A_1658 = arith.select %gt3A_1651, %broadcast_in_dim3A_1650, %select_n3A_1641 : vector<16xi1>, vector<16xi32>
      %get3A_1659 = arith.constant 9 : i32
      %get3A_1660 = arith.index_cast %get3A_1659 : i32 to index
      %get3A_1661 = arith.index_cast %mul3A_9 : i32 to index
      %get3A_1662 = tpu.vector_load %arg5[%get3A_1660, %get3A_1661] {strides = array<i32>} : memref<64x256xf32, #tpu.memory_space<vmem>>, vector<1x16xf32>,
      %get3A_1663 = vector.shape_cast %get3A_1662 : vector<1x16xf32> to vector<16xf32>
      %div3A_1664 = arith.divf %get3A_1663, %add3A_1278 : vector<16xf32>
      %select_n3A_1665 = arith.select %lt3A_1355, %div3A_1664, %broadcast_in_dim3A_1501 : vector<16xi1>, vector<16xf32>
      %broadcast_in_dim3A_1666 = arith.constant 9 : i32
      %broadcast_in_dim3A_1667 = vector.broadcast %broadcast_in_dim3A_1666 : i32 to vector<16xi32>
      %gt3A_1668 = arith.cmpf ogt, %select_n3A_1665, %select_n3A_1657 : vector<16xf32>
      %gt3A_1669 = arith.cmpf ogt, %select_n3A_1665, %select_n3A_1654 : vector<16xf32>
      %select_n3A_1670 = arith.select %gt3A_1669, %select_n3A_1665, %select_n3A_1654 : vector<16xi1>, vector<16xf32>
      %select_n3A_1671 = arith.select %gt3A_1668, %select_n3A_1657, %select_n3A_1670 : vector<16xi1>, vector<16xf32>
      %select_n3A_1672 = arith.select %gt3A_1669, %broadcast_in_dim3A_1667, %select_n3A_1656 : vector<16xi1>, vector<16xi32>
      %select_n3A_1673 = arith.select %gt3A_1668, %select_n3A_1658, %select_n3A_1672 : vector<16xi1>, vector<16xi32>
      %select_n3A_1674 = arith.select %gt3A_1668, %select_n3A_1665, %select_n3A_1657 : vector<16xi1>, vector<16xf32>
      %select_n3A_1675 = arith.select %gt3A_1668, %broadcast_in_dim3A_1667, %select_n3A_1658 : vector<16xi1>, vector<16xi32>
      %get3A_1676 = arith.constant 10 : i32
      %get3A_1677 = arith.index_cast %get3A_1676 : i32 to index
      %get3A_1678 = arith.index_cast %mul3A_9 : i32 to index
      %get3A_1679 = tpu.vector_load %arg5[%get3A_1677, %get3A_1678] {strides = array<i32>} : memref<64x256xf32, #tpu.memory_space<vmem>>, vector<1x16xf32>,
      %get3A_1680 = vector.shape_cast %get3A_1679 : vector<1x16xf32> to vector<16xf32>
      %div3A_1681 = arith.divf %get3A_1680, %add3A_1278 : vector<16xf32>
      %select_n3A_1682 = arith.select %lt3A_1355, %div3A_1681, %broadcast_in_dim3A_1501 : vector<16xi1>, vector<16xf32>
      %broadcast_in_dim3A_1683 = arith.constant 10 : i32
      %broadcast_in_dim3A_1684 = vector.broadcast %broadcast_in_dim3A_1683 : i32 to vector<16xi32>
      %gt3A_1685 = arith.cmpf ogt, %select_n3A_1682, %select_n3A_1674 : vector<16xf32>
      %gt3A_1686 = arith.cmpf ogt, %select_n3A_1682, %select_n3A_1671 : vector<16xf32>
      %select_n3A_1687 = arith.select %gt3A_1686, %select_n3A_1682, %select_n3A_1671 : vector<16xi1>, vector<16xf32>
      %select_n3A_1688 = arith.select %gt3A_1685, %select_n3A_1674, %select_n3A_1687 : vector<16xi1>, vector<16xf32>
      %select_n3A_1689 = arith.select %gt3A_1686, %broadcast_in_dim3A_1684, %select_n3A_1673 : vector<16xi1>, vector<16xi32>
      %select_n3A_1690 = arith.select %gt3A_1685, %select_n3A_1675, %select_n3A_1689 : vector<16xi1>, vector<16xi32>
      %select_n3A_1691 = arith.select %gt3A_1685, %select_n3A_1682, %select_n3A_1674 : vector<16xi1>, vector<16xf32>
      %select_n3A_1692 = arith.select %gt3A_1685, %broadcast_in_dim3A_1684, %select_n3A_1675 : vector<16xi1>, vector<16xi32>
      %get3A_1693 = arith.constant 11 : i32
      %get3A_1694 = arith.index_cast %get3A_1693 : i32 to index
      %get3A_1695 = arith.index_cast %mul3A_9 : i32 to index
      %get3A_1696 = tpu.vector_load %arg5[%get3A_1694, %get3A_1695] {strides = array<i32>} : memref<64x256xf32, #tpu.memory_space<vmem>>, vector<1x16xf32>,
      %get3A_1697 = vector.shape_cast %get3A_1696 : vector<1x16xf32> to vector<16xf32>
      %div3A_1698 = arith.divf %get3A_1697, %add3A_1278 : vector<16xf32>
      %select_n3A_1699 = arith.select %lt3A_1355, %div3A_1698, %broadcast_in_dim3A_1501 : vector<16xi1>, vector<16xf32>
      %broadcast_in_dim3A_1700 = arith.constant 11 : i32
      %broadcast_in_dim3A_1701 = vector.broadcast %broadcast_in_dim3A_1700 : i32 to vector<16xi32>
      %gt3A_1702 = arith.cmpf ogt, %select_n3A_1699, %select_n3A_1691 : vector<16xf32>
      %gt3A_1703 = arith.cmpf ogt, %select_n3A_1699, %select_n3A_1688 : vector<16xf32>
      %select_n3A_1704 = arith.select %gt3A_1703, %select_n3A_1699, %select_n3A_1688 : vector<16xi1>, vector<16xf32>
      %select_n3A_1705 = arith.select %gt3A_1702, %select_n3A_1691, %select_n3A_1704 : vector<16xi1>, vector<16xf32>
      %select_n3A_1706 = arith.select %gt3A_1703, %broadcast_in_dim3A_1701, %select_n3A_1690 : vector<16xi1>, vector<16xi32>
      %select_n3A_1707 = arith.select %gt3A_1702, %select_n3A_1692, %select_n3A_1706 : vector<16xi1>, vector<16xi32>
      %select_n3A_1708 = arith.select %gt3A_1702, %select_n3A_1699, %select_n3A_1691 : vector<16xi1>, vector<16xf32>
      %select_n3A_1709 = arith.select %gt3A_1702, %broadcast_in_dim3A_1701, %select_n3A_1692 : vector<16xi1>, vector<16xi32>
      %get3A_1710 = arith.constant 12 : i32
      %get3A_1711 = arith.index_cast %get3A_1710 : i32 to index
      %get3A_1712 = arith.index_cast %mul3A_9 : i32 to index
      %get3A_1713 = tpu.vector_load %arg5[%get3A_1711, %get3A_1712] {strides = array<i32>} : memref<64x256xf32, #tpu.memory_space<vmem>>, vector<1x16xf32>,
      %get3A_1714 = vector.shape_cast %get3A_1713 : vector<1x16xf32> to vector<16xf32>
      %div3A_1715 = arith.divf %get3A_1714, %add3A_1278 : vector<16xf32>
      %select_n3A_1716 = arith.select %lt3A_1355, %div3A_1715, %broadcast_in_dim3A_1501 : vector<16xi1>, vector<16xf32>
      %broadcast_in_dim3A_1717 = arith.constant 12 : i32
      %broadcast_in_dim3A_1718 = vector.broadcast %broadcast_in_dim3A_1717 : i32 to vector<16xi32>
      %gt3A_1719 = arith.cmpf ogt, %select_n3A_1716, %select_n3A_1708 : vector<16xf32>
      %gt3A_1720 = arith.cmpf ogt, %select_n3A_1716, %select_n3A_1705 : vector<16xf32>
      %select_n3A_1721 = arith.select %gt3A_1720, %select_n3A_1716, %select_n3A_1705 : vector<16xi1>, vector<16xf32>
      %select_n3A_1722 = arith.select %gt3A_1719, %select_n3A_1708, %select_n3A_1721 : vector<16xi1>, vector<16xf32>
      %select_n3A_1723 = arith.select %gt3A_1720, %broadcast_in_dim3A_1718, %select_n3A_1707 : vector<16xi1>, vector<16xi32>
      %select_n3A_1724 = arith.select %gt3A_1719, %select_n3A_1709, %select_n3A_1723 : vector<16xi1>, vector<16xi32>
      %select_n3A_1725 = arith.select %gt3A_1719, %select_n3A_1716, %select_n3A_1708 : vector<16xi1>, vector<16xf32>
      %select_n3A_1726 = arith.select %gt3A_1719, %broadcast_in_dim3A_1718, %select_n3A_1709 : vector<16xi1>, vector<16xi32>
      %get3A_1727 = arith.constant 13 : i32
      %get3A_1728 = arith.index_cast %get3A_1727 : i32 to index
      %get3A_1729 = arith.index_cast %mul3A_9 : i32 to index
      %get3A_1730 = tpu.vector_load %arg5[%get3A_1728, %get3A_1729] {strides = array<i32>} : memref<64x256xf32, #tpu.memory_space<vmem>>, vector<1x16xf32>,
      %get3A_1731 = vector.shape_cast %get3A_1730 : vector<1x16xf32> to vector<16xf32>
      %div3A_1732 = arith.divf %get3A_1731, %add3A_1278 : vector<16xf32>
      %select_n3A_1733 = arith.select %lt3A_1355, %div3A_1732, %broadcast_in_dim3A_1501 : vector<16xi1>, vector<16xf32>
      %broadcast_in_dim3A_1734 = arith.constant 13 : i32
      %broadcast_in_dim3A_1735 = vector.broadcast %broadcast_in_dim3A_1734 : i32 to vector<16xi32>
      %gt3A_1736 = arith.cmpf ogt, %select_n3A_1733, %select_n3A_1725 : vector<16xf32>
      %gt3A_1737 = arith.cmpf ogt, %select_n3A_1733, %select_n3A_1722 : vector<16xf32>
      %select_n3A_1738 = arith.select %gt3A_1737, %select_n3A_1733, %select_n3A_1722 : vector<16xi1>, vector<16xf32>
      %select_n3A_1739 = arith.select %gt3A_1736, %select_n3A_1725, %select_n3A_1738 : vector<16xi1>, vector<16xf32>
      %select_n3A_1740 = arith.select %gt3A_1737, %broadcast_in_dim3A_1735, %select_n3A_1724 : vector<16xi1>, vector<16xi32>
      %select_n3A_1741 = arith.select %gt3A_1736, %select_n3A_1726, %select_n3A_1740 : vector<16xi1>, vector<16xi32>
      %select_n3A_1742 = arith.select %gt3A_1736, %select_n3A_1733, %select_n3A_1725 : vector<16xi1>, vector<16xf32>
      %select_n3A_1743 = arith.select %gt3A_1736, %broadcast_in_dim3A_1735, %select_n3A_1726 : vector<16xi1>, vector<16xi32>
      %get3A_1744 = arith.constant 14 : i32
      %get3A_1745 = arith.index_cast %get3A_1744 : i32 to index
      %get3A_1746 = arith.index_cast %mul3A_9 : i32 to index
      %get3A_1747 = tpu.vector_load %arg5[%get3A_1745, %get3A_1746] {strides = array<i32>} : memref<64x256xf32, #tpu.memory_space<vmem>>, vector<1x16xf32>,
      %get3A_1748 = vector.shape_cast %get3A_1747 : vector<1x16xf32> to vector<16xf32>
      %div3A_1749 = arith.divf %get3A_1748, %add3A_1278 : vector<16xf32>
      %select_n3A_1750 = arith.select %lt3A_1355, %div3A_1749, %broadcast_in_dim3A_1501 : vector<16xi1>, vector<16xf32>
      %broadcast_in_dim3A_1751 = arith.constant 14 : i32
      %broadcast_in_dim3A_1752 = vector.broadcast %broadcast_in_dim3A_1751 : i32 to vector<16xi32>
      %gt3A_1753 = arith.cmpf ogt, %select_n3A_1750, %select_n3A_1742 : vector<16xf32>
      %gt3A_1754 = arith.cmpf ogt, %select_n3A_1750, %select_n3A_1739 : vector<16xf32>
      %select_n3A_1755 = arith.select %gt3A_1754, %select_n3A_1750, %select_n3A_1739 : vector<16xi1>, vector<16xf32>
      %select_n3A_1756 = arith.select %gt3A_1753, %select_n3A_1742, %select_n3A_1755 : vector<16xi1>, vector<16xf32>
      %select_n3A_1757 = arith.select %gt3A_1754, %broadcast_in_dim3A_1752, %select_n3A_1741 : vector<16xi1>, vector<16xi32>
      %select_n3A_1758 = arith.select %gt3A_1753, %select_n3A_1743, %select_n3A_1757 : vector<16xi1>, vector<16xi32>
      %select_n3A_1759 = arith.select %gt3A_1753, %select_n3A_1750, %select_n3A_1742 : vector<16xi1>, vector<16xf32>
      %select_n3A_1760 = arith.select %gt3A_1753, %broadcast_in_dim3A_1752, %select_n3A_1743 : vector<16xi1>, vector<16xi32>
      %get3A_1761 = arith.constant 15 : i32
      %get3A_1762 = arith.index_cast %get3A_1761 : i32 to index
      %get3A_1763 = arith.index_cast %mul3A_9 : i32 to index
      %get3A_1764 = tpu.vector_load %arg5[%get3A_1762, %get3A_1763] {strides = array<i32>} : memref<64x256xf32, #tpu.memory_space<vmem>>, vector<1x16xf32>,
      %get3A_1765 = vector.shape_cast %get3A_1764 : vector<1x16xf32> to vector<16xf32>
      %div3A_1766 = arith.divf %get3A_1765, %add3A_1278 : vector<16xf32>
      %select_n3A_1767 = arith.select %lt3A_1355, %div3A_1766, %broadcast_in_dim3A_1501 : vector<16xi1>, vector<16xf32>
      %broadcast_in_dim3A_1768 = arith.constant 15 : i32
      %broadcast_in_dim3A_1769 = vector.broadcast %broadcast_in_dim3A_1768 : i32 to vector<16xi32>
      %gt3A_1770 = arith.cmpf ogt, %select_n3A_1767, %select_n3A_1759 : vector<16xf32>
      %gt3A_1771 = arith.cmpf ogt, %select_n3A_1767, %select_n3A_1756 : vector<16xf32>
      %select_n3A_1772 = arith.select %gt3A_1771, %select_n3A_1767, %select_n3A_1756 : vector<16xi1>, vector<16xf32>
      %select_n3A_1773 = arith.select %gt3A_1770, %select_n3A_1759, %select_n3A_1772 : vector<16xi1>, vector<16xf32>
      %select_n3A_1774 = arith.select %gt3A_1771, %broadcast_in_dim3A_1769, %select_n3A_1758 : vector<16xi1>, vector<16xi32>
      %select_n3A_1775 = arith.select %gt3A_1770, %select_n3A_1760, %select_n3A_1774 : vector<16xi1>, vector<16xi32>
      %select_n3A_1776 = arith.select %gt3A_1770, %select_n3A_1767, %select_n3A_1759 : vector<16xi1>, vector<16xf32>
      %select_n3A_1777 = arith.select %gt3A_1770, %broadcast_in_dim3A_1769, %select_n3A_1760 : vector<16xi1>, vector<16xi32>
      %get3A_1778 = arith.constant 16 : i32
      %get3A_1779 = arith.index_cast %get3A_1778 : i32 to index
      %get3A_1780 = arith.index_cast %mul3A_9 : i32 to index
      %get3A_1781 = tpu.vector_load %arg5[%get3A_1779, %get3A_1780] {strides = array<i32>} : memref<64x256xf32, #tpu.memory_space<vmem>>, vector<1x16xf32>,
      %get3A_1782 = vector.shape_cast %get3A_1781 : vector<1x16xf32> to vector<16xf32>
      %div3A_1783 = arith.divf %get3A_1782, %add3A_1278 : vector<16xf32>
      %select_n3A_1784 = arith.select %lt3A_1379, %div3A_1783, %broadcast_in_dim3A_1501 : vector<16xi1>, vector<16xf32>
      %broadcast_in_dim3A_1785 = arith.constant 16 : i32
      %broadcast_in_dim3A_1786 = vector.broadcast %broadcast_in_dim3A_1785 : i32 to vector<16xi32>
      %gt3A_1787 = arith.cmpf ogt, %select_n3A_1784, %select_n3A_1776 : vector<16xf32>
      %gt3A_1788 = arith.cmpf ogt, %select_n3A_1784, %select_n3A_1773 : vector<16xf32>
      %select_n3A_1789 = arith.select %gt3A_1788, %select_n3A_1784, %select_n3A_1773 : vector<16xi1>, vector<16xf32>
      %select_n3A_1790 = arith.select %gt3A_1787, %select_n3A_1776, %select_n3A_1789 : vector<16xi1>, vector<16xf32>
      %select_n3A_1791 = arith.select %gt3A_1788, %broadcast_in_dim3A_1786, %select_n3A_1775 : vector<16xi1>, vector<16xi32>
      %select_n3A_1792 = arith.select %gt3A_1787, %select_n3A_1777, %select_n3A_1791 : vector<16xi1>, vector<16xi32>
      %select_n3A_1793 = arith.select %gt3A_1787, %select_n3A_1784, %select_n3A_1776 : vector<16xi1>, vector<16xf32>
      %select_n3A_1794 = arith.select %gt3A_1787, %broadcast_in_dim3A_1786, %select_n3A_1777 : vector<16xi1>, vector<16xi32>
      %get3A_1795 = arith.constant 17 : i32
      %get3A_1796 = arith.index_cast %get3A_1795 : i32 to index
      %get3A_1797 = arith.index_cast %mul3A_9 : i32 to index
      %get3A_1798 = tpu.vector_load %arg5[%get3A_1796, %get3A_1797] {strides = array<i32>} : memref<64x256xf32, #tpu.memory_space<vmem>>, vector<1x16xf32>,
      %get3A_1799 = vector.shape_cast %get3A_1798 : vector<1x16xf32> to vector<16xf32>
      %div3A_1800 = arith.divf %get3A_1799, %add3A_1278 : vector<16xf32>
      %select_n3A_1801 = arith.select %lt3A_1379, %div3A_1800, %broadcast_in_dim3A_1501 : vector<16xi1>, vector<16xf32>
      %broadcast_in_dim3A_1802 = arith.constant 17 : i32
      %broadcast_in_dim3A_1803 = vector.broadcast %broadcast_in_dim3A_1802 : i32 to vector<16xi32>
      %gt3A_1804 = arith.cmpf ogt, %select_n3A_1801, %select_n3A_1793 : vector<16xf32>
      %gt3A_1805 = arith.cmpf ogt, %select_n3A_1801, %select_n3A_1790 : vector<16xf32>
      %select_n3A_1806 = arith.select %gt3A_1805, %select_n3A_1801, %select_n3A_1790 : vector<16xi1>, vector<16xf32>
      %select_n3A_1807 = arith.select %gt3A_1804, %select_n3A_1793, %select_n3A_1806 : vector<16xi1>, vector<16xf32>
      %select_n3A_1808 = arith.select %gt3A_1805, %broadcast_in_dim3A_1803, %select_n3A_1792 : vector<16xi1>, vector<16xi32>
      %select_n3A_1809 = arith.select %gt3A_1804, %select_n3A_1794, %select_n3A_1808 : vector<16xi1>, vector<16xi32>
      %select_n3A_1810 = arith.select %gt3A_1804, %select_n3A_1801, %select_n3A_1793 : vector<16xi1>, vector<16xf32>
      %select_n3A_1811 = arith.select %gt3A_1804, %broadcast_in_dim3A_1803, %select_n3A_1794 : vector<16xi1>, vector<16xi32>
      %get3A_1812 = arith.constant 18 : i32
      %get3A_1813 = arith.index_cast %get3A_1812 : i32 to index
      %get3A_1814 = arith.index_cast %mul3A_9 : i32 to index
      %get3A_1815 = tpu.vector_load %arg5[%get3A_1813, %get3A_1814] {strides = array<i32>} : memref<64x256xf32, #tpu.memory_space<vmem>>, vector<1x16xf32>,
      %get3A_1816 = vector.shape_cast %get3A_1815 : vector<1x16xf32> to vector<16xf32>
      %div3A_1817 = arith.divf %get3A_1816, %add3A_1278 : vector<16xf32>
      %select_n3A_1818 = arith.select %lt3A_1379, %div3A_1817, %broadcast_in_dim3A_1501 : vector<16xi1>, vector<16xf32>
      %broadcast_in_dim3A_1819 = arith.constant 18 : i32
      %broadcast_in_dim3A_1820 = vector.broadcast %broadcast_in_dim3A_1819 : i32 to vector<16xi32>
      %gt3A_1821 = arith.cmpf ogt, %select_n3A_1818, %select_n3A_1810 : vector<16xf32>
      %gt3A_1822 = arith.cmpf ogt, %select_n3A_1818, %select_n3A_1807 : vector<16xf32>
      %select_n3A_1823 = arith.select %gt3A_1822, %select_n3A_1818, %select_n3A_1807 : vector<16xi1>, vector<16xf32>
      %select_n3A_1824 = arith.select %gt3A_1821, %select_n3A_1810, %select_n3A_1823 : vector<16xi1>, vector<16xf32>
      %select_n3A_1825 = arith.select %gt3A_1822, %broadcast_in_dim3A_1820, %select_n3A_1809 : vector<16xi1>, vector<16xi32>
      %select_n3A_1826 = arith.select %gt3A_1821, %select_n3A_1811, %select_n3A_1825 : vector<16xi1>, vector<16xi32>
      %select_n3A_1827 = arith.select %gt3A_1821, %select_n3A_1818, %select_n3A_1810 : vector<16xi1>, vector<16xf32>
      %select_n3A_1828 = arith.select %gt3A_1821, %broadcast_in_dim3A_1820, %select_n3A_1811 : vector<16xi1>, vector<16xi32>
      %get3A_1829 = arith.constant 19 : i32
      %get3A_1830 = arith.index_cast %get3A_1829 : i32 to index
      %get3A_1831 = arith.index_cast %mul3A_9 : i32 to index
      %get3A_1832 = tpu.vector_load %arg5[%get3A_1830, %get3A_1831] {strides = array<i32>} : memref<64x256xf32, #tpu.memory_space<vmem>>, vector<1x16xf32>,
      %get3A_1833 = vector.shape_cast %get3A_1832 : vector<1x16xf32> to vector<16xf32>
      %div3A_1834 = arith.divf %get3A_1833, %add3A_1278 : vector<16xf32>
      %select_n3A_1835 = arith.select %lt3A_1379, %div3A_1834, %broadcast_in_dim3A_1501 : vector<16xi1>, vector<16xf32>
      %broadcast_in_dim3A_1836 = arith.constant 19 : i32
      %broadcast_in_dim3A_1837 = vector.broadcast %broadcast_in_dim3A_1836 : i32 to vector<16xi32>
      %gt3A_1838 = arith.cmpf ogt, %select_n3A_1835, %select_n3A_1827 : vector<16xf32>
      %gt3A_1839 = arith.cmpf ogt, %select_n3A_1835, %select_n3A_1824 : vector<16xf32>
      %select_n3A_1840 = arith.select %gt3A_1839, %select_n3A_1835, %select_n3A_1824 : vector<16xi1>, vector<16xf32>
      %select_n3A_1841 = arith.select %gt3A_1838, %select_n3A_1827, %select_n3A_1840 : vector<16xi1>, vector<16xf32>
      %select_n3A_1842 = arith.select %gt3A_1839, %broadcast_in_dim3A_1837, %select_n3A_1826 : vector<16xi1>, vector<16xi32>
      %select_n3A_1843 = arith.select %gt3A_1838, %select_n3A_1828, %select_n3A_1842 : vector<16xi1>, vector<16xi32>
      %select_n3A_1844 = arith.select %gt3A_1838, %select_n3A_1835, %select_n3A_1827 : vector<16xi1>, vector<16xf32>
      %select_n3A_1845 = arith.select %gt3A_1838, %broadcast_in_dim3A_1837, %select_n3A_1828 : vector<16xi1>, vector<16xi32>
      %get3A_1846 = arith.constant 20 : i32
      %get3A_1847 = arith.index_cast %get3A_1846 : i32 to index
      %get3A_1848 = arith.index_cast %mul3A_9 : i32 to index
      %get3A_1849 = tpu.vector_load %arg5[%get3A_1847, %get3A_1848] {strides = array<i32>} : memref<64x256xf32, #tpu.memory_space<vmem>>, vector<1x16xf32>,
      %get3A_1850 = vector.shape_cast %get3A_1849 : vector<1x16xf32> to vector<16xf32>
      %div3A_1851 = arith.divf %get3A_1850, %add3A_1278 : vector<16xf32>
      %select_n3A_1852 = arith.select %lt3A_1379, %div3A_1851, %broadcast_in_dim3A_1501 : vector<16xi1>, vector<16xf32>
      %broadcast_in_dim3A_1853 = arith.constant 20 : i32
      %broadcast_in_dim3A_1854 = vector.broadcast %broadcast_in_dim3A_1853 : i32 to vector<16xi32>
      %gt3A_1855 = arith.cmpf ogt, %select_n3A_1852, %select_n3A_1844 : vector<16xf32>
      %gt3A_1856 = arith.cmpf ogt, %select_n3A_1852, %select_n3A_1841 : vector<16xf32>
      %select_n3A_1857 = arith.select %gt3A_1856, %select_n3A_1852, %select_n3A_1841 : vector<16xi1>, vector<16xf32>
      %select_n3A_1858 = arith.select %gt3A_1855, %select_n3A_1844, %select_n3A_1857 : vector<16xi1>, vector<16xf32>
      %select_n3A_1859 = arith.select %gt3A_1856, %broadcast_in_dim3A_1854, %select_n3A_1843 : vector<16xi1>, vector<16xi32>
      %select_n3A_1860 = arith.select %gt3A_1855, %select_n3A_1845, %select_n3A_1859 : vector<16xi1>, vector<16xi32>
      %select_n3A_1861 = arith.select %gt3A_1855, %select_n3A_1852, %select_n3A_1844 : vector<16xi1>, vector<16xf32>
      %select_n3A_1862 = arith.select %gt3A_1855, %broadcast_in_dim3A_1854, %select_n3A_1845 : vector<16xi1>, vector<16xi32>
      %get3A_1863 = arith.constant 21 : i32
      %get3A_1864 = arith.index_cast %get3A_1863 : i32 to index
      %get3A_1865 = arith.index_cast %mul3A_9 : i32 to index
      %get3A_1866 = tpu.vector_load %arg5[%get3A_1864, %get3A_1865] {strides = array<i32>} : memref<64x256xf32, #tpu.memory_space<vmem>>, vector<1x16xf32>,
      %get3A_1867 = vector.shape_cast %get3A_1866 : vector<1x16xf32> to vector<16xf32>
      %div3A_1868 = arith.divf %get3A_1867, %add3A_1278 : vector<16xf32>
      %select_n3A_1869 = arith.select %lt3A_1379, %div3A_1868, %broadcast_in_dim3A_1501 : vector<16xi1>, vector<16xf32>
      %broadcast_in_dim3A_1870 = arith.constant 21 : i32
      %broadcast_in_dim3A_1871 = vector.broadcast %broadcast_in_dim3A_1870 : i32 to vector<16xi32>
      %gt3A_1872 = arith.cmpf ogt, %select_n3A_1869, %select_n3A_1861 : vector<16xf32>
      %gt3A_1873 = arith.cmpf ogt, %select_n3A_1869, %select_n3A_1858 : vector<16xf32>
      %select_n3A_1874 = arith.select %gt3A_1873, %select_n3A_1869, %select_n3A_1858 : vector<16xi1>, vector<16xf32>
      %select_n3A_1875 = arith.select %gt3A_1872, %select_n3A_1861, %select_n3A_1874 : vector<16xi1>, vector<16xf32>
      %select_n3A_1876 = arith.select %gt3A_1873, %broadcast_in_dim3A_1871, %select_n3A_1860 : vector<16xi1>, vector<16xi32>
      %select_n3A_1877 = arith.select %gt3A_1872, %select_n3A_1862, %select_n3A_1876 : vector<16xi1>, vector<16xi32>
      %select_n3A_1878 = arith.select %gt3A_1872, %select_n3A_1869, %select_n3A_1861 : vector<16xi1>, vector<16xf32>
      %select_n3A_1879 = arith.select %gt3A_1872, %broadcast_in_dim3A_1871, %select_n3A_1862 : vector<16xi1>, vector<16xi32>
      %get3A_1880 = arith.constant 22 : i32
      %get3A_1881 = arith.index_cast %get3A_1880 : i32 to index
      %get3A_1882 = arith.index_cast %mul3A_9 : i32 to index
      %get3A_1883 = tpu.vector_load %arg5[%get3A_1881, %get3A_1882] {strides = array<i32>} : memref<64x256xf32, #tpu.memory_space<vmem>>, vector<1x16xf32>,
      %get3A_1884 = vector.shape_cast %get3A_1883 : vector<1x16xf32> to vector<16xf32>
      %div3A_1885 = arith.divf %get3A_1884, %add3A_1278 : vector<16xf32>
      %select_n3A_1886 = arith.select %lt3A_1379, %div3A_1885, %broadcast_in_dim3A_1501 : vector<16xi1>, vector<16xf32>
      %broadcast_in_dim3A_1887 = arith.constant 22 : i32
      %broadcast_in_dim3A_1888 = vector.broadcast %broadcast_in_dim3A_1887 : i32 to vector<16xi32>
      %gt3A_1889 = arith.cmpf ogt, %select_n3A_1886, %select_n3A_1878 : vector<16xf32>
      %gt3A_1890 = arith.cmpf ogt, %select_n3A_1886, %select_n3A_1875 : vector<16xf32>
      %select_n3A_1891 = arith.select %gt3A_1890, %select_n3A_1886, %select_n3A_1875 : vector<16xi1>, vector<16xf32>
      %select_n3A_1892 = arith.select %gt3A_1889, %select_n3A_1878, %select_n3A_1891 : vector<16xi1>, vector<16xf32>
      %select_n3A_1893 = arith.select %gt3A_1890, %broadcast_in_dim3A_1888, %select_n3A_1877 : vector<16xi1>, vector<16xi32>
      %select_n3A_1894 = arith.select %gt3A_1889, %select_n3A_1879, %select_n3A_1893 : vector<16xi1>, vector<16xi32>
      %select_n3A_1895 = arith.select %gt3A_1889, %select_n3A_1886, %select_n3A_1878 : vector<16xi1>, vector<16xf32>
      %select_n3A_1896 = arith.select %gt3A_1889, %broadcast_in_dim3A_1888, %select_n3A_1879 : vector<16xi1>, vector<16xi32>
      %get3A_1897 = arith.constant 23 : i32
      %get3A_1898 = arith.index_cast %get3A_1897 : i32 to index
      %get3A_1899 = arith.index_cast %mul3A_9 : i32 to index
      %get3A_1900 = tpu.vector_load %arg5[%get3A_1898, %get3A_1899] {strides = array<i32>} : memref<64x256xf32, #tpu.memory_space<vmem>>, vector<1x16xf32>,
      %get3A_1901 = vector.shape_cast %get3A_1900 : vector<1x16xf32> to vector<16xf32>
      %div3A_1902 = arith.divf %get3A_1901, %add3A_1278 : vector<16xf32>
      %select_n3A_1903 = arith.select %lt3A_1379, %div3A_1902, %broadcast_in_dim3A_1501 : vector<16xi1>, vector<16xf32>
      %broadcast_in_dim3A_1904 = arith.constant 23 : i32
      %broadcast_in_dim3A_1905 = vector.broadcast %broadcast_in_dim3A_1904 : i32 to vector<16xi32>
      %gt3A_1906 = arith.cmpf ogt, %select_n3A_1903, %select_n3A_1895 : vector<16xf32>
      %gt3A_1907 = arith.cmpf ogt, %select_n3A_1903, %select_n3A_1892 : vector<16xf32>
      %select_n3A_1908 = arith.select %gt3A_1907, %select_n3A_1903, %select_n3A_1892 : vector<16xi1>, vector<16xf32>
      %select_n3A_1909 = arith.select %gt3A_1906, %select_n3A_1895, %select_n3A_1908 : vector<16xi1>, vector<16xf32>
      %select_n3A_1910 = arith.select %gt3A_1907, %broadcast_in_dim3A_1905, %select_n3A_1894 : vector<16xi1>, vector<16xi32>
      %select_n3A_1911 = arith.select %gt3A_1906, %select_n3A_1896, %select_n3A_1910 : vector<16xi1>, vector<16xi32>
      %select_n3A_1912 = arith.select %gt3A_1906, %select_n3A_1903, %select_n3A_1895 : vector<16xi1>, vector<16xf32>
      %select_n3A_1913 = arith.select %gt3A_1906, %broadcast_in_dim3A_1905, %select_n3A_1896 : vector<16xi1>, vector<16xi32>
      %get3A_1914 = arith.constant 24 : i32
      %get3A_1915 = arith.index_cast %get3A_1914 : i32 to index
      %get3A_1916 = arith.index_cast %mul3A_9 : i32 to index
      %get3A_1917 = tpu.vector_load %arg5[%get3A_1915, %get3A_1916] {strides = array<i32>} : memref<64x256xf32, #tpu.memory_space<vmem>>, vector<1x16xf32>,
      %get3A_1918 = vector.shape_cast %get3A_1917 : vector<1x16xf32> to vector<16xf32>
      %div3A_1919 = arith.divf %get3A_1918, %add3A_1278 : vector<16xf32>
      %select_n3A_1920 = arith.select %lt3A_1403, %div3A_1919, %broadcast_in_dim3A_1501 : vector<16xi1>, vector<16xf32>
      %broadcast_in_dim3A_1921 = arith.constant 24 : i32
      %broadcast_in_dim3A_1922 = vector.broadcast %broadcast_in_dim3A_1921 : i32 to vector<16xi32>
      %gt3A_1923 = arith.cmpf ogt, %select_n3A_1920, %select_n3A_1912 : vector<16xf32>
      %gt3A_1924 = arith.cmpf ogt, %select_n3A_1920, %select_n3A_1909 : vector<16xf32>
      %select_n3A_1925 = arith.select %gt3A_1924, %select_n3A_1920, %select_n3A_1909 : vector<16xi1>, vector<16xf32>
      %select_n3A_1926 = arith.select %gt3A_1923, %select_n3A_1912, %select_n3A_1925 : vector<16xi1>, vector<16xf32>
      %select_n3A_1927 = arith.select %gt3A_1924, %broadcast_in_dim3A_1922, %select_n3A_1911 : vector<16xi1>, vector<16xi32>
      %select_n3A_1928 = arith.select %gt3A_1923, %select_n3A_1913, %select_n3A_1927 : vector<16xi1>, vector<16xi32>
      %select_n3A_1929 = arith.select %gt3A_1923, %select_n3A_1920, %select_n3A_1912 : vector<16xi1>, vector<16xf32>
      %select_n3A_1930 = arith.select %gt3A_1923, %broadcast_in_dim3A_1922, %select_n3A_1913 : vector<16xi1>, vector<16xi32>
      %get3A_1931 = arith.constant 25 : i32
      %get3A_1932 = arith.index_cast %get3A_1931 : i32 to index
      %get3A_1933 = arith.index_cast %mul3A_9 : i32 to index
      %get3A_1934 = tpu.vector_load %arg5[%get3A_1932, %get3A_1933] {strides = array<i32>} : memref<64x256xf32, #tpu.memory_space<vmem>>, vector<1x16xf32>,
      %get3A_1935 = vector.shape_cast %get3A_1934 : vector<1x16xf32> to vector<16xf32>
      %div3A_1936 = arith.divf %get3A_1935, %add3A_1278 : vector<16xf32>
      %select_n3A_1937 = arith.select %lt3A_1403, %div3A_1936, %broadcast_in_dim3A_1501 : vector<16xi1>, vector<16xf32>
      %broadcast_in_dim3A_1938 = arith.constant 25 : i32
      %broadcast_in_dim3A_1939 = vector.broadcast %broadcast_in_dim3A_1938 : i32 to vector<16xi32>
      %gt3A_1940 = arith.cmpf ogt, %select_n3A_1937, %select_n3A_1929 : vector<16xf32>
      %gt3A_1941 = arith.cmpf ogt, %select_n3A_1937, %select_n3A_1926 : vector<16xf32>
      %select_n3A_1942 = arith.select %gt3A_1941, %select_n3A_1937, %select_n3A_1926 : vector<16xi1>, vector<16xf32>
      %select_n3A_1943 = arith.select %gt3A_1940, %select_n3A_1929, %select_n3A_1942 : vector<16xi1>, vector<16xf32>
      %select_n3A_1944 = arith.select %gt3A_1941, %broadcast_in_dim3A_1939, %select_n3A_1928 : vector<16xi1>, vector<16xi32>
      %select_n3A_1945 = arith.select %gt3A_1940, %select_n3A_1930, %select_n3A_1944 : vector<16xi1>, vector<16xi32>
      %select_n3A_1946 = arith.select %gt3A_1940, %select_n3A_1937, %select_n3A_1929 : vector<16xi1>, vector<16xf32>
      %select_n3A_1947 = arith.select %gt3A_1940, %broadcast_in_dim3A_1939, %select_n3A_1930 : vector<16xi1>, vector<16xi32>
      %get3A_1948 = arith.constant 26 : i32
      %get3A_1949 = arith.index_cast %get3A_1948 : i32 to index
      %get3A_1950 = arith.index_cast %mul3A_9 : i32 to index
      %get3A_1951 = tpu.vector_load %arg5[%get3A_1949, %get3A_1950] {strides = array<i32>} : memref<64x256xf32, #tpu.memory_space<vmem>>, vector<1x16xf32>,
      %get3A_1952 = vector.shape_cast %get3A_1951 : vector<1x16xf32> to vector<16xf32>
      %div3A_1953 = arith.divf %get3A_1952, %add3A_1278 : vector<16xf32>
      %select_n3A_1954 = arith.select %lt3A_1403, %div3A_1953, %broadcast_in_dim3A_1501 : vector<16xi1>, vector<16xf32>
      %broadcast_in_dim3A_1955 = arith.constant 26 : i32
      %broadcast_in_dim3A_1956 = vector.broadcast %broadcast_in_dim3A_1955 : i32 to vector<16xi32>
      %gt3A_1957 = arith.cmpf ogt, %select_n3A_1954, %select_n3A_1946 : vector<16xf32>
      %gt3A_1958 = arith.cmpf ogt, %select_n3A_1954, %select_n3A_1943 : vector<16xf32>
      %select_n3A_1959 = arith.select %gt3A_1958, %select_n3A_1954, %select_n3A_1943 : vector<16xi1>, vector<16xf32>
      %select_n3A_1960 = arith.select %gt3A_1957, %select_n3A_1946, %select_n3A_1959 : vector<16xi1>, vector<16xf32>
      %select_n3A_1961 = arith.select %gt3A_1958, %broadcast_in_dim3A_1956, %select_n3A_1945 : vector<16xi1>, vector<16xi32>
      %select_n3A_1962 = arith.select %gt3A_1957, %select_n3A_1947, %select_n3A_1961 : vector<16xi1>, vector<16xi32>
      %select_n3A_1963 = arith.select %gt3A_1957, %select_n3A_1954, %select_n3A_1946 : vector<16xi1>, vector<16xf32>
      %select_n3A_1964 = arith.select %gt3A_1957, %broadcast_in_dim3A_1956, %select_n3A_1947 : vector<16xi1>, vector<16xi32>
      %get3A_1965 = arith.constant 27 : i32
      %get3A_1966 = arith.index_cast %get3A_1965 : i32 to index
      %get3A_1967 = arith.index_cast %mul3A_9 : i32 to index
      %get3A_1968 = tpu.vector_load %arg5[%get3A_1966, %get3A_1967] {strides = array<i32>} : memref<64x256xf32, #tpu.memory_space<vmem>>, vector<1x16xf32>,
      %get3A_1969 = vector.shape_cast %get3A_1968 : vector<1x16xf32> to vector<16xf32>
      %div3A_1970 = arith.divf %get3A_1969, %add3A_1278 : vector<16xf32>
      %select_n3A_1971 = arith.select %lt3A_1403, %div3A_1970, %broadcast_in_dim3A_1501 : vector<16xi1>, vector<16xf32>
      %broadcast_in_dim3A_1972 = arith.constant 27 : i32
      %broadcast_in_dim3A_1973 = vector.broadcast %broadcast_in_dim3A_1972 : i32 to vector<16xi32>
      %gt3A_1974 = arith.cmpf ogt, %select_n3A_1971, %select_n3A_1963 : vector<16xf32>
      %gt3A_1975 = arith.cmpf ogt, %select_n3A_1971, %select_n3A_1960 : vector<16xf32>
      %select_n3A_1976 = arith.select %gt3A_1975, %select_n3A_1971, %select_n3A_1960 : vector<16xi1>, vector<16xf32>
      %select_n3A_1977 = arith.select %gt3A_1974, %select_n3A_1963, %select_n3A_1976 : vector<16xi1>, vector<16xf32>
      %select_n3A_1978 = arith.select %gt3A_1975, %broadcast_in_dim3A_1973, %select_n3A_1962 : vector<16xi1>, vector<16xi32>
      %select_n3A_1979 = arith.select %gt3A_1974, %select_n3A_1964, %select_n3A_1978 : vector<16xi1>, vector<16xi32>
      %select_n3A_1980 = arith.select %gt3A_1974, %select_n3A_1971, %select_n3A_1963 : vector<16xi1>, vector<16xf32>
      %select_n3A_1981 = arith.select %gt3A_1974, %broadcast_in_dim3A_1973, %select_n3A_1964 : vector<16xi1>, vector<16xi32>
      %get3A_1982 = arith.constant 28 : i32
      %get3A_1983 = arith.index_cast %get3A_1982 : i32 to index
      %get3A_1984 = arith.index_cast %mul3A_9 : i32 to index
      %get3A_1985 = tpu.vector_load %arg5[%get3A_1983, %get3A_1984] {strides = array<i32>} : memref<64x256xf32, #tpu.memory_space<vmem>>, vector<1x16xf32>,
      %get3A_1986 = vector.shape_cast %get3A_1985 : vector<1x16xf32> to vector<16xf32>
      %div3A_1987 = arith.divf %get3A_1986, %add3A_1278 : vector<16xf32>
      %select_n3A_1988 = arith.select %lt3A_1403, %div3A_1987, %broadcast_in_dim3A_1501 : vector<16xi1>, vector<16xf32>
      %broadcast_in_dim3A_1989 = arith.constant 28 : i32
      %broadcast_in_dim3A_1990 = vector.broadcast %broadcast_in_dim3A_1989 : i32 to vector<16xi32>
      %gt3A_1991 = arith.cmpf ogt, %select_n3A_1988, %select_n3A_1980 : vector<16xf32>
      %gt3A_1992 = arith.cmpf ogt, %select_n3A_1988, %select_n3A_1977 : vector<16xf32>
      %select_n3A_1993 = arith.select %gt3A_1992, %select_n3A_1988, %select_n3A_1977 : vector<16xi1>, vector<16xf32>
      %select_n3A_1994 = arith.select %gt3A_1991, %select_n3A_1980, %select_n3A_1993 : vector<16xi1>, vector<16xf32>
      %select_n3A_1995 = arith.select %gt3A_1992, %broadcast_in_dim3A_1990, %select_n3A_1979 : vector<16xi1>, vector<16xi32>
      %select_n3A_1996 = arith.select %gt3A_1991, %select_n3A_1981, %select_n3A_1995 : vector<16xi1>, vector<16xi32>
      %select_n3A_1997 = arith.select %gt3A_1991, %select_n3A_1988, %select_n3A_1980 : vector<16xi1>, vector<16xf32>
      %select_n3A_1998 = arith.select %gt3A_1991, %broadcast_in_dim3A_1990, %select_n3A_1981 : vector<16xi1>, vector<16xi32>
      %get3A_1999 = arith.constant 29 : i32
      %get3A_2000 = arith.index_cast %get3A_1999 : i32 to index
      %get3A_2001 = arith.index_cast %mul3A_9 : i32 to index
      %get3A_2002 = tpu.vector_load %arg5[%get3A_2000, %get3A_2001] {strides = array<i32>} : memref<64x256xf32, #tpu.memory_space<vmem>>, vector<1x16xf32>,
      %get3A_2003 = vector.shape_cast %get3A_2002 : vector<1x16xf32> to vector<16xf32>
      %div3A_2004 = arith.divf %get3A_2003, %add3A_1278 : vector<16xf32>
      %select_n3A_2005 = arith.select %lt3A_1403, %div3A_2004, %broadcast_in_dim3A_1501 : vector<16xi1>, vector<16xf32>
      %broadcast_in_dim3A_2006 = arith.constant 29 : i32
      %broadcast_in_dim3A_2007 = vector.broadcast %broadcast_in_dim3A_2006 : i32 to vector<16xi32>
      %gt3A_2008 = arith.cmpf ogt, %select_n3A_2005, %select_n3A_1997 : vector<16xf32>
      %gt3A_2009 = arith.cmpf ogt, %select_n3A_2005, %select_n3A_1994 : vector<16xf32>
      %select_n3A_2010 = arith.select %gt3A_2009, %select_n3A_2005, %select_n3A_1994 : vector<16xi1>, vector<16xf32>
      %select_n3A_2011 = arith.select %gt3A_2008, %select_n3A_1997, %select_n3A_2010 : vector<16xi1>, vector<16xf32>
      %select_n3A_2012 = arith.select %gt3A_2009, %broadcast_in_dim3A_2007, %select_n3A_1996 : vector<16xi1>, vector<16xi32>
      %select_n3A_2013 = arith.select %gt3A_2008, %select_n3A_1998, %select_n3A_2012 : vector<16xi1>, vector<16xi32>
      %select_n3A_2014 = arith.select %gt3A_2008, %select_n3A_2005, %select_n3A_1997 : vector<16xi1>, vector<16xf32>
      %select_n3A_2015 = arith.select %gt3A_2008, %broadcast_in_dim3A_2007, %select_n3A_1998 : vector<16xi1>, vector<16xi32>
      %get3A_2016 = arith.constant 30 : i32
      %get3A_2017 = arith.index_cast %get3A_2016 : i32 to index
      %get3A_2018 = arith.index_cast %mul3A_9 : i32 to index
      %get3A_2019 = tpu.vector_load %arg5[%get3A_2017, %get3A_2018] {strides = array<i32>} : memref<64x256xf32, #tpu.memory_space<vmem>>, vector<1x16xf32>,
      %get3A_2020 = vector.shape_cast %get3A_2019 : vector<1x16xf32> to vector<16xf32>
      %div3A_2021 = arith.divf %get3A_2020, %add3A_1278 : vector<16xf32>
      %select_n3A_2022 = arith.select %lt3A_1403, %div3A_2021, %broadcast_in_dim3A_1501 : vector<16xi1>, vector<16xf32>
      %broadcast_in_dim3A_2023 = arith.constant 30 : i32
      %broadcast_in_dim3A_2024 = vector.broadcast %broadcast_in_dim3A_2023 : i32 to vector<16xi32>
      %gt3A_2025 = arith.cmpf ogt, %select_n3A_2022, %select_n3A_2014 : vector<16xf32>
      %gt3A_2026 = arith.cmpf ogt, %select_n3A_2022, %select_n3A_2011 : vector<16xf32>
      %select_n3A_2027 = arith.select %gt3A_2026, %select_n3A_2022, %select_n3A_2011 : vector<16xi1>, vector<16xf32>
      %select_n3A_2028 = arith.select %gt3A_2025, %select_n3A_2014, %select_n3A_2027 : vector<16xi1>, vector<16xf32>
      %select_n3A_2029 = arith.select %gt3A_2026, %broadcast_in_dim3A_2024, %select_n3A_2013 : vector<16xi1>, vector<16xi32>
      %select_n3A_2030 = arith.select %gt3A_2025, %select_n3A_2015, %select_n3A_2029 : vector<16xi1>, vector<16xi32>
      %select_n3A_2031 = arith.select %gt3A_2025, %select_n3A_2022, %select_n3A_2014 : vector<16xi1>, vector<16xf32>
      %select_n3A_2032 = arith.select %gt3A_2025, %broadcast_in_dim3A_2024, %select_n3A_2015 : vector<16xi1>, vector<16xi32>
      %get3A_2033 = arith.constant 31 : i32
      %get3A_2034 = arith.index_cast %get3A_2033 : i32 to index
      %get3A_2035 = arith.index_cast %mul3A_9 : i32 to index
      %get3A_2036 = tpu.vector_load %arg5[%get3A_2034, %get3A_2035] {strides = array<i32>} : memref<64x256xf32, #tpu.memory_space<vmem>>, vector<1x16xf32>,
      %get3A_2037 = vector.shape_cast %get3A_2036 : vector<1x16xf32> to vector<16xf32>
      %div3A_2038 = arith.divf %get3A_2037, %add3A_1278 : vector<16xf32>
      %select_n3A_2039 = arith.select %lt3A_1403, %div3A_2038, %broadcast_in_dim3A_1501 : vector<16xi1>, vector<16xf32>
      %broadcast_in_dim3A_2040 = arith.constant 31 : i32
      %broadcast_in_dim3A_2041 = vector.broadcast %broadcast_in_dim3A_2040 : i32 to vector<16xi32>
      %gt3A_2042 = arith.cmpf ogt, %select_n3A_2039, %select_n3A_2031 : vector<16xf32>
      %gt3A_2043 = arith.cmpf ogt, %select_n3A_2039, %select_n3A_2028 : vector<16xf32>
      %select_n3A_2044 = arith.select %gt3A_2043, %select_n3A_2039, %select_n3A_2028 : vector<16xi1>, vector<16xf32>
      %select_n3A_2045 = arith.select %gt3A_2042, %select_n3A_2031, %select_n3A_2044 : vector<16xi1>, vector<16xf32>
      %select_n3A_2046 = arith.select %gt3A_2043, %broadcast_in_dim3A_2041, %select_n3A_2030 : vector<16xi1>, vector<16xi32>
      %select_n3A_2047 = arith.select %gt3A_2042, %select_n3A_2032, %select_n3A_2046 : vector<16xi1>, vector<16xi32>
      %select_n3A_2048 = arith.select %gt3A_2042, %select_n3A_2039, %select_n3A_2031 : vector<16xi1>, vector<16xf32>
      %select_n3A_2049 = arith.select %gt3A_2042, %broadcast_in_dim3A_2041, %select_n3A_2032 : vector<16xi1>, vector<16xi32>
      %get3A_2050 = arith.constant 32 : i32
      %get3A_2051 = arith.index_cast %get3A_2050 : i32 to index
      %get3A_2052 = arith.index_cast %mul3A_9 : i32 to index
      %get3A_2053 = tpu.vector_load %arg5[%get3A_2051, %get3A_2052] {strides = array<i32>} : memref<64x256xf32, #tpu.memory_space<vmem>>, vector<1x16xf32>,
      %get3A_2054 = vector.shape_cast %get3A_2053 : vector<1x16xf32> to vector<16xf32>
      %div3A_2055 = arith.divf %get3A_2054, %add3A_1278 : vector<16xf32>
      %select_n3A_2056 = arith.select %lt3A_1427, %div3A_2055, %broadcast_in_dim3A_1501 : vector<16xi1>, vector<16xf32>
      %broadcast_in_dim3A_2057 = arith.constant 32 : i32
      %broadcast_in_dim3A_2058 = vector.broadcast %broadcast_in_dim3A_2057 : i32 to vector<16xi32>
      %gt3A_2059 = arith.cmpf ogt, %select_n3A_2056, %select_n3A_2048 : vector<16xf32>
      %gt3A_2060 = arith.cmpf ogt, %select_n3A_2056, %select_n3A_2045 : vector<16xf32>
      %select_n3A_2061 = arith.select %gt3A_2060, %select_n3A_2056, %select_n3A_2045 : vector<16xi1>, vector<16xf32>
      %select_n3A_2062 = arith.select %gt3A_2059, %select_n3A_2048, %select_n3A_2061 : vector<16xi1>, vector<16xf32>
      %select_n3A_2063 = arith.select %gt3A_2060, %broadcast_in_dim3A_2058, %select_n3A_2047 : vector<16xi1>, vector<16xi32>
      %select_n3A_2064 = arith.select %gt3A_2059, %select_n3A_2049, %select_n3A_2063 : vector<16xi1>, vector<16xi32>
      %select_n3A_2065 = arith.select %gt3A_2059, %select_n3A_2056, %select_n3A_2048 : vector<16xi1>, vector<16xf32>
      %select_n3A_2066 = arith.select %gt3A_2059, %broadcast_in_dim3A_2058, %select_n3A_2049 : vector<16xi1>, vector<16xi32>
      %get3A_2067 = arith.constant 33 : i32
      %get3A_2068 = arith.index_cast %get3A_2067 : i32 to index
      %get3A_2069 = arith.index_cast %mul3A_9 : i32 to index
      %get3A_2070 = tpu.vector_load %arg5[%get3A_2068, %get3A_2069] {strides = array<i32>} : memref<64x256xf32, #tpu.memory_space<vmem>>, vector<1x16xf32>,
      %get3A_2071 = vector.shape_cast %get3A_2070 : vector<1x16xf32> to vector<16xf32>
      %div3A_2072 = arith.divf %get3A_2071, %add3A_1278 : vector<16xf32>
      %select_n3A_2073 = arith.select %lt3A_1427, %div3A_2072, %broadcast_in_dim3A_1501 : vector<16xi1>, vector<16xf32>
      %broadcast_in_dim3A_2074 = arith.constant 33 : i32
      %broadcast_in_dim3A_2075 = vector.broadcast %broadcast_in_dim3A_2074 : i32 to vector<16xi32>
      %gt3A_2076 = arith.cmpf ogt, %select_n3A_2073, %select_n3A_2065 : vector<16xf32>
      %gt3A_2077 = arith.cmpf ogt, %select_n3A_2073, %select_n3A_2062 : vector<16xf32>
      %select_n3A_2078 = arith.select %gt3A_2077, %select_n3A_2073, %select_n3A_2062 : vector<16xi1>, vector<16xf32>
      %select_n3A_2079 = arith.select %gt3A_2076, %select_n3A_2065, %select_n3A_2078 : vector<16xi1>, vector<16xf32>
      %select_n3A_2080 = arith.select %gt3A_2077, %broadcast_in_dim3A_2075, %select_n3A_2064 : vector<16xi1>, vector<16xi32>
      %select_n3A_2081 = arith.select %gt3A_2076, %select_n3A_2066, %select_n3A_2080 : vector<16xi1>, vector<16xi32>
      %select_n3A_2082 = arith.select %gt3A_2076, %select_n3A_2073, %select_n3A_2065 : vector<16xi1>, vector<16xf32>
      %select_n3A_2083 = arith.select %gt3A_2076, %broadcast_in_dim3A_2075, %select_n3A_2066 : vector<16xi1>, vector<16xi32>
      %get3A_2084 = arith.constant 34 : i32
      %get3A_2085 = arith.index_cast %get3A_2084 : i32 to index
      %get3A_2086 = arith.index_cast %mul3A_9 : i32 to index
      %get3A_2087 = tpu.vector_load %arg5[%get3A_2085, %get3A_2086] {strides = array<i32>} : memref<64x256xf32, #tpu.memory_space<vmem>>, vector<1x16xf32>,
      %get3A_2088 = vector.shape_cast %get3A_2087 : vector<1x16xf32> to vector<16xf32>
      %div3A_2089 = arith.divf %get3A_2088, %add3A_1278 : vector<16xf32>
      %select_n3A_2090 = arith.select %lt3A_1427, %div3A_2089, %broadcast_in_dim3A_1501 : vector<16xi1>, vector<16xf32>
      %broadcast_in_dim3A_2091 = arith.constant 34 : i32
      %broadcast_in_dim3A_2092 = vector.broadcast %broadcast_in_dim3A_2091 : i32 to vector<16xi32>
      %gt3A_2093 = arith.cmpf ogt, %select_n3A_2090, %select_n3A_2082 : vector<16xf32>
      %gt3A_2094 = arith.cmpf ogt, %select_n3A_2090, %select_n3A_2079 : vector<16xf32>
      %select_n3A_2095 = arith.select %gt3A_2094, %select_n3A_2090, %select_n3A_2079 : vector<16xi1>, vector<16xf32>
      %select_n3A_2096 = arith.select %gt3A_2093, %select_n3A_2082, %select_n3A_2095 : vector<16xi1>, vector<16xf32>
      %select_n3A_2097 = arith.select %gt3A_2094, %broadcast_in_dim3A_2092, %select_n3A_2081 : vector<16xi1>, vector<16xi32>
      %select_n3A_2098 = arith.select %gt3A_2093, %select_n3A_2083, %select_n3A_2097 : vector<16xi1>, vector<16xi32>
      %select_n3A_2099 = arith.select %gt3A_2093, %select_n3A_2090, %select_n3A_2082 : vector<16xi1>, vector<16xf32>
      %select_n3A_2100 = arith.select %gt3A_2093, %broadcast_in_dim3A_2092, %select_n3A_2083 : vector<16xi1>, vector<16xi32>
      %get3A_2101 = arith.constant 35 : i32
      %get3A_2102 = arith.index_cast %get3A_2101 : i32 to index
      %get3A_2103 = arith.index_cast %mul3A_9 : i32 to index
      %get3A_2104 = tpu.vector_load %arg5[%get3A_2102, %get3A_2103] {strides = array<i32>} : memref<64x256xf32, #tpu.memory_space<vmem>>, vector<1x16xf32>,
      %get3A_2105 = vector.shape_cast %get3A_2104 : vector<1x16xf32> to vector<16xf32>
      %div3A_2106 = arith.divf %get3A_2105, %add3A_1278 : vector<16xf32>
      %select_n3A_2107 = arith.select %lt3A_1427, %div3A_2106, %broadcast_in_dim3A_1501 : vector<16xi1>, vector<16xf32>
      %broadcast_in_dim3A_2108 = arith.constant 35 : i32
      %broadcast_in_dim3A_2109 = vector.broadcast %broadcast_in_dim3A_2108 : i32 to vector<16xi32>
      %gt3A_2110 = arith.cmpf ogt, %select_n3A_2107, %select_n3A_2099 : vector<16xf32>
      %gt3A_2111 = arith.cmpf ogt, %select_n3A_2107, %select_n3A_2096 : vector<16xf32>
      %select_n3A_2112 = arith.select %gt3A_2111, %select_n3A_2107, %select_n3A_2096 : vector<16xi1>, vector<16xf32>
      %select_n3A_2113 = arith.select %gt3A_2110, %select_n3A_2099, %select_n3A_2112 : vector<16xi1>, vector<16xf32>
      %select_n3A_2114 = arith.select %gt3A_2111, %broadcast_in_dim3A_2109, %select_n3A_2098 : vector<16xi1>, vector<16xi32>
      %select_n3A_2115 = arith.select %gt3A_2110, %select_n3A_2100, %select_n3A_2114 : vector<16xi1>, vector<16xi32>
      %select_n3A_2116 = arith.select %gt3A_2110, %select_n3A_2107, %select_n3A_2099 : vector<16xi1>, vector<16xf32>
      %select_n3A_2117 = arith.select %gt3A_2110, %broadcast_in_dim3A_2109, %select_n3A_2100 : vector<16xi1>, vector<16xi32>
      %get3A_2118 = arith.constant 36 : i32
      %get3A_2119 = arith.index_cast %get3A_2118 : i32 to index
      %get3A_2120 = arith.index_cast %mul3A_9 : i32 to index
      %get3A_2121 = tpu.vector_load %arg5[%get3A_2119, %get3A_2120] {strides = array<i32>} : memref<64x256xf32, #tpu.memory_space<vmem>>, vector<1x16xf32>,
      %get3A_2122 = vector.shape_cast %get3A_2121 : vector<1x16xf32> to vector<16xf32>
      %div3A_2123 = arith.divf %get3A_2122, %add3A_1278 : vector<16xf32>
      %select_n3A_2124 = arith.select %lt3A_1427, %div3A_2123, %broadcast_in_dim3A_1501 : vector<16xi1>, vector<16xf32>
      %broadcast_in_dim3A_2125 = arith.constant 36 : i32
      %broadcast_in_dim3A_2126 = vector.broadcast %broadcast_in_dim3A_2125 : i32 to vector<16xi32>
      %gt3A_2127 = arith.cmpf ogt, %select_n3A_2124, %select_n3A_2116 : vector<16xf32>
      %gt3A_2128 = arith.cmpf ogt, %select_n3A_2124, %select_n3A_2113 : vector<16xf32>
      %select_n3A_2129 = arith.select %gt3A_2128, %select_n3A_2124, %select_n3A_2113 : vector<16xi1>, vector<16xf32>
      %select_n3A_2130 = arith.select %gt3A_2127, %select_n3A_2116, %select_n3A_2129 : vector<16xi1>, vector<16xf32>
      %select_n3A_2131 = arith.select %gt3A_2128, %broadcast_in_dim3A_2126, %select_n3A_2115 : vector<16xi1>, vector<16xi32>
      %select_n3A_2132 = arith.select %gt3A_2127, %select_n3A_2117, %select_n3A_2131 : vector<16xi1>, vector<16xi32>
      %select_n3A_2133 = arith.select %gt3A_2127, %select_n3A_2124, %select_n3A_2116 : vector<16xi1>, vector<16xf32>
      %select_n3A_2134 = arith.select %gt3A_2127, %broadcast_in_dim3A_2126, %select_n3A_2117 : vector<16xi1>, vector<16xi32>
      %get3A_2135 = arith.constant 37 : i32
      %get3A_2136 = arith.index_cast %get3A_2135 : i32 to index
      %get3A_2137 = arith.index_cast %mul3A_9 : i32 to index
      %get3A_2138 = tpu.vector_load %arg5[%get3A_2136, %get3A_2137] {strides = array<i32>} : memref<64x256xf32, #tpu.memory_space<vmem>>, vector<1x16xf32>,
      %get3A_2139 = vector.shape_cast %get3A_2138 : vector<1x16xf32> to vector<16xf32>
      %div3A_2140 = arith.divf %get3A_2139, %add3A_1278 : vector<16xf32>
      %select_n3A_2141 = arith.select %lt3A_1427, %div3A_2140, %broadcast_in_dim3A_1501 : vector<16xi1>, vector<16xf32>
      %broadcast_in_dim3A_2142 = arith.constant 37 : i32
      %broadcast_in_dim3A_2143 = vector.broadcast %broadcast_in_dim3A_2142 : i32 to vector<16xi32>
      %gt3A_2144 = arith.cmpf ogt, %select_n3A_2141, %select_n3A_2133 : vector<16xf32>
      %gt3A_2145 = arith.cmpf ogt, %select_n3A_2141, %select_n3A_2130 : vector<16xf32>
      %select_n3A_2146 = arith.select %gt3A_2145, %select_n3A_2141, %select_n3A_2130 : vector<16xi1>, vector<16xf32>
      %select_n3A_2147 = arith.select %gt3A_2144, %select_n3A_2133, %select_n3A_2146 : vector<16xi1>, vector<16xf32>
      %select_n3A_2148 = arith.select %gt3A_2145, %broadcast_in_dim3A_2143, %select_n3A_2132 : vector<16xi1>, vector<16xi32>
      %select_n3A_2149 = arith.select %gt3A_2144, %select_n3A_2134, %select_n3A_2148 : vector<16xi1>, vector<16xi32>
      %select_n3A_2150 = arith.select %gt3A_2144, %select_n3A_2141, %select_n3A_2133 : vector<16xi1>, vector<16xf32>
      %select_n3A_2151 = arith.select %gt3A_2144, %broadcast_in_dim3A_2143, %select_n3A_2134 : vector<16xi1>, vector<16xi32>
      %get3A_2152 = arith.constant 38 : i32
      %get3A_2153 = arith.index_cast %get3A_2152 : i32 to index
      %get3A_2154 = arith.index_cast %mul3A_9 : i32 to index
      %get3A_2155 = tpu.vector_load %arg5[%get3A_2153, %get3A_2154] {strides = array<i32>} : memref<64x256xf32, #tpu.memory_space<vmem>>, vector<1x16xf32>,
      %get3A_2156 = vector.shape_cast %get3A_2155 : vector<1x16xf32> to vector<16xf32>
      %div3A_2157 = arith.divf %get3A_2156, %add3A_1278 : vector<16xf32>
      %select_n3A_2158 = arith.select %lt3A_1427, %div3A_2157, %broadcast_in_dim3A_1501 : vector<16xi1>, vector<16xf32>
      %broadcast_in_dim3A_2159 = arith.constant 38 : i32
      %broadcast_in_dim3A_2160 = vector.broadcast %broadcast_in_dim3A_2159 : i32 to vector<16xi32>
      %gt3A_2161 = arith.cmpf ogt, %select_n3A_2158, %select_n3A_2150 : vector<16xf32>
      %gt3A_2162 = arith.cmpf ogt, %select_n3A_2158, %select_n3A_2147 : vector<16xf32>
      %select_n3A_2163 = arith.select %gt3A_2162, %select_n3A_2158, %select_n3A_2147 : vector<16xi1>, vector<16xf32>
      %select_n3A_2164 = arith.select %gt3A_2161, %select_n3A_2150, %select_n3A_2163 : vector<16xi1>, vector<16xf32>
      %select_n3A_2165 = arith.select %gt3A_2162, %broadcast_in_dim3A_2160, %select_n3A_2149 : vector<16xi1>, vector<16xi32>
      %select_n3A_2166 = arith.select %gt3A_2161, %select_n3A_2151, %select_n3A_2165 : vector<16xi1>, vector<16xi32>
      %select_n3A_2167 = arith.select %gt3A_2161, %select_n3A_2158, %select_n3A_2150 : vector<16xi1>, vector<16xf32>
      %select_n3A_2168 = arith.select %gt3A_2161, %broadcast_in_dim3A_2160, %select_n3A_2151 : vector<16xi1>, vector<16xi32>
      %get3A_2169 = arith.constant 39 : i32
      %get3A_2170 = arith.index_cast %get3A_2169 : i32 to index
      %get3A_2171 = arith.index_cast %mul3A_9 : i32 to index
      %get3A_2172 = tpu.vector_load %arg5[%get3A_2170, %get3A_2171] {strides = array<i32>} : memref<64x256xf32, #tpu.memory_space<vmem>>, vector<1x16xf32>,
      %get3A_2173 = vector.shape_cast %get3A_2172 : vector<1x16xf32> to vector<16xf32>
      %div3A_2174 = arith.divf %get3A_2173, %add3A_1278 : vector<16xf32>
      %select_n3A_2175 = arith.select %lt3A_1427, %div3A_2174, %broadcast_in_dim3A_1501 : vector<16xi1>, vector<16xf32>
      %broadcast_in_dim3A_2176 = arith.constant 39 : i32
      %broadcast_in_dim3A_2177 = vector.broadcast %broadcast_in_dim3A_2176 : i32 to vector<16xi32>
      %gt3A_2178 = arith.cmpf ogt, %select_n3A_2175, %select_n3A_2167 : vector<16xf32>
      %gt3A_2179 = arith.cmpf ogt, %select_n3A_2175, %select_n3A_2164 : vector<16xf32>
      %select_n3A_2180 = arith.select %gt3A_2179, %select_n3A_2175, %select_n3A_2164 : vector<16xi1>, vector<16xf32>
      %select_n3A_2181 = arith.select %gt3A_2178, %select_n3A_2167, %select_n3A_2180 : vector<16xi1>, vector<16xf32>
      %select_n3A_2182 = arith.select %gt3A_2179, %broadcast_in_dim3A_2177, %select_n3A_2166 : vector<16xi1>, vector<16xi32>
      %select_n3A_2183 = arith.select %gt3A_2178, %select_n3A_2168, %select_n3A_2182 : vector<16xi1>, vector<16xi32>
      %select_n3A_2184 = arith.select %gt3A_2178, %select_n3A_2175, %select_n3A_2167 : vector<16xi1>, vector<16xf32>
      %select_n3A_2185 = arith.select %gt3A_2178, %broadcast_in_dim3A_2177, %select_n3A_2168 : vector<16xi1>, vector<16xi32>
      %get3A_2186 = arith.constant 40 : i32
      %get3A_2187 = arith.index_cast %get3A_2186 : i32 to index
      %get3A_2188 = arith.index_cast %mul3A_9 : i32 to index
      %get3A_2189 = tpu.vector_load %arg5[%get3A_2187, %get3A_2188] {strides = array<i32>} : memref<64x256xf32, #tpu.memory_space<vmem>>, vector<1x16xf32>,
      %get3A_2190 = vector.shape_cast %get3A_2189 : vector<1x16xf32> to vector<16xf32>
      %div3A_2191 = arith.divf %get3A_2190, %add3A_1278 : vector<16xf32>
      %select_n3A_2192 = arith.select %lt3A_1451, %div3A_2191, %broadcast_in_dim3A_1501 : vector<16xi1>, vector<16xf32>
      %broadcast_in_dim3A_2193 = arith.constant 40 : i32
      %broadcast_in_dim3A_2194 = vector.broadcast %broadcast_in_dim3A_2193 : i32 to vector<16xi32>
      %gt3A_2195 = arith.cmpf ogt, %select_n3A_2192, %select_n3A_2184 : vector<16xf32>
      %gt3A_2196 = arith.cmpf ogt, %select_n3A_2192, %select_n3A_2181 : vector<16xf32>
      %select_n3A_2197 = arith.select %gt3A_2196, %select_n3A_2192, %select_n3A_2181 : vector<16xi1>, vector<16xf32>
      %select_n3A_2198 = arith.select %gt3A_2195, %select_n3A_2184, %select_n3A_2197 : vector<16xi1>, vector<16xf32>
      %select_n3A_2199 = arith.select %gt3A_2196, %broadcast_in_dim3A_2194, %select_n3A_2183 : vector<16xi1>, vector<16xi32>
      %select_n3A_2200 = arith.select %gt3A_2195, %select_n3A_2185, %select_n3A_2199 : vector<16xi1>, vector<16xi32>
      %select_n3A_2201 = arith.select %gt3A_2195, %select_n3A_2192, %select_n3A_2184 : vector<16xi1>, vector<16xf32>
      %select_n3A_2202 = arith.select %gt3A_2195, %broadcast_in_dim3A_2194, %select_n3A_2185 : vector<16xi1>, vector<16xi32>
      %get3A_2203 = arith.constant 41 : i32
      %get3A_2204 = arith.index_cast %get3A_2203 : i32 to index
      %get3A_2205 = arith.index_cast %mul3A_9 : i32 to index
      %get3A_2206 = tpu.vector_load %arg5[%get3A_2204, %get3A_2205] {strides = array<i32>} : memref<64x256xf32, #tpu.memory_space<vmem>>, vector<1x16xf32>,
      %get3A_2207 = vector.shape_cast %get3A_2206 : vector<1x16xf32> to vector<16xf32>
      %div3A_2208 = arith.divf %get3A_2207, %add3A_1278 : vector<16xf32>
      %select_n3A_2209 = arith.select %lt3A_1451, %div3A_2208, %broadcast_in_dim3A_1501 : vector<16xi1>, vector<16xf32>
      %broadcast_in_dim3A_2210 = arith.constant 41 : i32
      %broadcast_in_dim3A_2211 = vector.broadcast %broadcast_in_dim3A_2210 : i32 to vector<16xi32>
      %gt3A_2212 = arith.cmpf ogt, %select_n3A_2209, %select_n3A_2201 : vector<16xf32>
      %gt3A_2213 = arith.cmpf ogt, %select_n3A_2209, %select_n3A_2198 : vector<16xf32>
      %select_n3A_2214 = arith.select %gt3A_2213, %select_n3A_2209, %select_n3A_2198 : vector<16xi1>, vector<16xf32>
      %select_n3A_2215 = arith.select %gt3A_2212, %select_n3A_2201, %select_n3A_2214 : vector<16xi1>, vector<16xf32>
      %select_n3A_2216 = arith.select %gt3A_2213, %broadcast_in_dim3A_2211, %select_n3A_2200 : vector<16xi1>, vector<16xi32>
      %select_n3A_2217 = arith.select %gt3A_2212, %select_n3A_2202, %select_n3A_2216 : vector<16xi1>, vector<16xi32>
      %select_n3A_2218 = arith.select %gt3A_2212, %select_n3A_2209, %select_n3A_2201 : vector<16xi1>, vector<16xf32>
      %select_n3A_2219 = arith.select %gt3A_2212, %broadcast_in_dim3A_2211, %select_n3A_2202 : vector<16xi1>, vector<16xi32>
      %get3A_2220 = arith.constant 42 : i32
      %get3A_2221 = arith.index_cast %get3A_2220 : i32 to index
      %get3A_2222 = arith.index_cast %mul3A_9 : i32 to index
      %get3A_2223 = tpu.vector_load %arg5[%get3A_2221, %get3A_2222] {strides = array<i32>} : memref<64x256xf32, #tpu.memory_space<vmem>>, vector<1x16xf32>,
      %get3A_2224 = vector.shape_cast %get3A_2223 : vector<1x16xf32> to vector<16xf32>
      %div3A_2225 = arith.divf %get3A_2224, %add3A_1278 : vector<16xf32>
      %select_n3A_2226 = arith.select %lt3A_1451, %div3A_2225, %broadcast_in_dim3A_1501 : vector<16xi1>, vector<16xf32>
      %broadcast_in_dim3A_2227 = arith.constant 42 : i32
      %broadcast_in_dim3A_2228 = vector.broadcast %broadcast_in_dim3A_2227 : i32 to vector<16xi32>
      %gt3A_2229 = arith.cmpf ogt, %select_n3A_2226, %select_n3A_2218 : vector<16xf32>
      %gt3A_2230 = arith.cmpf ogt, %select_n3A_2226, %select_n3A_2215 : vector<16xf32>
      %select_n3A_2231 = arith.select %gt3A_2230, %select_n3A_2226, %select_n3A_2215 : vector<16xi1>, vector<16xf32>
      %select_n3A_2232 = arith.select %gt3A_2229, %select_n3A_2218, %select_n3A_2231 : vector<16xi1>, vector<16xf32>
      %select_n3A_2233 = arith.select %gt3A_2230, %broadcast_in_dim3A_2228, %select_n3A_2217 : vector<16xi1>, vector<16xi32>
      %select_n3A_2234 = arith.select %gt3A_2229, %select_n3A_2219, %select_n3A_2233 : vector<16xi1>, vector<16xi32>
      %select_n3A_2235 = arith.select %gt3A_2229, %select_n3A_2226, %select_n3A_2218 : vector<16xi1>, vector<16xf32>
      %select_n3A_2236 = arith.select %gt3A_2229, %broadcast_in_dim3A_2228, %select_n3A_2219 : vector<16xi1>, vector<16xi32>
      %get3A_2237 = arith.constant 43 : i32
      %get3A_2238 = arith.index_cast %get3A_2237 : i32 to index
      %get3A_2239 = arith.index_cast %mul3A_9 : i32 to index
      %get3A_2240 = tpu.vector_load %arg5[%get3A_2238, %get3A_2239] {strides = array<i32>} : memref<64x256xf32, #tpu.memory_space<vmem>>, vector<1x16xf32>,
      %get3A_2241 = vector.shape_cast %get3A_2240 : vector<1x16xf32> to vector<16xf32>
      %div3A_2242 = arith.divf %get3A_2241, %add3A_1278 : vector<16xf32>
      %select_n3A_2243 = arith.select %lt3A_1451, %div3A_2242, %broadcast_in_dim3A_1501 : vector<16xi1>, vector<16xf32>
      %broadcast_in_dim3A_2244 = arith.constant 43 : i32
      %broadcast_in_dim3A_2245 = vector.broadcast %broadcast_in_dim3A_2244 : i32 to vector<16xi32>
      %gt3A_2246 = arith.cmpf ogt, %select_n3A_2243, %select_n3A_2235 : vector<16xf32>
      %gt3A_2247 = arith.cmpf ogt, %select_n3A_2243, %select_n3A_2232 : vector<16xf32>
      %select_n3A_2248 = arith.select %gt3A_2247, %select_n3A_2243, %select_n3A_2232 : vector<16xi1>, vector<16xf32>
      %select_n3A_2249 = arith.select %gt3A_2246, %select_n3A_2235, %select_n3A_2248 : vector<16xi1>, vector<16xf32>
      %select_n3A_2250 = arith.select %gt3A_2247, %broadcast_in_dim3A_2245, %select_n3A_2234 : vector<16xi1>, vector<16xi32>
      %select_n3A_2251 = arith.select %gt3A_2246, %select_n3A_2236, %select_n3A_2250 : vector<16xi1>, vector<16xi32>
      %select_n3A_2252 = arith.select %gt3A_2246, %select_n3A_2243, %select_n3A_2235 : vector<16xi1>, vector<16xf32>
      %select_n3A_2253 = arith.select %gt3A_2246, %broadcast_in_dim3A_2245, %select_n3A_2236 : vector<16xi1>, vector<16xi32>
      %get3A_2254 = arith.constant 44 : i32
      %get3A_2255 = arith.index_cast %get3A_2254 : i32 to index
      %get3A_2256 = arith.index_cast %mul3A_9 : i32 to index
      %get3A_2257 = tpu.vector_load %arg5[%get3A_2255, %get3A_2256] {strides = array<i32>} : memref<64x256xf32, #tpu.memory_space<vmem>>, vector<1x16xf32>,
      %get3A_2258 = vector.shape_cast %get3A_2257 : vector<1x16xf32> to vector<16xf32>
      %div3A_2259 = arith.divf %get3A_2258, %add3A_1278 : vector<16xf32>
      %select_n3A_2260 = arith.select %lt3A_1451, %div3A_2259, %broadcast_in_dim3A_1501 : vector<16xi1>, vector<16xf32>
      %broadcast_in_dim3A_2261 = arith.constant 44 : i32
      %broadcast_in_dim3A_2262 = vector.broadcast %broadcast_in_dim3A_2261 : i32 to vector<16xi32>
      %gt3A_2263 = arith.cmpf ogt, %select_n3A_2260, %select_n3A_2252 : vector<16xf32>
      %gt3A_2264 = arith.cmpf ogt, %select_n3A_2260, %select_n3A_2249 : vector<16xf32>
      %select_n3A_2265 = arith.select %gt3A_2264, %select_n3A_2260, %select_n3A_2249 : vector<16xi1>, vector<16xf32>
      %select_n3A_2266 = arith.select %gt3A_2263, %select_n3A_2252, %select_n3A_2265 : vector<16xi1>, vector<16xf32>
      %select_n3A_2267 = arith.select %gt3A_2264, %broadcast_in_dim3A_2262, %select_n3A_2251 : vector<16xi1>, vector<16xi32>
      %select_n3A_2268 = arith.select %gt3A_2263, %select_n3A_2253, %select_n3A_2267 : vector<16xi1>, vector<16xi32>
      %select_n3A_2269 = arith.select %gt3A_2263, %select_n3A_2260, %select_n3A_2252 : vector<16xi1>, vector<16xf32>
      %select_n3A_2270 = arith.select %gt3A_2263, %broadcast_in_dim3A_2262, %select_n3A_2253 : vector<16xi1>, vector<16xi32>
      %get3A_2271 = arith.constant 45 : i32
      %get3A_2272 = arith.index_cast %get3A_2271 : i32 to index
      %get3A_2273 = arith.index_cast %mul3A_9 : i32 to index
      %get3A_2274 = tpu.vector_load %arg5[%get3A_2272, %get3A_2273] {strides = array<i32>} : memref<64x256xf32, #tpu.memory_space<vmem>>, vector<1x16xf32>,
      %get3A_2275 = vector.shape_cast %get3A_2274 : vector<1x16xf32> to vector<16xf32>
      %div3A_2276 = arith.divf %get3A_2275, %add3A_1278 : vector<16xf32>
      %select_n3A_2277 = arith.select %lt3A_1451, %div3A_2276, %broadcast_in_dim3A_1501 : vector<16xi1>, vector<16xf32>
      %broadcast_in_dim3A_2278 = arith.constant 45 : i32
      %broadcast_in_dim3A_2279 = vector.broadcast %broadcast_in_dim3A_2278 : i32 to vector<16xi32>
      %gt3A_2280 = arith.cmpf ogt, %select_n3A_2277, %select_n3A_2269 : vector<16xf32>
      %gt3A_2281 = arith.cmpf ogt, %select_n3A_2277, %select_n3A_2266 : vector<16xf32>
      %select_n3A_2282 = arith.select %gt3A_2281, %select_n3A_2277, %select_n3A_2266 : vector<16xi1>, vector<16xf32>
      %select_n3A_2283 = arith.select %gt3A_2280, %select_n3A_2269, %select_n3A_2282 : vector<16xi1>, vector<16xf32>
      %select_n3A_2284 = arith.select %gt3A_2281, %broadcast_in_dim3A_2279, %select_n3A_2268 : vector<16xi1>, vector<16xi32>
      %select_n3A_2285 = arith.select %gt3A_2280, %select_n3A_2270, %select_n3A_2284 : vector<16xi1>, vector<16xi32>
      %select_n3A_2286 = arith.select %gt3A_2280, %select_n3A_2277, %select_n3A_2269 : vector<16xi1>, vector<16xf32>
      %select_n3A_2287 = arith.select %gt3A_2280, %broadcast_in_dim3A_2279, %select_n3A_2270 : vector<16xi1>, vector<16xi32>
      %get3A_2288 = arith.constant 46 : i32
      %get3A_2289 = arith.index_cast %get3A_2288 : i32 to index
      %get3A_2290 = arith.index_cast %mul3A_9 : i32 to index
      %get3A_2291 = tpu.vector_load %arg5[%get3A_2289, %get3A_2290] {strides = array<i32>} : memref<64x256xf32, #tpu.memory_space<vmem>>, vector<1x16xf32>,
      %get3A_2292 = vector.shape_cast %get3A_2291 : vector<1x16xf32> to vector<16xf32>
      %div3A_2293 = arith.divf %get3A_2292, %add3A_1278 : vector<16xf32>
      %select_n3A_2294 = arith.select %lt3A_1451, %div3A_2293, %broadcast_in_dim3A_1501 : vector<16xi1>, vector<16xf32>
      %broadcast_in_dim3A_2295 = arith.constant 46 : i32
      %broadcast_in_dim3A_2296 = vector.broadcast %broadcast_in_dim3A_2295 : i32 to vector<16xi32>
      %gt3A_2297 = arith.cmpf ogt, %select_n3A_2294, %select_n3A_2286 : vector<16xf32>
      %gt3A_2298 = arith.cmpf ogt, %select_n3A_2294, %select_n3A_2283 : vector<16xf32>
      %select_n3A_2299 = arith.select %gt3A_2298, %select_n3A_2294, %select_n3A_2283 : vector<16xi1>, vector<16xf32>
      %select_n3A_2300 = arith.select %gt3A_2297, %select_n3A_2286, %select_n3A_2299 : vector<16xi1>, vector<16xf32>
      %select_n3A_2301 = arith.select %gt3A_2298, %broadcast_in_dim3A_2296, %select_n3A_2285 : vector<16xi1>, vector<16xi32>
      %select_n3A_2302 = arith.select %gt3A_2297, %select_n3A_2287, %select_n3A_2301 : vector<16xi1>, vector<16xi32>
      %select_n3A_2303 = arith.select %gt3A_2297, %select_n3A_2294, %select_n3A_2286 : vector<16xi1>, vector<16xf32>
      %select_n3A_2304 = arith.select %gt3A_2297, %broadcast_in_dim3A_2296, %select_n3A_2287 : vector<16xi1>, vector<16xi32>
      %get3A_2305 = arith.constant 47 : i32
      %get3A_2306 = arith.index_cast %get3A_2305 : i32 to index
      %get3A_2307 = arith.index_cast %mul3A_9 : i32 to index
      %get3A_2308 = tpu.vector_load %arg5[%get3A_2306, %get3A_2307] {strides = array<i32>} : memref<64x256xf32, #tpu.memory_space<vmem>>, vector<1x16xf32>,
      %get3A_2309 = vector.shape_cast %get3A_2308 : vector<1x16xf32> to vector<16xf32>
      %div3A_2310 = arith.divf %get3A_2309, %add3A_1278 : vector<16xf32>
      %select_n3A_2311 = arith.select %lt3A_1451, %div3A_2310, %broadcast_in_dim3A_1501 : vector<16xi1>, vector<16xf32>
      %broadcast_in_dim3A_2312 = arith.constant 47 : i32
      %broadcast_in_dim3A_2313 = vector.broadcast %broadcast_in_dim3A_2312 : i32 to vector<16xi32>
      %gt3A_2314 = arith.cmpf ogt, %select_n3A_2311, %select_n3A_2303 : vector<16xf32>
      %gt3A_2315 = arith.cmpf ogt, %select_n3A_2311, %select_n3A_2300 : vector<16xf32>
      %select_n3A_2316 = arith.select %gt3A_2315, %select_n3A_2311, %select_n3A_2300 : vector<16xi1>, vector<16xf32>
      %select_n3A_2317 = arith.select %gt3A_2314, %select_n3A_2303, %select_n3A_2316 : vector<16xi1>, vector<16xf32>
      %select_n3A_2318 = arith.select %gt3A_2315, %broadcast_in_dim3A_2313, %select_n3A_2302 : vector<16xi1>, vector<16xi32>
      %select_n3A_2319 = arith.select %gt3A_2314, %select_n3A_2304, %select_n3A_2318 : vector<16xi1>, vector<16xi32>
      %select_n3A_2320 = arith.select %gt3A_2314, %select_n3A_2311, %select_n3A_2303 : vector<16xi1>, vector<16xf32>
      %select_n3A_2321 = arith.select %gt3A_2314, %broadcast_in_dim3A_2313, %select_n3A_2304 : vector<16xi1>, vector<16xi32>
      %get3A_2322 = arith.constant 48 : i32
      %get3A_2323 = arith.index_cast %get3A_2322 : i32 to index
      %get3A_2324 = arith.index_cast %mul3A_9 : i32 to index
      %get3A_2325 = tpu.vector_load %arg5[%get3A_2323, %get3A_2324] {strides = array<i32>} : memref<64x256xf32, #tpu.memory_space<vmem>>, vector<1x16xf32>,
      %get3A_2326 = vector.shape_cast %get3A_2325 : vector<1x16xf32> to vector<16xf32>
      %div3A_2327 = arith.divf %get3A_2326, %add3A_1278 : vector<16xf32>
      %select_n3A_2328 = arith.select %lt3A_1475, %div3A_2327, %broadcast_in_dim3A_1501 : vector<16xi1>, vector<16xf32>
      %broadcast_in_dim3A_2329 = arith.constant 48 : i32
      %broadcast_in_dim3A_2330 = vector.broadcast %broadcast_in_dim3A_2329 : i32 to vector<16xi32>
      %gt3A_2331 = arith.cmpf ogt, %select_n3A_2328, %select_n3A_2320 : vector<16xf32>
      %gt3A_2332 = arith.cmpf ogt, %select_n3A_2328, %select_n3A_2317 : vector<16xf32>
      %select_n3A_2333 = arith.select %gt3A_2332, %select_n3A_2328, %select_n3A_2317 : vector<16xi1>, vector<16xf32>
      %select_n3A_2334 = arith.select %gt3A_2331, %select_n3A_2320, %select_n3A_2333 : vector<16xi1>, vector<16xf32>
      %select_n3A_2335 = arith.select %gt3A_2332, %broadcast_in_dim3A_2330, %select_n3A_2319 : vector<16xi1>, vector<16xi32>
      %select_n3A_2336 = arith.select %gt3A_2331, %select_n3A_2321, %select_n3A_2335 : vector<16xi1>, vector<16xi32>
      %select_n3A_2337 = arith.select %gt3A_2331, %select_n3A_2328, %select_n3A_2320 : vector<16xi1>, vector<16xf32>
      %select_n3A_2338 = arith.select %gt3A_2331, %broadcast_in_dim3A_2330, %select_n3A_2321 : vector<16xi1>, vector<16xi32>
      %get3A_2339 = arith.constant 49 : i32
      %get3A_2340 = arith.index_cast %get3A_2339 : i32 to index
      %get3A_2341 = arith.index_cast %mul3A_9 : i32 to index
      %get3A_2342 = tpu.vector_load %arg5[%get3A_2340, %get3A_2341] {strides = array<i32>} : memref<64x256xf32, #tpu.memory_space<vmem>>, vector<1x16xf32>,
      %get3A_2343 = vector.shape_cast %get3A_2342 : vector<1x16xf32> to vector<16xf32>
      %div3A_2344 = arith.divf %get3A_2343, %add3A_1278 : vector<16xf32>
      %select_n3A_2345 = arith.select %lt3A_1475, %div3A_2344, %broadcast_in_dim3A_1501 : vector<16xi1>, vector<16xf32>
      %broadcast_in_dim3A_2346 = arith.constant 49 : i32
      %broadcast_in_dim3A_2347 = vector.broadcast %broadcast_in_dim3A_2346 : i32 to vector<16xi32>
      %gt3A_2348 = arith.cmpf ogt, %select_n3A_2345, %select_n3A_2337 : vector<16xf32>
      %gt3A_2349 = arith.cmpf ogt, %select_n3A_2345, %select_n3A_2334 : vector<16xf32>
      %select_n3A_2350 = arith.select %gt3A_2349, %select_n3A_2345, %select_n3A_2334 : vector<16xi1>, vector<16xf32>
      %select_n3A_2351 = arith.select %gt3A_2348, %select_n3A_2337, %select_n3A_2350 : vector<16xi1>, vector<16xf32>
      %select_n3A_2352 = arith.select %gt3A_2349, %broadcast_in_dim3A_2347, %select_n3A_2336 : vector<16xi1>, vector<16xi32>
      %select_n3A_2353 = arith.select %gt3A_2348, %select_n3A_2338, %select_n3A_2352 : vector<16xi1>, vector<16xi32>
      %select_n3A_2354 = arith.select %gt3A_2348, %select_n3A_2345, %select_n3A_2337 : vector<16xi1>, vector<16xf32>
      %select_n3A_2355 = arith.select %gt3A_2348, %broadcast_in_dim3A_2347, %select_n3A_2338 : vector<16xi1>, vector<16xi32>
      %get3A_2356 = arith.constant 50 : i32
      %get3A_2357 = arith.index_cast %get3A_2356 : i32 to index
      %get3A_2358 = arith.index_cast %mul3A_9 : i32 to index
      %get3A_2359 = tpu.vector_load %arg5[%get3A_2357, %get3A_2358] {strides = array<i32>} : memref<64x256xf32, #tpu.memory_space<vmem>>, vector<1x16xf32>,
      %get3A_2360 = vector.shape_cast %get3A_2359 : vector<1x16xf32> to vector<16xf32>
      %div3A_2361 = arith.divf %get3A_2360, %add3A_1278 : vector<16xf32>
      %select_n3A_2362 = arith.select %lt3A_1475, %div3A_2361, %broadcast_in_dim3A_1501 : vector<16xi1>, vector<16xf32>
      %broadcast_in_dim3A_2363 = arith.constant 50 : i32
      %broadcast_in_dim3A_2364 = vector.broadcast %broadcast_in_dim3A_2363 : i32 to vector<16xi32>
      %gt3A_2365 = arith.cmpf ogt, %select_n3A_2362, %select_n3A_2354 : vector<16xf32>
      %gt3A_2366 = arith.cmpf ogt, %select_n3A_2362, %select_n3A_2351 : vector<16xf32>
      %select_n3A_2367 = arith.select %gt3A_2366, %select_n3A_2362, %select_n3A_2351 : vector<16xi1>, vector<16xf32>
      %select_n3A_2368 = arith.select %gt3A_2365, %select_n3A_2354, %select_n3A_2367 : vector<16xi1>, vector<16xf32>
      %select_n3A_2369 = arith.select %gt3A_2366, %broadcast_in_dim3A_2364, %select_n3A_2353 : vector<16xi1>, vector<16xi32>
      %select_n3A_2370 = arith.select %gt3A_2365, %select_n3A_2355, %select_n3A_2369 : vector<16xi1>, vector<16xi32>
      %select_n3A_2371 = arith.select %gt3A_2365, %select_n3A_2362, %select_n3A_2354 : vector<16xi1>, vector<16xf32>
      %select_n3A_2372 = arith.select %gt3A_2365, %broadcast_in_dim3A_2364, %select_n3A_2355 : vector<16xi1>, vector<16xi32>
      %get3A_2373 = arith.constant 51 : i32
      %get3A_2374 = arith.index_cast %get3A_2373 : i32 to index
      %get3A_2375 = arith.index_cast %mul3A_9 : i32 to index
      %get3A_2376 = tpu.vector_load %arg5[%get3A_2374, %get3A_2375] {strides = array<i32>} : memref<64x256xf32, #tpu.memory_space<vmem>>, vector<1x16xf32>,
      %get3A_2377 = vector.shape_cast %get3A_2376 : vector<1x16xf32> to vector<16xf32>
      %div3A_2378 = arith.divf %get3A_2377, %add3A_1278 : vector<16xf32>
      %select_n3A_2379 = arith.select %lt3A_1475, %div3A_2378, %broadcast_in_dim3A_1501 : vector<16xi1>, vector<16xf32>
      %broadcast_in_dim3A_2380 = arith.constant 51 : i32
      %broadcast_in_dim3A_2381 = vector.broadcast %broadcast_in_dim3A_2380 : i32 to vector<16xi32>
      %gt3A_2382 = arith.cmpf ogt, %select_n3A_2379, %select_n3A_2371 : vector<16xf32>
      %gt3A_2383 = arith.cmpf ogt, %select_n3A_2379, %select_n3A_2368 : vector<16xf32>
      %select_n3A_2384 = arith.select %gt3A_2383, %select_n3A_2379, %select_n3A_2368 : vector<16xi1>, vector<16xf32>
      %select_n3A_2385 = arith.select %gt3A_2382, %select_n3A_2371, %select_n3A_2384 : vector<16xi1>, vector<16xf32>
      %select_n3A_2386 = arith.select %gt3A_2383, %broadcast_in_dim3A_2381, %select_n3A_2370 : vector<16xi1>, vector<16xi32>
      %select_n3A_2387 = arith.select %gt3A_2382, %select_n3A_2372, %select_n3A_2386 : vector<16xi1>, vector<16xi32>
      %select_n3A_2388 = arith.select %gt3A_2382, %select_n3A_2379, %select_n3A_2371 : vector<16xi1>, vector<16xf32>
      %select_n3A_2389 = arith.select %gt3A_2382, %broadcast_in_dim3A_2381, %select_n3A_2372 : vector<16xi1>, vector<16xi32>
      %get3A_2390 = arith.constant 52 : i32
      %get3A_2391 = arith.index_cast %get3A_2390 : i32 to index
      %get3A_2392 = arith.index_cast %mul3A_9 : i32 to index
      %get3A_2393 = tpu.vector_load %arg5[%get3A_2391, %get3A_2392] {strides = array<i32>} : memref<64x256xf32, #tpu.memory_space<vmem>>, vector<1x16xf32>,
      %get3A_2394 = vector.shape_cast %get3A_2393 : vector<1x16xf32> to vector<16xf32>
      %div3A_2395 = arith.divf %get3A_2394, %add3A_1278 : vector<16xf32>
      %select_n3A_2396 = arith.select %lt3A_1475, %div3A_2395, %broadcast_in_dim3A_1501 : vector<16xi1>, vector<16xf32>
      %broadcast_in_dim3A_2397 = arith.constant 52 : i32
      %broadcast_in_dim3A_2398 = vector.broadcast %broadcast_in_dim3A_2397 : i32 to vector<16xi32>
      %gt3A_2399 = arith.cmpf ogt, %select_n3A_2396, %select_n3A_2388 : vector<16xf32>
      %gt3A_2400 = arith.cmpf ogt, %select_n3A_2396, %select_n3A_2385 : vector<16xf32>
      %select_n3A_2401 = arith.select %gt3A_2400, %select_n3A_2396, %select_n3A_2385 : vector<16xi1>, vector<16xf32>
      %select_n3A_2402 = arith.select %gt3A_2399, %select_n3A_2388, %select_n3A_2401 : vector<16xi1>, vector<16xf32>
      %select_n3A_2403 = arith.select %gt3A_2400, %broadcast_in_dim3A_2398, %select_n3A_2387 : vector<16xi1>, vector<16xi32>
      %select_n3A_2404 = arith.select %gt3A_2399, %select_n3A_2389, %select_n3A_2403 : vector<16xi1>, vector<16xi32>
      %select_n3A_2405 = arith.select %gt3A_2399, %select_n3A_2396, %select_n3A_2388 : vector<16xi1>, vector<16xf32>
      %select_n3A_2406 = arith.select %gt3A_2399, %broadcast_in_dim3A_2398, %select_n3A_2389 : vector<16xi1>, vector<16xi32>
      %get3A_2407 = arith.constant 53 : i32
      %get3A_2408 = arith.index_cast %get3A_2407 : i32 to index
      %get3A_2409 = arith.index_cast %mul3A_9 : i32 to index
      %get3A_2410 = tpu.vector_load %arg5[%get3A_2408, %get3A_2409] {strides = array<i32>} : memref<64x256xf32, #tpu.memory_space<vmem>>, vector<1x16xf32>,
      %get3A_2411 = vector.shape_cast %get3A_2410 : vector<1x16xf32> to vector<16xf32>
      %div3A_2412 = arith.divf %get3A_2411, %add3A_1278 : vector<16xf32>
      %select_n3A_2413 = arith.select %lt3A_1475, %div3A_2412, %broadcast_in_dim3A_1501 : vector<16xi1>, vector<16xf32>
      %broadcast_in_dim3A_2414 = arith.constant 53 : i32
      %broadcast_in_dim3A_2415 = vector.broadcast %broadcast_in_dim3A_2414 : i32 to vector<16xi32>
      %gt3A_2416 = arith.cmpf ogt, %select_n3A_2413, %select_n3A_2405 : vector<16xf32>
      %gt3A_2417 = arith.cmpf ogt, %select_n3A_2413, %select_n3A_2402 : vector<16xf32>
      %select_n3A_2418 = arith.select %gt3A_2417, %select_n3A_2413, %select_n3A_2402 : vector<16xi1>, vector<16xf32>
      %select_n3A_2419 = arith.select %gt3A_2416, %select_n3A_2405, %select_n3A_2418 : vector<16xi1>, vector<16xf32>
      %select_n3A_2420 = arith.select %gt3A_2417, %broadcast_in_dim3A_2415, %select_n3A_2404 : vector<16xi1>, vector<16xi32>
      %select_n3A_2421 = arith.select %gt3A_2416, %select_n3A_2406, %select_n3A_2420 : vector<16xi1>, vector<16xi32>
      %select_n3A_2422 = arith.select %gt3A_2416, %select_n3A_2413, %select_n3A_2405 : vector<16xi1>, vector<16xf32>
      %select_n3A_2423 = arith.select %gt3A_2416, %broadcast_in_dim3A_2415, %select_n3A_2406 : vector<16xi1>, vector<16xi32>
      %get3A_2424 = arith.constant 54 : i32
      %get3A_2425 = arith.index_cast %get3A_2424 : i32 to index
      %get3A_2426 = arith.index_cast %mul3A_9 : i32 to index
      %get3A_2427 = tpu.vector_load %arg5[%get3A_2425, %get3A_2426] {strides = array<i32>} : memref<64x256xf32, #tpu.memory_space<vmem>>, vector<1x16xf32>,
      %get3A_2428 = vector.shape_cast %get3A_2427 : vector<1x16xf32> to vector<16xf32>
      %div3A_2429 = arith.divf %get3A_2428, %add3A_1278 : vector<16xf32>
      %select_n3A_2430 = arith.select %lt3A_1475, %div3A_2429, %broadcast_in_dim3A_1501 : vector<16xi1>, vector<16xf32>
      %broadcast_in_dim3A_2431 = arith.constant 54 : i32
      %broadcast_in_dim3A_2432 = vector.broadcast %broadcast_in_dim3A_2431 : i32 to vector<16xi32>
      %gt3A_2433 = arith.cmpf ogt, %select_n3A_2430, %select_n3A_2422 : vector<16xf32>
      %gt3A_2434 = arith.cmpf ogt, %select_n3A_2430, %select_n3A_2419 : vector<16xf32>
      %select_n3A_2435 = arith.select %gt3A_2434, %select_n3A_2430, %select_n3A_2419 : vector<16xi1>, vector<16xf32>
      %select_n3A_2436 = arith.select %gt3A_2433, %select_n3A_2422, %select_n3A_2435 : vector<16xi1>, vector<16xf32>
      %select_n3A_2437 = arith.select %gt3A_2434, %broadcast_in_dim3A_2432, %select_n3A_2421 : vector<16xi1>, vector<16xi32>
      %select_n3A_2438 = arith.select %gt3A_2433, %select_n3A_2423, %select_n3A_2437 : vector<16xi1>, vector<16xi32>
      %select_n3A_2439 = arith.select %gt3A_2433, %select_n3A_2430, %select_n3A_2422 : vector<16xi1>, vector<16xf32>
      %select_n3A_2440 = arith.select %gt3A_2433, %broadcast_in_dim3A_2432, %select_n3A_2423 : vector<16xi1>, vector<16xi32>
      %get3A_2441 = arith.constant 55 : i32
      %get3A_2442 = arith.index_cast %get3A_2441 : i32 to index
      %get3A_2443 = arith.index_cast %mul3A_9 : i32 to index
      %get3A_2444 = tpu.vector_load %arg5[%get3A_2442, %get3A_2443] {strides = array<i32>} : memref<64x256xf32, #tpu.memory_space<vmem>>, vector<1x16xf32>,
      %get3A_2445 = vector.shape_cast %get3A_2444 : vector<1x16xf32> to vector<16xf32>
      %div3A_2446 = arith.divf %get3A_2445, %add3A_1278 : vector<16xf32>
      %select_n3A_2447 = arith.select %lt3A_1475, %div3A_2446, %broadcast_in_dim3A_1501 : vector<16xi1>, vector<16xf32>
      %broadcast_in_dim3A_2448 = arith.constant 55 : i32
      %broadcast_in_dim3A_2449 = vector.broadcast %broadcast_in_dim3A_2448 : i32 to vector<16xi32>
      %gt3A_2450 = arith.cmpf ogt, %select_n3A_2447, %select_n3A_2439 : vector<16xf32>
      %gt3A_2451 = arith.cmpf ogt, %select_n3A_2447, %select_n3A_2436 : vector<16xf32>
      %select_n3A_2452 = arith.select %gt3A_2451, %select_n3A_2447, %select_n3A_2436 : vector<16xi1>, vector<16xf32>
      %select_n3A_2453 = arith.select %gt3A_2450, %select_n3A_2439, %select_n3A_2452 : vector<16xi1>, vector<16xf32>
      %select_n3A_2454 = arith.select %gt3A_2451, %broadcast_in_dim3A_2449, %select_n3A_2438 : vector<16xi1>, vector<16xi32>
      %select_n3A_2455 = arith.select %gt3A_2450, %select_n3A_2440, %select_n3A_2454 : vector<16xi1>, vector<16xi32>
      %select_n3A_2456 = arith.select %gt3A_2450, %select_n3A_2447, %select_n3A_2439 : vector<16xi1>, vector<16xf32>
      %select_n3A_2457 = arith.select %gt3A_2450, %broadcast_in_dim3A_2449, %select_n3A_2440 : vector<16xi1>, vector<16xi32>
      %get3A_2458 = arith.constant 56 : i32
      %get3A_2459 = arith.index_cast %get3A_2458 : i32 to index
      %get3A_2460 = arith.index_cast %mul3A_9 : i32 to index
      %get3A_2461 = tpu.vector_load %arg5[%get3A_2459, %get3A_2460] {strides = array<i32>} : memref<64x256xf32, #tpu.memory_space<vmem>>, vector<1x16xf32>,
      %get3A_2462 = vector.shape_cast %get3A_2461 : vector<1x16xf32> to vector<16xf32>
      %div3A_2463 = arith.divf %get3A_2462, %add3A_1278 : vector<16xf32>
      %select_n3A_2464 = arith.select %lt3A_1499, %div3A_2463, %broadcast_in_dim3A_1501 : vector<16xi1>, vector<16xf32>
      %broadcast_in_dim3A_2465 = arith.constant 56 : i32
      %broadcast_in_dim3A_2466 = vector.broadcast %broadcast_in_dim3A_2465 : i32 to vector<16xi32>
      %gt3A_2467 = arith.cmpf ogt, %select_n3A_2464, %select_n3A_2456 : vector<16xf32>
      %gt3A_2468 = arith.cmpf ogt, %select_n3A_2464, %select_n3A_2453 : vector<16xf32>
      %select_n3A_2469 = arith.select %gt3A_2468, %select_n3A_2464, %select_n3A_2453 : vector<16xi1>, vector<16xf32>
      %select_n3A_2470 = arith.select %gt3A_2467, %select_n3A_2456, %select_n3A_2469 : vector<16xi1>, vector<16xf32>
      %select_n3A_2471 = arith.select %gt3A_2468, %broadcast_in_dim3A_2466, %select_n3A_2455 : vector<16xi1>, vector<16xi32>
      %select_n3A_2472 = arith.select %gt3A_2467, %select_n3A_2457, %select_n3A_2471 : vector<16xi1>, vector<16xi32>
      %select_n3A_2473 = arith.select %gt3A_2467, %select_n3A_2464, %select_n3A_2456 : vector<16xi1>, vector<16xf32>
      %select_n3A_2474 = arith.select %gt3A_2467, %broadcast_in_dim3A_2466, %select_n3A_2457 : vector<16xi1>, vector<16xi32>
      %get3A_2475 = arith.constant 57 : i32
      %get3A_2476 = arith.index_cast %get3A_2475 : i32 to index
      %get3A_2477 = arith.index_cast %mul3A_9 : i32 to index
      %get3A_2478 = tpu.vector_load %arg5[%get3A_2476, %get3A_2477] {strides = array<i32>} : memref<64x256xf32, #tpu.memory_space<vmem>>, vector<1x16xf32>,
      %get3A_2479 = vector.shape_cast %get3A_2478 : vector<1x16xf32> to vector<16xf32>
      %div3A_2480 = arith.divf %get3A_2479, %add3A_1278 : vector<16xf32>
      %select_n3A_2481 = arith.select %lt3A_1499, %div3A_2480, %broadcast_in_dim3A_1501 : vector<16xi1>, vector<16xf32>
      %broadcast_in_dim3A_2482 = arith.constant 57 : i32
      %broadcast_in_dim3A_2483 = vector.broadcast %broadcast_in_dim3A_2482 : i32 to vector<16xi32>
      %gt3A_2484 = arith.cmpf ogt, %select_n3A_2481, %select_n3A_2473 : vector<16xf32>
      %gt3A_2485 = arith.cmpf ogt, %select_n3A_2481, %select_n3A_2470 : vector<16xf32>
      %select_n3A_2486 = arith.select %gt3A_2485, %select_n3A_2481, %select_n3A_2470 : vector<16xi1>, vector<16xf32>
      %select_n3A_2487 = arith.select %gt3A_2484, %select_n3A_2473, %select_n3A_2486 : vector<16xi1>, vector<16xf32>
      %select_n3A_2488 = arith.select %gt3A_2485, %broadcast_in_dim3A_2483, %select_n3A_2472 : vector<16xi1>, vector<16xi32>
      %select_n3A_2489 = arith.select %gt3A_2484, %select_n3A_2474, %select_n3A_2488 : vector<16xi1>, vector<16xi32>
      %select_n3A_2490 = arith.select %gt3A_2484, %select_n3A_2481, %select_n3A_2473 : vector<16xi1>, vector<16xf32>
      %select_n3A_2491 = arith.select %gt3A_2484, %broadcast_in_dim3A_2483, %select_n3A_2474 : vector<16xi1>, vector<16xi32>
      %get3A_2492 = arith.constant 58 : i32
      %get3A_2493 = arith.index_cast %get3A_2492 : i32 to index
      %get3A_2494 = arith.index_cast %mul3A_9 : i32 to index
      %get3A_2495 = tpu.vector_load %arg5[%get3A_2493, %get3A_2494] {strides = array<i32>} : memref<64x256xf32, #tpu.memory_space<vmem>>, vector<1x16xf32>,
      %get3A_2496 = vector.shape_cast %get3A_2495 : vector<1x16xf32> to vector<16xf32>
      %div3A_2497 = arith.divf %get3A_2496, %add3A_1278 : vector<16xf32>
      %select_n3A_2498 = arith.select %lt3A_1499, %div3A_2497, %broadcast_in_dim3A_1501 : vector<16xi1>, vector<16xf32>
      %broadcast_in_dim3A_2499 = arith.constant 58 : i32
      %broadcast_in_dim3A_2500 = vector.broadcast %broadcast_in_dim3A_2499 : i32 to vector<16xi32>
      %gt3A_2501 = arith.cmpf ogt, %select_n3A_2498, %select_n3A_2490 : vector<16xf32>
      %gt3A_2502 = arith.cmpf ogt, %select_n3A_2498, %select_n3A_2487 : vector<16xf32>
      %select_n3A_2503 = arith.select %gt3A_2502, %select_n3A_2498, %select_n3A_2487 : vector<16xi1>, vector<16xf32>
      %select_n3A_2504 = arith.select %gt3A_2501, %select_n3A_2490, %select_n3A_2503 : vector<16xi1>, vector<16xf32>
      %select_n3A_2505 = arith.select %gt3A_2502, %broadcast_in_dim3A_2500, %select_n3A_2489 : vector<16xi1>, vector<16xi32>
      %select_n3A_2506 = arith.select %gt3A_2501, %select_n3A_2491, %select_n3A_2505 : vector<16xi1>, vector<16xi32>
      %select_n3A_2507 = arith.select %gt3A_2501, %select_n3A_2498, %select_n3A_2490 : vector<16xi1>, vector<16xf32>
      %select_n3A_2508 = arith.select %gt3A_2501, %broadcast_in_dim3A_2500, %select_n3A_2491 : vector<16xi1>, vector<16xi32>
      %get3A_2509 = arith.constant 59 : i32
      %get3A_2510 = arith.index_cast %get3A_2509 : i32 to index
      %get3A_2511 = arith.index_cast %mul3A_9 : i32 to index
      %get3A_2512 = tpu.vector_load %arg5[%get3A_2510, %get3A_2511] {strides = array<i32>} : memref<64x256xf32, #tpu.memory_space<vmem>>, vector<1x16xf32>,
      %get3A_2513 = vector.shape_cast %get3A_2512 : vector<1x16xf32> to vector<16xf32>
      %div3A_2514 = arith.divf %get3A_2513, %add3A_1278 : vector<16xf32>
      %select_n3A_2515 = arith.select %lt3A_1499, %div3A_2514, %broadcast_in_dim3A_1501 : vector<16xi1>, vector<16xf32>
      %broadcast_in_dim3A_2516 = arith.constant 59 : i32
      %broadcast_in_dim3A_2517 = vector.broadcast %broadcast_in_dim3A_2516 : i32 to vector<16xi32>
      %gt3A_2518 = arith.cmpf ogt, %select_n3A_2515, %select_n3A_2507 : vector<16xf32>
      %gt3A_2519 = arith.cmpf ogt, %select_n3A_2515, %select_n3A_2504 : vector<16xf32>
      %select_n3A_2520 = arith.select %gt3A_2519, %select_n3A_2515, %select_n3A_2504 : vector<16xi1>, vector<16xf32>
      %select_n3A_2521 = arith.select %gt3A_2518, %select_n3A_2507, %select_n3A_2520 : vector<16xi1>, vector<16xf32>
      %select_n3A_2522 = arith.select %gt3A_2519, %broadcast_in_dim3A_2517, %select_n3A_2506 : vector<16xi1>, vector<16xi32>
      %select_n3A_2523 = arith.select %gt3A_2518, %select_n3A_2508, %select_n3A_2522 : vector<16xi1>, vector<16xi32>
      %select_n3A_2524 = arith.select %gt3A_2518, %select_n3A_2515, %select_n3A_2507 : vector<16xi1>, vector<16xf32>
      %select_n3A_2525 = arith.select %gt3A_2518, %broadcast_in_dim3A_2517, %select_n3A_2508 : vector<16xi1>, vector<16xi32>
      %get3A_2526 = arith.constant 60 : i32
      %get3A_2527 = arith.index_cast %get3A_2526 : i32 to index
      %get3A_2528 = arith.index_cast %mul3A_9 : i32 to index
      %get3A_2529 = tpu.vector_load %arg5[%get3A_2527, %get3A_2528] {strides = array<i32>} : memref<64x256xf32, #tpu.memory_space<vmem>>, vector<1x16xf32>,
      %get3A_2530 = vector.shape_cast %get3A_2529 : vector<1x16xf32> to vector<16xf32>
      %div3A_2531 = arith.divf %get3A_2530, %add3A_1278 : vector<16xf32>
      %select_n3A_2532 = arith.select %lt3A_1499, %div3A_2531, %broadcast_in_dim3A_1501 : vector<16xi1>, vector<16xf32>
      %broadcast_in_dim3A_2533 = arith.constant 60 : i32
      %broadcast_in_dim3A_2534 = vector.broadcast %broadcast_in_dim3A_2533 : i32 to vector<16xi32>
      %gt3A_2535 = arith.cmpf ogt, %select_n3A_2532, %select_n3A_2524 : vector<16xf32>
      %gt3A_2536 = arith.cmpf ogt, %select_n3A_2532, %select_n3A_2521 : vector<16xf32>
      %select_n3A_2537 = arith.select %gt3A_2536, %select_n3A_2532, %select_n3A_2521 : vector<16xi1>, vector<16xf32>
      %select_n3A_2538 = arith.select %gt3A_2535, %select_n3A_2524, %select_n3A_2537 : vector<16xi1>, vector<16xf32>
      %select_n3A_2539 = arith.select %gt3A_2536, %broadcast_in_dim3A_2534, %select_n3A_2523 : vector<16xi1>, vector<16xi32>
      %select_n3A_2540 = arith.select %gt3A_2535, %select_n3A_2525, %select_n3A_2539 : vector<16xi1>, vector<16xi32>
      %select_n3A_2541 = arith.select %gt3A_2535, %select_n3A_2532, %select_n3A_2524 : vector<16xi1>, vector<16xf32>
      %select_n3A_2542 = arith.select %gt3A_2535, %broadcast_in_dim3A_2534, %select_n3A_2525 : vector<16xi1>, vector<16xi32>
      %get3A_2543 = arith.constant 61 : i32
      %get3A_2544 = arith.index_cast %get3A_2543 : i32 to index
      %get3A_2545 = arith.index_cast %mul3A_9 : i32 to index
      %get3A_2546 = tpu.vector_load %arg5[%get3A_2544, %get3A_2545] {strides = array<i32>} : memref<64x256xf32, #tpu.memory_space<vmem>>, vector<1x16xf32>,
      %get3A_2547 = vector.shape_cast %get3A_2546 : vector<1x16xf32> to vector<16xf32>
      %div3A_2548 = arith.divf %get3A_2547, %add3A_1278 : vector<16xf32>
      %select_n3A_2549 = arith.select %lt3A_1499, %div3A_2548, %broadcast_in_dim3A_1501 : vector<16xi1>, vector<16xf32>
      %broadcast_in_dim3A_2550 = arith.constant 61 : i32
      %broadcast_in_dim3A_2551 = vector.broadcast %broadcast_in_dim3A_2550 : i32 to vector<16xi32>
      %gt3A_2552 = arith.cmpf ogt, %select_n3A_2549, %select_n3A_2541 : vector<16xf32>
      %gt3A_2553 = arith.cmpf ogt, %select_n3A_2549, %select_n3A_2538 : vector<16xf32>
      %select_n3A_2554 = arith.select %gt3A_2553, %select_n3A_2549, %select_n3A_2538 : vector<16xi1>, vector<16xf32>
      %select_n3A_2555 = arith.select %gt3A_2552, %select_n3A_2541, %select_n3A_2554 : vector<16xi1>, vector<16xf32>
      %select_n3A_2556 = arith.select %gt3A_2553, %broadcast_in_dim3A_2551, %select_n3A_2540 : vector<16xi1>, vector<16xi32>
      %select_n3A_2557 = arith.select %gt3A_2552, %select_n3A_2542, %select_n3A_2556 : vector<16xi1>, vector<16xi32>
      %select_n3A_2558 = arith.select %gt3A_2552, %select_n3A_2549, %select_n3A_2541 : vector<16xi1>, vector<16xf32>
      %select_n3A_2559 = arith.select %gt3A_2552, %broadcast_in_dim3A_2551, %select_n3A_2542 : vector<16xi1>, vector<16xi32>
      %get3A_2560 = arith.constant 62 : i32
      %get3A_2561 = arith.index_cast %get3A_2560 : i32 to index
      %get3A_2562 = arith.index_cast %mul3A_9 : i32 to index
      %get3A_2563 = tpu.vector_load %arg5[%get3A_2561, %get3A_2562] {strides = array<i32>} : memref<64x256xf32, #tpu.memory_space<vmem>>, vector<1x16xf32>,
      %get3A_2564 = vector.shape_cast %get3A_2563 : vector<1x16xf32> to vector<16xf32>
      %div3A_2565 = arith.divf %get3A_2564, %add3A_1278 : vector<16xf32>
      %select_n3A_2566 = arith.select %lt3A_1499, %div3A_2565, %broadcast_in_dim3A_1501 : vector<16xi1>, vector<16xf32>
      %broadcast_in_dim3A_2567 = arith.constant 62 : i32
      %broadcast_in_dim3A_2568 = vector.broadcast %broadcast_in_dim3A_2567 : i32 to vector<16xi32>
      %gt3A_2569 = arith.cmpf ogt, %select_n3A_2566, %select_n3A_2558 : vector<16xf32>
      %gt3A_2570 = arith.cmpf ogt, %select_n3A_2566, %select_n3A_2555 : vector<16xf32>
      %select_n3A_2571 = arith.select %gt3A_2570, %select_n3A_2566, %select_n3A_2555 : vector<16xi1>, vector<16xf32>
      %select_n3A_2572 = arith.select %gt3A_2569, %select_n3A_2558, %select_n3A_2571 : vector<16xi1>, vector<16xf32>
      %select_n3A_2573 = arith.select %gt3A_2570, %broadcast_in_dim3A_2568, %select_n3A_2557 : vector<16xi1>, vector<16xi32>
      %select_n3A_2574 = arith.select %gt3A_2569, %select_n3A_2559, %select_n3A_2573 : vector<16xi1>, vector<16xi32>
      %select_n3A_2575 = arith.select %gt3A_2569, %select_n3A_2566, %select_n3A_2558 : vector<16xi1>, vector<16xf32>
      %select_n3A_2576 = arith.select %gt3A_2569, %broadcast_in_dim3A_2568, %select_n3A_2559 : vector<16xi1>, vector<16xi32>
      %get3A_2577 = arith.constant 63 : i32
      %get3A_2578 = arith.index_cast %get3A_2577 : i32 to index
      %get3A_2579 = arith.index_cast %mul3A_9 : i32 to index
      %get3A_2580 = tpu.vector_load %arg5[%get3A_2578, %get3A_2579] {strides = array<i32>} : memref<64x256xf32, #tpu.memory_space<vmem>>, vector<1x16xf32>,
      %get3A_2581 = vector.shape_cast %get3A_2580 : vector<1x16xf32> to vector<16xf32>
      %div3A_2582 = arith.divf %get3A_2581, %add3A_1278 : vector<16xf32>
      %select_n3A_2583 = arith.select %lt3A_1499, %div3A_2582, %broadcast_in_dim3A_1501 : vector<16xi1>, vector<16xf32>
      %broadcast_in_dim3A_2584 = arith.constant 63 : i32
      %broadcast_in_dim3A_2585 = vector.broadcast %broadcast_in_dim3A_2584 : i32 to vector<16xi32>
      %gt3A_2586 = arith.cmpf ogt, %select_n3A_2583, %select_n3A_2575 : vector<16xf32>
      %gt3A_2587 = arith.cmpf ogt, %select_n3A_2583, %select_n3A_2572 : vector<16xf32>
      %select_n3A_2588 = arith.select %gt3A_2587, %select_n3A_2583, %select_n3A_2572 : vector<16xi1>, vector<16xf32>
      %select_n3A_2589 = arith.select %gt3A_2586, %select_n3A_2575, %select_n3A_2588 : vector<16xi1>, vector<16xf32>
      %select_n3A_2590 = arith.select %gt3A_2587, %broadcast_in_dim3A_2585, %select_n3A_2574 : vector<16xi1>, vector<16xi32>
      %select_n3A_2591 = arith.select %gt3A_2586, %select_n3A_2576, %select_n3A_2590 : vector<16xi1>, vector<16xi32>
      %select_n3A_2592 = arith.select %gt3A_2586, %select_n3A_2583, %select_n3A_2575 : vector<16xi1>, vector<16xf32>
      %select_n3A_2593 = arith.select %gt3A_2586, %broadcast_in_dim3A_2585, %select_n3A_2576 : vector<16xi1>, vector<16xi32>
      %swap3A_2594 = arith.constant 0 : i32
      %swap3A_2595 = arith.index_cast %swap3A_2594 : i32 to index
      %swap3A_2596 = arith.index_cast %mul3A_9 : i32 to index
      %swap3A_2597 = tpu.vector_load %arg6[%swap3A_2595, %swap3A_2596] {strides = array<i32>} : memref<2x256xf32, #tpu.memory_space<vmem>>, vector<1x16xf32>,
      %swap3A_2598 = vector.shape_cast %swap3A_2597 : vector<1x16xf32> to vector<16xf32>
      %swap3A_2599 = vector.shape_cast %select_n3A_2592 : vector<16xf32> to vector<1x16xf32>
      tpu.vector_store %arg6[%swap3A_2595, %swap3A_2596], %swap3A_2599 {strides = array<i32>} : memref<2x256xf32, #tpu.memory_space<vmem>>, vector<1x16xf32>,
      %swap3A_2600 = arith.constant 1 : i32
      %swap3A_2601 = arith.index_cast %swap3A_2600 : i32 to index
      %swap3A_2602 = arith.index_cast %mul3A_9 : i32 to index
      %swap3A_2603 = tpu.vector_load %arg6[%swap3A_2601, %swap3A_2602] {strides = array<i32>} : memref<2x256xf32, #tpu.memory_space<vmem>>, vector<1x16xf32>,
      %swap3A_2604 = vector.shape_cast %swap3A_2603 : vector<1x16xf32> to vector<16xf32>
      %swap3A_2605 = vector.shape_cast %select_n3A_2589 : vector<16xf32> to vector<1x16xf32>
      tpu.vector_store %arg6[%swap3A_2601, %swap3A_2602], %swap3A_2605 {strides = array<i32>} : memref<2x256xf32, #tpu.memory_space<vmem>>, vector<1x16xf32>,
      %swap3A_2606 = arith.constant 0 : i32
      %swap3A_2607 = arith.index_cast %swap3A_2606 : i32 to index
      %swap3A_2608 = arith.index_cast %mul3A_9 : i32 to index
      %swap3A_2609 = tpu.vector_load %arg7[%swap3A_2607, %swap3A_2608] {strides = array<i32>} : memref<2x256xi32, #tpu.memory_space<vmem>>, vector<1x16xi32>,
      %swap3A_2610 = vector.shape_cast %swap3A_2609 : vector<1x16xi32> to vector<16xi32>
      %swap3A_2611 = vector.shape_cast %select_n3A_2593 : vector<16xi32> to vector<1x16xi32>
      tpu.vector_store %arg7[%swap3A_2607, %swap3A_2608], %swap3A_2611 {strides = array<i32>} : memref<2x256xi32, #tpu.memory_space<vmem>>, vector<1x16xi32>,
      %swap3A_2612 = arith.constant 1 : i32
      %swap3A_2613 = arith.index_cast %swap3A_2612 : i32 to index
      %swap3A_2614 = arith.index_cast %mul3A_9 : i32 to index
      %swap3A_2615 = tpu.vector_load %arg7[%swap3A_2613, %swap3A_2614] {strides = array<i32>} : memref<2x256xi32, #tpu.memory_space<vmem>>, vector<1x16xi32>,
      %swap3A_2616 = vector.shape_cast %swap3A_2615 : vector<1x16xi32> to vector<16xi32>
      %swap3A_2617 = vector.shape_cast %select_n3A_2591 : vector<16xi32> to vector<1x16xi32>
      tpu.vector_store %arg7[%swap3A_2613, %swap3A_2614], %swap3A_2617 {strides = array<i32>} : memref<2x256xi32, #tpu.memory_space<vmem>>, vector<1x16xi32>,
    }
    %scan3A_6 = arith.constant 16 : i32
    "tpu.region"() ({
      %run_scoped3A = tpu.sem_alloc : memref<!tpu.dma_semaphore, #tpu.memory_space<semaphore_mem>>
      %dma_start3A = arith.constant 0 : i32
      %dma_start3A_7 = tpu.memref_slice %arg3[%dma_start3A, %mul3A_2] : memref<2x8192xf32, #tpu.memory_space<hbm>> -> memref<2x256xf32, #tpu.memory_space<hbm>>
      %dma_start3A_8 = arith.constant 0 : i32
      %dma_start3A_9 = tpu.memref_slice %arg3[%dma_start3A_8, %mul3A_2] : memref<2x8192xf32, #tpu.memory_space<hbm>> -> memref<2x256xf32, #tpu.memory_space<hbm>>
      tpu.enqueue_dma source(%arg6 : memref<2x256xf32, #tpu.memory_space<vmem>>) target(%dma_start3A_9 : memref<2x256xf32, #tpu.memory_space<hbm>>) target_semaphore(%run_scoped3A : memref<!tpu.dma_semaphore, #tpu.memory_space<semaphore_mem>>)
      %dma_wait3A = arith.constant 0 : i32
      %dma_wait3A_10 = tpu.memref_slice %arg3[%dma_wait3A, %mul3A_2] : memref<2x8192xf32, #tpu.memory_space<hbm>> -> memref<2x256xf32, #tpu.memory_space<hbm>>
      %dma_wait3A_11 = arith.constant 0 : i32
      %dma_wait3A_12 = tpu.memref_slice %arg3[%dma_wait3A_11, %mul3A_2] : memref<2x8192xf32, #tpu.memory_space<hbm>> -> memref<2x256xf32, #tpu.memory_space<hbm>>
      tpu.wait_dma2 semaphore(%run_scoped3A : memref<!tpu.dma_semaphore, #tpu.memory_space<semaphore_mem>>) src(%arg6 : memref<2x256xf32, #tpu.memory_space<vmem>>) dst(%dma_wait3A_12 : memref<2x256xf32, #tpu.memory_space<hbm>>)
      tpu.yield
    }) : () -> ()
    "tpu.region"() ({
      %run_scoped3A = tpu.sem_alloc : memref<!tpu.dma_semaphore, #tpu.memory_space<semaphore_mem>>
      %dma_start3A = arith.constant 0 : i32
      %dma_start3A_7 = tpu.memref_slice %arg4[%dma_start3A, %mul3A_2] : memref<2x8192xi32, #tpu.memory_space<hbm>> -> memref<2x256xi32, #tpu.memory_space<hbm>>
      %dma_start3A_8 = arith.constant 0 : i32
      %dma_start3A_9 = tpu.memref_slice %arg4[%dma_start3A_8, %mul3A_2] : memref<2x8192xi32, #tpu.memory_space<hbm>> -> memref<2x256xi32, #tpu.memory_space<hbm>>
      tpu.enqueue_dma source(%arg7 : memref<2x256xi32, #tpu.memory_space<vmem>>) target(%dma_start3A_9 : memref<2x256xi32, #tpu.memory_space<hbm>>) target_semaphore(%run_scoped3A : memref<!tpu.dma_semaphore, #tpu.memory_space<semaphore_mem>>)
      %dma_wait3A = arith.constant 0 : i32
      %dma_wait3A_10 = tpu.memref_slice %arg4[%dma_wait3A, %mul3A_2] : memref<2x8192xi32, #tpu.memory_space<hbm>> -> memref<2x256xi32, #tpu.memory_space<hbm>>
      %dma_wait3A_11 = arith.constant 0 : i32
      %dma_wait3A_12 = tpu.memref_slice %arg4[%dma_wait3A_11, %mul3A_2] : memref<2x8192xi32, #tpu.memory_space<hbm>> -> memref<2x256xi32, #tpu.memory_space<hbm>>
      tpu.wait_dma2 semaphore(%run_scoped3A : memref<!tpu.dma_semaphore, #tpu.memory_space<semaphore_mem>>) src(%arg7 : memref<2x256xi32, #tpu.memory_space<vmem>>) dst(%dma_wait3A_12 : memref<2x256xi32, #tpu.memory_space<hbm>>)
      tpu.yield
    }) : () -> ()
    return
  }
}

module attributes {stable_mosaic.version = 14 : i64} {
  func.func @_mm_kernel(%arg0: i32, %arg1: memref<1024x2048xf32, #tpu.memory_space<vmem>>, %arg2: memref<64x2048xf32, #tpu.memory_space<vmem>>, %arg3: memref<64x1024xf32, #tpu.memory_space<vmem>>) attributes {dimension_semantics = [#tpu.dimension_semantics<arbitrary>], iteration_bounds = array<i64: 8>, scalar_prefetch = 0 : i64, scratch_operands = 0 : i64, tpu.core_type = #tpu.core_type<tc>, window_params = [{transform_indices = @transform_0, window_bounds = array<i64: 1024, 2048>}, {pipeline_mode = #tpu.pipeline_mode<synchronous>, transform_indices = @transform_1, window_bounds = array<i64: 64, 2048>}, {transform_indices = @transform_2, window_bounds = array<i64: 64, 1024>}]} {
    %get3A = arith.constant 0 : index
    %get3A_0 = arith.constant 0 : index
    %get3A_1 = vector.load %arg2[%get3A, %get3A_0] : memref<64x2048xf32, #tpu.memory_space<vmem>>, vector<64x2048xf32>
    %get3A_2 = arith.constant 0 : index
    %get3A_3 = arith.constant 0 : index
    %get3A_4 = vector.load %arg1[%get3A_2, %get3A_3] : memref<1024x2048xf32, #tpu.memory_space<vmem>>, vector<1024x2048xf32>
    %dot_general3A = arith.constant dense<0.000000e+00> : vector<64x1024xf32>
    %dot_general3A_5 = tpu.matmul %get3A_1, %get3A_4, %dot_general3A {dimension_numbers = #tpu.dot_dimension_numbers<[1], [1], [0], [0], [0, 0, 1, 0], [], []>, transpose_lhs_hint = false} : vector<64x2048xf32>, vector<1024x2048xf32>, vector<64x1024xf32> -> vector<64x1024xf32>
    %swap3A = arith.constant 0 : index
    %swap3A_6 = arith.constant 0 : index
    %swap3A_7 = vector.load %arg3[%swap3A, %swap3A_6] : memref<64x1024xf32, #tpu.memory_space<vmem>>, vector<64x1024xf32>
    tpu.vector_store %arg3[%swap3A, %swap3A_6], %dot_general3A_5 {strides = array<i32>} : memref<64x1024xf32, #tpu.memory_space<vmem>>, vector<64x1024xf32>,
    return
  }
  func.func @transform_0(%arg0: i32) -> (i32, i32) {
    %c0_i32 = arith.constant 0 : i32
    %c0_i32_0 = arith.constant 0 : i32
    return %arg0, %c0_i32 : i32, i32
  }
  func.func @transform_1(%arg0: i32) -> (i32, i32) {
    %c0_i32 = arith.constant 0 : i32
    %c0_i32_0 = arith.constant 0 : i32
    %c0_i32_1 = arith.constant 0 : i32
    return %c0_i32, %c0_i32_0 : i32, i32
  }
  func.func @transform_2(%arg0: i32) -> (i32, i32) {
    %c0_i32 = arith.constant 0 : i32
    %c0_i32_0 = arith.constant 0 : i32
    return %c0_i32, %arg0 : i32, i32
  }
}

</mosaic_0001>

<sc_bundles>
// kernel: kernel.4.cloned.1.call-start
scs
__scs_entry_jumppad:
0x0: {  	(pc) =	sbr.rel $0x88, $3  }
0x1: {  	(tag) =	ssettag $0x0;
	lr =	simm.s32 $0x1  }
0x2: {  	[smem:$0x3F9F] =	sst lr;
	_ =	strace $0xD0000000  }
0x3: {  	_ = 	snop  }
0x4: {  	_ = 	snop  }
0x5: {  	_ = 	snop  }
0x6: {  	_ = 	snop  }
0x7: {  	_ = 	snop  }
__scs_overlays_trampoline_lowered:
0x8: {  	[smem:$0x3FAE] =	sst s0  }
0x9: {  	[smem:$0x3FAF] =	sst s1  }
0xa: {  	[smem:$0x3FB0] =	sst s2  }
0xb: {  	[smem:$0x3FB1] =	sst s3  }
0xc: {  	[smem:$0x3FB2] =	sst s4  }
0xd: {  	[smem:$0x3FB3] =	sst s5  }
0xe: {  	[smem:$0x3FB4] =	sst s6  }
0xf: {  	[smem:$0x3FB5] =	sst s7  }
0x10: {  	[smem:$0x3FB6] =	sst s8  }
0x11: {  	[smem:$0x3FB7] =	sst s9;
	s0 =	simm.s32 @!p0 $0x0  }
0x12: {  	s1 =	sld [smem:$0x3F9D];
	s0 =	simm.s32 @p0 $0x1  }
0x13: {  	[smem:$0x3FB8] =	sst s0;
	s0 =	simm.s32 @!p1 $0x0  }
0x14: {  	s2 =	sld [smem:$0x3F9C];
	s0 =	simm.s32 @p1 $0x1  }
0x15: {  	[smem:$0x3FB9] =	sst s0;
	s0 =	simm.s32 @!p2 $0x0  }
0x16: {  	s3 =	sld [smem:$0x3FDB];
	s0 =	simm.s32 @p2 $0x1  }
0x17: {  	s4 =	simm.s32 $0x1BF5;
	[smem:$0x3FBB] =	sst s0  }
0x18: {  	s0 =	sld [smem:$0x3F9E];
	_ =	swait.ge [sflag:s4], $0x0  }
0x19: {  	s7 =	sld [smem:$0x3F9F]  }
0x1a: {  	s8 =	sadd.s32 $0xFFFFE003, lr  }
0x1b: {  	s9 =	sadd.s32 $0xFFFFFEF7, lr;
	s5 =	simm.s32 $0xFFFFFFFF;
	p2 =	slt.u32 s8, $0xFFFFF086  }
0x1c: {  	p1 =	slt.u32 s9, $0xF7A;
	s5 =	simm.s32 @!p2 $0x0  }
0x1d: {  	s5 =	simm.s32 @p1 $0x1;
	p0 =	seq.s32 s7, s2  }
0x1e: {  	s7 =	smul.u32 @!p0 $0xF7A, s2;
	p2 =	seq.s32 @!p0 s5, $0x0  }
0x1f: {  	s9 =	smul.u32 $0xF7A, s1;
	s8 =	simm.s32 @!p0 $0x1BF5;
	p2 =	por !p2, p0  }
0x20: {  	[sflag:s8] =	ssyncset.s32 @!p0 $0xFFFFF086;
	s6 =	sadd.s32 @!p0 s3, s7;
	s7 =	simm.s32 @!p0 $0x108  }
0x21: {  	s3 =	sadd.s32 s3, s9;
	s6 =	sadd.s32 @!p0 $0x88, s6;
	s7 =	simm.s32 @p2 $0x1082  }
0x22: {  	[simem:s7], [sflag:s8] =	dma.local @!p0 [hbm:s6], $0xF7A  }
0x23: {  	s9 =	sor.u32 $0xD0000000, s2;
	s6 =	simm.s32 $0x108;
	_ =	swait.ge @!p0 [sflag:s8], $0x0  }
0x24: {  	s3 =	sadd.s32 $0x88, s3;
	s6 =	simm.s32 @!p1 $0x1082;
	[sflag:s4] =	ssyncset.s32 $0xFFFFF086  }
0x25: {  	[simem:s6], [sflag:s4] =	dma.local [hbm:s3], $0xF7A  }
0x26: {  	[smem:$0x3F9F] =	sst s1;
	(tag) =	ssettag s2;
	_ =	strace s9  }
0x27: {  	s1 =	sld [smem:$0x3FAF]  }
0x28: {  	s2 =	sld [smem:$0x3FB0]  }
0x29: {  	s4 =	sld [smem:$0x3FB2]  }
0x2a: {  	p0 =	seq.s32 s5, $0x0;
	s5 =	sld [smem:$0x3FB3]  }
0x2b: {  	s6 =	sld [smem:$0x3FB4]  }
0x2c: {  	s7 =	sld [smem:$0x3FB5]  }
0x2d: {  	s3 =	simm.s32 $0x108;
	s8 =	sld [smem:$0x3FB6]  }
0x2e: {  	s3 =	simm.s32 @!p0 $0x1082;
	s9 =	sld [smem:$0x3FB7]  }
0x2f: {  	lr =	sadd.s32 s0, s3;
	s0 =	sld [smem:$0x3FAE]  }
0x30: {  	s3 =	sld [smem:$0x3FB1]  }
0x31: {  	[smem:$0x3FBA] =	sst s10  }
0x32: {  	s10 =	sld [smem:$0x3FB8];
	_ =	sdelay $0x3  }
0x33: {  	p0 =	seq.s32 s10, $0x1;
	s10 =	sld [smem:$0x3FBA];
	_ =	sdelay $0x3  }
0x34: {  	[smem:$0x3FBA] =	sst s10  }
0x35: {  	s10 =	sld [smem:$0x3FB9];
	_ =	sdelay $0x3  }
0x36: {  	p1 =	seq.s32 s10, $0x1;
	s10 =	sld [smem:$0x3FBA];
	_ =	sdelay $0x3  }
0x37: {  	[smem:$0x3FBA] =	sst s10  }
0x38: {  	s10 =	sld [smem:$0x3FBB]  }
0x39: {  	_ = 	snop;
	(pc) =	sbr.ind lr, $3  }
0x3a: {  	_ = 	snop  }
0x3b: {  	_ = 	snop  }
0x3c: {  	p2 =	seq.s32 s10, $0x1;
	s10 =	sld [smem:$0x3FBA]  }
0x3d: {  	_ =	shalt  }
0x3e: {  	_ =	shalt  }
0x3f: {  	_ =	shalt  }
0x40: {  	_ =	shalt  }
0x41: {  	_ =	shalt  }
0x42: {  	_ =	shalt  }
0x43: {  	_ =	shalt  }
0x44: {  	_ =	shalt  }
0x45: {  	_ =	shalt  }
0x46: {  	_ =	shalt  }
0x47: {  	_ =	shalt  }
0x48: {  	_ =	shalt  }
0x49: {  	_ =	shalt  }
0x4a: {  	_ =	shalt  }
0x4b: {  	_ =	shalt  }
0x4c: {  	_ =	shalt  }
0x4d: {  	_ =	shalt  }
0x4e: {  	_ =	shalt  }
0x4f: {  	_ =	shalt  }
0x50: {  	_ =	shalt  }
0x51: {  	_ =	shalt  }
0x52: {  	_ =	shalt  }
0x53: {  	_ =	shalt  }
0x54: {  	_ =	shalt  }
0x55: {  	_ =	shalt  }
0x56: {  	_ =	shalt  }
0x57: {  	_ =	shalt  }
0x58: {  	_ =	shalt  }
0x59: {  	_ =	shalt  }
0x5a: {  	_ =	shalt  }
0x5b: {  	_ =	shalt  }
0x5c: {  	_ =	shalt  }
0x5d: {  	_ =	shalt  }
0x5e: {  	_ =	shalt  }
0x5f: {  	_ =	shalt  }
0x60: {  	_ =	shalt  }
0x61: {  	_ =	shalt  }
0x62: {  	_ =	shalt  }
0x63: {  	_ =	shalt  }
0x64: {  	_ =	shalt  }
0x65: {  	_ =	shalt  }
0x66: {  	_ =	shalt  }
0x67: {  	_ =	shalt  }
0x68: {  	_ =	shalt  }
0x69: {  	_ =	shalt  }
0x6a: {  	_ =	shalt  }
0x6b: {  	_ =	shalt  }
0x6c: {  	_ =	shalt  }
0x6d: {  	_ =	shalt  }
0x6e: {  	_ =	shalt  }
0x6f: {  	_ =	shalt  }
0x70: {  	_ =	shalt  }
0x71: {  	_ =	shalt  }
0x72: {  	_ =	shalt  }
0x73: {  	_ =	shalt  }
0x74: {  	_ =	shalt  }
0x75: {  	_ =	shalt  }
0x76: {  	_ =	shalt  }
0x77: {  	_ =	shalt  }
0x78: {  	_ =	shalt  }
0x79: {  	_ =	shalt  }
0x7a: {  	_ =	shalt  }
0x7b: {  	_ =	shalt  }
0x7c: {  	_ =	shalt  }
0x7d: {  	_ =	shalt  }
0x7e: {  	_ =	shalt  }
0x7f: {  	_ =	shalt  }
0x80: {  	_ =	shalt  }
0x81: {  	_ =	shalt  }
0x82: {  	_ =	shalt  }
0x83: {  	_ =	shalt  }
0x84: {  	_ =	shalt  }
0x85: {  	_ =	shalt  }
0x86: {  	_ =	shalt  }
0x87: {  	_ =	shalt  }
.Lfunc_end0:
.L_simem_size_0:
called_computation_lowered:
.L_overlay_start_0:
0x88: {  	s2 =	sld [smem:$0x3FD9]  }
0x89: {  	s3 =	sld [smem:$0x3FFE];
	_ =	sdelay $0x1  }
0x8a: {  	s1 =	srdreg.scid  }
0x8b: {  	s0 =	sand.u32 $0x1, s1  }
0x8c: {  	s14 =	sshll.u32 s0, $0xA;
	s2 =	sadd.s32 s3, s2  }
0x8d: {  	s2 =	sadd.s32 s2, s14  }
0x8e: {  	[smem:$0x3FC6] =	sst s2  }
0x8f: {  	_ = 	snop  }
0x90: {  	s2 =	sld [smem:$0x3FD0];
	_ =	sdelay $0x2  }
0x91: {  	s15 =	simm.s32 $0xA;
	s4 =	simm.s32 $0x10  }
0x92: {  	[smem:s4], [sflag:s15] =	dma.local [hbm:s2], $0x1  }
0x93: {  	_ =	swait.eq [sflag:s15], $0x1  }
0x94: {  	[sflag:s15] =	ssyncset.done $0x0  }
0x95: {  	s16 =	sld [smem:$0x10];
	[sflag:s15] =	ssyncadd.s32 $0xFFFFFFFF  }
0x96: {  	s17 =	sld [smem:$0x11];
	(tm) =	ssettm $0x1  }
0x97: {  	s18 =	sld [smem:$0x3FFB];
	_ =	sdelay $0x3  }
0x98: {  	_ =	strace s18  }
0x99: {  	s4 =	sld [smem:$0x3FFC];
	_ =	sdelay $0x3  }
0x9a: {  	_ =	strace s4  }
0x9b: {  	s4 =	sld [smem:$0x3FFD];
	_ =	sdelay $0x3  }
0x9c: {  	_ =	strace s4  }
0x9d: {  	_ =	strace $0x8FFFFFFF  }
0x9e: {  	s19 =	sld [smem:$0x3FDB];
	_ =	sdelay $0x1  }
0x9f: {  	s5 =	simm.s32 $_scs_section_size  }
0xa0: {  	s6 =	simm.s32 $_size__tile_overlayer_lowered;
	s7 =	simm.s32 $_tile_overlayer_lowered  }
0xa1: {  	s22 =	simm.s32 $0x1BFF;
	s21 =	sshll.u32 s7, $0x1;
	s4 =	sadd.s32 s5, s19  }
0xa2: {  	s8 =	simm.s32 $0x0;
	s20 =	sshll.u32 s6, $0x1;
	s6 =	sadd.s32 s21, s4  }
0xa3: {  	[timem:s8], [sflag:s22] =	dma.local [hbm:s6], s20  }
0xa4: {  	_ =	swait.ge [sflag:s22], s20  }
0xa5: {  	s5 =	ssub.s32 $0x0, s20;
	[sflag:s22] =	ssyncset.done $0x0  }
0xa6: {  	[sflag:s22] =	ssyncadd.s32 s5;
	_ =	sdelay $0x1  }
0xa7: {  	s23 =	simm.s32 $0x1B8B  }
0xa8: {  	_ =	swait.ge [sflag:s23], $0x1  }
0xa9: {  	[sflag:s23] =	ssyncset.done $0x0  }
0xaa: {  	s25 =	simm.s32 $0x1B8E;
	s24 =	sld [smem:$0x3FFE];
	[sflag:s23] =	ssyncadd.s32 $0xFFFFFFFF  }
0xab: {  	s26 =	simm.s32 $execute0_lowered;
	[smem:$0x3FD2] =	sst s25  }
0xac: {  	s6 =	sshll.u32 s26, $0x1;
	_ =	strace $0x80000046;
	[dreg:$0x1] =	wrdreg $0xFFFFFFFF  }
0xad: {  	s28 =	simm.s32 $_size_execute0_lowered;
	s4 =	sadd.s32 s4, s6;
	[dreg:$0x0] =	wrdreg $0x0  }
0xae: {  	s6 =	sshll.u32 s28, $0x1;
	[dreg:$0x2] =	wrdreg s4  }
0xaf: {  	[dreg:$0x3] =	wrdreg s6  }
0xb0: {  	[dreg:$0x4] =	wrdreg $0xC0  }
0xb1: {  	_ =	task [dreg:s8], $0x5FFFF  }
0xb2: {  	[dreg:$0x1] =	wrdreg $0xFFFFFFFF  }
0xb3: {  	[dreg:$0x0] =	wrdreg $0x60  }
0xb4: {  	[dreg:$0x2] =	wrdreg s24  }
0xb5: {  	[dreg:$0x3] =	wrdreg s16  }
0xb6: {  	[dreg:$0x4] =	wrdreg s17  }
0xb7: {  	[dreg:$0x5] =	wrdreg $0x9  }
0xb8: {  	_ =	task.clear_ibuf [dreg:s8], $0x6FFFF;
	_ =	strace $0x90000046  }
0xb9: {  	s29 =	simm.s32 $0x9;
	_ =	strace $0x80000048  }
0xba: {  	_ =	swait.ge [sflag:s29], $0x1  }
0xbb: {  	[sflag:s29] =	ssyncadd.s32 $0xFFFFFFFF  }
0xbc: {  	_ =	strace $0x90000048  }
0xbd: {  	_ =	sfence  }
0xbe: {  	s30 =	sld [smem:$0x0];
	_ =	sdelay $0x2  }
0xbf: {  	s31 =	sshll.u32 s1, $0xD;
	s1 =	sshrl.u32 s1, $0x2  }
0xc0: {  	s3 =	sand.u32 $0x4000, s31;
	s1 =	sadd.s32 s1, s30  }
0xc1: {  	s0 =	sor.u32 s3, s0;
	s1 =	sshll.u32 s1, $0x11  }
0xc2: {  	s0 =	sor.u32 s1, s0  }
0xc3: {  	s0 =	sadd.s32 $0x8F2B, s0  }
0xc4: {  	[sflag:s0] =	ssyncadd.remote.s32 $0x1  }
0xc5: {  	_ =	sfence.sel $0xFFFF  }
0xc6: {  	[dreg:$0x0] =	wrdreg $0xFFFFFFFF;
	(pc) =	sbr.abs _section_cstart, $3  }
0xc7: {  	[dreg:$0x1] =	wrdreg $0xFFFFFFFF  }
0xc8: {  	_ =	task.clear_ibuf [dreg:s8], $0x2FFFF;
	_ =	strace $0x9FFFFFFF  }
0xc9: {  	(tm) =	ssettm $0x7FFFFFFF  }
tec
execute0_lowered:
.L_overlay_start_1:
0x0: {  	(tag) =	ssettag $0x1  }
0x1: {  	s3 =	rddreg [dreg:$0x0]  }
0x2: {  	s4 =	rddreg [dreg:$0x1]  }
0x3: {  	s5 =	rddreg [dreg:$0x2];
	s2 =	srdreg.scid  }
0x4: {  	s0 =	rddreg [dreg:$0x3];
	s1 =	stileid.u32;
	s9 =	simm.s32 $0x1  }
0x5: {  	s10 =	simm.s32 $0x4000;
	s11 =	simm.s32 $0x4200;
	s12 =	simm.s32 $0x0  }
0x6: {  	s6 =	sand.u32 $0x1, s2;
	s2 =	simm.s32 $0x0;
	s7 =	sshll.u32 s1, $0x9  }
0x7: {  	s8 =	sshll.u32 s6, $0x8;
	[smem:$0x7FF] =	sst s2;
	s6 =	ssub.s32 $0x2, s6  }
0x8: {  	s7 =	sor.u32 s8, s7;
	_ =	strace $0x80000047;
	s31 =	sshrl.u32 s6, $0x1  }
0x9: {  	s8 =	simm.s32 $0x10000;
	s3 =	sadd.s32 s7, s3;
	s7 =	sshrl.u32 s7, $0x2  }
0xa: {  	s6 =	ssub.s32 s6, s31;
	s3 =	sadd.s32 $0xC00, s3;
	s4 =	sadd.s32 s4, s7  }
0xb: {  	v27 =	vimm.s32 $0x0;
	s5 =	sadd.s32 s5, s7;
	s6 =	smax.u32 s6, $0x1;
	s7 =	simm.s32 $0x800  }
.LBB2_1:
0xc: {  	[tilespmem:s2], [sflag:$0x1] =	stream.strided.gather [hbm4b:s3+s7], $0x4000, s8, s7, $0x38;
	[tilespmem:$0x4400] =	vst v63  }
0xd: {  	_ =	swait.ge [sflag:s9], $0x4000  }
0xe: {  	[sflag:s9] =	ssyncset.done $0x0  }
0xf: {  	s13 =	simm.s32 $0x0;
	s14 =	simm.s32 $0x0;
	[sflag:s9] =	ssyncadd.s32 $0xFFFFC000  }
.LBB2_2:
0x10: {  	s16 =	sshll.u32 s14, $0x7  }
0x11: {  	s15 =	sand.u32 $0x70, s13;
	s16 =	sand.u32 $0x3FFFFC00, s16  }
0x12: {  	s16 =	sor.u32 s15, s16  }
0x13: {  	v5 =	vld [tilespmem:s16+$0x0]  }
0x14: {  	v6 =	vld [tilespmem:s16+$0x80]  }
0x15: {  	v7 =	vld [tilespmem:s16+$0x100]  }
0x16: {  	v8 =	vld [tilespmem:s16+$0x180]  }
0x17: {  	v9 =	vld [tilespmem:s16+$0x200]  }
0x18: {  	v11 =	vld [tilespmem:s16+$0x280]  }
0x19: {  	v12 =	vld [tilespmem:s16+$0x300]  }
0x1a: {  	v13 =	vld [tilespmem:s16+$0x380]  }
0x1b: {  	v14 =	vld [tilespmem:s16+$0x800]  }
0x1c: {  	v63 =	vld [tilespmem:s16+$0x880]  }
0x1d: {  	v15 =	vld [tilespmem:s16+$0x900]  }
0x1e: {  	v62 =	vld [tilespmem:s16+$0x980]  }
0x1f: {  	v60 =	vld [tilespmem:s16+$0xA00]  }
0x20: {  	v61 =	vld [tilespmem:s16+$0xA80]  }
0x21: {  	v23 =	vld [tilespmem:s16+$0xB00]  }
0x22: {  	v16 =	vld [tilespmem:s16+$0xB80]  }
0x23: {  	v17 =	vld [tilespmem:s16+$0x1000]  }
0x24: {  	v18 =	vld [tilespmem:s16+$0x1080]  }
0x25: {  	v19 =	vld [tilespmem:s16+$0x1100]  }
0x26: {  	v20 =	vld [tilespmem:s16+$0x1180]  }
0x27: {  	v21 =	vld [tilespmem:s16+$0x1200]  }
0x28: {  	v22 =	vld [tilespmem:s16+$0x1280]  }
0x29: {  	v24 =	vld [tilespmem:s16+$0x1300]  }
0x2a: {  	v25 =	vld [tilespmem:s16+$0x1380]  }
0x2b: {  	v26 =	vld [tilespmem:s16+$0x1800]  }
0x2c: {  	v28 =	vld [tilespmem:s16+$0x1880]  }
0x2d: {  	v35 =	vld [tilespmem:s16+$0x1900]  }
0x2e: {  	v36 =	vld [tilespmem:s16+$0x1980]  }
0x2f: {  	v37 =	vld [tilespmem:s16+$0x1A00]  }
0x30: {  	v38 =	vld [tilespmem:s16+$0x1A80]  }
0x31: {  	v40 =	vld [tilespmem:s16+$0x1B00]  }
0x32: {  	v39 =	vld [tilespmem:s16+$0x1B80]  }
0x33: {  	v41 =	vld [tilespmem:s16+$0x2000]  }
0x34: {  	v43 =	vld [tilespmem:s16+$0x2080]  }
0x35: {  	v42 =	vld [tilespmem:s16+$0x2100]  }
0x36: {  	v44 =	vld [tilespmem:s16+$0x2180]  }
0x37: {  	v46 =	vld [tilespmem:s16+$0x2200]  }
0x38: {  	v48 =	vld [tilespmem:s16+$0x2280]  }
0x39: {  	v53 =	vld [tilespmem:s16+$0x2300]  }
0x3a: {  	v4 =	vld [tilespmem:s16+$0x2380]  }
0x3b: {  	v57 =	vld [tilespmem:s16+$0x2800]  }
0x3c: {  	v56 =	vld [tilespmem:s16+$0x2880]  }
0x3d: {  	v31 =	vld [tilespmem:s16+$0x2900]  }
0x3e: {  	v59 =	vld [tilespmem:s16+$0x2980]  }
0x3f: {  	v29 =	vld [tilespmem:s16+$0x2A00]  }
0x40: {  	v1 =	vld [tilespmem:s16+$0x2A80]  }
0x41: {  	v33 =	vld [tilespmem:s16+$0x2B00]  }
0x42: {  	v32 =	vld [tilespmem:s16+$0x2B80]  }
0x43: {  	v30 =	vld [tilespmem:s16+$0x3000];
	v0 =	vmax.f32 v5, v6;
	v45 =	vmax.f32 v14, v63;
	v49 =	vmax.f32 v17, v18  }
0x44: {  	v3 =	vld [tilespmem:s16+$0x3300];
	[tilespmem:$0x1FC10] =	vst v56;
	v55 =	vmax.f32 v26, v28;
	v56 =	vmax.f32 v57, v56;
	v0 =	vmax.f32 v0, v7  }
0x45: {  	v47 =	vmax.f32 v45, v15;
	v45 =	vld [tilespmem:s16+$0x3080];
	v50 =	vmax.f32 v49, v19;
	v58 =	vmax.f32 v55, v35  }
0x46: {  	v49 =	vld [tilespmem:s16+$0x3100];
	v0 =	vmax.f32 v0, v8;
	v47 =	vmax.f32 v47, v62;
	v51 =	vmax.f32 v50, v20  }
0x47: {  	v50 =	vld [tilespmem:s16+$0x3180];
	v0 =	vmax.f32 v0, v9;
	v47 =	vmax.f32 v47, v60;
	v51 =	vmax.f32 v51, v21  }
0x48: {  	v0 =	vmax.f32 v0, v11;
	v52 =	vmax.f32 v47, v61;
	v47 =	vld [tilespmem:s16+$0x3200];
	v51 =	vmax.f32 v51, v22  }
0x49: {  	[tilespmem:$0x1FBF0] =	vst v4;
	v0 =	vmax.f32 v0, v12;
	v34 =	vmax.f32 v52, v23;
	v52 =	vld [tilespmem:s16+$0x3280];
	v54 =	vmax.f32 v51, v24  }
0x4a: {  	[tilespmem:$0x1FC00] =	vst v57;
	v51 =	vld [tilespmem:s16+$0x3380];
	v10 =	vmax.f32 v34, v16;
	v34 =	vmax.f32 v54, v25;
	v54 =	vmax.f32 v41, v43  }
0x4b: {  	[tilespmem:$0x1FC20] =	vst v31;
	v56 =	vmax.f32 v56, v31;
	v2 =	vmax.f32 v0, v13;
	v55 =	vmax.f32 v54, v42;
	v54 =	vld [tilespmem:s16+$0x3800]  }
0x4c: {  	[tilespmem:$0x1FC30] =	vst v59;
	v0 =	vmax.f32 v58, v36;
	v58 =	vmax.f32 v56, v59;
	v57 =	vmax.f32 v55, v44;
	v55 =	vld [tilespmem:s16+$0x3880]  }
0x4d: {  	[tilespmem:$0x1FC80] =	vst v30;
	v56 =	vld [tilespmem:s16+$0x3900];
	v30 =	vmax.f32 v30, v45;
	v0 =	vmax.f32 v0, v37;
	v57 =	vmax.f32 v57, v46  }
0x4e: {  	[tilespmem:$0x1FC40] =	vst v29;
	v58 =	vmax.f32 v58, v29;
	v0 =	vmax.f32 v0, v38;
	v59 =	vmax.f32 v57, v48;
	v57 =	vld [tilespmem:s16+$0x3980]  }
0x4f: {  	[tilespmem:$0x1FC50] =	vst v1;
	v1 =	vmax.f32 v58, v1;
	v58 =	vld [tilespmem:s16+$0x3A00];
	v0 =	vmax.f32 v0, v40;
	v31 =	vmax.f32 v59, v53  }
0x50: {  	[tilespmem:$0x1FC60] =	vst v33;
	v29 =	vmax.f32 v0, v39;
	v59 =	vld [tilespmem:s16+$0x3A80];
	v31 =	vmax.f32 v31, v4;
	v4 =	vmax.f32 v1, v33  }
0x51: {  	[tilespmem:$0x1FC70] =	vst v32;
	v0 =	vmax.f32 v30, v49;
	v33 =	vmax.f32 v4, v32;
	v4 =	vmax.f32 v54, v55;
	v32 =	vld [tilespmem:s16+$0x3B00]  }
0x52: {  	[tilespmem:$0x1FCA0] =	vst v10;
	v10 =	vmax.f32 v2, v10;
	v30 =	vld [tilespmem:s16+$0x3B80];
	v0 =	vmax.f32 v0, v50;
	v1 =	vmax.f32 v4, v56  }
0x53: {  	v10 =	vmax.f32 v10, v34;
	v0 =	vmax.f32 v0, v47;
	v1 =	vmax.f32 v1, v57  }
0x54: {  	v10 =	vmax.f32 v10, v29;
	v0 =	vmax.f32 v0, v52;
	v1 =	vmax.f32 v1, v58  }
0x55: {  	v10 =	vmax.f32 v10, v31;
	v0 =	vmax.f32 v0, v3;
	v1 =	vmax.f32 v1, v59  }
0x56: {  	[tilespmem:$0x1FC90] =	vst v2;
	v10 =	vmax.f32 v10, v33;
	v2 =	vmax.f32 v0, v51;
	v4 =	vmax.f32 v1, v32  }
0x57: {  	[tilespmem:$0x1FCC0] =	vst v31;
	v31 =	vmax.f32 v4, v30;
	v4 =	vmax.f32 v10, v2  }
0x58: {  	v0 =	vmax.f32 v4, v31  }
0x59: {  	v5 =	vsub.f32 v5, v0;
	_ =	sdelay $0x1  }
0x5a: {  	v10 =	vsub.f32 v6, v0;
	v1 =	vmul.f32 $1.442695020e+00, v5;
	_ =	sdelay $0x1  }
0x5b: {  	v4 =	vmul.f32 $1.442695020e+00, v10;
	v5 =	vsub.f32 v7, v0;
	(erf) = vpow2.f32 v1;
	_ =	sdelay $0x1  }
0x5c: {  	v7 =	vsub.f32 v8, v0;
	v6 =	vmul.f32 $1.442695020e+00, v5;
	(erf) = vpow2.f32 v4;
	_ =	sdelay $0x1  }
0x5d: {  	v9 =	vsub.f32 v9, v0;
	v8 =	vmul.f32 $1.442695020e+00, v7;
	(erf) = vpow2.f32 v6;
	_ =	sdelay $0x1  }
0x5e: {  	v11 =	vsub.f32 v11, v0;
	v10 =	vmul.f32 $1.442695020e+00, v9;
	(erf) = vpow2.f32 v8;
	_ =	sdelay $0x1  }
0x5f: {  	v12 =	vsub.f32 v12, v0;
	v1 =	vmul.f32 $1.442695020e+00, v11;
	(erf) = vpow2.f32 v10  }
0x60: {  	[tilespmem:$0x1FCB0] =	vst v29;
	v29 =	vmov v3;
	v3 =	vsub.f32 v13, v0;
	v8 =	vpop (erf)  }
0x61: {  	v12 =	vmul.f32 $1.442695020e+00, v12;
	(erf) = vpow2.f32 v1;
	v13 =	vadd.f32 $0.0e+00, v8  }
0x62: {  	v3 =	vmul.f32 $1.442695020e+00, v3;
	v10 =	vpop (erf)  }
0x63: {  	v7 =	vsub.f32 v14, v0;
	(erf) = vpow2.f32 v12;
	v6 =	vadd.f32 v13, v10  }
0x64: {  	v9 =	vsub.f32 v63, v0;
	v63 =	vsub.f32 v15, v0;
	v11 =	vpop (erf)  }
0x65: {  	[tilespmem:$0x1FCD0] =	vst v2;
	v2 =	vmul.f32 $1.442695020e+00, v7;
	(erf) = vpow2.f32 v3;
	v1 =	vadd.f32 v6, v11  }
0x66: {  	v12 =	vpop (erf)  }
0x67: {  	v9 =	vmul.f32 $1.442695020e+00, v9;
	(erf) = vpow2.f32 v2;
	v1 =	vadd.f32 v1, v12  }
0x68: {  	v13 =	vmul.f32 $1.442695020e+00, v63;
	v63 =	vpop (erf)  }
0x69: {  	v14 =	vsub.f32 v62, v0;
	(erf) = vpow2.f32 v9;
	v1 =	vadd.f32 v1, v63  }
0x6a: {  	v15 =	vsub.f32 v60, v0;
	v62 =	vpop (erf)  }
0x6b: {  	v2 =	vmul.f32 $1.442695020e+00, v14;
	(erf) = vpow2.f32 v13;
	v1 =	vadd.f32 v1, v62  }
0x6c: {  	v9 =	vsub.f32 v61, v0;
	v60 =	vpop (erf)  }
0x6d: {  	v13 =	vmul.f32 $1.442695020e+00, v15;
	(erf) = vpow2.f32 v2;
	v1 =	vadd.f32 v1, v60  }
0x6e: {  	v15 =	vsub.f32 v23, v0;
	v61 =	vpop (erf)  }
0x6f: {  	v14 =	vmul.f32 $1.442695020e+00, v9;
	(erf) = vpow2.f32 v13;
	v1 =	vadd.f32 v1, v61  }
0x70: {  	v16 =	vsub.f32 v16, v0;
	v23 =	vpop (erf)  }
0x71: {  	v2 =	vmul.f32 $1.442695020e+00, v15;
	(erf) = vpow2.f32 v14;
	v1 =	vadd.f32 v1, v23  }
0x72: {  	v9 =	vsub.f32 v17, v0;
	v13 =	vpop (erf)  }
0x73: {  	v14 =	vmul.f32 $1.442695020e+00, v16;
	(erf) = vpow2.f32 v2;
	v1 =	vadd.f32 v1, v13  }
0x74: {  	v17 =	vsub.f32 v18, v0;
	v16 =	vpop (erf)  }
0x75: {  	v15 =	vmul.f32 $1.442695020e+00, v9;
	(erf) = vpow2.f32 v14;
	v1 =	vadd.f32 v1, v16  }
0x76: {  	v19 =	vsub.f32 v19, v0;
	v18 =	vpop (erf)  }
0x77: {  	v2 =	vmul.f32 $1.442695020e+00, v17;
	(erf) = vpow2.f32 v15;
	v1 =	vadd.f32 v1, v18  }
0x78: {  	v20 =	vsub.f32 v20, v0;
	v9 =	vpop (erf)  }
0x79: {  	v14 =	vmul.f32 $1.442695020e+00, v19;
	(erf) = vpow2.f32 v2;
	v1 =	vadd.f32 v1, v9  }
0x7a: {  	v17 =	vsub.f32 v21, v0;
	[tilespmem:$0x1FCF0] =	vst v16;
	v16 =	vpop (erf)  }
0x7b: {  	v15 =	vmul.f32 $1.442695020e+00, v20;
	(erf) = vpow2.f32 v14;
	v1 =	vadd.f32 v1, v16  }
0x7c: {  	v19 =	vsub.f32 v22, v0;
	[tilespmem:$0x1FD00] =	vst v18;
	v18 =	vpop (erf)  }
0x7d: {  	v2 =	vmul.f32 $1.442695020e+00, v17;
	(erf) = vpow2.f32 v15;
	v1 =	vadd.f32 v1, v18  }
0x7e: {  	v20 =	vsub.f32 v24, v0;
	v21 =	vpop (erf)  }
0x7f: {  	v22 =	vmul.f32 $1.442695020e+00, v19;
	(erf) = vpow2.f32 v2;
	v1 =	vadd.f32 v1, v21  }
0x80: {  	v15 =	vsub.f32 v25, v0;
	v14 =	vpop (erf)  }
0x81: {  	[tilespmem:$0x1FD10] =	vst v9;
	(erf) = vpow2.f32 v22;
	v9 =	vmul.f32 $1.442695020e+00, v20;
	v1 =	vadd.f32 v1, v14  }
0x82: {  	v17 =	vsub.f32 v26, v0;
	[tilespmem:$0x1FD20] =	vst v16;
	v16 =	vpop (erf)  }
0x83: {  	v2 =	vmul.f32 $1.442695020e+00, v15;
	(erf) = vpow2.f32 v9;
	v1 =	vadd.f32 v1, v16  }
0x84: {  	v20 =	vmul.f32 $1.442695020e+00, v17;
	v19 =	vpop (erf)  }
0x85: {  	[tilespmem:$0x1FD30] =	vst v18;
	(erf) = vpow2.f32 v2;
	v18 =	vsub.f32 v28, v0;
	v1 =	vadd.f32 v1, v19  }
0x86: {  	v7 =	vsub.f32 v35, v0;
	v22 =	vpop (erf)  }
0x87: {  	[tilespmem:$0x1FD40] =	vst v21;
	(erf) = vpow2.f32 v20;
	v21 =	vmul.f32 $1.442695020e+00, v18;
	v1 =	vadd.f32 v1, v22  }
0x88: {  	v2 =	vmul.f32 $1.442695020e+00, v7;
	v9 =	vpop (erf)  }
0x89: {  	[tilespmem:$0x1FD50] =	vst v14;
	(erf) = vpow2.f32 v21;
	v14 =	vsub.f32 v36, v0;
	v1 =	vadd.f32 v1, v9  }
0x8a: {  	v15 =	vsub.f32 v37, v0;
	[tilespmem:$0x1FD90] =	vst v16;
	v16 =	vpop (erf)  }
0x8b: {  	(erf) = vpow2.f32 v2;
	v17 =	vmul.f32 $1.442695020e+00, v14;
	v1 =	vadd.f32 v1, v16  }
0x8c: {  	[tilespmem:$0x1FDA0] =	vst v19;
	v20 =	vsub.f32 v38, v0;
	v19 =	vpop (erf)  }
0x8d: {  	v18 =	vmul.f32 $1.442695020e+00, v15;
	(erf) = vpow2.f32 v17;
	v1 =	vadd.f32 v1, v19  }
0x8e: {  	v2 =	vmul.f32 $1.442695020e+00, v20;
	v21 =	vpop (erf)  }
0x8f: {  	[tilespmem:$0x1FDB0] =	vst v22;
	(erf) = vpow2.f32 v18;
	v22 =	vsub.f32 v40, v0;
	v1 =	vadd.f32 v1, v21  }
0x90: {  	v35 =	vsub.f32 v39, v0;
	v36 =	vpop (erf)  }
0x91: {  	(erf) = vpow2.f32 v2;
	v37 =	vmul.f32 $1.442695020e+00, v22;
	v1 =	vadd.f32 v1, v36  }
0x92: {  	v38 =	vmul.f32 $1.442695020e+00, v35;
	v39 =	vpop (erf)  }
0x93: {  	v40 =	vsub.f32 v41, v0;
	(erf) = vpow2.f32 v37;
	v1 =	vadd.f32 v1, v39  }
0x94: {  	v43 =	vsub.f32 v43, v0;
	v41 =	vpop (erf)  }
0x95: {  	v2 =	vmul.f32 $1.442695020e+00, v40;
	(erf) = vpow2.f32 v38;
	v1 =	vadd.f32 v1, v41  }
0x96: {  	v15 =	vmul.f32 $1.442695020e+00, v43;
	v14 =	vpop (erf)  }
0x97: {  	[tilespmem:$0x1FDC0] =	vst v9;
	v9 =	vsub.f32 v42, v0;
	(erf) = vpow2.f32 v2;
	v1 =	vadd.f32 v1, v14  }
0x98: {  	v17 =	vsub.f32 v44, v0;
	[tilespmem:$0x1FE00] =	vst v21;
	v21 =	vpop (erf)  }
0x99: {  	[tilespmem:$0x1FDE0] =	vst v16;
	v16 =	vmul.f32 $1.442695020e+00, v9;
	(erf) = vpow2.f32 v15;
	v1 =	vadd.f32 v1, v21  }
0x9a: {  	[tilespmem:$0x1FDF0] =	vst v19;
	v18 =	vsub.f32 v46, v0;
	v19 =	vsub.f32 v48, v0;
	v20 =	vpop (erf)  }
0x9b: {  	v38 =	vld [tilespmem:$0x1FBF0];
	v2 =	vmul.f32 $1.442695020e+00, v17;
	(erf) = vpow2.f32 v16;
	v1 =	vadd.f32 v1, v20  }
0x9c: {  	v22 =	vpop (erf)  }
0x9d: {  	[tilespmem:$0x1FE10] =	vst v36;
	v35 =	vmul.f32 $1.442695020e+00, v18;
	(erf) = vpow2.f32 v2;
	v1 =	vadd.f32 v1, v22  }
0x9e: {  	[tilespmem:$0x1FE30] =	vst v39;
	v36 =	vmul.f32 $1.442695020e+00, v19;
	v39 =	vld [tilespmem:$0x1FC00];
	v19 =	vpop (erf)  }
0x9f: {  	v44 =	vld [tilespmem:$0x1FC10];
	v37 =	vsub.f32 v53, v0;
	(erf) = vpow2.f32 v35;
	v1 =	vadd.f32 v1, v19  }
0xa0: {  	v3 =	vsub.f32 v38, v0;
	v18 =	vpop (erf)  }
0xa1: {  	v48 =	vld [tilespmem:$0x1FC20];
	v2 =	vmul.f32 $1.442695020e+00, v37;
	(erf) = vpow2.f32 v36;
	v1 =	vadd.f32 v1, v18  }
0xa2: {  	[tilespmem:$0x1FE40] =	vst v41;
	v41 =	vmul.f32 $1.442695020e+00, v3;
	v40 =	vpop (erf)  }
0xa3: {  	v53 =	vld [tilespmem:$0x1FC30];
	(erf) = vpow2.f32 v2;
	v4 =	vsub.f32 v39, v0;
	v1 =	vadd.f32 v1, v40  }
0xa4: {  	v2 =	vsub.f32 v44, v0;
	v43 =	vpop (erf)  }
0xa5: {  	(erf) = vpow2.f32 v41;
	v42 =	vmul.f32 $1.442695020e+00, v4;
	v1 =	vadd.f32 v1, v43  }
0xa6: {  	v15 =	vld [tilespmem:$0x1FC40];
	v3 =	vsub.f32 v48, v0;
	v46 =	vpop (erf)  }
0xa7: {  	v2 =	vmul.f32 $1.442695020e+00, v2;
	(erf) = vpow2.f32 v42;
	v1 =	vadd.f32 v1, v46  }
0xa8: {  	[tilespmem:$0x1FE60] =	vst v22;
	v4 =	vsub.f32 v53, v0;
	v17 =	vpop (erf);
	v22 =	vld [tilespmem:$0x1FC50]  }
0xa9: {  	v35 =	vld [tilespmem:$0x1FC60];
	v9 =	vmul.f32 $1.442695020e+00, v3;
	(erf) = vpow2.f32 v2;
	v1 =	vadd.f32 v1, v17  }
0xaa: {  	[tilespmem:$0x1FE50] =	vst v14;
	v14 =	vmul.f32 $1.442695020e+00, v4;
	v16 =	vpop (erf)  }
0xab: {  	v39 =	vld [tilespmem:$0x1FC70];
	v2 =	vsub.f32 v15, v0;
	(erf) = vpow2.f32 v9;
	v1 =	vadd.f32 v1, v16  }
0xac: {  	(erf) = vpow2.f32 v14;
	v15 =	vpop (erf)  }
0xad: {  	v2 =	vmul.f32 $1.442695020e+00, v2;
	v3 =	vsub.f32 v22, v0;
	v1 =	vadd.f32 v1, v15  }
0xae: {  	v41 =	vld [tilespmem:$0x1FC80];
	v4 =	vsub.f32 v35, v0;
	v14 =	vpop (erf)  }
0xaf: {  	(erf) = vpow2.f32 v2;
	v36 =	vmul.f32 $1.442695020e+00, v3;
	v1 =	vadd.f32 v1, v14  }
0xb0: {  	v2 =	vsub.f32 v39, v0;
	v38 =	vpop (erf)  }
0xb1: {  	v37 =	vmul.f32 $1.442695020e+00, v4;
	(erf) = vpow2.f32 v36;
	v1 =	vadd.f32 v1, v38  }
0xb2: {  	[tilespmem:$0x1FEA0] =	vst v40;
	v2 =	vmul.f32 $1.442695020e+00, v2;
	v40 =	vpop (erf)  }
0xb3: {  	v3 =	vsub.f32 v41, v0;
	(erf) = vpow2.f32 v37;
	v1 =	vadd.f32 v1, v40  }
0xb4: {  	[tilespmem:$0x1FEB0] =	vst v43;
	v42 =	vsub.f32 v45, v0;
	v43 =	vpop (erf)  }
0xb5: {  	v44 =	vmul.f32 $1.442695020e+00, v3;
	(erf) = vpow2.f32 v2;
	v1 =	vadd.f32 v1, v43  }
0xb6: {  	v48 =	vsub.f32 v49, v0;
	[tilespmem:$0x1FEC0] =	vst v46;
	v46 =	vpop (erf)  }
0xb7: {  	v45 =	vmul.f32 $1.442695020e+00, v42;
	(erf) = vpow2.f32 v44;
	v1 =	vadd.f32 v1, v46  }
0xb8: {  	v53 =	vsub.f32 v50, v0;
	v49 =	vpop (erf)  }
0xb9: {  	v2 =	vmul.f32 $1.442695020e+00, v48;
	(erf) = vpow2.f32 v45;
	v1 =	vadd.f32 v1, v49  }
0xba: {  	v9 =	vsub.f32 v47, v0;
	v22 =	vpop (erf)  }
0xbb: {  	v35 =	vmul.f32 $1.442695020e+00, v53;
	(erf) = vpow2.f32 v2;
	v1 =	vadd.f32 v1, v22  }
0xbc: {  	v36 =	vmul.f32 $1.442695020e+00, v9;
	v37 =	vpop (erf)  }
0xbd: {  	[tilespmem:$0x1FED0] =	vst v38;
	(erf) = vpow2.f32 v35;
	v38 =	vsub.f32 v52, v0;
	v1 =	vadd.f32 v1, v37  }
0xbe: {  	(erf) = vpow2.f32 v36;
	v39 =	vpop (erf)  }
0xbf: {  	[tilespmem:$0x1FEE0] =	vst v40;
	v2 =	vmul.f32 $1.442695020e+00, v38;
	v40 =	vsub.f32 v29, v0;
	v1 =	vadd.f32 v1, v39  }
0xc0: {  	v41 =	vsub.f32 v51, v0;
	v42 =	vpop (erf)  }
0xc1: {  	[tilespmem:$0x1FEF0] =	vst v43;
	(erf) = vpow2.f32 v2;
	v43 =	vmul.f32 $1.442695020e+00, v40;
	v1 =	vadd.f32 v1, v42  }
0xc2: {  	v44 =	vmul.f32 $1.442695020e+00, v41;
	v45 =	vpop (erf)  }
0xc3: {  	[tilespmem:$0x1FF00] =	vst v46;
	(erf) = vpow2.f32 v43;
	v46 =	vsub.f32 v54, v0;
	v1 =	vadd.f32 v1, v45  }
0xc4: {  	v48 =	vsub.f32 v55, v0;
	v47 =	vpop (erf)  }
0xc5: {  	(erf) = vpow2.f32 v44;
	v2 =	vmul.f32 $1.442695020e+00, v46;
	v1 =	vadd.f32 v1, v47  }
0xc6: {  	v51 =	vmul.f32 $1.442695020e+00, v48;
	v50 =	vpop (erf)  }
0xc7: {  	[tilespmem:$0x1FF10] =	vst v49;
	v49 =	vsub.f32 v56, v0;
	(erf) = vpow2.f32 v2;
	v1 =	vadd.f32 v1, v50  }
0xc8: {  	v53 =	vsub.f32 v57, v0;
	v56 =	vpop (erf)  }
0xc9: {  	v52 =	vmul.f32 $1.442695020e+00, v49;
	(erf) = vpow2.f32 v51;
	v1 =	vadd.f32 v1, v56  }
0xca: {  	v54 =	vsub.f32 v58, v0;
	v57 =	vpop (erf)  }
0xcb: {  	v2 =	vmul.f32 $1.442695020e+00, v53;
	(erf) = vpow2.f32 v52;
	v1 =	vadd.f32 v1, v57  }
0xcc: {  	v55 =	vsub.f32 v59, v0;
	v59 =	vpop (erf)  }
0xcd: {  	v7 =	vmul.f32 $1.442695020e+00, v54;
	(erf) = vpow2.f32 v2;
	v1 =	vadd.f32 v1, v59  }
0xce: {  	v9 =	vmul.f32 $1.442695020e+00, v55;
	v51 =	vpop (erf)  }
0xcf: {  	[tilespmem:$0x1FF20] =	vst v22;
	v22 =	vsub.f32 v32, v0;
	(erf) = vpow2.f32 v7;
	v1 =	vadd.f32 v1, v51  }
0xd0: {  	v32 =	vsub.f32 v30, v0;
	v49 =	vpop (erf)  }
0xd1: {  	v2 =	vmul.f32 $1.442695020e+00, v22;
	(erf) = vpow2.f32 v9;
	v1 =	vadd.f32 v1, v49  }
0xd2: {  	[tilespmem:$0x1FFC0] =	vst v47;
	v47 =	vpop (erf)  }
0xd3: {  	v35 =	vmul.f32 $1.442695020e+00, v32;
	(erf) = vpow2.f32 v2;
	v1 =	vadd.f32 v1, v47  }
0xd4: {  	[tilespmem:$0x1FFB0] =	vst v45;
	v45 =	vpop (erf)  }
0xd5: {  	(erf) = vpow2.f32 v35;
	v1 =	vadd.f32 v1, v45  }
0xd6: {  	v54 =	vpop (erf)  }
0xd7: {  	v36 =	vld [tilespmem:$0x1FC90];
	v1 =	vadd.f32 v1, v54  }
0xd8: {  	v58 =	vpop (erf)  }
0xd9: {  	v38 =	vld [tilespmem:$0x1FCA0];
	v1 =	vadd.f32 v1, v58  }
0xda: {  	v55 =	vpop (erf)  }
0xdb: {  	[tilespmem:$0x1FFA0] =	vst v42;
	v42 =	vld [tilespmem:$0x1FCB0];
	v1 =	vadd.f32 v1, v55  }
0xdc: {  	[tilespmem:$0x1FF60] =	vst v37;
	v44 =	vld [tilespmem:$0x1FCC0];
	v2 =	vsub.f32 v36, v0;
	v37 =	vpop (erf)  }
0xdd: {  	v1 =	vadd.f32 v1, v37  }
0xde: {  	[tilespmem:$0x1FF90] =	vst v39;
	v3 =	vsub.f32 v38, v0;
	v2 =	vmul.f32 $1.442695020e+00, v2;
	v39 =	vpop (erf)  }
0xdf: {  	v40 =	vsub.f32 v34, v0;
	v1 =	vadd.f32 v1, v39  }
0xe0: {  	v41 =	vmul.f32 $1.442695020e+00, v3;
	v3 =	vsub.f32 v42, v0;
	(erf) = vpow2.f32 v2  }
0xe1: {  	v43 =	vmul.f32 $1.442695020e+00, v40;
	v4 =	vsub.f32 v44, v0;
	v52 =	vld [tilespmem:$0x1FCD0];
	(erf) = vrcp.f32 v1  }
0xe2: {  	v46 =	vmul.f32 $1.442695020e+00, v3;
	(erf) = vpow2.f32 v41  }
0xe3: {  	v48 =	vmul.f32 $1.442695020e+00, v4;
	(erf) = vpow2.f32 v43  }
0xe4: {  	(erf) = vpow2.f32 v46  }
0xe5: {  	[tilespmem:$0x1FFD0] =	vst v50;
	v50 =	vsub.f32 v33, v0;
	(erf) = vpow2.f32 v48  }
0xe6: {  	v1 =	vsub.f32 v52, v0;
	v0 =	vsub.f32 v31, v0  }
0xe7: {  	v2 =	vmul.f32 $1.442695020e+00, v50  }
0xe8: {  	v1 =	vmul.f32 $1.442695020e+00, v1  }
0xe9: {  	v53 =	vpop (erf);
	(erf) = vpow2.f32 v2  }
0xea: {  	v6 =	vmul.f32 $1.442695020e+00, v0;
	(erf) = vpow2.f32 v1;
	v0 =	vpop (erf)  }
0xeb: {  	v7 =	vpop (erf)  }
0xec: {  	v9 =	vmul.f32 v0, v53;
	v22 =	vpop (erf);
	v2 =	vmul.f32 v0, v7  }
0xed: {  	v7 =	vmul.f32 v0, v22;
	v30 =	vpop (erf)  }
0xee: {  	(erf) = vpow2.f32 v6;
	v5 =	vmul.f32 v0, v30;
	v31 =	vpop (erf);
	vm0 =	vgt.f32 v2, v9  }
0xef: {  	vm4 =	vge.f32 v9, v2;
	v1 =	vmul.f32 v0, v31;
	vm1 =	vgt.f32 v7, v9  }
0xf0: {  	[tilespmem:$0x1FFF0] =	vst v39;
	v32 =	vsel vm0, $0x1, v27;
	vm5 =	vgt.f32 v7, v2;
	v39 =	vsel vm4, $0x1, v27  }
0xf1: {  	vm12 =	vge.f32 v9, v7;
	vm13 =	vge.f32 v2, v7;
	v31 =	vmul.f32 v0, v8  }
0xf2: {  	v34 =	vpop (erf);
	vm2 =	vgt.f32 v5, v9;
	v33 =	vsel vm1, $0x1, v27;
	v40 =	vsel vm5, $0x1, v27  }
0xf3: {  	v36 =	vpop (erf);
	vm7 =	vgt.f32 v5, v2;
	v3 =	vadd.s32 v33, v32;
	vm14 =	vgt.f32 v1, v9  }
0xf4: {  	v35 =	vsel vm2, $0x1, v27;
	v4 =	vmul.f32 v0, v36;
	v52 =	vadd.s32 v40, v39  }
0xf5: {  	vm8 =	vgt.f32 v1, v2;
	v43 =	vsel vm7, $0x1, v27;
	v32 =	vsel vm12, $0x1, v27  }
0xf6: {  	v33 =	vsel vm13, $0x1, v27;
	vm5 =	vgt.f32 v1, v7;
	v6 =	vadd.s32 v35, v3  }
0xf7: {  	[tilespmem:$0x1FFE0] =	vst v37;
	v3 =	vmul.f32 v0, v34;
	v37 =	vsel vm14, $0x1, v27;
	v48 =	vadd.s32 v43, v52  }
0xf8: {  	v44 =	vsel vm8, $0x1, v27;
	vm14 =	vgt.f32 v5, v7;
	v52 =	vadd.s32 v33, v32  }
0xf9: {  	v35 =	vmul.f32 v0, v10;
	v6 =	vadd.s32 v37, v6;
	vm6 =	vgt.f32 v4, v9  }
0xfa: {  	v48 =	vadd.s32 v44, v48;
	vm11 =	vgt.f32 v4, v2;
	v34 =	vsel vm14, $0x1, v27  }
0xfb: {  	v37 =	vsel vm5, $0x1, v27;
	vm15 =	vgt.f32 v3, v9;
	v42 =	vsel vm6, $0x1, v27  }
0xfc: {  	vm10 =	vgt.f32 v3, v2;
	v30 =	vsel vm11, $0x1, v27;
	v52 =	vadd.s32 v34, v52  }
0xfd: {  	[tilespmem:$0x1FF50] =	vst v12;
	vm7 =	vgt.f32 v3, v7;
	v34 =	vmul.f32 v0, v12;
	v12 =	vmul.f32 v0, v60  }
0xfe: {  	v41 =	vpop (erf);
	v38 =	vsel vm15, $0x1, v27;
	v22 =	vsel vm10, $0x1, v27;
	v39 =	vsel vm7, $0x1, v27  }
0xff: {  	vm10 =	vgt.f32 v4, v7;
	v50 =	vadd.s32 v38, v6;
	v6 =	vmul.f32 v0, v41  }
0x100: {  	v48 =	vadd.s32 v22, v48;
	v38 =	vimm.s32 $0x0;
	v22 =	vmul.f32 v0, v11  }
0x101: {  	v33 =	vsel vm10, $0x1, v27;
	v50 =	vadd.s32 v42, v50;
	v48 =	vadd.s32 v30, v48  }
0x102: {  	vm9 =	vgt.f32 v6, v9;
	vm4 =	vgt.f32 v6, v2;
	vm13 =	vgt.f32 v6, v7  }
0x103: {  	v46 =	vsel vm9, $0x1, v27;
	v36 =	vsel vm4, $0x1, v27;
	vm9 =	vge.f32 v9, v5  }
0x104: {  	v50 =	vadd.s32 v46, v50;
	v44 =	vadd.s32 v36, v48;
	v46 =	vadd.s32 v37, v52  }
0x105: {  	v36 =	vmul.f32 v0, v63;
	v37 =	vsel vm13, $0x1, v27;
	vm3 =	vlt.u32 v50, $0x4  }
0x106: {  	vm2 =	vlt.u32 v44, $0x4;
	v30 =	vadd.s32 v39, v46;
	v39 =	vimm.s32 $0x0  }
0x107: {  	v50 =	vnsel vm3, $0xBF800000, v31;
	v53 =	vnsel vm3, $0xBF800000, v35;
	v43 =	vnsel vm3, $0xBF800000, v22  }
0x108: {  	v44 =	vadd.s32 v33, v30;
	v35 =	vnsel vm3, $0xBF800000, v34;
	vm15 =	vgt.f32 v50, $-1.000000000e+00  }
0x109: {  	v22 =	vnsel vm3, $0xBF800000, v12;
	v30 =	vmul.f32 v0, v61;
	v50 =	vnsel vm15, $0xBF800000, v50  }
0x10a: {  	vm14 =	vgt.f32 v53, $-1.000000000e+00;
	v44 =	vadd.s32 v37, v44;
	vm6 =	vgt.f32 v53, v50  }
0x10b: {  	[tilespmem:$0x1FF30] =	vst v10;
	vm8 =	vlt.u32 v44, $0x4;
	v10 =	vsel vm6, $0xFFFFFFFF, v38;
	vm11 =	vmneg vm6  }
0x10c: {  	v38 =	vmul.f32 v0, v62;
	[tilespmem:$0x1FCE0] =	vst v10;
	v10 =	vnsel vm14, $0xBF800000, v53;
	v32 =	vsel vm11, v50, v53  }
0x10d: {  	vm0 =	vmand vm14, vm11;
	v31 =	vsel vm11, v10, v50;
	vm5 =	vgt.f32 v43, v32  }
0x10e: {  	v50 =	vnsel vm3, $0xBF800000, v36;
	v10 =	vsel vm8, $0xFFFFFFFF, v39;
	v41 =	vnsel vm3, $0xBF800000, v38  }
0x10f: {  	v29 =	vld [tilespmem:$0x1FD00];
	vm8 =	vge.f32 v2, v5;
	v33 =	vsel vm0, $0x1, v27;
	vm0 =	vgt.f32 v1, v5  }
0x110: {  	v38 =	vmul.f32 v0, v13;
	vm15 =	vgt.f32 v43, v31;
	[tilespmem:$0x1FD60] =	vst v10;
	v10 =	vsel vm9, $0x1, v27  }
0x111: {  	[tilespmem:$0x1FF40] =	vst v11;
	v11 =	vsel vm8, $0x1, v27;
	vm9 =	vge.f32 v7, v5;
	v46 =	vsel vm15, v43, v31  }
0x112: {  	v43 =	vsel vm5, v43, v32;
	v48 =	vadd.s32 v11, v10;
	v31 =	vsel vm9, $0x1, v27  }
0x113: {  	v34 =	vsel vm15, $0x2, v33;
	vm15 =	vge.f32 v9, v1;
	v46 =	vsel vm5, v32, v46  }
0x114: {  	v42 =	vnsel vm2, $0xBF800000, v38;
	v33 =	vmul.f32 v0, v29;
	vm6 =	vgt.f32 v35, v46  }
0x115: {  	vm4 =	vgt.f32 v35, v43;
	v48 =	vadd.s32 v31, v48;
	v46 =	vsel vm6, v35, v46  }
0x116: {  	v25 =	vld [tilespmem:$0x1FD20];
	v32 =	vmul.f32 v0, v23;
	v36 =	vsel vm15, $0x1, v27;
	v46 =	vsel vm4, v43, v46  }
0x117: {  	[tilespmem:$0x1FF70] =	vst v63;
	v63 =	vld [tilespmem:$0x1FCE0];
	vm15 =	vge.f32 v2, v1;
	v43 =	vsel vm4, v35, v43;
	vm10 =	vgt.f32 v50, v46  }
0x118: {  	v31 =	vimm.s32 $0x0;
	vm7 =	vgt.f32 v50, v43;
	v40 =	vsel vm10, v50, v46  }
0x119: {  	v37 =	vsel vm15, $0x1, v27;
	v39 =	vnsel vm2, $0xBF800000, v33;
	v44 =	vsel vm7, v43, v40  }
0x11a: {  	v52 =	vadd.s32 v37, v36;
	v43 =	vsel vm7, v50, v43;
	vm13 =	vgt.f32 v41, v44  }
0x11b: {  	v28 =	vld [tilespmem:$0x1FCF0];
	v35 =	vsel vm0, $0x1, v27;
	vm8 =	vgt.f32 v41, v43;
	v44 =	vsel vm13, v41, v44  }
0x11c: {  	vm0 =	vnez.u8 v63;
	v63 =	vmul.f32 v0, v25;
	v44 =	vsel vm8, v43, v44  }
0x11d: {  	v11 =	vsel vm0, $0x1, v27;
	v43 =	vsel vm8, v41, v43;
	vm12 =	vgt.f32 v22, v44  }
0x11e: {  	v46 =	vnsel vm2, $0xBF800000, v32;
	vm9 =	vgt.f32 v22, v43;
	v44 =	vsel vm12, v22, v44  }
0x11f: {  	v12 =	vsel vm5, v11, v34;
	v50 =	vnsel vm3, $0xBF800000, v30;
	v44 =	vsel vm9, v43, v44  }
0x120: {  	v30 =	vmovc v13;
	v13 =	vmul.f32 v0, v28;
	v43 =	vsel vm9, v22, v43;
	vm14 =	vgt.f32 v50, v44  }
0x121: {  	v24 =	vld [tilespmem:$0x1FD30];
	v34 =	vimm.s32 $0x0;
	vm11 =	vgt.f32 v50, v43;
	v44 =	vsel vm14, v50, v44  }
0x122: {  	vm3 =	vge.f32 v7, v3;
	v32 =	vnsel vm2, $0xBF800000, v13;
	v44 =	vsel vm11, v43, v44  }
0x123: {  	v43 =	vsel vm11, v50, v43;
	v50 =	vadd.s32 v35, v48;
	vm1 =	vgt.f32 v46, v44  }
0x124: {  	v35 =	vimm.s32 $0x0;
	vm15 =	vgt.f32 v46, v43;
	v44 =	vsel vm1, v46, v44  }
0x125: {  	v26 =	vld [tilespmem:$0x1FD10];
	v48 =	vsel vm15, v43, v44;
	v43 =	vsel vm15, v46, v43;
	v44 =	vsel vm5, $0x2, v11  }
0x126: {  	v46 =	vsel vm6, $0x3, v12;
	v12 =	vmul.f32 v0, v24;
	v11 =	vimm.s32 $0x0  }
0x127: {  	vm0 =	vgt.f32 v42, v48;
	vm5 =	vgt.f32 v42, v43;
	v46 =	vsel vm4, v44, v46  }
0x128: {  	[tilespmem:$0x1FF80] =	vst v62;
	v22 =	vsel vm4, $0x3, v44;
	vm4 =	vge.f32 v2, v4;
	v41 =	vsel vm0, v42, v48  }
0x129: {  	v62 =	vmovc v60;
	v60 =	vmovc v23;
	v42 =	vsel vm5, v42, v43;
	v23 =	vsel vm10, $0x4, v46;
	vm10 =	vge.f32 v9, v3  }
0x12a: {  	v48 =	vmul.f32 v0, v26;
	v46 =	vnsel vm2, $0xBF800000, v63;
	v63 =	vsel vm3, $0x1, v27  }
0x12b: {  	v41 =	vsel vm5, v43, v41;
	v10 =	vsel vm10, $0xFFFFFFFF, v31;
	v44 =	vsel vm7, v22, v23  }
0x12c: {  	v43 =	vsel vm7, $0x4, v22;
	vm6 =	vgt.f32 v32, v42;
	vm7 =	vge.f32 v9, v6  }
0x12d: {  	v44 =	vsel vm13, $0x5, v44;
	vm10 =	vgt.f32 v32, v41;
	vm13 =	vge.f32 v9, v4  }
0x12e: {  	v9 =	vsel vm7, $0xFFFFFFFF, v35;
	v37 =	vsel vm6, v32, v42;
	v53 =	vnsel vm2, $0xBF800000, v48  }
0x12f: {  	v23 =	vld [tilespmem:$0x1FD40];
	[tilespmem:$0x1FD70] =	vst v10;
	v41 =	vsel vm10, v32, v41;
	v10 =	vsel vm13, $0xFFFFFFFF, v34;
	v38 =	vsel vm8, v43, v44  }
0x130: {  	v43 =	vsel vm8, $0x5, v43;
	vm7 =	vgt.f32 v39, v37;
	vm8 =	vge.f32 v2, v3  }
0x131: {  	v44 =	vnsel vm2, $0xBF800000, v12;
	vm13 =	vge.f32 v7, v6;
	v34 =	vimm.s32 $0x0  }
0x132: {  	v22 =	vld [tilespmem:$0x1FD50];
	v36 =	vsel vm6, v42, v41;
	v42 =	vsel vm12, $0x6, v38;
	v41 =	vsel vm7, v39, v37  }
0x133: {  	vm12 =	vgt.f32 v39, v36;
	v42 =	vsel vm9, v43, v42;
	v43 =	vsel vm9, $0x6, v43  }
0x134: {  	[tilespmem:$0x1FDD0] =	vst v9;
	v9 =	vsel vm12, v39, v36;
	v42 =	vsel vm14, $0x7, v42;
	v33 =	vmul.f32 v0, v23  }
0x135: {  	v9 =	vsel vm7, v37, v9;
	v42 =	vsel vm11, v43, v42;
	v43 =	vsel vm11, $0x7, v43  }
0x136: {  	vm11 =	vgt.f32 v53, v41;
	vm9 =	vgt.f32 v53, v9;
	v42 =	vsel vm1, $0x8, v42  }
0x137: {  	v37 =	vmul.f32 v0, v22;
	v9 =	vsel vm9, v53, v9;
	v42 =	vsel vm15, v43, v42  }
0x138: {  	v43 =	vsel vm15, $0x8, v43;
	vm15 =	vge.f32 v2, v6;
	v9 =	vsel vm11, v41, v9  }
0x139: {  	v41 =	vsel vm11, v53, v41;
	v42 =	vsel vm0, $0x9, v42;
	vm1 =	vgt.f32 v46, v9  }
0x13a: {  	vm14 =	vgt.f32 v46, v41;
	v42 =	vsel vm5, v43, v42;
	v43 =	vsel vm5, $0x9, v43  }
0x13b: {  	v38 =	vld [tilespmem:$0x1FD60];
	vm5 =	vge.f32 v7, v1;
	v9 =	vsel vm1, v46, v9;
	v42 =	vsel vm10, $0xA, v42  }
0x13c: {  	v9 =	vsel vm14, v41, v9;
	v41 =	vsel vm14, v46, v41;
	v42 =	vsel vm6, v43, v42  }
0x13d: {  	v43 =	vsel vm6, $0xA, v43;
	v46 =	vsel vm5, $0x1, v27;
	vm5 =	vge.f32 v1, v6  }
0x13e: {  	vm10 =	vgt.f32 v44, v9;
	vm0 =	vgt.f32 v44, v41;
	v32 =	vsel vm12, $0xB, v42  }
0x13f: {  	vm12 =	vge.f32 v7, v4;
	v42 =	vnsel vm2, $0xBF800000, v33;
	v7 =	vsel vm13, $0xFFFFFFFF, v34  }
0x140: {  	vm13 =	vnez.u8 v38;
	v33 =	vadd.s32 v46, v52;
	v9 =	vsel vm10, v44, v9  }
0x141: {  	v31 =	vsel vm0, v44, v41;
	v13 =	vsel vm0, v41, v9;
	v41 =	vsel vm7, v43, v32  }
0x142: {  	v43 =	vsel vm7, $0xB, v43;
	vm7 =	vgt.f32 v3, v5;
	v41 =	vsel vm9, $0xC, v41  }
0x143: {  	vm2 =	vgt.f32 v42, v13;
	vm9 =	vgt.f32 v4, v5;
	v41 =	vsel vm11, v43, v41  }
0x144: {  	v43 =	vsel vm11, $0xC, v43;
	v2 =	vsel vm2, v42, v13;
	vm11 =	vge.f32 v5, v3  }
0x145: {  	v44 =	vsel vm9, $0x1, v27;
	vm9 =	vgt.f32 v6, v1;
	v41 =	vsel vm1, $0xD, v41  }
0x146: {  	vm1 =	vgt.f32 v42, v31;
	v36 =	vsel vm14, $0xD, v43;
	v38 =	vsel vm9, $0x1, v27  }
0x147: {  	[tilespmem:$0x1FD80] =	vst v10;
	vm9 =	vgt.f32 v4, v3;
	v10 =	vsel vm11, $0x1, v27;
	v2 =	vsel vm1, v31, v2  }
0x148: {  	[tilespmem:$0x1FE20] =	vst v7;
	v7 =	vsel vm1, v42, v31;
	v35 =	vsel vm14, v43, v41;
	v41 =	vsel vm0, $0xE, v36  }
0x149: {  	v39 =	vld [tilespmem:$0x1FD70];
	v42 =	vnsel vm13, $0xBF800000, v37;
	v43 =	vsel vm7, $0x1, v27;
	vm14 =	vge.f32 v5, v4  }
0x14a: {  	vm7 =	vge.f32 v5, v6;
	v13 =	vsel vm9, $0x1, v27;
	vm9 =	vge.f32 v4, v6  }
0x14b: {  	v31 =	vimm.s32 $0x0;
	v9 =	vsel vm10, $0xE, v35;
	vm6 =	vgt.f32 v42, v2  }
0x14c: {  	vm10 =	vgt.f32 v4, v1;
	v32 =	vadd.s32 v43, v50;
	v9 =	vsel vm0, v36, v9  }
0x14d: {  	vm0 =	vgt.f32 v6, v5;
	v2 =	vsel vm6, v42, v2;
	v40 =	vsel vm10, $0x1, v27  }
0x14e: {  	vm10 =	vnez.u8 v39;
	v39 =	vsel vm8, $0x1, v27;
	vm8 =	vge.f32 v3, v6  }
0x14f: {  	v9 =	vsel vm2, $0xF, v9;
	vm2 =	vge.f32 v5, v1;
	v5 =	vsel vm0, $0x1, v27  }
0x150: {  	vm0 =	vgt.f32 v3, v1;
	v9 =	vsel vm1, v41, v9;
	v41 =	vsel vm1, $0xF, v41  }
0x151: {  	v48 =	vsel vm2, $0x1, v27;
	v53 =	vsel vm0, $0x1, v27;
	vm0 =	vge.f32 v1, v3  }
0x152: {  	vm1 =	vgt.f32 v6, v3;
	v9 =	vsel vm6, $0x10, v9;
	vm6 =	vge.f32 v1, v4  }
0x153: {  	v1 =	vsel vm10, $0x1, v27;
	vm10 =	vge.f32 v3, v4;
	v3 =	vsel vm8, $0xFFFFFFFF, v11  }
0x154: {  	[tilespmem:s16+$0x900] =	vst v28;
	vm8 =	vgt.f32 v6, v4;
	v4 =	vsel vm9, $0xFFFFFFFF, v31;
	v6 =	vadd.s32 v48, v33  }
0x155: {  	v28 =	vld [tilespmem:$0x1FFA0];
	[tilespmem:$0x1FE80] =	vst v4;
	v4 =	vadd.s32 v44, v32;
	v1 =	vadd.s32 v39, v1;
	v34 =	vadd.s32 v53, v6  }
0x156: {  	v4 =	vadd.s32 v5, v4;
	v1 =	vadd.s32 v63, v1;
	v5 =	vadd.s32 v40, v34;
	v40 =	vld [tilespmem:$0x1FD80]  }
0x157: {  	v12 =	vsel vm0, $0x1, v27;
	v39 =	vadd.s32 v10, v1  }
0x158: {  	vm9 =	vgt.f32 v42, v7;
	[tilespmem:$0x1FE70] =	vst v3;
	v3 =	vadd.s32 v12, v39;
	v39 =	vld [tilespmem:$0x1FD90]  }
0x159: {  	v50 =	vsel vm9, v41, v9;
	v52 =	vsel vm9, $0x10, v41;
	v41 =	vld [tilespmem:$0x1FDB0]  }
0x15a: {  	[tilespmem:s16+$0x800] =	vst v60;
	v60 =	vmul.f32 v0, v28;
	v11 =	vsel vm12, $0x1, v27  }
0x15b: {  	v44 =	vsel vm4, $0x1, v27;
	v2 =	vsel vm9, v7, v2;
	vm11 =	vnez.u8 v40;
	v40 =	vld [tilespmem:$0x1FDA0]  }
0x15c: {  	v48 =	vsel vm9, v42, v7;
	vm3 =	vlt.u32 v4, $0x4;
	v1 =	vadd.s32 v38, v5  }
0x15d: {  	v10 =	vsel vm1, $0x1, v27;
	v3 =	vadd.s32 v13, v3;
	v46 =	vmul.f32 v0, v39  }
0x15e: {  	v42 =	vld [tilespmem:$0x1FDC0];
	v13 =	vmul.f32 v0, v41;
	[tilespmem:s16+$0x1180] =	vst v41;
	v41 =	vmul.f32 v0, v59;
	v43 =	vsel vm11, $0x1, v27  }
0x15f: {  	v4 =	vadd.s32 v44, v43;
	v43 =	vld [tilespmem:$0x1FDE0];
	[tilespmem:s16+$0x1080] =	vst v39;
	v39 =	vmul.f32 v0, v56;
	v5 =	vnsel vm13, $0xBF800000, v46  }
0x160: {  	[tilespmem:s16+$0x3200] =	vst v56;
	v44 =	vld [tilespmem:$0x1FDF0];
	v56 =	vmul.f32 v0, v55;
	vm11 =	vgt.f32 v5, v2;
	v53 =	vmul.f32 v0, v40  }
0x161: {  	vm4 =	vgt.f32 v5, v48;
	[tilespmem:s16+$0x1100] =	vst v40;
	v40 =	vmul.f32 v0, v57;
	v2 =	vsel vm11, v5, v2  }
0x162: {  	v7 =	vsel vm11, $0x11, v50;
	v5 =	vsel vm4, v5, v48;
	v9 =	vsel vm4, $0x11, v52  }
0x163: {  	v50 =	vmul.f32 v0, v42;
	v2 =	vsel vm4, v48, v2;
	v63 =	vnsel vm13, $0xBF800000, v53  }
0x164: {  	v46 =	vsel vm4, v52, v7;
	v48 =	vnsel vm13, $0xBF800000, v13;
	v13 =	vmul.f32 v0, v43  }
0x165: {  	v52 =	vsel vm14, $0x1, v27;
	v32 =	vmul.f32 v0, v44;
	[tilespmem:s16+$0x1280] =	vst v43;
	v43 =	vmul.f32 v0, v51  }
0x166: {  	[tilespmem:s16+$0x1300] =	vst v44;
	v44 =	vmul.f32 v0, v49;
	vm9 =	vgt.f32 v63, v2;
	vm1 =	vgt.f32 v63, v5  }
0x167: {  	v53 =	vnsel vm13, $0xBF800000, v50;
	v12 =	vsel vm9, v63, v2;
	v2 =	vadd.s32 v10, v3  }
0x168: {  	v3 =	vadd.s32 v11, v4;
	v6 =	vsel vm9, $0x12, v46;
	v36 =	vnsel vm13, $0xBF800000, v32  }
0x169: {  	v46 =	vld [tilespmem:$0x1FE00];
	v31 =	vsel vm1, v5, v12;
	v5 =	vsel vm1, v63, v5;
	v12 =	vsel vm15, $0x1, v27  }
0x16a: {  	v63 =	vld [tilespmem:$0x1FDD0];
	v3 =	vadd.s32 v52, v3;
	v6 =	vsel vm1, v9, v6;
	vm12 =	vgt.f32 v48, v31  }
0x16b: {  	v9 =	vsel vm1, $0x12, v9;
	vm0 =	vgt.f32 v48, v5;
	v4 =	vsel vm12, v48, v31  }
0x16c: {  	v31 =	vnsel vm13, $0xBF800000, v13;
	v6 =	vsel vm12, $0x13, v6;
	v4 =	vsel vm0, v5, v4  }
0x16d: {  	v5 =	vsel vm0, v48, v5;
	v6 =	vsel vm0, v9, v6;
	v9 =	vsel vm0, $0x13, v9  }
0x16e: {  	vm2 =	vgt.f32 v53, v4;
	vm4 =	vgt.f32 v53, v5;
	v33 =	vmul.f32 v0, v46  }
0x16f: {  	[tilespmem:s16+$0x1380] =	vst v46;
	v46 =	vmul.f32 v0, v47;
	vm14 =	vnez.u8 v63;
	v4 =	vsel vm2, v53, v4  }
0x170: {  	v48 =	vld [tilespmem:$0x1FE10];
	v6 =	vsel vm2, $0x14, v6;
	v63 =	vsel vm6, $0x1, v27;
	v11 =	vsel vm14, $0x1, v27  }
0x171: {  	v50 =	vld [tilespmem:$0x1FE30];
	v4 =	vsel vm4, v5, v4;
	v5 =	vsel vm4, v53, v5;
	v34 =	vnsel vm13, $0xBF800000, v33  }
0x172: {  	v3 =	vadd.s32 v63, v3;
	v6 =	vsel vm4, v9, v6;
	v9 =	vsel vm4, $0x14, v9  }
0x173: {  	v63 =	vimm.s32 $0x0;
	vm4 =	vlt.u32 v1, $0x4;
	vm11 =	vgt.f32 v31, v4  }
0x174: {  	v35 =	vadd.s32 v12, v11;
	vm15 =	vgt.f32 v31, v5;
	v4 =	vsel vm11, v31, v4  }
0x175: {  	v12 =	vld [tilespmem:$0x1FE20];
	v52 =	vmul.f32 v0, v48;
	v6 =	vsel vm11, $0x15, v6;
	v4 =	vsel vm15, v5, v4  }
0x176: {  	v5 =	vsel vm15, v31, v5;
	v31 =	vmul.f32 v0, v50;
	v6 =	vsel vm15, v9, v6  }
0x177: {  	[tilespmem:s16+$0x1880] =	vst v50;
	v9 =	vsel vm15, $0x15, v9;
	v50 =	vmul.f32 v0, v45;
	vm9 =	vgt.f32 v36, v4  }
0x178: {  	vm13 =	vgt.f32 v36, v5;
	v53 =	vnsel vm3, $0xBF800000, v52;
	v4 =	vsel vm9, v36, v4  }
0x179: {  	v6 =	vsel vm9, $0x16, v6;
	v4 =	vsel vm13, v5, v4;
	v5 =	vsel vm13, v36, v5  }
0x17a: {  	vm6 =	vnez.u8 v12;
	v12 =	vsel vm10, $0x1, v27;
	v6 =	vsel vm13, v9, v6  }
0x17b: {  	v9 =	vsel vm13, $0x16, v9;
	vm12 =	vgt.f32 v34, v4;
	vm0 =	vgt.f32 v34, v5  }
0x17c: {  	v13 =	vsel vm6, $0x1, v27;
	v3 =	vadd.s32 v12, v3;
	v12 =	vmul.f32 v0, v20  }
0x17d: {  	v4 =	vsel vm12, v34, v4;
	v35 =	vadd.s32 v13, v35;
	v13 =	vsel vm7, $0x1, v27  }
0x17e: {  	v6 =	vsel vm12, $0x17, v6;
	v4 =	vsel vm0, v5, v4;
	v5 =	vsel vm0, v34, v5  }
0x17f: {  	v52 =	vld [tilespmem:$0x1FE40];
	v34 =	vnsel vm3, $0xBF800000, v31;
	v35 =	vadd.s32 v13, v35;
	vm2 =	vgt.f32 v53, v4  }
0x180: {  	v13 =	vnsel vm3, $0xBF800000, v12;
	vm1 =	vgt.f32 v53, v5;
	v4 =	vsel vm2, v53, v4  }
0x181: {  	v6 =	vsel vm0, v9, v6;
	v9 =	vsel vm0, $0x17, v9;
	v4 =	vsel vm1, v5, v4  }
0x182: {  	v12 =	vmul.f32 v0, v18;
	v5 =	vsel vm1, v53, v5;
	v53 =	vld [tilespmem:$0x1FE50];
	vm14 =	vgt.f32 v34, v4  }
0x183: {  	v32 =	vld [tilespmem:$0x1FE70];
	v6 =	vsel vm2, $0x18, v6;
	vm2 =	vlt.u32 v2, $0x4;
	v10 =	vsel vm14, $0xFFFFFFFF, v63  }
0x184: {  	vm6 =	vgt.f32 v34, v5;
	v4 =	vsel vm14, v34, v4;
	[tilespmem:$0x1FE90] =	vst v10;
	v10 =	vmul.f32 v0, v52  }
0x185: {  	v4 =	vsel vm6, v5, v4;
	v5 =	vsel vm6, v34, v5;
	v34 =	vmul.f32 v0, v21  }
0x186: {  	v38 =	vld [tilespmem:$0x1FE60];
	[tilespmem:s16+$0x1900] =	vst v52;
	v37 =	vsel vm1, v9, v6;
	v6 =	vnsel vm4, $0xBF800000, v12;
	v52 =	vmul.f32 v0, v54  }
0x187: {  	v11 =	vnsel vm3, $0xBF800000, v10;
	v31 =	vmul.f32 v0, v53;
	v63 =	vnsel vm3, $0xBF800000, v34  }
0x188: {  	v10 =	vsel vm8, $0x1, v27;
	vm8 =	vnez.u8 v32;
	[tilespmem:s16+$0x1980] =	vst v53;
	v53 =	vmul.f32 v0, v58  }
0x189: {  	v34 =	vld [tilespmem:$0x1FE80];
	vm14 =	vgt.f32 v11, v4;
	vm7 =	vgt.f32 v11, v5;
	v3 =	vadd.s32 v10, v3  }
0x18a: {  	v10 =	vmul.f32 v0, v19;
	v4 =	vsel vm14, v11, v4;
	v33 =	vnsel vm3, $0xBF800000, v31  }
0x18b: {  	v31 =	vmul.f32 v0, v38;
	v4 =	vsel vm7, v5, v4;
	v5 =	vsel vm7, v11, v5  }
0x18c: {  	v11 =	vsel vm5, $0x1, v27;
	vm15 =	vgt.f32 v33, v4;
	vm10 =	vgt.f32 v33, v5  }
0x18d: {  	v35 =	vadd.s32 v11, v35;
	v36 =	vnsel vm3, $0xBF800000, v31;
	v11 =	vnsel vm3, $0xBF800000, v10  }
0x18e: {  	v10 =	vmul.f32 v0, v15;
	v4 =	vsel vm15, v33, v4;
	vm12 =	vnez.u8 v34  }
0x18f: {  	v34 =	vmul.f32 v0, v17;
	v4 =	vsel vm10, v5, v4;
	v5 =	vsel vm10, v33, v5  }
0x190: {  	v33 =	vsel vm8, $0x1, v27;
	v7 =	vsel vm12, $0x1, v27;
	vm11 =	vgt.f32 v63, v4  }
0x191: {  	[tilespmem:s16+$0x3300] =	vst v59;
	v59 =	vld [tilespmem:$0x1FFE0];
	vm5 =	vgt.f32 v63, v5;
	v35 =	vadd.s32 v33, v35;
	v4 =	vsel vm11, v63, v4  }
0x192: {  	v4 =	vsel vm5, v5, v4;
	v5 =	vsel vm5, v63, v5;
	v63 =	vsel vm1, $0x18, v9;
	v9 =	vld [tilespmem:$0x1FE90]  }
0x193: {  	v7 =	vadd.s32 v7, v35;
	v35 =	vld [tilespmem:$0x1FEA0];
	vm1 =	vlt.u32 v3, $0x4;
	vm9 =	vgt.f32 v13, v4  }
0x194: {  	[tilespmem:s16+$0x380] =	vst v61;
	vm13 =	vgt.f32 v13, v5;
	v2 =	vsel vm6, $0x19, v63;
	v4 =	vsel vm9, v13, v4  }
0x195: {  	[tilespmem:s16+$0x1200] =	vst v42;
	v61 =	vnsel vm1, $0xBF800000, v60;
	v42 =	vnsel vm1, $0xBF800000, v41;
	v4 =	vsel vm13, v5, v4  }
0x196: {  	v60 =	vmul.f32 v0, v59;
	v5 =	vsel vm13, v13, v5;
	vm8 =	vgt.f32 v36, v4  }
0x197: {  	vm12 =	vgt.f32 v36, v5;
	v4 =	vsel vm8, v36, v4;
	vm0 =	vnez.u8 v9  }
0x198: {  	v13 =	vmul.f32 v0, v35;
	v4 =	vsel vm12, v5, v4;
	v1 =	vsel vm0, $0x19, v37  }
0x199: {  	v5 =	vsel vm12, v36, v5;
	vm0 =	vlt.u32 v7, $0x4;
	v1 =	vsel vm6, v63, v1  }
0x19a: {  	[tilespmem:s16+$0x1800] =	vst v48;
	v36 =	vld [tilespmem:$0x1FEB0];
	vm3 =	vgt.f32 v11, v5;
	v63 =	vmul.f32 v0, v16;
	v48 =	vnsel vm0, $0xBF800000, v46  }
0x19b: {  	v37 =	vld [tilespmem:$0x1FEC0];
	v1 =	vsel vm14, $0x1A, v1;
	vm14 =	vgt.f32 v11, v4;
	v3 =	vsel vm3, v11, v5  }
0x19c: {  	v1 =	vsel vm7, v2, v1;
	v2 =	vsel vm7, $0x1A, v2;
	v4 =	vsel vm14, v11, v4  }
0x19d: {  	vm6 =	vgt.f32 v6, v3;
	v9 =	vnsel vm4, $0xBF800000, v63;
	v11 =	vmul.f32 v0, v14  }
0x19e: {  	v1 =	vsel vm15, $0x1B, v1;
	v4 =	vsel vm3, v5, v4;
	v5 =	vnsel vm4, $0xBF800000, v13  }
0x19f: {  	v1 =	vsel vm10, v2, v1;
	vm7 =	vgt.f32 v6, v4;
	v2 =	vsel vm10, $0x1B, v2  }
0x1a0: {  	v13 =	vld [tilespmem:$0x1FED0];
	v31 =	vmul.f32 v0, v36;
	v33 =	vmul.f32 v0, v37;
	v4 =	vsel vm7, v6, v4  }
0x1a1: {  	v1 =	vsel vm11, $0x1C, v1;
	v4 =	vsel vm6, v3, v4;
	v3 =	vsel vm6, v6, v3  }
0x1a2: {  	v1 =	vsel vm5, v2, v1;
	v2 =	vsel vm5, $0x1C, v2;
	v32 =	vnsel vm4, $0xBF800000, v31  }
0x1a3: {  	v6 =	vnsel vm4, $0xBF800000, v33;
	v1 =	vsel vm9, $0x1D, v1;
	vm9 =	vgt.f32 v5, v4  }
0x1a4: {  	vm5 =	vgt.f32 v5, v3;
	v4 =	vsel vm9, v5, v4;
	v1 =	vsel vm13, v2, v1  }
0x1a5: {  	v2 =	vsel vm13, $0x1D, v2;
	v12 =	vmul.f32 v0, v13;
	v4 =	vsel vm5, v3, v4  }
0x1a6: {  	v3 =	vsel vm5, v5, v3;
	v1 =	vsel vm8, $0x1E, v1;
	v5 =	vnsel vm4, $0xBF800000, v34  }
0x1a7: {  	v1 =	vsel vm12, v2, v1;
	vm10 =	vgt.f32 v32, v4;
	v2 =	vsel vm12, $0x1E, v2  }
0x1a8: {  	vm11 =	vgt.f32 v32, v3;
	v31 =	vnsel vm2, $0xBF800000, v12;
	v4 =	vsel vm10, v32, v4  }
0x1a9: {  	v12 =	vld [tilespmem:$0x1FEE0];
	v1 =	vsel vm14, $0x1F, v1;
	v4 =	vsel vm11, v3, v4;
	v3 =	vsel vm11, v32, v3  }
0x1aa: {  	v1 =	vsel vm3, v2, v1;
	v2 =	vsel vm3, $0x1F, v2;
	vm12 =	vgt.f32 v6, v4  }
0x1ab: {  	vm8 =	vgt.f32 v6, v3;
	v1 =	vsel vm7, $0x20, v1;
	v4 =	vsel vm12, v6, v4  }
0x1ac: {  	v1 =	vsel vm6, v2, v1;
	v2 =	vsel vm6, $0x20, v2;
	v4 =	vsel vm8, v3, v4  }
0x1ad: {  	v3 =	vsel vm8, v6, v3;
	v1 =	vsel vm9, $0x21, v1;
	v6 =	vnsel vm4, $0xBF800000, v10  }
0x1ae: {  	v32 =	vmul.f32 v0, v12;
	vm3 =	vgt.f32 v5, v4;
	vm6 =	vgt.f32 v5, v3  }
0x1af: {  	v10 =	vld [tilespmem:$0x1FF00];
	v1 =	vsel vm5, v2, v1;
	v2 =	vsel vm5, $0x21, v2;
	v4 =	vsel vm3, v5, v4  }
0x1b0: {  	v1 =	vsel vm10, $0x22, v1;
	v4 =	vsel vm6, v3, v4;
	v3 =	vsel vm6, v5, v3  }
0x1b1: {  	v1 =	vsel vm11, v2, v1;
	v2 =	vsel vm11, $0x22, v2;
	v5 =	vnsel vm4, $0xBF800000, v11  }
0x1b2: {  	v11 =	vld [tilespmem:$0x1FEF0];
	vm15 =	vgt.f32 v9, v4;
	vm7 =	vgt.f32 v9, v3;
	v1 =	vsel vm12, $0x23, v1  }
0x1b3: {  	v4 =	vsel vm15, v9, v4;
	v1 =	vsel vm8, v2, v1;
	v2 =	vsel vm8, $0x23, v2  }
0x1b4: {  	[tilespmem:s16+$0x0] =	vst v8;
	v8 =	vld [tilespmem:$0x1FF20];
	v34 =	vmul.f32 v0, v10;
	v4 =	vsel vm7, v3, v4;
	v3 =	vsel vm7, v9, v3  }
0x1b5: {  	v1 =	vsel vm3, $0x24, v1;
	vm13 =	vgt.f32 v6, v4;
	vm14 =	vgt.f32 v6, v3  }
0x1b6: {  	v1 =	vsel vm6, v2, v1;
	v2 =	vsel vm6, $0x24, v2;
	v63 =	vnsel vm2, $0xBF800000, v34  }
0x1b7: {  	[tilespmem:s16+$0x300] =	vst v62;
	v62 =	vld [tilespmem:$0x1FF90];
	v4 =	vsel vm13, v6, v4;
	v1 =	vsel vm15, $0x25, v1;
	v33 =	vmul.f32 v0, v11  }
0x1b8: {  	v34 =	vld [tilespmem:$0x1FF40];
	v4 =	vsel vm14, v3, v4;
	v3 =	vsel vm14, v6, v3;
	v1 =	vsel vm7, v2, v1  }
0x1b9: {  	v2 =	vsel vm7, $0x25, v2;
	v6 =	vnsel vm2, $0xBF800000, v32;
	v32 =	vmul.f32 v0, v8  }
0x1ba: {  	vm15 =	vgt.f32 v5, v4;
	vm4 =	vgt.f32 v5, v3;
	v1 =	vsel vm13, $0x26, v1  }
0x1bb: {  	v4 =	vsel vm15, v5, v4;
	v1 =	vsel vm14, v2, v1;
	v2 =	vsel vm14, $0x26, v2  }
0x1bc: {  	v4 =	vsel vm4, v3, v4;
	v3 =	vsel vm4, v5, v3;
	v1 =	vsel vm15, $0x27, v1  }
0x1bd: {  	v9 =	vld [tilespmem:$0x1FF10];
	v5 =	vnsel vm2, $0xBF800000, v33;
	[tilespmem:s16+$0x100] =	vst v34;
	v34 =	vmul.f32 v0, v62;
	vm9 =	vgt.f32 v31, v4  }
0x1be: {  	vm10 =	vgt.f32 v31, v3;
	v1 =	vsel vm4, v2, v1;
	v4 =	vsel vm9, v31, v4  }
0x1bf: {  	v2 =	vsel vm4, $0x27, v2;
	v1 =	vsel vm9, $0x28, v1;
	v4 =	vsel vm10, v3, v4  }
0x1c0: {  	v7 =	vld [tilespmem:$0x1FF60];
	v3 =	vsel vm10, v31, v3;
	v1 =	vsel vm10, v2, v1;
	vm11 =	vgt.f32 v6, v4  }
0x1c1: {  	v2 =	vsel vm10, $0x28, v2;
	vm12 =	vgt.f32 v6, v3;
	v4 =	vsel vm11, v6, v4  }
0x1c2: {  	v31 =	vmul.f32 v0, v9;
	v1 =	vsel vm11, $0x29, v1;
	v4 =	vsel vm12, v3, v4  }
0x1c3: {  	v3 =	vsel vm12, v6, v3;
	v1 =	vsel vm12, v2, v1;
	vm13 =	vgt.f32 v5, v4  }
0x1c4: {  	v2 =	vsel vm12, $0x29, v2;
	vm14 =	vgt.f32 v5, v3;
	v4 =	vsel vm13, v5, v4  }
0x1c5: {  	v6 =	vnsel vm2, $0xBF800000, v31;
	v31 =	vmul.f32 v0, v7;
	v4 =	vsel vm14, v3, v4  }
0x1c6: {  	v1 =	vsel vm13, $0x2A, v1;
	v3 =	vsel vm14, v5, v3;
	vm15 =	vgt.f32 v63, v4  }
0x1c7: {  	[tilespmem:s16+$0xA80] =	vst v25;
	v25 =	vld [tilespmem:$0x1FFB0];
	v1 =	vsel vm14, v2, v1;
	vm8 =	vgt.f32 v63, v3;
	v4 =	vsel vm15, v63, v4  }
0x1c8: {  	[tilespmem:s16+$0x880] =	vst v30;
	v30 =	vld [tilespmem:$0x1FFC0];
	v2 =	vsel vm14, $0x2A, v2;
	v5 =	vnsel vm2, $0xBF800000, v32;
	v4 =	vsel vm8, v3, v4  }
0x1c9: {  	v33 =	vld [tilespmem:$0x1FF30];
	v1 =	vsel vm15, $0x2B, v1;
	v3 =	vsel vm8, v63, v3;
	vm9 =	vgt.f32 v6, v4  }
0x1ca: {  	v32 =	vld [tilespmem:$0x1FF70];
	v1 =	vsel vm8, v2, v1;
	vm10 =	vgt.f32 v6, v3;
	v4 =	vsel vm9, v6, v4  }
0x1cb: {  	v2 =	vsel vm8, $0x2B, v2;
	v63 =	vld [tilespmem:$0x1FF50];
	v1 =	vsel vm9, $0x2C, v1;
	v4 =	vsel vm10, v3, v4  }
0x1cc: {  	v3 =	vsel vm10, v6, v3;
	v1 =	vsel vm10, v2, v1;
	vm11 =	vgt.f32 v5, v4  }
0x1cd: {  	v2 =	vsel vm10, $0x2C, v2;
	vm12 =	vgt.f32 v5, v3;
	v4 =	vsel vm11, v5, v4  }
0x1ce: {  	[tilespmem:s16+$0x80] =	vst v33;
	v33 =	vld [tilespmem:$0x1FF80];
	v6 =	vnsel vm2, $0xBF800000, v31;
	v31 =	vmul.f32 v0, v30;
	v4 =	vsel vm12, v3, v4  }
0x1cf: {  	[tilespmem:s16+$0x200] =	vst v32;
	v32 =	vld [tilespmem:$0x1FFD0];
	v1 =	vsel vm11, $0x2D, v1;
	v3 =	vsel vm12, v5, v3;
	vm13 =	vgt.f32 v6, v4  }
0x1d0: {  	[tilespmem:s16+$0x180] =	vst v63;
	v63 =	vmul.f32 v0, v25;
	vm14 =	vgt.f32 v6, v3;
	v4 =	vsel vm13, v6, v4  }
0x1d1: {  	v1 =	vsel vm12, v2, v1;
	v5 =	vnsel vm2, $0xBF800000, v34;
	v4 =	vsel vm14, v3, v4  }
0x1d2: {  	v2 =	vsel vm12, $0x2D, v2;
	v3 =	vsel vm14, v6, v3;
	vm2 =	vgt.f32 v5, v4  }
0x1d3: {  	v1 =	vsel vm13, $0x2E, v1;
	vm15 =	vgt.f32 v5, v3;
	v4 =	vsel vm2, v5, v4  }
0x1d4: {  	[tilespmem:s16+$0x280] =	vst v33;
	v33 =	vmul.f32 v0, v32;
	v1 =	vsel vm14, v2, v1;
	v4 =	vsel vm15, v3, v4  }
0x1d5: {  	v2 =	vsel vm14, $0x2E, v2;
	v3 =	vsel vm15, v5, v3;
	vm6 =	vgt.f32 v61, v4  }
0x1d6: {  	v1 =	vsel vm2, $0x2F, v1;
	vm7 =	vgt.f32 v61, v3;
	v4 =	vsel vm6, v61, v4  }
0x1d7: {  	v6 =	vnsel vm1, $0xBF800000, v63;
	v1 =	vsel vm15, v2, v1;
	v4 =	vsel vm7, v3, v4  }
0x1d8: {  	v2 =	vsel vm15, $0x2F, v2;
	v3 =	vsel vm7, v61, v3;
	vm8 =	vgt.f32 v6, v4  }
0x1d9: {  	v1 =	vsel vm6, $0x30, v1;
	vm9 =	vgt.f32 v6, v3;
	v4 =	vsel vm8, v6, v4  }
0x1da: {  	v5 =	vnsel vm1, $0xBF800000, v31;
	v1 =	vsel vm7, v2, v1;
	v4 =	vsel vm9, v3, v4  }
0x1db: {  	v2 =	vsel vm7, $0x30, v2;
	v3 =	vsel vm9, v6, v3;
	vm10 =	vgt.f32 v5, v4  }
0x1dc: {  	v1 =	vsel vm8, $0x31, v1;
	vm11 =	vgt.f32 v5, v3;
	v4 =	vsel vm10, v5, v4  }
0x1dd: {  	[tilespmem:s16+$0xA00] =	vst v26;
	v34 =	vnsel vm1, $0xBF800000, v33;
	v1 =	vsel vm9, v2, v1;
	v4 =	vsel vm11, v3, v4  }
0x1de: {  	[tilespmem:s16+$0xB00] =	vst v24;
	v2 =	vsel vm9, $0x31, v2;
	v3 =	vsel vm11, v5, v3;
	vm12 =	vgt.f32 v34, v4  }
0x1df: {  	[tilespmem:s16+$0x1A00] =	vst v21;
	v1 =	vsel vm10, $0x32, v1;
	vm13 =	vgt.f32 v34, v3;
	v4 =	vsel vm12, v34, v4  }
0x1e0: {  	[tilespmem:s16+$0x1A80] =	vst v20;
	v6 =	vnsel vm1, $0xBF800000, v39;
	v1 =	vsel vm11, v2, v1;
	v4 =	vsel vm13, v3, v4  }
0x1e1: {  	[tilespmem:s16+$0x1B80] =	vst v19;
	v61 =	vld [tilespmem:$0x1FFF0];
	v2 =	vsel vm11, $0x32, v2;
	v3 =	vsel vm13, v34, v3;
	vm14 =	vgt.f32 v6, v4  }
0x1e2: {  	[tilespmem:s16+$0x2000] =	vst v18;
	v1 =	vsel vm12, $0x33, v1;
	vm15 =	vgt.f32 v6, v3;
	v4 =	vsel vm14, v6, v4  }
0x1e3: {  	[tilespmem:s16+$0x2200] =	vst v17;
	v5 =	vnsel vm1, $0xBF800000, v40;
	v1 =	vsel vm13, v2, v1;
	v4 =	vsel vm15, v3, v4  }
0x1e4: {  	[tilespmem:s16+$0x2280] =	vst v16;
	v2 =	vsel vm13, $0x33, v2;
	v3 =	vsel vm15, v6, v3;
	vm8 =	vgt.f32 v5, v4  }
0x1e5: {  	[tilespmem:s16+$0x2300] =	vst v15;
	v1 =	vsel vm14, $0x34, v1;
	vm9 =	vgt.f32 v5, v3;
	v4 =	vsel vm8, v5, v4  }
0x1e6: {  	[tilespmem:s16+$0x2380] =	vst v14;
	v0 =	vmul.f32 v0, v61;
	v1 =	vsel vm15, v2, v1;
	v4 =	vsel vm9, v3, v4  }
0x1e7: {  	[tilespmem:s16+$0x980] =	vst v29;
	v2 =	vsel vm15, $0x34, v2;
	v3 =	vsel vm9, v5, v3;
	vm10 =	vgt.f32 v42, v4  }
0x1e8: {  	[tilespmem:s16+$0x3280] =	vst v57;
	v1 =	vsel vm8, $0x35, v1;
	vm11 =	vgt.f32 v42, v3;
	v4 =	vsel vm10, v42, v4  }
0x1e9: {  	[tilespmem:s16+$0x3380] =	vst v51;
	v6 =	vnsel vm1, $0xBF800000, v43;
	v1 =	vsel vm9, v2, v1;
	v4 =	vsel vm11, v3, v4  }
0x1ea: {  	[tilespmem:s16+$0x3800] =	vst v49;
	v2 =	vsel vm9, $0x35, v2;
	v3 =	vsel vm11, v42, v3;
	vm1 =	vgt.f32 v6, v4  }
0x1eb: {  	[tilespmem:s16+$0x3880] =	vst v47;
	v1 =	vsel vm10, $0x36, v1;
	vm12 =	vgt.f32 v6, v3;
	v4 =	vsel vm1, v6, v4  }
0x1ec: {  	[tilespmem:s16+$0x3900] =	vst v45;
	v5 =	vnsel vm0, $0xBF800000, v44;
	v1 =	vsel vm11, v2, v1;
	v4 =	vsel vm12, v3, v4  }
0x1ed: {  	[tilespmem:s16+$0x3980] =	vst v54;
	v2 =	vsel vm11, $0x36, v2;
	v3 =	vsel vm12, v6, v3;
	vm13 =	vgt.f32 v5, v4  }
0x1ee: {  	[tilespmem:s16+$0x3A00] =	vst v58;
	v1 =	vsel vm1, $0x37, v1;
	vm14 =	vgt.f32 v5, v3;
	v4 =	vsel vm13, v5, v4  }
0x1ef: {  	[tilespmem:s16+$0x3A80] =	vst v55;
	v0 =	vnsel vm0, $0xBF800000, v0;
	v1 =	vsel vm12, v2, v1;
	v4 =	vsel vm14, v3, v4  }
0x1f0: {  	[tilespmem:s16+$0x2A80] =	vst v8;
	v2 =	vsel vm12, $0x37, v2;
	v3 =	vsel vm14, v5, v3;
	vm15 =	vgt.f32 v48, v4  }
0x1f1: {  	[tilespmem:s16+$0x2B80] =	vst v62;
	v1 =	vsel vm13, $0x38, v1;
	vm4 =	vgt.f32 v48, v3;
	v4 =	vsel vm15, v48, v4  }
0x1f2: {  	[tilespmem:s16+$0x3080] =	vst v25;
	v6 =	vnsel vm0, $0xBF800000, v50;
	v1 =	vsel vm14, v2, v1;
	v4 =	vsel vm4, v3, v4  }
0x1f3: {  	[tilespmem:s16+$0x3000] =	vst v28;
	v2 =	vsel vm14, $0x38, v2;
	v3 =	vsel vm4, v48, v3;
	vm5 =	vgt.f32 v6, v4  }
0x1f4: {  	[tilespmem:s16+$0x3100] =	vst v30;
	v1 =	vsel vm15, $0x39, v1;
	vm6 =	vgt.f32 v6, v3;
	v4 =	vsel vm5, v6, v4  }
0x1f5: {  	[tilespmem:s16+$0xB80] =	vst v23;
	v5 =	vnsel vm0, $0xBF800000, v52;
	v1 =	vsel vm4, v2, v1;
	v4 =	vsel vm6, v3, v4  }
0x1f6: {  	[tilespmem:s16+$0x1000] =	vst v22;
	v2 =	vsel vm4, $0x39, v2;
	v3 =	vsel vm6, v6, v3;
	vm7 =	vgt.f32 v5, v4  }
0x1f7: {  	[tilespmem:s16+$0x1B00] =	vst v38;
	v1 =	vsel vm5, $0x3A, v1;
	vm8 =	vgt.f32 v5, v3;
	v4 =	vsel vm7, v5, v4  }
0x1f8: {  	[tilespmem:s16+$0x2080] =	vst v35;
	v1 =	vsel vm6, v2, v1;
	v6 =	vnsel vm0, $0xBF800000, v53;
	v4 =	vsel vm8, v3, v4  }
0x1f9: {  	[tilespmem:s16+$0x2100] =	vst v36;
	v2 =	vsel vm6, $0x3A, v2;
	v3 =	vsel vm8, v5, v3;
	vm9 =	vgt.f32 v6, v4  }
0x1fa: {  	[tilespmem:s16+$0x2180] =	vst v37;
	v1 =	vsel vm7, $0x3B, v1;
	vm10 =	vgt.f32 v6, v3;
	v4 =	vsel vm9, v6, v4  }
0x1fb: {  	[tilespmem:s16+$0x2B00] =	vst v7;
	v1 =	vsel vm8, v2, v1;
	v5 =	vnsel vm0, $0xBF800000, v56;
	v4 =	vsel vm10, v3, v4  }
0x1fc: {  	[tilespmem:s16+$0x2800] =	vst v13;
	v2 =	vsel vm8, $0x3B, v2;
	v3 =	vsel vm10, v6, v3;
	vm11 =	vgt.f32 v5, v4  }
0x1fd: {  	[tilespmem:s16+$0x2880] =	vst v12;
	v1 =	vsel vm9, $0x3C, v1;
	vm12 =	vgt.f32 v5, v3;
	v4 =	vsel vm11, v5, v4  }
0x1fe: {  	[tilespmem:s16+$0x2980] =	vst v10;
	v6 =	vnsel vm0, $0xBF800000, v60;
	v1 =	vsel vm10, v2, v1;
	v4 =	vsel vm12, v3, v4  }
0x1ff: {  	[tilespmem:s16+$0x2900] =	vst v11;
	v2 =	vsel vm10, $0x3C, v2;
	v3 =	vsel vm12, v5, v3;
	vm13 =	vgt.f32 v6, v4  }
0x200: {  	[tilespmem:s16+$0x2A00] =	vst v9;
	v1 =	vsel vm11, $0x3D, v1;
	vm14 =	vgt.f32 v6, v3;
	v4 =	vsel vm13, v6, v4  }
0x201: {  	s17 =	sshll.u32 s14, $0x5;
	[tilespmem:s16+$0x3B00] =	vst v59;
	v1 =	vsel vm12, v2, v1;
	v4 =	vsel vm14, v3, v4;
	v3 =	vsel vm14, v6, v3  }
0x202: {  	p0 =	sne.s32 s14, $0xF;
	s17 =	sand.u32 $0xFFFFFF00, s17;
	[tilespmem:s16+$0x3180] =	vst v32;
	v2 =	vsel vm12, $0x3D, v2;
	vm0 =	vgt.f32 v0, v3;
	vm15 =	vgt.f32 v0, v4  }
.Ltmp0:
0x203: {  	s15 =	sor.u32 s15, s17;
	s31 =	sor.u32 s17, s13;
	[tilespmem:s16+$0x3B80] =	vst v61;
	v1 =	vsel vm13, $0x3E, v1;
	v4 =	vsel vm15, v0, v4;
	v0 =	vsel vm0, v0, v3;
	(pc) =	sbr.rel @p0 .LBB2_2-.Ltmp0, $4  }
0x204: {  	s16 =	sor.u32 $0x80, s31;
	v63 =	vsel vm14, $0x3E, v2;
	v62 =	vsel vm14, v2, v1;
	v3 =	vsel vm0, v3, v4;
	[tilespmem:s15+$0x4000] =	vst v0  }
0x205: {  	v2 =	vsel vm0, $0x3F, v63;
	v0 =	vsel vm15, $0x3F, v62;
	[tilespmem:s16+$0x4000] =	vst v3  }
0x206: {  	v0 =	vsel vm0, v63, v0;
	[tilespmem:s15+$0x4200] =	vst v2  }
0x207: {  	s14 =	sadd.s32 $0x1, s14;
	s13 =	sadd.s32 $0x10, s13;
	[tilespmem:s16+$0x4200] =	vst v0  }
0x208: {  	[hbm4b:s4+s2] =	stream.linear.scatter [tilespmem:s10], [sflag:$0x1], $0x200, $0x38;
	[tilespmem:$0x4400] =	vst v63  }
0x209: {  	s12 =	sadd.s32 $0x1, s12;
	_ =	swait.ge [sflag:s9], $0x200  }
0x20a: {  	p0 =	sne.s32 s12, s6;
	[sflag:s9] =	ssyncset.done $0x0  }
.Ltmp1:
0x20b: {  	[sflag:s9] =	ssyncadd.s32 $0xFFFFFE00;
	(pc) =	sbr.rel @p0 .LBB2_1-.Ltmp1, $4  }
0x20c: {  	[hbm4b:s5+s2] =	stream.linear.scatter [tilespmem:s11], [sflag:$0x1], $0x200, $0x38;
	[tilespmem:$0x4400] =	vst v63  }
0x20d: {  	_ =	swait.ge [sflag:s9], $0x200  }
0x20e: {  	[sflag:s9] =	ssyncset.done $0x0  }
0x20f: {  	[sflag:s9] =	ssyncadd.s32 $0xFFFFFE00  }
0x210: {  	_ =	sfence.sel $0x180000  }
0x211: {  	[bflag:$0x0] =	sbarrier.arrive $0xFFFF  }
0x212: {  	p0 =	sne.s32 s1, $0x0;
	_ =	strace $0x90000047  }
0x213: {  	s0 =	sadd.s32 @!p0 $0x100000, s0;
	[bflag:$0x2] =	sbarrier.arrive $0xFFFF  }
0x214: {  	[sflag:s0] =	ssyncadd.tile.s32 @!p0 $0x1;
	_ =	shalt  }
.Lfunc_end2:
_tile_overlayer_lowered:
.L_overlay_start_2:
0x215: {  	(tag) =	ssettag $0x2  }
0x216: {  	s0 =	rddreg [dreg:$0x0];
	s2 =	stileid.u32  }
0x217: {  	s1 =	rddreg [dreg:$0x1];
	p0 =	sne.s32 s2, $0x0  }
0x218: {  	s3 =	rddreg [dreg:$0x2];
	[bflag:$0x3] =	sbarrier.arrive $0xFFFF;
	s2 =	simm.s32 @!p0 $0x1C01  }
0x219: {  	[timem:s3], [sflag:s2] =	dma.local @!p0 [hbm:s0], s1  }
0x21a: {  	s0 =	simm.s32 @!p0 $0x1  }
0x21b: {  	_ =	swait.ge @!p0 [sflag:s0], s1  }
0x21c: {  	s1 =	ssub.s32 @!p0 $0x0, s1;
	[sflag:s0] =	ssyncset.done @!p0 $0x0  }
0x21d: {  	[sflag:s0] =	ssyncadd.s32 @!p0 s1  }
0x21e: {  	[bflag:$0x3] =	sbarrier.arrive $0xFFFF  }
0x21f: {  	_ =	shalt  }

</sc_bundles>
